<compile_context>
chip_gen: v7x
topology: tpu7x:2x2x1
jax: 0.10.2.dev20260603
libtpu: 0.0.44.dev20260713+nightly
codegen_flags: <defaults>
</compile_context>

<pallas_src>
import jax
import jax.numpy as jnp
from jax import lax
from jax.experimental import pallas as pl
from jax.experimental.pallas import tpu as pltpu
from jax.experimental.pallas import tpu_sc as plsc

B, C, H, W = 2, 96, 512, 512
HW = H * W
HQ, WQ = 512, 512
HQW = HQ * WQ
NQ = B * HQW

NC, NS, L = 2, 16, 16
NW = NC * NS
QW = NQ // NW
CHUNK = 128
NCHUNK = QW // CHUNK
BLKQ = 2048
NBLK = BLKQ // CHUNK
WPB = NW // B
CPAIR = C // 2


def _sc_body(v_ref, xq_ref, yq_ref, out_ref,
             xblk, yblk,
             i00a, i01a, i10a, i11a, i00b, i01b, i10b, i11b,
             wa, wb,
             r00a, r01a, r10a, r11a, r00b, r01b, r10b, r11b,
             ota, otb, gsa, gsb, osa, osb):
    IDX = ((i00a, i01a, i10a, i11a), (i00b, i01b, i10b, i11b))
    ROWS = ((r00a, r01a, r10a, r11a), (r00b, r01b, r10b, r11b))
    WREF = (wa, wb)
    OT = (ota, otb)
    GS = (gsa, gsb)
    OS = (osa, osb)

    cidx = lax.axis_index("c")
    sidx = lax.axis_index("s")
    wid = sidx * NC + cidx
    b = wid // WPB
    rowbase = b * HW
    qw0 = wid * QW
    qb0 = (wid % WPB) * QW

    def compute_idx(ci, p):
        @pl.when(lax.rem(ci, NBLK) == 0)
        def _():
            blk = qw0 + ci * CHUNK
            pltpu.sync_copy(xq_ref.at[pl.ds(blk, BLKQ)], xblk)
            pltpu.sync_copy(yq_ref.at[pl.ds(blk, BLKQ)], yblk)

        off = lax.rem(ci, NBLK) * CHUNK
        i00, i01, i10, i11 = IDX[p]
        w_ref = WREF[p]
        for i in range(CHUNK // L):
            sl = pl.ds(i * L, L)
            xv = xblk[pl.ds(off + i * L, L)]
            yv = yblk[pl.ds(off + i * L, L)]
            gx = xv / 511.0 * 2.0 - 1.0
            gy = yv / 511.0 * 2.0 - 1.0
            x = ((gx + 1.0) * 512.0 - 1.0) / 2.0
            y = ((gy + 1.0) * 512.0 - 1.0) / 2.0
            xi = x.astype(jnp.int32)
            yi = y.astype(jnp.int32)
            xt = xi.astype(jnp.float32)
            yt = yi.astype(jnp.float32)
            xfl = jnp.where(xt > x, xi - 1, xi)
            yfl = jnp.where(yt > y, yi - 1, yi)
            xff = jnp.where(xt > x, xt - 1.0, xt)
            yff = jnp.where(yt > y, yt - 1.0, yt)
            wx1 = x - xff
            wx0 = 1.0 - wx1
            wy1 = y - yff
            wy0 = 1.0 - wy1
            x0 = jnp.clip(xfl, 0, W - 1)
            x1 = jnp.clip(xfl + 1, 0, W - 1)
            y0 = jnp.clip(yfl, 0, H - 1)
            y1 = jnp.clip(yfl + 1, 0, H - 1)
            ry0 = rowbase + y0 * W
            ry1 = rowbase + y1 * W
            i00[sl] = ry0 + x0
            i01[sl] = ry0 + x1
            i10[sl] = ry1 + x0
            i11[sl] = ry1 + x1
            w_ref[0, sl] = wy0 * wx0
            w_ref[1, sl] = wy0 * wx1
            w_ref[2, sl] = wy1 * wx0
            w_ref[3, sl] = wy1 * wx1

    def fire_gather(p):
        for iref, rref in zip(IDX[p], ROWS[p]):
            pltpu.async_copy(v_ref.at[iref], rref, GS[p])

    def wait_gather(p):
        for iref, rref in zip(IDX[p], ROWS[p]):
            pltpu.make_async_copy(v_ref.at[iref], rref, GS[p]).wait()

    def out_slice(ci):
        return out_ref.at[b, :, pl.ds(qb0 + ci * CHUNK, CHUNK)]

    def combine_and_fire_out(ci, p):
        r00, r01, r10, r11 = ROWS[p]
        w_ref = WREF[p]
        ot = OT[p]

        def sub_body(s2, carry2):
            qsl = pl.ds(s2 * L, L)
            q_ids = lax.iota(jnp.int32, L) + s2 * L
            iot = lax.iota(jnp.int32, L)
            w00 = w_ref[0, qsl]
            w01 = w_ref[1, qsl]
            w10 = w_ref[2, qsl]
            w11 = w_ref[3, qsl]

            @plsc.parallel_loop(0, C, unroll=8)
            def _(c):
                cv = iot + c
                col = jnp.where(cv >= C, cv - C, cv)
                g00 = plsc.load_gather(r00, [q_ids, col])
                g01 = plsc.load_gather(r01, [q_ids, col])
                g10 = plsc.load_gather(r10, [q_ids, col])
                g11 = plsc.load_gather(r11, [q_ids, col])
                acc = g00 * w00 + g01 * w01 + g10 * w10 + g11 * w11
                plsc.store_scatter(ot, [col, q_ids], acc)
            return carry2

        lax.fori_loop(0, CHUNK // L, sub_body, 0)
        pltpu.async_copy(ot, out_slice(ci), OS[p])

    def wait_out(p):
        pltpu.make_async_copy(OT[p], out_slice(0), OS[p]).wait()

    compute_idx(0, 0)
    fire_gather(0)

    def step(s, carry):
        ci0 = 2 * s
        ci1 = 2 * s + 1
        wait_gather(0)
        compute_idx(ci1, 1)
        fire_gather(1)

        @pl.when(s > 0)
        def _():
            wait_out(0)
        combine_and_fire_out(ci0, 0)

        wait_gather(1)

        @pl.when(s < NCHUNK // 2 - 1)
        def _():
            compute_idx(ci0 + 2, 0)
            fire_gather(0)

        @pl.when(s > 0)
        def _():
            wait_out(1)
        combine_and_fire_out(ci1, 1)
        return carry

    lax.fori_loop(0, NCHUNK // 2, step, 0)
    wait_out(0)
    wait_out(1)


def kernel(v, xq, yq):
    v_cl = v.transpose(0, 2, 3, 1).reshape(B * HW, C)
    xqf = xq.reshape(NQ)
    yqf = yq.reshape(NQ)
    mesh = plsc.VectorSubcoreMesh(core_axis_name="c", subcore_axis_name="s",
                                  num_cores=NC, num_subcores=NS)
    idx_t = pltpu.VMEM((CHUNK,), jnp.int32)
    w_t = pltpu.VMEM((4, CHUNK), jnp.float32)
    rows_t = pltpu.VMEM((CHUNK, C), jnp.float32)
    ot_t = pltpu.VMEM((C, CHUNK), jnp.float32)
    out = pl.kernel(
        _sc_body,
        out_type=jax.ShapeDtypeStruct((B, C, HQW), jnp.float32),
        mesh=mesh,
        compiler_params=pltpu.CompilerParams(needs_layout_passes=False,
                                             use_tc_tiling_on_sc=False),
        scratch_types=[
            pltpu.VMEM((BLKQ,), jnp.float32),
            pltpu.VMEM((BLKQ,), jnp.float32),
            idx_t, idx_t, idx_t, idx_t,
            idx_t, idx_t, idx_t, idx_t,
            w_t, w_t,
            rows_t, rows_t, rows_t, rows_t,
            rows_t, rows_t, rows_t, rows_t,
            ot_t, ot_t,
            pltpu.SemaphoreType.DMA,
            pltpu.SemaphoreType.DMA,
            pltpu.SemaphoreType.DMA,
            pltpu.SemaphoreType.DMA,
        ],
    )(v_cl, xqf, yqf)
    return out.reshape(B, C, HQ, WQ)

# --- scband reference (transcript-rebuilt; emitter-appended) ---
"""Pipeline reference for scband-interp2-52037823758695 (READ-ONLY COPY).

The authoritative reference and input builder live on the scoring server;
editing this copy changes nothing except your own understanding.
"""

import jax, jax.numpy as jnp
import numpy as np

B, C, H, W = 2, 96, 512, 512
Hq, Wq = 512, 512


def setup_inputs(seed: int = 0) -> dict:
    key = jax.random.key(seed)
    k1, k2, k3 = jax.random.split(key, 3)
    v = jax.random.normal(k1, (B, C, H, W), dtype=jnp.float32)
    # query coordinates in pixel units, spanning the full image
    xq = jax.random.uniform(k2, (B, 1, Hq, Wq), dtype=jnp.float32) * (W - 1)
    yq = jax.random.uniform(k3, (B, 1, Hq, Wq), dtype=jnp.float32) * (H - 1)
    return {"v": v, "xq": xq, "yq": yq}


def _gather(v_flat, lin, Bc, Cc, HWq):
    idx = jnp.broadcast_to(lin.reshape(Bc, 1, HWq), (Bc, Cc, HWq))
    return jnp.take_along_axis(v_flat, idx, axis=2)


def _grid_sample_bilinear_border(v, gx, gy):
    # gx, gy: [B, Hq, Wq] normalized to [-1, 1]; align_corners=False (torch default)
    Bc, Cc, Hc, Wc = v.shape
    Hq_, Wq_ = gx.shape[1], gx.shape[2]
    x = ((gx + 1.0) * Wc - 1.0) / 2.0
    y = ((gy + 1.0) * Hc - 1.0) / 2.0
    x0f = jnp.floor(x)
    y0f = jnp.floor(y)
    wx1 = x - x0f
    wx0 = 1.0 - wx1
    wy1 = y - y0f
    wy0 = 1.0 - wy1
    x0 = jnp.clip(x0f, 0, Wc - 1).astype(jnp.int32)
    x1 = jnp.clip(x0f + 1.0, 0, Wc - 1).astype(jnp.int32)
    y0 = jnp.clip(y0f, 0, Hc - 1).astype(jnp.int32)
    y1 = jnp.clip(y0f + 1.0, 0, Hc - 1).astype(jnp.int32)
    v_flat = v.reshape(Bc, Cc, Hc * Wc)
    HWq = Hq_ * Wq_
    g00 = _gather(v_flat, y0 * Wc + x0, Bc, Cc, HWq)
    g01 = _gather(v_flat, y0 * Wc + x1, Bc, Cc, HWq)
    g10 = _gather(v_flat, y1 * Wc + x0, Bc, Cc, HWq)
    g11 = _gather(v_flat, y1 * Wc + x1, Bc, Cc, HWq)
    w00 = (wy0 * wx0).reshape(Bc, 1, HWq)
    w01 = (wy0 * wx1).reshape(Bc, 1, HWq)
    w10 = (wy1 * wx0).reshape(Bc, 1, HWq)
    w11 = (wy1 * wx1).reshape(Bc, 1, HWq)
    out = g00 * w00 + g01 * w01 + g10 * w10 + g11 * w11
    return out.reshape(Bc, Cc, Hq_, Wq_)


def reference(v, xq, yq):
    b, c, h, w = v.shape
    gx = xq[:, 0, :, :] / max(w - 1, 1) * 2.0 - 1.0
    gy = yq[:, 0, :, :] / max(h - 1, 1) * 2.0 - 1.0
    return _grid_sample_bilinear_border(v, gx, gy)

if __name__ == "__main__":
    import jax
    _d = setup_inputs()
    print(jax.jit(kernel)(*tuple(_d.values())))

</pallas_src>

<mosaic_0001>
#map = affine_map<(d0, d1) -> (0, 0)>
#map1 = affine_map<(d0, d1) -> (0)>
#map2 = affine_map<(d0, d1) -> (0, 0, 0)>
module attributes {stable_mosaic.version = 14 : i64} {
  func.func @_sc_body(%arg0: i32, %arg1: i32, %arg2: memref<524288x96xf32, #tpu.memory_space<hbm>>, %arg3: memref<524288xf32, #tpu.memory_space<hbm>>, %arg4: memref<524288xf32, #tpu.memory_space<hbm>>, %arg5: memref<2x96x262144xf32, #tpu.memory_space<hbm>>, %arg6: memref<2048xf32, #tpu.memory_space<vmem>>, %arg7: memref<2048xf32, #tpu.memory_space<vmem>>, %arg8: memref<128xi32, #tpu.memory_space<vmem>>, %arg9: memref<128xi32, #tpu.memory_space<vmem>>, %arg10: memref<128xi32, #tpu.memory_space<vmem>>, %arg11: memref<128xi32, #tpu.memory_space<vmem>>, %arg12: memref<128xi32, #tpu.memory_space<vmem>>, %arg13: memref<128xi32, #tpu.memory_space<vmem>>, %arg14: memref<128xi32, #tpu.memory_space<vmem>>, %arg15: memref<128xi32, #tpu.memory_space<vmem>>, %arg16: memref<4x128xf32, #tpu.memory_space<vmem>>, %arg17: memref<4x128xf32, #tpu.memory_space<vmem>>, %arg18: memref<128x96xf32, #tpu.memory_space<vmem>>, %arg19: memref<128x96xf32, #tpu.memory_space<vmem>>, %arg20: memref<128x96xf32, #tpu.memory_space<vmem>>, %arg21: memref<128x96xf32, #tpu.memory_space<vmem>>, %arg22: memref<128x96xf32, #tpu.memory_space<vmem>>, %arg23: memref<128x96xf32, #tpu.memory_space<vmem>>, %arg24: memref<128x96xf32, #tpu.memory_space<vmem>>, %arg25: memref<128x96xf32, #tpu.memory_space<vmem>>, %arg26: memref<96x128xf32, #tpu.memory_space<vmem>>, %arg27: memref<96x128xf32, #tpu.memory_space<vmem>>, %arg28: memref<!tpu.dma_semaphore, #tpu.memory_space<semaphore_mem>>, %arg29: memref<!tpu.dma_semaphore, #tpu.memory_space<semaphore_mem>>, %arg30: memref<!tpu.dma_semaphore, #tpu.memory_space<semaphore_mem>>, %arg31: memref<!tpu.dma_semaphore, #tpu.memory_space<semaphore_mem>>) attributes {dimension_semantics = [#tpu.dimension_semantics<core_parallel>, #tpu.dimension_semantics<subcore_parallel>], iteration_bounds = array<i64: 2, 16>, scalar_prefetch = 0 : i64, scratch_operands = 26 : i64, tpu.core_type = #tpu.core_type<sc_vector_subcore>, window_params = [{transform_indices = #map}, {transform_indices = #map1}, {transform_indices = #map1}, {transform_indices = #map2}]} {
    %mul3A = arith.constant 2 : i32
    %mul3A_0 = arith.muli %arg1, %mul3A : i32
    %add3A = arith.addi %mul3A_0, %arg0 : i32
    %jit3A = arith.constant 16 : i32
    %div3A = arith.divsi %add3A, %jit3A : i32
    %sign3A = arith.constant 0 : i32
    %sign3A_1 = arith.cmpi sgt, %add3A, %sign3A : i32
    %sign3A_2 = arith.extui %sign3A_1 : i1 to i32
    %sign3A_3 = arith.constant 0 : i32
    %sign3A_4 = arith.cmpi slt, %add3A, %sign3A_3 : i32
    %sign3A_5 = arith.extui %sign3A_4 : i1 to i32
    %sign3A_6 = arith.subi %sign3A_2, %sign3A_5 : i32
    %sign3A_7 = arith.constant 0 : i32
    %sign3A_8 = arith.cmpi sgt, %jit3A, %sign3A_7 : i32
    %sign3A_9 = arith.extui %sign3A_8 : i1 to i32
    %sign3A_10 = arith.constant 0 : i32
    %sign3A_11 = arith.cmpi slt, %jit3A, %sign3A_10 : i32
    %sign3A_12 = arith.extui %sign3A_11 : i1 to i32
    %sign3A_13 = arith.subi %sign3A_9, %sign3A_12 : i32
    %ne3A = arith.cmpi ne, %sign3A_6, %sign3A_13 : i32
    %rem3A = arith.remsi %add3A, %jit3A : i32
    %ne3A_14 = arith.constant 0 : i32
    %ne3A_15 = arith.cmpi ne, %rem3A, %ne3A_14 : i32
    %and3A = arith.andi %ne3A, %ne3A_15 : i1
    %sub3A = arith.constant 1 : i32
    %sub3A_16 = arith.subi %div3A, %sub3A : i32
    %select_n3A = arith.select %and3A, %sub3A_16, %div3A : i32
    %mul3A_17 = arith.constant 262144 : i32
    %mul3A_18 = arith.muli %select_n3A, %mul3A_17 : i32
    %mul3A_19 = arith.constant 16384 : i32
    %mul3A_20 = arith.muli %add3A, %mul3A_19 : i32
    %jit3A_21 = arith.constant 16 : i32
    %eq3A = arith.constant 0 : i32
    %eq3A_22 = arith.cmpi eq, %jit3A_21, %eq3A : i32
    %jit3A_23 = arith.constant 1 : i32
    %select_n3A_24 = arith.select %eq3A_22, %jit3A_23, %jit3A_21 : i32
    %rem3A_25 = arith.remsi %add3A, %select_n3A_24 : i32
    %ne3A_26 = arith.constant 0 : i32
    %ne3A_27 = arith.cmpi ne, %rem3A_25, %ne3A_26 : i32
    %lt3A = arith.constant 0 : i32
    %lt3A_28 = arith.cmpi slt, %rem3A_25, %lt3A : i32
    %lt3A_29 = arith.constant 0 : i32
    %lt3A_30 = arith.cmpi slt, %select_n3A_24, %lt3A_29 : i32
    %ne3A_31 = arith.xori %lt3A_28, %lt3A_30 : i1
    %and3A_32 = arith.andi %ne3A_31, %ne3A_27 : i1
    %add3A_33 = arith.addi %rem3A_25, %select_n3A_24 : i32
    %select_n3A_34 = arith.select %and3A_32, %add3A_33, %rem3A_25 : i32
    %mul3A_35 = arith.constant 16384 : i32
    %mul3A_36 = arith.muli %select_n3A_34, %mul3A_35 : i32
    %rem3A_37 = arith.constant 0 : i32
    %rem3A_38 = arith.constant 16 : i32
    %rem3A_39 = arith.remsi %rem3A_37, %rem3A_38 : i32
    %eq3A_40 = arith.constant 0 : i32
    %eq3A_41 = arith.cmpi eq, %rem3A_39, %eq3A_40 : i32
    %convert_element_type3A = arith.extui %eq3A_41 : i1 to i32
    %cond3A = arith.constant 0 : i32
    %cond3A_42 = arith.cmpi ne, %convert_element_type3A, %cond3A : i32
    scf.if %cond3A_42 {
      %add3A_1306 = arith.constant 0 : i32
      %add3A_1307 = arith.addi %mul3A_20, %add3A_1306 : i32
      "tpu.region"() ({
        %run_scoped3A = tpu.sem_alloc : memref<!tpu.dma_semaphore, #tpu.memory_space<semaphore_mem>>
        %dma_start3A_1308 = tpu.memref_slice %arg3[%add3A_1307] : memref<524288xf32, #tpu.memory_space<hbm>> -> memref<2048xf32, #tpu.memory_space<hbm>>
        %dma_start3A_1309 = tpu.memref_slice %arg3[%add3A_1307] : memref<524288xf32, #tpu.memory_space<hbm>> -> memref<2048xf32, #tpu.memory_space<hbm>>
        tpu.enqueue_dma source(%dma_start3A_1309 : memref<2048xf32, #tpu.memory_space<hbm>>) target(%arg6 : memref<2048xf32, #tpu.memory_space<vmem>>) target_semaphore(%run_scoped3A : memref<!tpu.dma_semaphore, #tpu.memory_space<semaphore_mem>>)
        %dma_wait3A_1310 = tpu.memref_slice %arg3[%add3A_1307] : memref<524288xf32, #tpu.memory_space<hbm>> -> memref<2048xf32, #tpu.memory_space<hbm>>
        %dma_wait3A_1311 = tpu.memref_slice %arg3[%add3A_1307] : memref<524288xf32, #tpu.memory_space<hbm>> -> memref<2048xf32, #tpu.memory_space<hbm>>
        tpu.wait_dma2 semaphore(%run_scoped3A : memref<!tpu.dma_semaphore, #tpu.memory_space<semaphore_mem>>) src(%dma_wait3A_1311 : memref<2048xf32, #tpu.memory_space<hbm>>) dst(%arg6 : memref<2048xf32, #tpu.memory_space<vmem>>)
        tpu.yield
      }) : () -> ()
      "tpu.region"() ({
        %run_scoped3A = tpu.sem_alloc : memref<!tpu.dma_semaphore, #tpu.memory_space<semaphore_mem>>
        %dma_start3A_1308 = tpu.memref_slice %arg4[%add3A_1307] : memref<524288xf32, #tpu.memory_space<hbm>> -> memref<2048xf32, #tpu.memory_space<hbm>>
        %dma_start3A_1309 = tpu.memref_slice %arg4[%add3A_1307] : memref<524288xf32, #tpu.memory_space<hbm>> -> memref<2048xf32, #tpu.memory_space<hbm>>
        tpu.enqueue_dma source(%dma_start3A_1309 : memref<2048xf32, #tpu.memory_space<hbm>>) target(%arg7 : memref<2048xf32, #tpu.memory_space<vmem>>) target_semaphore(%run_scoped3A : memref<!tpu.dma_semaphore, #tpu.memory_space<semaphore_mem>>)
        %dma_wait3A_1310 = tpu.memref_slice %arg4[%add3A_1307] : memref<524288xf32, #tpu.memory_space<hbm>> -> memref<2048xf32, #tpu.memory_space<hbm>>
        %dma_wait3A_1311 = tpu.memref_slice %arg4[%add3A_1307] : memref<524288xf32, #tpu.memory_space<hbm>> -> memref<2048xf32, #tpu.memory_space<hbm>>
        tpu.wait_dma2 semaphore(%run_scoped3A : memref<!tpu.dma_semaphore, #tpu.memory_space<semaphore_mem>>) src(%dma_wait3A_1311 : memref<2048xf32, #tpu.memory_space<hbm>>) dst(%arg7 : memref<2048xf32, #tpu.memory_space<vmem>>)
        tpu.yield
      }) : () -> ()
    } else {
    }
    %rem3A_43 = arith.constant 0 : i32
    %rem3A_44 = arith.constant 16 : i32
    %rem3A_45 = arith.remsi %rem3A_43, %rem3A_44 : i32
    %mul3A_46 = arith.constant 128 : i32
    %mul3A_47 = arith.muli %rem3A_45, %mul3A_46 : i32
    %add3A_48 = arith.constant 0 : i32
    %add3A_49 = arith.addi %mul3A_47, %add3A_48 : i32
    %get3A = arith.index_cast %add3A_49 : i32 to index
    %get3A_50 = tpu.vector_load %arg6[%get3A] {strides = array<i32>} : memref<2048xf32, #tpu.memory_space<vmem>>, vector<16xf32>,
    %add3A_51 = arith.constant 0 : i32
    %add3A_52 = arith.addi %mul3A_47, %add3A_51 : i32
    %get3A_53 = arith.index_cast %add3A_52 : i32 to index
    %get3A_54 = tpu.vector_load %arg7[%get3A_53] {strides = array<i32>} : memref<2048xf32, #tpu.memory_space<vmem>>, vector<16xf32>,
    %div3A_55 = arith.constant 5.110000e+02 : f32
    %div3A_56 = vector.broadcast %div3A_55 : f32 to vector<16xf32>
    %div3A_57 = arith.divf %get3A_50, %div3A_56 : vector<16xf32>
    %mul3A_58 = arith.constant 2.000000e+00 : f32
    %mul3A_59 = vector.broadcast %mul3A_58 : f32 to vector<16xf32>
    %mul3A_60 = arith.mulf %div3A_57, %mul3A_59 : vector<16xf32>
    %sub3A_61 = arith.constant 1.000000e+00 : f32
    %sub3A_62 = vector.broadcast %sub3A_61 : f32 to vector<16xf32>
    %sub3A_63 = arith.subf %mul3A_60, %sub3A_62 : vector<16xf32>
    %div3A_64 = arith.constant 5.110000e+02 : f32
    %div3A_65 = vector.broadcast %div3A_64 : f32 to vector<16xf32>
    %div3A_66 = arith.divf %get3A_54, %div3A_65 : vector<16xf32>
    %mul3A_67 = arith.constant 2.000000e+00 : f32
    %mul3A_68 = vector.broadcast %mul3A_67 : f32 to vector<16xf32>
    %mul3A_69 = arith.mulf %div3A_66, %mul3A_68 : vector<16xf32>
    %sub3A_70 = arith.constant 1.000000e+00 : f32
    %sub3A_71 = vector.broadcast %sub3A_70 : f32 to vector<16xf32>
    %sub3A_72 = arith.subf %mul3A_69, %sub3A_71 : vector<16xf32>
    %add3A_73 = arith.constant 1.000000e+00 : f32
    %add3A_74 = vector.broadcast %add3A_73 : f32 to vector<16xf32>
    %add3A_75 = arith.addf %sub3A_63, %add3A_74 : vector<16xf32>
    %mul3A_76 = arith.constant 5.120000e+02 : f32
    %mul3A_77 = vector.broadcast %mul3A_76 : f32 to vector<16xf32>
    %mul3A_78 = arith.mulf %add3A_75, %mul3A_77 : vector<16xf32>
    %sub3A_79 = arith.constant 1.000000e+00 : f32
    %sub3A_80 = vector.broadcast %sub3A_79 : f32 to vector<16xf32>
    %sub3A_81 = arith.subf %mul3A_78, %sub3A_80 : vector<16xf32>
    %div3A_82 = arith.constant 2.000000e+00 : f32
    %div3A_83 = vector.broadcast %div3A_82 : f32 to vector<16xf32>
    %div3A_84 = arith.divf %sub3A_81, %div3A_83 : vector<16xf32>
    %add3A_85 = arith.constant 1.000000e+00 : f32
    %add3A_86 = vector.broadcast %add3A_85 : f32 to vector<16xf32>
    %add3A_87 = arith.addf %sub3A_72, %add3A_86 : vector<16xf32>
    %mul3A_88 = arith.constant 5.120000e+02 : f32
    %mul3A_89 = vector.broadcast %mul3A_88 : f32 to vector<16xf32>
    %mul3A_90 = arith.mulf %add3A_87, %mul3A_89 : vector<16xf32>
    %sub3A_91 = arith.constant 1.000000e+00 : f32
    %sub3A_92 = vector.broadcast %sub3A_91 : f32 to vector<16xf32>
    %sub3A_93 = arith.subf %mul3A_90, %sub3A_92 : vector<16xf32>
    %div3A_94 = arith.constant 2.000000e+00 : f32
    %div3A_95 = vector.broadcast %div3A_94 : f32 to vector<16xf32>
    %div3A_96 = arith.divf %sub3A_93, %div3A_95 : vector<16xf32>
    %convert_element_type3A_97 = arith.fptosi %div3A_84 : vector<16xf32> to vector<16xi32>
    %convert_element_type3A_98 = arith.fptosi %div3A_96 : vector<16xf32> to vector<16xi32>
    %convert_element_type3A_99 = arith.sitofp %convert_element_type3A_97 : vector<16xi32> to vector<16xf32>
    %convert_element_type3A_100 = arith.sitofp %convert_element_type3A_98 : vector<16xi32> to vector<16xf32>
    %gt3A = arith.cmpf ogt, %convert_element_type3A_99, %div3A_84 : vector<16xf32>
    %sub3A_101 = arith.constant 1 : i32
    %sub3A_102 = vector.broadcast %sub3A_101 : i32 to vector<16xi32>
    %sub3A_103 = arith.subi %convert_element_type3A_97, %sub3A_102 : vector<16xi32>
    %select_n3A_104 = arith.select %gt3A, %sub3A_103, %convert_element_type3A_97 : vector<16xi1>, vector<16xi32>
    %gt3A_105 = arith.cmpf ogt, %convert_element_type3A_100, %div3A_96 : vector<16xf32>
    %sub3A_106 = arith.constant 1 : i32
    %sub3A_107 = vector.broadcast %sub3A_106 : i32 to vector<16xi32>
    %sub3A_108 = arith.subi %convert_element_type3A_98, %sub3A_107 : vector<16xi32>
    %select_n3A_109 = arith.select %gt3A_105, %sub3A_108, %convert_element_type3A_98 : vector<16xi1>, vector<16xi32>
    %gt3A_110 = arith.cmpf ogt, %convert_element_type3A_99, %div3A_84 : vector<16xf32>
    %sub3A_111 = arith.constant 1.000000e+00 : f32
    %sub3A_112 = vector.broadcast %sub3A_111 : f32 to vector<16xf32>
    %sub3A_113 = arith.subf %convert_element_type3A_99, %sub3A_112 : vector<16xf32>
    %select_n3A_114 = arith.select %gt3A_110, %sub3A_113, %convert_element_type3A_99 : vector<16xi1>, vector<16xf32>
    %gt3A_115 = arith.cmpf ogt, %convert_element_type3A_100, %div3A_96 : vector<16xf32>
    %sub3A_116 = arith.constant 1.000000e+00 : f32
    %sub3A_117 = vector.broadcast %sub3A_116 : f32 to vector<16xf32>
    %sub3A_118 = arith.subf %convert_element_type3A_100, %sub3A_117 : vector<16xf32>
    %select_n3A_119 = arith.select %gt3A_115, %sub3A_118, %convert_element_type3A_100 : vector<16xi1>, vector<16xf32>
    %sub3A_120 = arith.subf %div3A_84, %select_n3A_114 : vector<16xf32>
    %sub3A_121 = arith.constant 1.000000e+00 : f32
    %sub3A_122 = vector.broadcast %sub3A_121 : f32 to vector<16xf32>
    %sub3A_123 = arith.subf %sub3A_122, %sub3A_120 : vector<16xf32>
    %sub3A_124 = arith.subf %div3A_96, %select_n3A_119 : vector<16xf32>
    %sub3A_125 = arith.constant 1.000000e+00 : f32
    %sub3A_126 = vector.broadcast %sub3A_125 : f32 to vector<16xf32>
    %sub3A_127 = arith.subf %sub3A_126, %sub3A_124 : vector<16xf32>
    %jit3A_128 = arith.constant 0 : i32
    %jit3A_129 = arith.constant 511 : i32
    %max3A = vector.broadcast %jit3A_128 : i32 to vector<16xi32>
    %max3A_130 = arith.maxsi %max3A, %select_n3A_104 : vector<16xi32>
    %min3A = vector.broadcast %jit3A_129 : i32 to vector<16xi32>
    %min3A_131 = arith.minsi %min3A, %max3A_130 : vector<16xi32>
    %add3A_132 = arith.constant 1 : i32
    %add3A_133 = vector.broadcast %add3A_132 : i32 to vector<16xi32>
    %add3A_134 = arith.addi %select_n3A_104, %add3A_133 : vector<16xi32>
    %jit3A_135 = arith.constant 0 : i32
    %jit3A_136 = arith.constant 511 : i32
    %max3A_137 = vector.broadcast %jit3A_135 : i32 to vector<16xi32>
    %max3A_138 = arith.maxsi %max3A_137, %add3A_134 : vector<16xi32>
    %min3A_139 = vector.broadcast %jit3A_136 : i32 to vector<16xi32>
    %min3A_140 = arith.minsi %min3A_139, %max3A_138 : vector<16xi32>
    %jit3A_141 = arith.constant 0 : i32
    %jit3A_142 = arith.constant 511 : i32
    %max3A_143 = vector.broadcast %jit3A_141 : i32 to vector<16xi32>
    %max3A_144 = arith.maxsi %max3A_143, %select_n3A_109 : vector<16xi32>
    %min3A_145 = vector.broadcast %jit3A_142 : i32 to vector<16xi32>
    %min3A_146 = arith.minsi %min3A_145, %max3A_144 : vector<16xi32>
    %add3A_147 = arith.constant 1 : i32
    %add3A_148 = vector.broadcast %add3A_147 : i32 to vector<16xi32>
    %add3A_149 = arith.addi %select_n3A_109, %add3A_148 : vector<16xi32>
    %jit3A_150 = arith.constant 0 : i32
    %jit3A_151 = arith.constant 511 : i32
    %max3A_152 = vector.broadcast %jit3A_150 : i32 to vector<16xi32>
    %max3A_153 = arith.maxsi %max3A_152, %add3A_149 : vector<16xi32>
    %min3A_154 = vector.broadcast %jit3A_151 : i32 to vector<16xi32>
    %min3A_155 = arith.minsi %min3A_154, %max3A_153 : vector<16xi32>
    %mul3A_156 = arith.constant 512 : i32
    %mul3A_157 = vector.broadcast %mul3A_156 : i32 to vector<16xi32>
    %mul3A_158 = arith.muli %min3A_146, %mul3A_157 : vector<16xi32>
    %add3A_159 = vector.broadcast %mul3A_18 : i32 to vector<16xi32>
    %add3A_160 = arith.addi %add3A_159, %mul3A_158 : vector<16xi32>
    %mul3A_161 = arith.constant 512 : i32
    %mul3A_162 = vector.broadcast %mul3A_161 : i32 to vector<16xi32>
    %mul3A_163 = arith.muli %min3A_155, %mul3A_162 : vector<16xi32>
    %add3A_164 = vector.broadcast %mul3A_18 : i32 to vector<16xi32>
    %add3A_165 = arith.addi %add3A_164, %mul3A_163 : vector<16xi32>
    %add3A_166 = arith.addi %add3A_160, %min3A_131 : vector<16xi32>
    %swap3A = arith.constant 0 : index
    %swap3A_167 = tpu.vector_load %arg8[%swap3A] {strides = array<i32>} : memref<128xi32, #tpu.memory_space<vmem>>, vector<16xi32>,
    tpu.vector_store %arg8[%swap3A], %add3A_166 {strides = array<i32>} : memref<128xi32, #tpu.memory_space<vmem>>, vector<16xi32>,
    %add3A_168 = arith.addi %add3A_160, %min3A_140 : vector<16xi32>
    %swap3A_169 = arith.constant 0 : index
    %swap3A_170 = tpu.vector_load %arg9[%swap3A_169] {strides = array<i32>} : memref<128xi32, #tpu.memory_space<vmem>>, vector<16xi32>,
    tpu.vector_store %arg9[%swap3A_169], %add3A_168 {strides = array<i32>} : memref<128xi32, #tpu.memory_space<vmem>>, vector<16xi32>,
    %add3A_171 = arith.addi %add3A_165, %min3A_131 : vector<16xi32>
    %swap3A_172 = arith.constant 0 : index
    %swap3A_173 = tpu.vector_load %arg10[%swap3A_172] {strides = array<i32>} : memref<128xi32, #tpu.memory_space<vmem>>, vector<16xi32>,
    tpu.vector_store %arg10[%swap3A_172], %add3A_171 {strides = array<i32>} : memref<128xi32, #tpu.memory_space<vmem>>, vector<16xi32>,
    %add3A_174 = arith.addi %add3A_165, %min3A_140 : vector<16xi32>
    %swap3A_175 = arith.constant 0 : index
    %swap3A_176 = tpu.vector_load %arg11[%swap3A_175] {strides = array<i32>} : memref<128xi32, #tpu.memory_space<vmem>>, vector<16xi32>,
    tpu.vector_store %arg11[%swap3A_175], %add3A_174 {strides = array<i32>} : memref<128xi32, #tpu.memory_space<vmem>>, vector<16xi32>,
    %mul3A_177 = arith.mulf %sub3A_127, %sub3A_123 : vector<16xf32>
    %swap3A_178 = arith.constant 0 : i32
    %swap3A_179 = arith.index_cast %swap3A_178 : i32 to index
    %swap3A_180 = arith.constant 0 : index
    %swap3A_181 = tpu.vector_load %arg16[%swap3A_179, %swap3A_180] {strides = array<i32>} : memref<4x128xf32, #tpu.memory_space<vmem>>, vector<16xf32>,
    tpu.vector_store %arg16[%swap3A_179, %swap3A_180], %mul3A_177 {strides = array<i32>} : memref<4x128xf32, #tpu.memory_space<vmem>>, vector<16xf32>,
    %mul3A_182 = arith.mulf %sub3A_127, %sub3A_120 : vector<16xf32>
    %swap3A_183 = arith.constant 1 : i32
    %swap3A_184 = arith.index_cast %swap3A_183 : i32 to index
    %swap3A_185 = arith.constant 0 : index
    %swap3A_186 = tpu.vector_load %arg16[%swap3A_184, %swap3A_185] {strides = array<i32>} : memref<4x128xf32, #tpu.memory_space<vmem>>, vector<16xf32>,
    tpu.vector_store %arg16[%swap3A_184, %swap3A_185], %mul3A_182 {strides = array<i32>} : memref<4x128xf32, #tpu.memory_space<vmem>>, vector<16xf32>,
    %mul3A_187 = arith.mulf %sub3A_124, %sub3A_123 : vector<16xf32>
    %swap3A_188 = arith.constant 2 : i32
    %swap3A_189 = arith.index_cast %swap3A_188 : i32 to index
    %swap3A_190 = arith.constant 0 : index
    %swap3A_191 = tpu.vector_load %arg16[%swap3A_189, %swap3A_190] {strides = array<i32>} : memref<4x128xf32, #tpu.memory_space<vmem>>, vector<16xf32>,
    tpu.vector_store %arg16[%swap3A_189, %swap3A_190], %mul3A_187 {strides = array<i32>} : memref<4x128xf32, #tpu.memory_space<vmem>>, vector<16xf32>,
    %mul3A_192 = arith.mulf %sub3A_124, %sub3A_120 : vector<16xf32>
    %swap3A_193 = arith.constant 3 : i32
    %swap3A_194 = arith.index_cast %swap3A_193 : i32 to index
    %swap3A_195 = arith.constant 0 : index
    %swap3A_196 = tpu.vector_load %arg16[%swap3A_194, %swap3A_195] {strides = array<i32>} : memref<4x128xf32, #tpu.memory_space<vmem>>, vector<16xf32>,
    tpu.vector_store %arg16[%swap3A_194, %swap3A_195], %mul3A_192 {strides = array<i32>} : memref<4x128xf32, #tpu.memory_space<vmem>>, vector<16xf32>,
    %add3A_197 = arith.constant 16 : i32
    %add3A_198 = arith.addi %mul3A_47, %add3A_197 : i32
    %get3A_199 = arith.index_cast %add3A_198 : i32 to index
    %get3A_200 = tpu.vector_load %arg6[%get3A_199] {strides = array<i32>} : memref<2048xf32, #tpu.memory_space<vmem>>, vector<16xf32>,
    %add3A_201 = arith.constant 16 : i32
    %add3A_202 = arith.addi %mul3A_47, %add3A_201 : i32
    %get3A_203 = arith.index_cast %add3A_202 : i32 to index
    %get3A_204 = tpu.vector_load %arg7[%get3A_203] {strides = array<i32>} : memref<2048xf32, #tpu.memory_space<vmem>>, vector<16xf32>,
    %div3A_205 = arith.constant 5.110000e+02 : f32
    %div3A_206 = vector.broadcast %div3A_205 : f32 to vector<16xf32>
    %div3A_207 = arith.divf %get3A_200, %div3A_206 : vector<16xf32>
    %mul3A_208 = arith.constant 2.000000e+00 : f32
    %mul3A_209 = vector.broadcast %mul3A_208 : f32 to vector<16xf32>
    %mul3A_210 = arith.mulf %div3A_207, %mul3A_209 : vector<16xf32>
    %sub3A_211 = arith.constant 1.000000e+00 : f32
    %sub3A_212 = vector.broadcast %sub3A_211 : f32 to vector<16xf32>
    %sub3A_213 = arith.subf %mul3A_210, %sub3A_212 : vector<16xf32>
    %div3A_214 = arith.constant 5.110000e+02 : f32
    %div3A_215 = vector.broadcast %div3A_214 : f32 to vector<16xf32>
    %div3A_216 = arith.divf %get3A_204, %div3A_215 : vector<16xf32>
    %mul3A_217 = arith.constant 2.000000e+00 : f32
    %mul3A_218 = vector.broadcast %mul3A_217 : f32 to vector<16xf32>
    %mul3A_219 = arith.mulf %div3A_216, %mul3A_218 : vector<16xf32>
    %sub3A_220 = arith.constant 1.000000e+00 : f32
    %sub3A_221 = vector.broadcast %sub3A_220 : f32 to vector<16xf32>
    %sub3A_222 = arith.subf %mul3A_219, %sub3A_221 : vector<16xf32>
    %add3A_223 = arith.constant 1.000000e+00 : f32
    %add3A_224 = vector.broadcast %add3A_223 : f32 to vector<16xf32>
    %add3A_225 = arith.addf %sub3A_213, %add3A_224 : vector<16xf32>
    %mul3A_226 = arith.constant 5.120000e+02 : f32
    %mul3A_227 = vector.broadcast %mul3A_226 : f32 to vector<16xf32>
    %mul3A_228 = arith.mulf %add3A_225, %mul3A_227 : vector<16xf32>
    %sub3A_229 = arith.constant 1.000000e+00 : f32
    %sub3A_230 = vector.broadcast %sub3A_229 : f32 to vector<16xf32>
    %sub3A_231 = arith.subf %mul3A_228, %sub3A_230 : vector<16xf32>
    %div3A_232 = arith.constant 2.000000e+00 : f32
    %div3A_233 = vector.broadcast %div3A_232 : f32 to vector<16xf32>
    %div3A_234 = arith.divf %sub3A_231, %div3A_233 : vector<16xf32>
    %add3A_235 = arith.constant 1.000000e+00 : f32
    %add3A_236 = vector.broadcast %add3A_235 : f32 to vector<16xf32>
    %add3A_237 = arith.addf %sub3A_222, %add3A_236 : vector<16xf32>
    %mul3A_238 = arith.constant 5.120000e+02 : f32
    %mul3A_239 = vector.broadcast %mul3A_238 : f32 to vector<16xf32>
    %mul3A_240 = arith.mulf %add3A_237, %mul3A_239 : vector<16xf32>
    %sub3A_241 = arith.constant 1.000000e+00 : f32
    %sub3A_242 = vector.broadcast %sub3A_241 : f32 to vector<16xf32>
    %sub3A_243 = arith.subf %mul3A_240, %sub3A_242 : vector<16xf32>
    %div3A_244 = arith.constant 2.000000e+00 : f32
    %div3A_245 = vector.broadcast %div3A_244 : f32 to vector<16xf32>
    %div3A_246 = arith.divf %sub3A_243, %div3A_245 : vector<16xf32>
    %convert_element_type3A_247 = arith.fptosi %div3A_234 : vector<16xf32> to vector<16xi32>
    %convert_element_type3A_248 = arith.fptosi %div3A_246 : vector<16xf32> to vector<16xi32>
    %convert_element_type3A_249 = arith.sitofp %convert_element_type3A_247 : vector<16xi32> to vector<16xf32>
    %convert_element_type3A_250 = arith.sitofp %convert_element_type3A_248 : vector<16xi32> to vector<16xf32>
    %gt3A_251 = arith.cmpf ogt, %convert_element_type3A_249, %div3A_234 : vector<16xf32>
    %sub3A_252 = arith.constant 1 : i32
    %sub3A_253 = vector.broadcast %sub3A_252 : i32 to vector<16xi32>
    %sub3A_254 = arith.subi %convert_element_type3A_247, %sub3A_253 : vector<16xi32>
    %select_n3A_255 = arith.select %gt3A_251, %sub3A_254, %convert_element_type3A_247 : vector<16xi1>, vector<16xi32>
    %gt3A_256 = arith.cmpf ogt, %convert_element_type3A_250, %div3A_246 : vector<16xf32>
    %sub3A_257 = arith.constant 1 : i32
    %sub3A_258 = vector.broadcast %sub3A_257 : i32 to vector<16xi32>
    %sub3A_259 = arith.subi %convert_element_type3A_248, %sub3A_258 : vector<16xi32>
    %select_n3A_260 = arith.select %gt3A_256, %sub3A_259, %convert_element_type3A_248 : vector<16xi1>, vector<16xi32>
    %gt3A_261 = arith.cmpf ogt, %convert_element_type3A_249, %div3A_234 : vector<16xf32>
    %sub3A_262 = arith.constant 1.000000e+00 : f32
    %sub3A_263 = vector.broadcast %sub3A_262 : f32 to vector<16xf32>
    %sub3A_264 = arith.subf %convert_element_type3A_249, %sub3A_263 : vector<16xf32>
    %select_n3A_265 = arith.select %gt3A_261, %sub3A_264, %convert_element_type3A_249 : vector<16xi1>, vector<16xf32>
    %gt3A_266 = arith.cmpf ogt, %convert_element_type3A_250, %div3A_246 : vector<16xf32>
    %sub3A_267 = arith.constant 1.000000e+00 : f32
    %sub3A_268 = vector.broadcast %sub3A_267 : f32 to vector<16xf32>
    %sub3A_269 = arith.subf %convert_element_type3A_250, %sub3A_268 : vector<16xf32>
    %select_n3A_270 = arith.select %gt3A_266, %sub3A_269, %convert_element_type3A_250 : vector<16xi1>, vector<16xf32>
    %sub3A_271 = arith.subf %div3A_234, %select_n3A_265 : vector<16xf32>
    %sub3A_272 = arith.constant 1.000000e+00 : f32
    %sub3A_273 = vector.broadcast %sub3A_272 : f32 to vector<16xf32>
    %sub3A_274 = arith.subf %sub3A_273, %sub3A_271 : vector<16xf32>
    %sub3A_275 = arith.subf %div3A_246, %select_n3A_270 : vector<16xf32>
    %sub3A_276 = arith.constant 1.000000e+00 : f32
    %sub3A_277 = vector.broadcast %sub3A_276 : f32 to vector<16xf32>
    %sub3A_278 = arith.subf %sub3A_277, %sub3A_275 : vector<16xf32>
    %jit3A_279 = arith.constant 0 : i32
    %jit3A_280 = arith.constant 511 : i32
    %max3A_281 = vector.broadcast %jit3A_279 : i32 to vector<16xi32>
    %max3A_282 = arith.maxsi %max3A_281, %select_n3A_255 : vector<16xi32>
    %min3A_283 = vector.broadcast %jit3A_280 : i32 to vector<16xi32>
    %min3A_284 = arith.minsi %min3A_283, %max3A_282 : vector<16xi32>
    %add3A_285 = arith.constant 1 : i32
    %add3A_286 = vector.broadcast %add3A_285 : i32 to vector<16xi32>
    %add3A_287 = arith.addi %select_n3A_255, %add3A_286 : vector<16xi32>
    %jit3A_288 = arith.constant 0 : i32
    %jit3A_289 = arith.constant 511 : i32
    %max3A_290 = vector.broadcast %jit3A_288 : i32 to vector<16xi32>
    %max3A_291 = arith.maxsi %max3A_290, %add3A_287 : vector<16xi32>
    %min3A_292 = vector.broadcast %jit3A_289 : i32 to vector<16xi32>
    %min3A_293 = arith.minsi %min3A_292, %max3A_291 : vector<16xi32>
    %jit3A_294 = arith.constant 0 : i32
    %jit3A_295 = arith.constant 511 : i32
    %max3A_296 = vector.broadcast %jit3A_294 : i32 to vector<16xi32>
    %max3A_297 = arith.maxsi %max3A_296, %select_n3A_260 : vector<16xi32>
    %min3A_298 = vector.broadcast %jit3A_295 : i32 to vector<16xi32>
    %min3A_299 = arith.minsi %min3A_298, %max3A_297 : vector<16xi32>
    %add3A_300 = arith.constant 1 : i32
    %add3A_301 = vector.broadcast %add3A_300 : i32 to vector<16xi32>
    %add3A_302 = arith.addi %select_n3A_260, %add3A_301 : vector<16xi32>
    %jit3A_303 = arith.constant 0 : i32
    %jit3A_304 = arith.constant 511 : i32
    %max3A_305 = vector.broadcast %jit3A_303 : i32 to vector<16xi32>
    %max3A_306 = arith.maxsi %max3A_305, %add3A_302 : vector<16xi32>
    %min3A_307 = vector.broadcast %jit3A_304 : i32 to vector<16xi32>
    %min3A_308 = arith.minsi %min3A_307, %max3A_306 : vector<16xi32>
    %mul3A_309 = arith.constant 512 : i32
    %mul3A_310 = vector.broadcast %mul3A_309 : i32 to vector<16xi32>
    %mul3A_311 = arith.muli %min3A_299, %mul3A_310 : vector<16xi32>
    %add3A_312 = vector.broadcast %mul3A_18 : i32 to vector<16xi32>
    %add3A_313 = arith.addi %add3A_312, %mul3A_311 : vector<16xi32>
    %mul3A_314 = arith.constant 512 : i32
    %mul3A_315 = vector.broadcast %mul3A_314 : i32 to vector<16xi32>
    %mul3A_316 = arith.muli %min3A_308, %mul3A_315 : vector<16xi32>
    %add3A_317 = vector.broadcast %mul3A_18 : i32 to vector<16xi32>
    %add3A_318 = arith.addi %add3A_317, %mul3A_316 : vector<16xi32>
    %add3A_319 = arith.addi %add3A_313, %min3A_284 : vector<16xi32>
    %swap3A_320 = arith.constant 16 : index
    %swap3A_321 = tpu.vector_load %arg8[%swap3A_320] {strides = array<i32>} : memref<128xi32, #tpu.memory_space<vmem>>, vector<16xi32>,
    tpu.vector_store %arg8[%swap3A_320], %add3A_319 {strides = array<i32>} : memref<128xi32, #tpu.memory_space<vmem>>, vector<16xi32>,
    %add3A_322 = arith.addi %add3A_313, %min3A_293 : vector<16xi32>
    %swap3A_323 = arith.constant 16 : index
    %swap3A_324 = tpu.vector_load %arg9[%swap3A_323] {strides = array<i32>} : memref<128xi32, #tpu.memory_space<vmem>>, vector<16xi32>,
    tpu.vector_store %arg9[%swap3A_323], %add3A_322 {strides = array<i32>} : memref<128xi32, #tpu.memory_space<vmem>>, vector<16xi32>,
    %add3A_325 = arith.addi %add3A_318, %min3A_284 : vector<16xi32>
    %swap3A_326 = arith.constant 16 : index
    %swap3A_327 = tpu.vector_load %arg10[%swap3A_326] {strides = array<i32>} : memref<128xi32, #tpu.memory_space<vmem>>, vector<16xi32>,
    tpu.vector_store %arg10[%swap3A_326], %add3A_325 {strides = array<i32>} : memref<128xi32, #tpu.memory_space<vmem>>, vector<16xi32>,
    %add3A_328 = arith.addi %add3A_318, %min3A_293 : vector<16xi32>
    %swap3A_329 = arith.constant 16 : index
    %swap3A_330 = tpu.vector_load %arg11[%swap3A_329] {strides = array<i32>} : memref<128xi32, #tpu.memory_space<vmem>>, vector<16xi32>,
    tpu.vector_store %arg11[%swap3A_329], %add3A_328 {strides = array<i32>} : memref<128xi32, #tpu.memory_space<vmem>>, vector<16xi32>,
    %mul3A_331 = arith.mulf %sub3A_278, %sub3A_274 : vector<16xf32>
    %swap3A_332 = arith.constant 0 : i32
    %swap3A_333 = arith.index_cast %swap3A_332 : i32 to index
    %swap3A_334 = arith.constant 16 : index
    %swap3A_335 = tpu.vector_load %arg16[%swap3A_333, %swap3A_334] {strides = array<i32>} : memref<4x128xf32, #tpu.memory_space<vmem>>, vector<16xf32>,
    tpu.vector_store %arg16[%swap3A_333, %swap3A_334], %mul3A_331 {strides = array<i32>} : memref<4x128xf32, #tpu.memory_space<vmem>>, vector<16xf32>,
    %mul3A_336 = arith.mulf %sub3A_278, %sub3A_271 : vector<16xf32>
    %swap3A_337 = arith.constant 1 : i32
    %swap3A_338 = arith.index_cast %swap3A_337 : i32 to index
    %swap3A_339 = arith.constant 16 : index
    %swap3A_340 = tpu.vector_load %arg16[%swap3A_338, %swap3A_339] {strides = array<i32>} : memref<4x128xf32, #tpu.memory_space<vmem>>, vector<16xf32>,
    tpu.vector_store %arg16[%swap3A_338, %swap3A_339], %mul3A_336 {strides = array<i32>} : memref<4x128xf32, #tpu.memory_space<vmem>>, vector<16xf32>,
    %mul3A_341 = arith.mulf %sub3A_275, %sub3A_274 : vector<16xf32>
    %swap3A_342 = arith.constant 2 : i32
    %swap3A_343 = arith.index_cast %swap3A_342 : i32 to index
    %swap3A_344 = arith.constant 16 : index
    %swap3A_345 = tpu.vector_load %arg16[%swap3A_343, %swap3A_344] {strides = array<i32>} : memref<4x128xf32, #tpu.memory_space<vmem>>, vector<16xf32>,
    tpu.vector_store %arg16[%swap3A_343, %swap3A_344], %mul3A_341 {strides = array<i32>} : memref<4x128xf32, #tpu.memory_space<vmem>>, vector<16xf32>,
    %mul3A_346 = arith.mulf %sub3A_275, %sub3A_271 : vector<16xf32>
    %swap3A_347 = arith.constant 3 : i32
    %swap3A_348 = arith.index_cast %swap3A_347 : i32 to index
    %swap3A_349 = arith.constant 16 : index
    %swap3A_350 = tpu.vector_load %arg16[%swap3A_348, %swap3A_349] {strides = array<i32>} : memref<4x128xf32, #tpu.memory_space<vmem>>, vector<16xf32>,
    tpu.vector_store %arg16[%swap3A_348, %swap3A_349], %mul3A_346 {strides = array<i32>} : memref<4x128xf32, #tpu.memory_space<vmem>>, vector<16xf32>,
    %add3A_351 = arith.constant 32 : i32
    %add3A_352 = arith.addi %mul3A_47, %add3A_351 : i32
    %get3A_353 = arith.index_cast %add3A_352 : i32 to index
    %get3A_354 = tpu.vector_load %arg6[%get3A_353] {strides = array<i32>} : memref<2048xf32, #tpu.memory_space<vmem>>, vector<16xf32>,
    %add3A_355 = arith.constant 32 : i32
    %add3A_356 = arith.addi %mul3A_47, %add3A_355 : i32
    %get3A_357 = arith.index_cast %add3A_356 : i32 to index
    %get3A_358 = tpu.vector_load %arg7[%get3A_357] {strides = array<i32>} : memref<2048xf32, #tpu.memory_space<vmem>>, vector<16xf32>,
    %div3A_359 = arith.constant 5.110000e+02 : f32
    %div3A_360 = vector.broadcast %div3A_359 : f32 to vector<16xf32>
    %div3A_361 = arith.divf %get3A_354, %div3A_360 : vector<16xf32>
    %mul3A_362 = arith.constant 2.000000e+00 : f32
    %mul3A_363 = vector.broadcast %mul3A_362 : f32 to vector<16xf32>
    %mul3A_364 = arith.mulf %div3A_361, %mul3A_363 : vector<16xf32>
    %sub3A_365 = arith.constant 1.000000e+00 : f32
    %sub3A_366 = vector.broadcast %sub3A_365 : f32 to vector<16xf32>
    %sub3A_367 = arith.subf %mul3A_364, %sub3A_366 : vector<16xf32>
    %div3A_368 = arith.constant 5.110000e+02 : f32
    %div3A_369 = vector.broadcast %div3A_368 : f32 to vector<16xf32>
    %div3A_370 = arith.divf %get3A_358, %div3A_369 : vector<16xf32>
    %mul3A_371 = arith.constant 2.000000e+00 : f32
    %mul3A_372 = vector.broadcast %mul3A_371 : f32 to vector<16xf32>
    %mul3A_373 = arith.mulf %div3A_370, %mul3A_372 : vector<16xf32>
    %sub3A_374 = arith.constant 1.000000e+00 : f32
    %sub3A_375 = vector.broadcast %sub3A_374 : f32 to vector<16xf32>
    %sub3A_376 = arith.subf %mul3A_373, %sub3A_375 : vector<16xf32>
    %add3A_377 = arith.constant 1.000000e+00 : f32
    %add3A_378 = vector.broadcast %add3A_377 : f32 to vector<16xf32>
    %add3A_379 = arith.addf %sub3A_367, %add3A_378 : vector<16xf32>
    %mul3A_380 = arith.constant 5.120000e+02 : f32
    %mul3A_381 = vector.broadcast %mul3A_380 : f32 to vector<16xf32>
    %mul3A_382 = arith.mulf %add3A_379, %mul3A_381 : vector<16xf32>
    %sub3A_383 = arith.constant 1.000000e+00 : f32
    %sub3A_384 = vector.broadcast %sub3A_383 : f32 to vector<16xf32>
    %sub3A_385 = arith.subf %mul3A_382, %sub3A_384 : vector<16xf32>
    %div3A_386 = arith.constant 2.000000e+00 : f32
    %div3A_387 = vector.broadcast %div3A_386 : f32 to vector<16xf32>
    %div3A_388 = arith.divf %sub3A_385, %div3A_387 : vector<16xf32>
    %add3A_389 = arith.constant 1.000000e+00 : f32
    %add3A_390 = vector.broadcast %add3A_389 : f32 to vector<16xf32>
    %add3A_391 = arith.addf %sub3A_376, %add3A_390 : vector<16xf32>
    %mul3A_392 = arith.constant 5.120000e+02 : f32
    %mul3A_393 = vector.broadcast %mul3A_392 : f32 to vector<16xf32>
    %mul3A_394 = arith.mulf %add3A_391, %mul3A_393 : vector<16xf32>
    %sub3A_395 = arith.constant 1.000000e+00 : f32
    %sub3A_396 = vector.broadcast %sub3A_395 : f32 to vector<16xf32>
    %sub3A_397 = arith.subf %mul3A_394, %sub3A_396 : vector<16xf32>
    %div3A_398 = arith.constant 2.000000e+00 : f32
    %div3A_399 = vector.broadcast %div3A_398 : f32 to vector<16xf32>
    %div3A_400 = arith.divf %sub3A_397, %div3A_399 : vector<16xf32>
    %convert_element_type3A_401 = arith.fptosi %div3A_388 : vector<16xf32> to vector<16xi32>
    %convert_element_type3A_402 = arith.fptosi %div3A_400 : vector<16xf32> to vector<16xi32>
    %convert_element_type3A_403 = arith.sitofp %convert_element_type3A_401 : vector<16xi32> to vector<16xf32>
    %convert_element_type3A_404 = arith.sitofp %convert_element_type3A_402 : vector<16xi32> to vector<16xf32>
    %gt3A_405 = arith.cmpf ogt, %convert_element_type3A_403, %div3A_388 : vector<16xf32>
    %sub3A_406 = arith.constant 1 : i32
    %sub3A_407 = vector.broadcast %sub3A_406 : i32 to vector<16xi32>
    %sub3A_408 = arith.subi %convert_element_type3A_401, %sub3A_407 : vector<16xi32>
    %select_n3A_409 = arith.select %gt3A_405, %sub3A_408, %convert_element_type3A_401 : vector<16xi1>, vector<16xi32>
    %gt3A_410 = arith.cmpf ogt, %convert_element_type3A_404, %div3A_400 : vector<16xf32>
    %sub3A_411 = arith.constant 1 : i32
    %sub3A_412 = vector.broadcast %sub3A_411 : i32 to vector<16xi32>
    %sub3A_413 = arith.subi %convert_element_type3A_402, %sub3A_412 : vector<16xi32>
    %select_n3A_414 = arith.select %gt3A_410, %sub3A_413, %convert_element_type3A_402 : vector<16xi1>, vector<16xi32>
    %gt3A_415 = arith.cmpf ogt, %convert_element_type3A_403, %div3A_388 : vector<16xf32>
    %sub3A_416 = arith.constant 1.000000e+00 : f32
    %sub3A_417 = vector.broadcast %sub3A_416 : f32 to vector<16xf32>
    %sub3A_418 = arith.subf %convert_element_type3A_403, %sub3A_417 : vector<16xf32>
    %select_n3A_419 = arith.select %gt3A_415, %sub3A_418, %convert_element_type3A_403 : vector<16xi1>, vector<16xf32>
    %gt3A_420 = arith.cmpf ogt, %convert_element_type3A_404, %div3A_400 : vector<16xf32>
    %sub3A_421 = arith.constant 1.000000e+00 : f32
    %sub3A_422 = vector.broadcast %sub3A_421 : f32 to vector<16xf32>
    %sub3A_423 = arith.subf %convert_element_type3A_404, %sub3A_422 : vector<16xf32>
    %select_n3A_424 = arith.select %gt3A_420, %sub3A_423, %convert_element_type3A_404 : vector<16xi1>, vector<16xf32>
    %sub3A_425 = arith.subf %div3A_388, %select_n3A_419 : vector<16xf32>
    %sub3A_426 = arith.constant 1.000000e+00 : f32
    %sub3A_427 = vector.broadcast %sub3A_426 : f32 to vector<16xf32>
    %sub3A_428 = arith.subf %sub3A_427, %sub3A_425 : vector<16xf32>
    %sub3A_429 = arith.subf %div3A_400, %select_n3A_424 : vector<16xf32>
    %sub3A_430 = arith.constant 1.000000e+00 : f32
    %sub3A_431 = vector.broadcast %sub3A_430 : f32 to vector<16xf32>
    %sub3A_432 = arith.subf %sub3A_431, %sub3A_429 : vector<16xf32>
    %jit3A_433 = arith.constant 0 : i32
    %jit3A_434 = arith.constant 511 : i32
    %max3A_435 = vector.broadcast %jit3A_433 : i32 to vector<16xi32>
    %max3A_436 = arith.maxsi %max3A_435, %select_n3A_409 : vector<16xi32>
    %min3A_437 = vector.broadcast %jit3A_434 : i32 to vector<16xi32>
    %min3A_438 = arith.minsi %min3A_437, %max3A_436 : vector<16xi32>
    %add3A_439 = arith.constant 1 : i32
    %add3A_440 = vector.broadcast %add3A_439 : i32 to vector<16xi32>
    %add3A_441 = arith.addi %select_n3A_409, %add3A_440 : vector<16xi32>
    %jit3A_442 = arith.constant 0 : i32
    %jit3A_443 = arith.constant 511 : i32
    %max3A_444 = vector.broadcast %jit3A_442 : i32 to vector<16xi32>
    %max3A_445 = arith.maxsi %max3A_444, %add3A_441 : vector<16xi32>
    %min3A_446 = vector.broadcast %jit3A_443 : i32 to vector<16xi32>
    %min3A_447 = arith.minsi %min3A_446, %max3A_445 : vector<16xi32>
    %jit3A_448 = arith.constant 0 : i32
    %jit3A_449 = arith.constant 511 : i32
    %max3A_450 = vector.broadcast %jit3A_448 : i32 to vector<16xi32>
    %max3A_451 = arith.maxsi %max3A_450, %select_n3A_414 : vector<16xi32>
    %min3A_452 = vector.broadcast %jit3A_449 : i32 to vector<16xi32>
    %min3A_453 = arith.minsi %min3A_452, %max3A_451 : vector<16xi32>
    %add3A_454 = arith.constant 1 : i32
    %add3A_455 = vector.broadcast %add3A_454 : i32 to vector<16xi32>
    %add3A_456 = arith.addi %select_n3A_414, %add3A_455 : vector<16xi32>
    %jit3A_457 = arith.constant 0 : i32
    %jit3A_458 = arith.constant 511 : i32
    %max3A_459 = vector.broadcast %jit3A_457 : i32 to vector<16xi32>
    %max3A_460 = arith.maxsi %max3A_459, %add3A_456 : vector<16xi32>
    %min3A_461 = vector.broadcast %jit3A_458 : i32 to vector<16xi32>
    %min3A_462 = arith.minsi %min3A_461, %max3A_460 : vector<16xi32>
    %mul3A_463 = arith.constant 512 : i32
    %mul3A_464 = vector.broadcast %mul3A_463 : i32 to vector<16xi32>
    %mul3A_465 = arith.muli %min3A_453, %mul3A_464 : vector<16xi32>
    %add3A_466 = vector.broadcast %mul3A_18 : i32 to vector<16xi32>
    %add3A_467 = arith.addi %add3A_466, %mul3A_465 : vector<16xi32>
    %mul3A_468 = arith.constant 512 : i32
    %mul3A_469 = vector.broadcast %mul3A_468 : i32 to vector<16xi32>
    %mul3A_470 = arith.muli %min3A_462, %mul3A_469 : vector<16xi32>
    %add3A_471 = vector.broadcast %mul3A_18 : i32 to vector<16xi32>
    %add3A_472 = arith.addi %add3A_471, %mul3A_470 : vector<16xi32>
    %add3A_473 = arith.addi %add3A_467, %min3A_438 : vector<16xi32>
    %swap3A_474 = arith.constant 32 : index
    %swap3A_475 = tpu.vector_load %arg8[%swap3A_474] {strides = array<i32>} : memref<128xi32, #tpu.memory_space<vmem>>, vector<16xi32>,
    tpu.vector_store %arg8[%swap3A_474], %add3A_473 {strides = array<i32>} : memref<128xi32, #tpu.memory_space<vmem>>, vector<16xi32>,
    %add3A_476 = arith.addi %add3A_467, %min3A_447 : vector<16xi32>
    %swap3A_477 = arith.constant 32 : index
    %swap3A_478 = tpu.vector_load %arg9[%swap3A_477] {strides = array<i32>} : memref<128xi32, #tpu.memory_space<vmem>>, vector<16xi32>,
    tpu.vector_store %arg9[%swap3A_477], %add3A_476 {strides = array<i32>} : memref<128xi32, #tpu.memory_space<vmem>>, vector<16xi32>,
    %add3A_479 = arith.addi %add3A_472, %min3A_438 : vector<16xi32>
    %swap3A_480 = arith.constant 32 : index
    %swap3A_481 = tpu.vector_load %arg10[%swap3A_480] {strides = array<i32>} : memref<128xi32, #tpu.memory_space<vmem>>, vector<16xi32>,
    tpu.vector_store %arg10[%swap3A_480], %add3A_479 {strides = array<i32>} : memref<128xi32, #tpu.memory_space<vmem>>, vector<16xi32>,
    %add3A_482 = arith.addi %add3A_472, %min3A_447 : vector<16xi32>
    %swap3A_483 = arith.constant 32 : index
    %swap3A_484 = tpu.vector_load %arg11[%swap3A_483] {strides = array<i32>} : memref<128xi32, #tpu.memory_space<vmem>>, vector<16xi32>,
    tpu.vector_store %arg11[%swap3A_483], %add3A_482 {strides = array<i32>} : memref<128xi32, #tpu.memory_space<vmem>>, vector<16xi32>,
    %mul3A_485 = arith.mulf %sub3A_432, %sub3A_428 : vector<16xf32>
    %swap3A_486 = arith.constant 0 : i32
    %swap3A_487 = arith.index_cast %swap3A_486 : i32 to index
    %swap3A_488 = arith.constant 32 : index
    %swap3A_489 = tpu.vector_load %arg16[%swap3A_487, %swap3A_488] {strides = array<i32>} : memref<4x128xf32, #tpu.memory_space<vmem>>, vector<16xf32>,
    tpu.vector_store %arg16[%swap3A_487, %swap3A_488], %mul3A_485 {strides = array<i32>} : memref<4x128xf32, #tpu.memory_space<vmem>>, vector<16xf32>,
    %mul3A_490 = arith.mulf %sub3A_432, %sub3A_425 : vector<16xf32>
    %swap3A_491 = arith.constant 1 : i32
    %swap3A_492 = arith.index_cast %swap3A_491 : i32 to index
    %swap3A_493 = arith.constant 32 : index
    %swap3A_494 = tpu.vector_load %arg16[%swap3A_492, %swap3A_493] {strides = array<i32>} : memref<4x128xf32, #tpu.memory_space<vmem>>, vector<16xf32>,
    tpu.vector_store %arg16[%swap3A_492, %swap3A_493], %mul3A_490 {strides = array<i32>} : memref<4x128xf32, #tpu.memory_space<vmem>>, vector<16xf32>,
    %mul3A_495 = arith.mulf %sub3A_429, %sub3A_428 : vector<16xf32>
    %swap3A_496 = arith.constant 2 : i32
    %swap3A_497 = arith.index_cast %swap3A_496 : i32 to index
    %swap3A_498 = arith.constant 32 : index
    %swap3A_499 = tpu.vector_load %arg16[%swap3A_497, %swap3A_498] {strides = array<i32>} : memref<4x128xf32, #tpu.memory_space<vmem>>, vector<16xf32>,
    tpu.vector_store %arg16[%swap3A_497, %swap3A_498], %mul3A_495 {strides = array<i32>} : memref<4x128xf32, #tpu.memory_space<vmem>>, vector<16xf32>,
    %mul3A_500 = arith.mulf %sub3A_429, %sub3A_425 : vector<16xf32>
    %swap3A_501 = arith.constant 3 : i32
    %swap3A_502 = arith.index_cast %swap3A_501 : i32 to index
    %swap3A_503 = arith.constant 32 : index
    %swap3A_504 = tpu.vector_load %arg16[%swap3A_502, %swap3A_503] {strides = array<i32>} : memref<4x128xf32, #tpu.memory_space<vmem>>, vector<16xf32>,
    tpu.vector_store %arg16[%swap3A_502, %swap3A_503], %mul3A_500 {strides = array<i32>} : memref<4x128xf32, #tpu.memory_space<vmem>>, vector<16xf32>,
    %add3A_505 = arith.constant 48 : i32
    %add3A_506 = arith.addi %mul3A_47, %add3A_505 : i32
    %get3A_507 = arith.index_cast %add3A_506 : i32 to index
    %get3A_508 = tpu.vector_load %arg6[%get3A_507] {strides = array<i32>} : memref<2048xf32, #tpu.memory_space<vmem>>, vector<16xf32>,
    %add3A_509 = arith.constant 48 : i32
    %add3A_510 = arith.addi %mul3A_47, %add3A_509 : i32
    %get3A_511 = arith.index_cast %add3A_510 : i32 to index
    %get3A_512 = tpu.vector_load %arg7[%get3A_511] {strides = array<i32>} : memref<2048xf32, #tpu.memory_space<vmem>>, vector<16xf32>,
    %div3A_513 = arith.constant 5.110000e+02 : f32
    %div3A_514 = vector.broadcast %div3A_513 : f32 to vector<16xf32>
    %div3A_515 = arith.divf %get3A_508, %div3A_514 : vector<16xf32>
    %mul3A_516 = arith.constant 2.000000e+00 : f32
    %mul3A_517 = vector.broadcast %mul3A_516 : f32 to vector<16xf32>
    %mul3A_518 = arith.mulf %div3A_515, %mul3A_517 : vector<16xf32>
    %sub3A_519 = arith.constant 1.000000e+00 : f32
    %sub3A_520 = vector.broadcast %sub3A_519 : f32 to vector<16xf32>
    %sub3A_521 = arith.subf %mul3A_518, %sub3A_520 : vector<16xf32>
    %div3A_522 = arith.constant 5.110000e+02 : f32
    %div3A_523 = vector.broadcast %div3A_522 : f32 to vector<16xf32>
    %div3A_524 = arith.divf %get3A_512, %div3A_523 : vector<16xf32>
    %mul3A_525 = arith.constant 2.000000e+00 : f32
    %mul3A_526 = vector.broadcast %mul3A_525 : f32 to vector<16xf32>
    %mul3A_527 = arith.mulf %div3A_524, %mul3A_526 : vector<16xf32>
    %sub3A_528 = arith.constant 1.000000e+00 : f32
    %sub3A_529 = vector.broadcast %sub3A_528 : f32 to vector<16xf32>
    %sub3A_530 = arith.subf %mul3A_527, %sub3A_529 : vector<16xf32>
    %add3A_531 = arith.constant 1.000000e+00 : f32
    %add3A_532 = vector.broadcast %add3A_531 : f32 to vector<16xf32>
    %add3A_533 = arith.addf %sub3A_521, %add3A_532 : vector<16xf32>
    %mul3A_534 = arith.constant 5.120000e+02 : f32
    %mul3A_535 = vector.broadcast %mul3A_534 : f32 to vector<16xf32>
    %mul3A_536 = arith.mulf %add3A_533, %mul3A_535 : vector<16xf32>
    %sub3A_537 = arith.constant 1.000000e+00 : f32
    %sub3A_538 = vector.broadcast %sub3A_537 : f32 to vector<16xf32>
    %sub3A_539 = arith.subf %mul3A_536, %sub3A_538 : vector<16xf32>
    %div3A_540 = arith.constant 2.000000e+00 : f32
    %div3A_541 = vector.broadcast %div3A_540 : f32 to vector<16xf32>
    %div3A_542 = arith.divf %sub3A_539, %div3A_541 : vector<16xf32>
    %add3A_543 = arith.constant 1.000000e+00 : f32
    %add3A_544 = vector.broadcast %add3A_543 : f32 to vector<16xf32>
    %add3A_545 = arith.addf %sub3A_530, %add3A_544 : vector<16xf32>
    %mul3A_546 = arith.constant 5.120000e+02 : f32
    %mul3A_547 = vector.broadcast %mul3A_546 : f32 to vector<16xf32>
    %mul3A_548 = arith.mulf %add3A_545, %mul3A_547 : vector<16xf32>
    %sub3A_549 = arith.constant 1.000000e+00 : f32
    %sub3A_550 = vector.broadcast %sub3A_549 : f32 to vector<16xf32>
    %sub3A_551 = arith.subf %mul3A_548, %sub3A_550 : vector<16xf32>
    %div3A_552 = arith.constant 2.000000e+00 : f32
    %div3A_553 = vector.broadcast %div3A_552 : f32 to vector<16xf32>
    %div3A_554 = arith.divf %sub3A_551, %div3A_553 : vector<16xf32>
    %convert_element_type3A_555 = arith.fptosi %div3A_542 : vector<16xf32> to vector<16xi32>
    %convert_element_type3A_556 = arith.fptosi %div3A_554 : vector<16xf32> to vector<16xi32>
    %convert_element_type3A_557 = arith.sitofp %convert_element_type3A_555 : vector<16xi32> to vector<16xf32>
    %convert_element_type3A_558 = arith.sitofp %convert_element_type3A_556 : vector<16xi32> to vector<16xf32>
    %gt3A_559 = arith.cmpf ogt, %convert_element_type3A_557, %div3A_542 : vector<16xf32>
    %sub3A_560 = arith.constant 1 : i32
    %sub3A_561 = vector.broadcast %sub3A_560 : i32 to vector<16xi32>
    %sub3A_562 = arith.subi %convert_element_type3A_555, %sub3A_561 : vector<16xi32>
    %select_n3A_563 = arith.select %gt3A_559, %sub3A_562, %convert_element_type3A_555 : vector<16xi1>, vector<16xi32>
    %gt3A_564 = arith.cmpf ogt, %convert_element_type3A_558, %div3A_554 : vector<16xf32>
    %sub3A_565 = arith.constant 1 : i32
    %sub3A_566 = vector.broadcast %sub3A_565 : i32 to vector<16xi32>
    %sub3A_567 = arith.subi %convert_element_type3A_556, %sub3A_566 : vector<16xi32>
    %select_n3A_568 = arith.select %gt3A_564, %sub3A_567, %convert_element_type3A_556 : vector<16xi1>, vector<16xi32>
    %gt3A_569 = arith.cmpf ogt, %convert_element_type3A_557, %div3A_542 : vector<16xf32>
    %sub3A_570 = arith.constant 1.000000e+00 : f32
    %sub3A_571 = vector.broadcast %sub3A_570 : f32 to vector<16xf32>
    %sub3A_572 = arith.subf %convert_element_type3A_557, %sub3A_571 : vector<16xf32>
    %select_n3A_573 = arith.select %gt3A_569, %sub3A_572, %convert_element_type3A_557 : vector<16xi1>, vector<16xf32>
    %gt3A_574 = arith.cmpf ogt, %convert_element_type3A_558, %div3A_554 : vector<16xf32>
    %sub3A_575 = arith.constant 1.000000e+00 : f32
    %sub3A_576 = vector.broadcast %sub3A_575 : f32 to vector<16xf32>
    %sub3A_577 = arith.subf %convert_element_type3A_558, %sub3A_576 : vector<16xf32>
    %select_n3A_578 = arith.select %gt3A_574, %sub3A_577, %convert_element_type3A_558 : vector<16xi1>, vector<16xf32>
    %sub3A_579 = arith.subf %div3A_542, %select_n3A_573 : vector<16xf32>
    %sub3A_580 = arith.constant 1.000000e+00 : f32
    %sub3A_581 = vector.broadcast %sub3A_580 : f32 to vector<16xf32>
    %sub3A_582 = arith.subf %sub3A_581, %sub3A_579 : vector<16xf32>
    %sub3A_583 = arith.subf %div3A_554, %select_n3A_578 : vector<16xf32>
    %sub3A_584 = arith.constant 1.000000e+00 : f32
    %sub3A_585 = vector.broadcast %sub3A_584 : f32 to vector<16xf32>
    %sub3A_586 = arith.subf %sub3A_585, %sub3A_583 : vector<16xf32>
    %jit3A_587 = arith.constant 0 : i32
    %jit3A_588 = arith.constant 511 : i32
    %max3A_589 = vector.broadcast %jit3A_587 : i32 to vector<16xi32>
    %max3A_590 = arith.maxsi %max3A_589, %select_n3A_563 : vector<16xi32>
    %min3A_591 = vector.broadcast %jit3A_588 : i32 to vector<16xi32>
    %min3A_592 = arith.minsi %min3A_591, %max3A_590 : vector<16xi32>
    %add3A_593 = arith.constant 1 : i32
    %add3A_594 = vector.broadcast %add3A_593 : i32 to vector<16xi32>
    %add3A_595 = arith.addi %select_n3A_563, %add3A_594 : vector<16xi32>
    %jit3A_596 = arith.constant 0 : i32
    %jit3A_597 = arith.constant 511 : i32
    %max3A_598 = vector.broadcast %jit3A_596 : i32 to vector<16xi32>
    %max3A_599 = arith.maxsi %max3A_598, %add3A_595 : vector<16xi32>
    %min3A_600 = vector.broadcast %jit3A_597 : i32 to vector<16xi32>
    %min3A_601 = arith.minsi %min3A_600, %max3A_599 : vector<16xi32>
    %jit3A_602 = arith.constant 0 : i32
    %jit3A_603 = arith.constant 511 : i32
    %max3A_604 = vector.broadcast %jit3A_602 : i32 to vector<16xi32>
    %max3A_605 = arith.maxsi %max3A_604, %select_n3A_568 : vector<16xi32>
    %min3A_606 = vector.broadcast %jit3A_603 : i32 to vector<16xi32>
    %min3A_607 = arith.minsi %min3A_606, %max3A_605 : vector<16xi32>
    %add3A_608 = arith.constant 1 : i32
    %add3A_609 = vector.broadcast %add3A_608 : i32 to vector<16xi32>
    %add3A_610 = arith.addi %select_n3A_568, %add3A_609 : vector<16xi32>
    %jit3A_611 = arith.constant 0 : i32
    %jit3A_612 = arith.constant 511 : i32
    %max3A_613 = vector.broadcast %jit3A_611 : i32 to vector<16xi32>
    %max3A_614 = arith.maxsi %max3A_613, %add3A_610 : vector<16xi32>
    %min3A_615 = vector.broadcast %jit3A_612 : i32 to vector<16xi32>
    %min3A_616 = arith.minsi %min3A_615, %max3A_614 : vector<16xi32>
    %mul3A_617 = arith.constant 512 : i32
    %mul3A_618 = vector.broadcast %mul3A_617 : i32 to vector<16xi32>
    %mul3A_619 = arith.muli %min3A_607, %mul3A_618 : vector<16xi32>
    %add3A_620 = vector.broadcast %mul3A_18 : i32 to vector<16xi32>
    %add3A_621 = arith.addi %add3A_620, %mul3A_619 : vector<16xi32>
    %mul3A_622 = arith.constant 512 : i32
    %mul3A_623 = vector.broadcast %mul3A_622 : i32 to vector<16xi32>
    %mul3A_624 = arith.muli %min3A_616, %mul3A_623 : vector<16xi32>
    %add3A_625 = vector.broadcast %mul3A_18 : i32 to vector<16xi32>
    %add3A_626 = arith.addi %add3A_625, %mul3A_624 : vector<16xi32>
    %add3A_627 = arith.addi %add3A_621, %min3A_592 : vector<16xi32>
    %swap3A_628 = arith.constant 48 : index
    %swap3A_629 = tpu.vector_load %arg8[%swap3A_628] {strides = array<i32>} : memref<128xi32, #tpu.memory_space<vmem>>, vector<16xi32>,
    tpu.vector_store %arg8[%swap3A_628], %add3A_627 {strides = array<i32>} : memref<128xi32, #tpu.memory_space<vmem>>, vector<16xi32>,
    %add3A_630 = arith.addi %add3A_621, %min3A_601 : vector<16xi32>
    %swap3A_631 = arith.constant 48 : index
    %swap3A_632 = tpu.vector_load %arg9[%swap3A_631] {strides = array<i32>} : memref<128xi32, #tpu.memory_space<vmem>>, vector<16xi32>,
    tpu.vector_store %arg9[%swap3A_631], %add3A_630 {strides = array<i32>} : memref<128xi32, #tpu.memory_space<vmem>>, vector<16xi32>,
    %add3A_633 = arith.addi %add3A_626, %min3A_592 : vector<16xi32>
    %swap3A_634 = arith.constant 48 : index
    %swap3A_635 = tpu.vector_load %arg10[%swap3A_634] {strides = array<i32>} : memref<128xi32, #tpu.memory_space<vmem>>, vector<16xi32>,
    tpu.vector_store %arg10[%swap3A_634], %add3A_633 {strides = array<i32>} : memref<128xi32, #tpu.memory_space<vmem>>, vector<16xi32>,
    %add3A_636 = arith.addi %add3A_626, %min3A_601 : vector<16xi32>
    %swap3A_637 = arith.constant 48 : index
    %swap3A_638 = tpu.vector_load %arg11[%swap3A_637] {strides = array<i32>} : memref<128xi32, #tpu.memory_space<vmem>>, vector<16xi32>,
    tpu.vector_store %arg11[%swap3A_637], %add3A_636 {strides = array<i32>} : memref<128xi32, #tpu.memory_space<vmem>>, vector<16xi32>,
    %mul3A_639 = arith.mulf %sub3A_586, %sub3A_582 : vector<16xf32>
    %swap3A_640 = arith.constant 0 : i32
    %swap3A_641 = arith.index_cast %swap3A_640 : i32 to index
    %swap3A_642 = arith.constant 48 : index
    %swap3A_643 = tpu.vector_load %arg16[%swap3A_641, %swap3A_642] {strides = array<i32>} : memref<4x128xf32, #tpu.memory_space<vmem>>, vector<16xf32>,
    tpu.vector_store %arg16[%swap3A_641, %swap3A_642], %mul3A_639 {strides = array<i32>} : memref<4x128xf32, #tpu.memory_space<vmem>>, vector<16xf32>,
    %mul3A_644 = arith.mulf %sub3A_586, %sub3A_579 : vector<16xf32>
    %swap3A_645 = arith.constant 1 : i32
    %swap3A_646 = arith.index_cast %swap3A_645 : i32 to index
    %swap3A_647 = arith.constant 48 : index
    %swap3A_648 = tpu.vector_load %arg16[%swap3A_646, %swap3A_647] {strides = array<i32>} : memref<4x128xf32, #tpu.memory_space<vmem>>, vector<16xf32>,
    tpu.vector_store %arg16[%swap3A_646, %swap3A_647], %mul3A_644 {strides = array<i32>} : memref<4x128xf32, #tpu.memory_space<vmem>>, vector<16xf32>,
    %mul3A_649 = arith.mulf %sub3A_583, %sub3A_582 : vector<16xf32>
    %swap3A_650 = arith.constant 2 : i32
    %swap3A_651 = arith.index_cast %swap3A_650 : i32 to index
    %swap3A_652 = arith.constant 48 : index
    %swap3A_653 = tpu.vector_load %arg16[%swap3A_651, %swap3A_652] {strides = array<i32>} : memref<4x128xf32, #tpu.memory_space<vmem>>, vector<16xf32>,
    tpu.vector_store %arg16[%swap3A_651, %swap3A_652], %mul3A_649 {strides = array<i32>} : memref<4x128xf32, #tpu.memory_space<vmem>>, vector<16xf32>,
    %mul3A_654 = arith.mulf %sub3A_583, %sub3A_579 : vector<16xf32>
    %swap3A_655 = arith.constant 3 : i32
    %swap3A_656 = arith.index_cast %swap3A_655 : i32 to index
    %swap3A_657 = arith.constant 48 : index
    %swap3A_658 = tpu.vector_load %arg16[%swap3A_656, %swap3A_657] {strides = array<i32>} : memref<4x128xf32, #tpu.memory_space<vmem>>, vector<16xf32>,
    tpu.vector_store %arg16[%swap3A_656, %swap3A_657], %mul3A_654 {strides = array<i32>} : memref<4x128xf32, #tpu.memory_space<vmem>>, vector<16xf32>,
    %add3A_659 = arith.constant 64 : i32
    %add3A_660 = arith.addi %mul3A_47, %add3A_659 : i32
    %get3A_661 = arith.index_cast %add3A_660 : i32 to index
    %get3A_662 = tpu.vector_load %arg6[%get3A_661] {strides = array<i32>} : memref<2048xf32, #tpu.memory_space<vmem>>, vector<16xf32>,
    %add3A_663 = arith.constant 64 : i32
    %add3A_664 = arith.addi %mul3A_47, %add3A_663 : i32
    %get3A_665 = arith.index_cast %add3A_664 : i32 to index
    %get3A_666 = tpu.vector_load %arg7[%get3A_665] {strides = array<i32>} : memref<2048xf32, #tpu.memory_space<vmem>>, vector<16xf32>,
    %div3A_667 = arith.constant 5.110000e+02 : f32
    %div3A_668 = vector.broadcast %div3A_667 : f32 to vector<16xf32>
    %div3A_669 = arith.divf %get3A_662, %div3A_668 : vector<16xf32>
    %mul3A_670 = arith.constant 2.000000e+00 : f32
    %mul3A_671 = vector.broadcast %mul3A_670 : f32 to vector<16xf32>
    %mul3A_672 = arith.mulf %div3A_669, %mul3A_671 : vector<16xf32>
    %sub3A_673 = arith.constant 1.000000e+00 : f32
    %sub3A_674 = vector.broadcast %sub3A_673 : f32 to vector<16xf32>
    %sub3A_675 = arith.subf %mul3A_672, %sub3A_674 : vector<16xf32>
    %div3A_676 = arith.constant 5.110000e+02 : f32
    %div3A_677 = vector.broadcast %div3A_676 : f32 to vector<16xf32>
    %div3A_678 = arith.divf %get3A_666, %div3A_677 : vector<16xf32>
    %mul3A_679 = arith.constant 2.000000e+00 : f32
    %mul3A_680 = vector.broadcast %mul3A_679 : f32 to vector<16xf32>
    %mul3A_681 = arith.mulf %div3A_678, %mul3A_680 : vector<16xf32>
    %sub3A_682 = arith.constant 1.000000e+00 : f32
    %sub3A_683 = vector.broadcast %sub3A_682 : f32 to vector<16xf32>
    %sub3A_684 = arith.subf %mul3A_681, %sub3A_683 : vector<16xf32>
    %add3A_685 = arith.constant 1.000000e+00 : f32
    %add3A_686 = vector.broadcast %add3A_685 : f32 to vector<16xf32>
    %add3A_687 = arith.addf %sub3A_675, %add3A_686 : vector<16xf32>
    %mul3A_688 = arith.constant 5.120000e+02 : f32
    %mul3A_689 = vector.broadcast %mul3A_688 : f32 to vector<16xf32>
    %mul3A_690 = arith.mulf %add3A_687, %mul3A_689 : vector<16xf32>
    %sub3A_691 = arith.constant 1.000000e+00 : f32
    %sub3A_692 = vector.broadcast %sub3A_691 : f32 to vector<16xf32>
    %sub3A_693 = arith.subf %mul3A_690, %sub3A_692 : vector<16xf32>
    %div3A_694 = arith.constant 2.000000e+00 : f32
    %div3A_695 = vector.broadcast %div3A_694 : f32 to vector<16xf32>
    %div3A_696 = arith.divf %sub3A_693, %div3A_695 : vector<16xf32>
    %add3A_697 = arith.constant 1.000000e+00 : f32
    %add3A_698 = vector.broadcast %add3A_697 : f32 to vector<16xf32>
    %add3A_699 = arith.addf %sub3A_684, %add3A_698 : vector<16xf32>
    %mul3A_700 = arith.constant 5.120000e+02 : f32
    %mul3A_701 = vector.broadcast %mul3A_700 : f32 to vector<16xf32>
    %mul3A_702 = arith.mulf %add3A_699, %mul3A_701 : vector<16xf32>
    %sub3A_703 = arith.constant 1.000000e+00 : f32
    %sub3A_704 = vector.broadcast %sub3A_703 : f32 to vector<16xf32>
    %sub3A_705 = arith.subf %mul3A_702, %sub3A_704 : vector<16xf32>
    %div3A_706 = arith.constant 2.000000e+00 : f32
    %div3A_707 = vector.broadcast %div3A_706 : f32 to vector<16xf32>
    %div3A_708 = arith.divf %sub3A_705, %div3A_707 : vector<16xf32>
    %convert_element_type3A_709 = arith.fptosi %div3A_696 : vector<16xf32> to vector<16xi32>
    %convert_element_type3A_710 = arith.fptosi %div3A_708 : vector<16xf32> to vector<16xi32>
    %convert_element_type3A_711 = arith.sitofp %convert_element_type3A_709 : vector<16xi32> to vector<16xf32>
    %convert_element_type3A_712 = arith.sitofp %convert_element_type3A_710 : vector<16xi32> to vector<16xf32>
    %gt3A_713 = arith.cmpf ogt, %convert_element_type3A_711, %div3A_696 : vector<16xf32>
    %sub3A_714 = arith.constant 1 : i32
    %sub3A_715 = vector.broadcast %sub3A_714 : i32 to vector<16xi32>
    %sub3A_716 = arith.subi %convert_element_type3A_709, %sub3A_715 : vector<16xi32>
    %select_n3A_717 = arith.select %gt3A_713, %sub3A_716, %convert_element_type3A_709 : vector<16xi1>, vector<16xi32>
    %gt3A_718 = arith.cmpf ogt, %convert_element_type3A_712, %div3A_708 : vector<16xf32>
    %sub3A_719 = arith.constant 1 : i32
    %sub3A_720 = vector.broadcast %sub3A_719 : i32 to vector<16xi32>
    %sub3A_721 = arith.subi %convert_element_type3A_710, %sub3A_720 : vector<16xi32>
    %select_n3A_722 = arith.select %gt3A_718, %sub3A_721, %convert_element_type3A_710 : vector<16xi1>, vector<16xi32>
    %gt3A_723 = arith.cmpf ogt, %convert_element_type3A_711, %div3A_696 : vector<16xf32>
    %sub3A_724 = arith.constant 1.000000e+00 : f32
    %sub3A_725 = vector.broadcast %sub3A_724 : f32 to vector<16xf32>
    %sub3A_726 = arith.subf %convert_element_type3A_711, %sub3A_725 : vector<16xf32>
    %select_n3A_727 = arith.select %gt3A_723, %sub3A_726, %convert_element_type3A_711 : vector<16xi1>, vector<16xf32>
    %gt3A_728 = arith.cmpf ogt, %convert_element_type3A_712, %div3A_708 : vector<16xf32>
    %sub3A_729 = arith.constant 1.000000e+00 : f32
    %sub3A_730 = vector.broadcast %sub3A_729 : f32 to vector<16xf32>
    %sub3A_731 = arith.subf %convert_element_type3A_712, %sub3A_730 : vector<16xf32>
    %select_n3A_732 = arith.select %gt3A_728, %sub3A_731, %convert_element_type3A_712 : vector<16xi1>, vector<16xf32>
    %sub3A_733 = arith.subf %div3A_696, %select_n3A_727 : vector<16xf32>
    %sub3A_734 = arith.constant 1.000000e+00 : f32
    %sub3A_735 = vector.broadcast %sub3A_734 : f32 to vector<16xf32>
    %sub3A_736 = arith.subf %sub3A_735, %sub3A_733 : vector<16xf32>
    %sub3A_737 = arith.subf %div3A_708, %select_n3A_732 : vector<16xf32>
    %sub3A_738 = arith.constant 1.000000e+00 : f32
    %sub3A_739 = vector.broadcast %sub3A_738 : f32 to vector<16xf32>
    %sub3A_740 = arith.subf %sub3A_739, %sub3A_737 : vector<16xf32>
    %jit3A_741 = arith.constant 0 : i32
    %jit3A_742 = arith.constant 511 : i32
    %max3A_743 = vector.broadcast %jit3A_741 : i32 to vector<16xi32>
    %max3A_744 = arith.maxsi %max3A_743, %select_n3A_717 : vector<16xi32>
    %min3A_745 = vector.broadcast %jit3A_742 : i32 to vector<16xi32>
    %min3A_746 = arith.minsi %min3A_745, %max3A_744 : vector<16xi32>
    %add3A_747 = arith.constant 1 : i32
    %add3A_748 = vector.broadcast %add3A_747 : i32 to vector<16xi32>
    %add3A_749 = arith.addi %select_n3A_717, %add3A_748 : vector<16xi32>
    %jit3A_750 = arith.constant 0 : i32
    %jit3A_751 = arith.constant 511 : i32
    %max3A_752 = vector.broadcast %jit3A_750 : i32 to vector<16xi32>
    %max3A_753 = arith.maxsi %max3A_752, %add3A_749 : vector<16xi32>
    %min3A_754 = vector.broadcast %jit3A_751 : i32 to vector<16xi32>
    %min3A_755 = arith.minsi %min3A_754, %max3A_753 : vector<16xi32>
    %jit3A_756 = arith.constant 0 : i32
    %jit3A_757 = arith.constant 511 : i32
    %max3A_758 = vector.broadcast %jit3A_756 : i32 to vector<16xi32>
    %max3A_759 = arith.maxsi %max3A_758, %select_n3A_722 : vector<16xi32>
    %min3A_760 = vector.broadcast %jit3A_757 : i32 to vector<16xi32>
    %min3A_761 = arith.minsi %min3A_760, %max3A_759 : vector<16xi32>
    %add3A_762 = arith.constant 1 : i32
    %add3A_763 = vector.broadcast %add3A_762 : i32 to vector<16xi32>
    %add3A_764 = arith.addi %select_n3A_722, %add3A_763 : vector<16xi32>
    %jit3A_765 = arith.constant 0 : i32
    %jit3A_766 = arith.constant 511 : i32
    %max3A_767 = vector.broadcast %jit3A_765 : i32 to vector<16xi32>
    %max3A_768 = arith.maxsi %max3A_767, %add3A_764 : vector<16xi32>
    %min3A_769 = vector.broadcast %jit3A_766 : i32 to vector<16xi32>
    %min3A_770 = arith.minsi %min3A_769, %max3A_768 : vector<16xi32>
    %mul3A_771 = arith.constant 512 : i32
    %mul3A_772 = vector.broadcast %mul3A_771 : i32 to vector<16xi32>
    %mul3A_773 = arith.muli %min3A_761, %mul3A_772 : vector<16xi32>
    %add3A_774 = vector.broadcast %mul3A_18 : i32 to vector<16xi32>
    %add3A_775 = arith.addi %add3A_774, %mul3A_773 : vector<16xi32>
    %mul3A_776 = arith.constant 512 : i32
    %mul3A_777 = vector.broadcast %mul3A_776 : i32 to vector<16xi32>
    %mul3A_778 = arith.muli %min3A_770, %mul3A_777 : vector<16xi32>
    %add3A_779 = vector.broadcast %mul3A_18 : i32 to vector<16xi32>
    %add3A_780 = arith.addi %add3A_779, %mul3A_778 : vector<16xi32>
    %add3A_781 = arith.addi %add3A_775, %min3A_746 : vector<16xi32>
    %swap3A_782 = arith.constant 64 : index
    %swap3A_783 = tpu.vector_load %arg8[%swap3A_782] {strides = array<i32>} : memref<128xi32, #tpu.memory_space<vmem>>, vector<16xi32>,
    tpu.vector_store %arg8[%swap3A_782], %add3A_781 {strides = array<i32>} : memref<128xi32, #tpu.memory_space<vmem>>, vector<16xi32>,
    %add3A_784 = arith.addi %add3A_775, %min3A_755 : vector<16xi32>
    %swap3A_785 = arith.constant 64 : index
    %swap3A_786 = tpu.vector_load %arg9[%swap3A_785] {strides = array<i32>} : memref<128xi32, #tpu.memory_space<vmem>>, vector<16xi32>,
    tpu.vector_store %arg9[%swap3A_785], %add3A_784 {strides = array<i32>} : memref<128xi32, #tpu.memory_space<vmem>>, vector<16xi32>,
    %add3A_787 = arith.addi %add3A_780, %min3A_746 : vector<16xi32>
    %swap3A_788 = arith.constant 64 : index
    %swap3A_789 = tpu.vector_load %arg10[%swap3A_788] {strides = array<i32>} : memref<128xi32, #tpu.memory_space<vmem>>, vector<16xi32>,
    tpu.vector_store %arg10[%swap3A_788], %add3A_787 {strides = array<i32>} : memref<128xi32, #tpu.memory_space<vmem>>, vector<16xi32>,
    %add3A_790 = arith.addi %add3A_780, %min3A_755 : vector<16xi32>
    %swap3A_791 = arith.constant 64 : index
    %swap3A_792 = tpu.vector_load %arg11[%swap3A_791] {strides = array<i32>} : memref<128xi32, #tpu.memory_space<vmem>>, vector<16xi32>,
    tpu.vector_store %arg11[%swap3A_791], %add3A_790 {strides = array<i32>} : memref<128xi32, #tpu.memory_space<vmem>>, vector<16xi32>,
    %mul3A_793 = arith.mulf %sub3A_740, %sub3A_736 : vector<16xf32>
    %swap3A_794 = arith.constant 0 : i32
    %swap3A_795 = arith.index_cast %swap3A_794 : i32 to index
    %swap3A_796 = arith.constant 64 : index
    %swap3A_797 = tpu.vector_load %arg16[%swap3A_795, %swap3A_796] {strides = array<i32>} : memref<4x128xf32, #tpu.memory_space<vmem>>, vector<16xf32>,
    tpu.vector_store %arg16[%swap3A_795, %swap3A_796], %mul3A_793 {strides = array<i32>} : memref<4x128xf32, #tpu.memory_space<vmem>>, vector<16xf32>,
    %mul3A_798 = arith.mulf %sub3A_740, %sub3A_733 : vector<16xf32>
    %swap3A_799 = arith.constant 1 : i32
    %swap3A_800 = arith.index_cast %swap3A_799 : i32 to index
    %swap3A_801 = arith.constant 64 : index
    %swap3A_802 = tpu.vector_load %arg16[%swap3A_800, %swap3A_801] {strides = array<i32>} : memref<4x128xf32, #tpu.memory_space<vmem>>, vector<16xf32>,
    tpu.vector_store %arg16[%swap3A_800, %swap3A_801], %mul3A_798 {strides = array<i32>} : memref<4x128xf32, #tpu.memory_space<vmem>>, vector<16xf32>,
    %mul3A_803 = arith.mulf %sub3A_737, %sub3A_736 : vector<16xf32>
    %swap3A_804 = arith.constant 2 : i32
    %swap3A_805 = arith.index_cast %swap3A_804 : i32 to index
    %swap3A_806 = arith.constant 64 : index
    %swap3A_807 = tpu.vector_load %arg16[%swap3A_805, %swap3A_806] {strides = array<i32>} : memref<4x128xf32, #tpu.memory_space<vmem>>, vector<16xf32>,
    tpu.vector_store %arg16[%swap3A_805, %swap3A_806], %mul3A_803 {strides = array<i32>} : memref<4x128xf32, #tpu.memory_space<vmem>>, vector<16xf32>,
    %mul3A_808 = arith.mulf %sub3A_737, %sub3A_733 : vector<16xf32>
    %swap3A_809 = arith.constant 3 : i32
    %swap3A_810 = arith.index_cast %swap3A_809 : i32 to index
    %swap3A_811 = arith.constant 64 : index
    %swap3A_812 = tpu.vector_load %arg16[%swap3A_810, %swap3A_811] {strides = array<i32>} : memref<4x128xf32, #tpu.memory_space<vmem>>, vector<16xf32>,
    tpu.vector_store %arg16[%swap3A_810, %swap3A_811], %mul3A_808 {strides = array<i32>} : memref<4x128xf32, #tpu.memory_space<vmem>>, vector<16xf32>,
    %add3A_813 = arith.constant 80 : i32
    %add3A_814 = arith.addi %mul3A_47, %add3A_813 : i32
    %get3A_815 = arith.index_cast %add3A_814 : i32 to index
    %get3A_816 = tpu.vector_load %arg6[%get3A_815] {strides = array<i32>} : memref<2048xf32, #tpu.memory_space<vmem>>, vector<16xf32>,
    %add3A_817 = arith.constant 80 : i32
    %add3A_818 = arith.addi %mul3A_47, %add3A_817 : i32
    %get3A_819 = arith.index_cast %add3A_818 : i32 to index
    %get3A_820 = tpu.vector_load %arg7[%get3A_819] {strides = array<i32>} : memref<2048xf32, #tpu.memory_space<vmem>>, vector<16xf32>,
    %div3A_821 = arith.constant 5.110000e+02 : f32
    %div3A_822 = vector.broadcast %div3A_821 : f32 to vector<16xf32>
    %div3A_823 = arith.divf %get3A_816, %div3A_822 : vector<16xf32>
    %mul3A_824 = arith.constant 2.000000e+00 : f32
    %mul3A_825 = vector.broadcast %mul3A_824 : f32 to vector<16xf32>
    %mul3A_826 = arith.mulf %div3A_823, %mul3A_825 : vector<16xf32>
    %sub3A_827 = arith.constant 1.000000e+00 : f32
    %sub3A_828 = vector.broadcast %sub3A_827 : f32 to vector<16xf32>
    %sub3A_829 = arith.subf %mul3A_826, %sub3A_828 : vector<16xf32>
    %div3A_830 = arith.constant 5.110000e+02 : f32
    %div3A_831 = vector.broadcast %div3A_830 : f32 to vector<16xf32>
    %div3A_832 = arith.divf %get3A_820, %div3A_831 : vector<16xf32>
    %mul3A_833 = arith.constant 2.000000e+00 : f32
    %mul3A_834 = vector.broadcast %mul3A_833 : f32 to vector<16xf32>
    %mul3A_835 = arith.mulf %div3A_832, %mul3A_834 : vector<16xf32>
    %sub3A_836 = arith.constant 1.000000e+00 : f32
    %sub3A_837 = vector.broadcast %sub3A_836 : f32 to vector<16xf32>
    %sub3A_838 = arith.subf %mul3A_835, %sub3A_837 : vector<16xf32>
    %add3A_839 = arith.constant 1.000000e+00 : f32
    %add3A_840 = vector.broadcast %add3A_839 : f32 to vector<16xf32>
    %add3A_841 = arith.addf %sub3A_829, %add3A_840 : vector<16xf32>
    %mul3A_842 = arith.constant 5.120000e+02 : f32
    %mul3A_843 = vector.broadcast %mul3A_842 : f32 to vector<16xf32>
    %mul3A_844 = arith.mulf %add3A_841, %mul3A_843 : vector<16xf32>
    %sub3A_845 = arith.constant 1.000000e+00 : f32
    %sub3A_846 = vector.broadcast %sub3A_845 : f32 to vector<16xf32>
    %sub3A_847 = arith.subf %mul3A_844, %sub3A_846 : vector<16xf32>
    %div3A_848 = arith.constant 2.000000e+00 : f32
    %div3A_849 = vector.broadcast %div3A_848 : f32 to vector<16xf32>
    %div3A_850 = arith.divf %sub3A_847, %div3A_849 : vector<16xf32>
    %add3A_851 = arith.constant 1.000000e+00 : f32
    %add3A_852 = vector.broadcast %add3A_851 : f32 to vector<16xf32>
    %add3A_853 = arith.addf %sub3A_838, %add3A_852 : vector<16xf32>
    %mul3A_854 = arith.constant 5.120000e+02 : f32
    %mul3A_855 = vector.broadcast %mul3A_854 : f32 to vector<16xf32>
    %mul3A_856 = arith.mulf %add3A_853, %mul3A_855 : vector<16xf32>
    %sub3A_857 = arith.constant 1.000000e+00 : f32
    %sub3A_858 = vector.broadcast %sub3A_857 : f32 to vector<16xf32>
    %sub3A_859 = arith.subf %mul3A_856, %sub3A_858 : vector<16xf32>
    %div3A_860 = arith.constant 2.000000e+00 : f32
    %div3A_861 = vector.broadcast %div3A_860 : f32 to vector<16xf32>
    %div3A_862 = arith.divf %sub3A_859, %div3A_861 : vector<16xf32>
    %convert_element_type3A_863 = arith.fptosi %div3A_850 : vector<16xf32> to vector<16xi32>
    %convert_element_type3A_864 = arith.fptosi %div3A_862 : vector<16xf32> to vector<16xi32>
    %convert_element_type3A_865 = arith.sitofp %convert_element_type3A_863 : vector<16xi32> to vector<16xf32>
    %convert_element_type3A_866 = arith.sitofp %convert_element_type3A_864 : vector<16xi32> to vector<16xf32>
    %gt3A_867 = arith.cmpf ogt, %convert_element_type3A_865, %div3A_850 : vector<16xf32>
    %sub3A_868 = arith.constant 1 : i32
    %sub3A_869 = vector.broadcast %sub3A_868 : i32 to vector<16xi32>
    %sub3A_870 = arith.subi %convert_element_type3A_863, %sub3A_869 : vector<16xi32>
    %select_n3A_871 = arith.select %gt3A_867, %sub3A_870, %convert_element_type3A_863 : vector<16xi1>, vector<16xi32>
    %gt3A_872 = arith.cmpf ogt, %convert_element_type3A_866, %div3A_862 : vector<16xf32>
    %sub3A_873 = arith.constant 1 : i32
    %sub3A_874 = vector.broadcast %sub3A_873 : i32 to vector<16xi32>
    %sub3A_875 = arith.subi %convert_element_type3A_864, %sub3A_874 : vector<16xi32>
    %select_n3A_876 = arith.select %gt3A_872, %sub3A_875, %convert_element_type3A_864 : vector<16xi1>, vector<16xi32>
    %gt3A_877 = arith.cmpf ogt, %convert_element_type3A_865, %div3A_850 : vector<16xf32>
    %sub3A_878 = arith.constant 1.000000e+00 : f32
    %sub3A_879 = vector.broadcast %sub3A_878 : f32 to vector<16xf32>
    %sub3A_880 = arith.subf %convert_element_type3A_865, %sub3A_879 : vector<16xf32>
    %select_n3A_881 = arith.select %gt3A_877, %sub3A_880, %convert_element_type3A_865 : vector<16xi1>, vector<16xf32>
    %gt3A_882 = arith.cmpf ogt, %convert_element_type3A_866, %div3A_862 : vector<16xf32>
    %sub3A_883 = arith.constant 1.000000e+00 : f32
    %sub3A_884 = vector.broadcast %sub3A_883 : f32 to vector<16xf32>
    %sub3A_885 = arith.subf %convert_element_type3A_866, %sub3A_884 : vector<16xf32>
    %select_n3A_886 = arith.select %gt3A_882, %sub3A_885, %convert_element_type3A_866 : vector<16xi1>, vector<16xf32>
    %sub3A_887 = arith.subf %div3A_850, %select_n3A_881 : vector<16xf32>
    %sub3A_888 = arith.constant 1.000000e+00 : f32
    %sub3A_889 = vector.broadcast %sub3A_888 : f32 to vector<16xf32>
    %sub3A_890 = arith.subf %sub3A_889, %sub3A_887 : vector<16xf32>
    %sub3A_891 = arith.subf %div3A_862, %select_n3A_886 : vector<16xf32>
    %sub3A_892 = arith.constant 1.000000e+00 : f32
    %sub3A_893 = vector.broadcast %sub3A_892 : f32 to vector<16xf32>
    %sub3A_894 = arith.subf %sub3A_893, %sub3A_891 : vector<16xf32>
    %jit3A_895 = arith.constant 0 : i32
    %jit3A_896 = arith.constant 511 : i32
    %max3A_897 = vector.broadcast %jit3A_895 : i32 to vector<16xi32>
    %max3A_898 = arith.maxsi %max3A_897, %select_n3A_871 : vector<16xi32>
    %min3A_899 = vector.broadcast %jit3A_896 : i32 to vector<16xi32>
    %min3A_900 = arith.minsi %min3A_899, %max3A_898 : vector<16xi32>
    %add3A_901 = arith.constant 1 : i32
    %add3A_902 = vector.broadcast %add3A_901 : i32 to vector<16xi32>
    %add3A_903 = arith.addi %select_n3A_871, %add3A_902 : vector<16xi32>
    %jit3A_904 = arith.constant 0 : i32
    %jit3A_905 = arith.constant 511 : i32
    %max3A_906 = vector.broadcast %jit3A_904 : i32 to vector<16xi32>
    %max3A_907 = arith.maxsi %max3A_906, %add3A_903 : vector<16xi32>
    %min3A_908 = vector.broadcast %jit3A_905 : i32 to vector<16xi32>
    %min3A_909 = arith.minsi %min3A_908, %max3A_907 : vector<16xi32>
    %jit3A_910 = arith.constant 0 : i32
    %jit3A_911 = arith.constant 511 : i32
    %max3A_912 = vector.broadcast %jit3A_910 : i32 to vector<16xi32>
    %max3A_913 = arith.maxsi %max3A_912, %select_n3A_876 : vector<16xi32>
    %min3A_914 = vector.broadcast %jit3A_911 : i32 to vector<16xi32>
    %min3A_915 = arith.minsi %min3A_914, %max3A_913 : vector<16xi32>
    %add3A_916 = arith.constant 1 : i32
    %add3A_917 = vector.broadcast %add3A_916 : i32 to vector<16xi32>
    %add3A_918 = arith.addi %select_n3A_876, %add3A_917 : vector<16xi32>
    %jit3A_919 = arith.constant 0 : i32
    %jit3A_920 = arith.constant 511 : i32
    %max3A_921 = vector.broadcast %jit3A_919 : i32 to vector<16xi32>
    %max3A_922 = arith.maxsi %max3A_921, %add3A_918 : vector<16xi32>
    %min3A_923 = vector.broadcast %jit3A_920 : i32 to vector<16xi32>
    %min3A_924 = arith.minsi %min3A_923, %max3A_922 : vector<16xi32>
    %mul3A_925 = arith.constant 512 : i32
    %mul3A_926 = vector.broadcast %mul3A_925 : i32 to vector<16xi32>
    %mul3A_927 = arith.muli %min3A_915, %mul3A_926 : vector<16xi32>
    %add3A_928 = vector.broadcast %mul3A_18 : i32 to vector<16xi32>
    %add3A_929 = arith.addi %add3A_928, %mul3A_927 : vector<16xi32>
    %mul3A_930 = arith.constant 512 : i32
    %mul3A_931 = vector.broadcast %mul3A_930 : i32 to vector<16xi32>
    %mul3A_932 = arith.muli %min3A_924, %mul3A_931 : vector<16xi32>
    %add3A_933 = vector.broadcast %mul3A_18 : i32 to vector<16xi32>
    %add3A_934 = arith.addi %add3A_933, %mul3A_932 : vector<16xi32>
    %add3A_935 = arith.addi %add3A_929, %min3A_900 : vector<16xi32>
    %swap3A_936 = arith.constant 80 : index
    %swap3A_937 = tpu.vector_load %arg8[%swap3A_936] {strides = array<i32>} : memref<128xi32, #tpu.memory_space<vmem>>, vector<16xi32>,
    tpu.vector_store %arg8[%swap3A_936], %add3A_935 {strides = array<i32>} : memref<128xi32, #tpu.memory_space<vmem>>, vector<16xi32>,
    %add3A_938 = arith.addi %add3A_929, %min3A_909 : vector<16xi32>
    %swap3A_939 = arith.constant 80 : index
    %swap3A_940 = tpu.vector_load %arg9[%swap3A_939] {strides = array<i32>} : memref<128xi32, #tpu.memory_space<vmem>>, vector<16xi32>,
    tpu.vector_store %arg9[%swap3A_939], %add3A_938 {strides = array<i32>} : memref<128xi32, #tpu.memory_space<vmem>>, vector<16xi32>,
    %add3A_941 = arith.addi %add3A_934, %min3A_900 : vector<16xi32>
    %swap3A_942 = arith.constant 80 : index
    %swap3A_943 = tpu.vector_load %arg10[%swap3A_942] {strides = array<i32>} : memref<128xi32, #tpu.memory_space<vmem>>, vector<16xi32>,
    tpu.vector_store %arg10[%swap3A_942], %add3A_941 {strides = array<i32>} : memref<128xi32, #tpu.memory_space<vmem>>, vector<16xi32>,
    %add3A_944 = arith.addi %add3A_934, %min3A_909 : vector<16xi32>
    %swap3A_945 = arith.constant 80 : index
    %swap3A_946 = tpu.vector_load %arg11[%swap3A_945] {strides = array<i32>} : memref<128xi32, #tpu.memory_space<vmem>>, vector<16xi32>,
    tpu.vector_store %arg11[%swap3A_945], %add3A_944 {strides = array<i32>} : memref<128xi32, #tpu.memory_space<vmem>>, vector<16xi32>,
    %mul3A_947 = arith.mulf %sub3A_894, %sub3A_890 : vector<16xf32>
    %swap3A_948 = arith.constant 0 : i32
    %swap3A_949 = arith.index_cast %swap3A_948 : i32 to index
    %swap3A_950 = arith.constant 80 : index
    %swap3A_951 = tpu.vector_load %arg16[%swap3A_949, %swap3A_950] {strides = array<i32>} : memref<4x128xf32, #tpu.memory_space<vmem>>, vector<16xf32>,
    tpu.vector_store %arg16[%swap3A_949, %swap3A_950], %mul3A_947 {strides = array<i32>} : memref<4x128xf32, #tpu.memory_space<vmem>>, vector<16xf32>,
    %mul3A_952 = arith.mulf %sub3A_894, %sub3A_887 : vector<16xf32>
    %swap3A_953 = arith.constant 1 : i32
    %swap3A_954 = arith.index_cast %swap3A_953 : i32 to index
    %swap3A_955 = arith.constant 80 : index
    %swap3A_956 = tpu.vector_load %arg16[%swap3A_954, %swap3A_955] {strides = array<i32>} : memref<4x128xf32, #tpu.memory_space<vmem>>, vector<16xf32>,
    tpu.vector_store %arg16[%swap3A_954, %swap3A_955], %mul3A_952 {strides = array<i32>} : memref<4x128xf32, #tpu.memory_space<vmem>>, vector<16xf32>,
    %mul3A_957 = arith.mulf %sub3A_891, %sub3A_890 : vector<16xf32>
    %swap3A_958 = arith.constant 2 : i32
    %swap3A_959 = arith.index_cast %swap3A_958 : i32 to index
    %swap3A_960 = arith.constant 80 : index
    %swap3A_961 = tpu.vector_load %arg16[%swap3A_959, %swap3A_960] {strides = array<i32>} : memref<4x128xf32, #tpu.memory_space<vmem>>, vector<16xf32>,
    tpu.vector_store %arg16[%swap3A_959, %swap3A_960], %mul3A_957 {strides = array<i32>} : memref<4x128xf32, #tpu.memory_space<vmem>>, vector<16xf32>,
    %mul3A_962 = arith.mulf %sub3A_891, %sub3A_887 : vector<16xf32>
    %swap3A_963 = arith.constant 3 : i32
    %swap3A_964 = arith.index_cast %swap3A_963 : i32 to index
    %swap3A_965 = arith.constant 80 : index
    %swap3A_966 = tpu.vector_load %arg16[%swap3A_964, %swap3A_965] {strides = array<i32>} : memref<4x128xf32, #tpu.memory_space<vmem>>, vector<16xf32>,
    tpu.vector_store %arg16[%swap3A_964, %swap3A_965], %mul3A_962 {strides = array<i32>} : memref<4x128xf32, #tpu.memory_space<vmem>>, vector<16xf32>,
    %add3A_967 = arith.constant 96 : i32
    %add3A_968 = arith.addi %mul3A_47, %add3A_967 : i32
    %get3A_969 = arith.index_cast %add3A_968 : i32 to index
    %get3A_970 = tpu.vector_load %arg6[%get3A_969] {strides = array<i32>} : memref<2048xf32, #tpu.memory_space<vmem>>, vector<16xf32>,
    %add3A_971 = arith.constant 96 : i32
    %add3A_972 = arith.addi %mul3A_47, %add3A_971 : i32
    %get3A_973 = arith.index_cast %add3A_972 : i32 to index
    %get3A_974 = tpu.vector_load %arg7[%get3A_973] {strides = array<i32>} : memref<2048xf32, #tpu.memory_space<vmem>>, vector<16xf32>,
    %div3A_975 = arith.constant 5.110000e+02 : f32
    %div3A_976 = vector.broadcast %div3A_975 : f32 to vector<16xf32>
    %div3A_977 = arith.divf %get3A_970, %div3A_976 : vector<16xf32>
    %mul3A_978 = arith.constant 2.000000e+00 : f32
    %mul3A_979 = vector.broadcast %mul3A_978 : f32 to vector<16xf32>
    %mul3A_980 = arith.mulf %div3A_977, %mul3A_979 : vector<16xf32>
    %sub3A_981 = arith.constant 1.000000e+00 : f32
    %sub3A_982 = vector.broadcast %sub3A_981 : f32 to vector<16xf32>
    %sub3A_983 = arith.subf %mul3A_980, %sub3A_982 : vector<16xf32>
    %div3A_984 = arith.constant 5.110000e+02 : f32
    %div3A_985 = vector.broadcast %div3A_984 : f32 to vector<16xf32>
    %div3A_986 = arith.divf %get3A_974, %div3A_985 : vector<16xf32>
    %mul3A_987 = arith.constant 2.000000e+00 : f32
    %mul3A_988 = vector.broadcast %mul3A_987 : f32 to vector<16xf32>
    %mul3A_989 = arith.mulf %div3A_986, %mul3A_988 : vector<16xf32>
    %sub3A_990 = arith.constant 1.000000e+00 : f32
    %sub3A_991 = vector.broadcast %sub3A_990 : f32 to vector<16xf32>
    %sub3A_992 = arith.subf %mul3A_989, %sub3A_991 : vector<16xf32>
    %add3A_993 = arith.constant 1.000000e+00 : f32
    %add3A_994 = vector.broadcast %add3A_993 : f32 to vector<16xf32>
    %add3A_995 = arith.addf %sub3A_983, %add3A_994 : vector<16xf32>
    %mul3A_996 = arith.constant 5.120000e+02 : f32
    %mul3A_997 = vector.broadcast %mul3A_996 : f32 to vector<16xf32>
    %mul3A_998 = arith.mulf %add3A_995, %mul3A_997 : vector<16xf32>
    %sub3A_999 = arith.constant 1.000000e+00 : f32
    %sub3A_1000 = vector.broadcast %sub3A_999 : f32 to vector<16xf32>
    %sub3A_1001 = arith.subf %mul3A_998, %sub3A_1000 : vector<16xf32>
    %div3A_1002 = arith.constant 2.000000e+00 : f32
    %div3A_1003 = vector.broadcast %div3A_1002 : f32 to vector<16xf32>
    %div3A_1004 = arith.divf %sub3A_1001, %div3A_1003 : vector<16xf32>
    %add3A_1005 = arith.constant 1.000000e+00 : f32
    %add3A_1006 = vector.broadcast %add3A_1005 : f32 to vector<16xf32>
    %add3A_1007 = arith.addf %sub3A_992, %add3A_1006 : vector<16xf32>
    %mul3A_1008 = arith.constant 5.120000e+02 : f32
    %mul3A_1009 = vector.broadcast %mul3A_1008 : f32 to vector<16xf32>
    %mul3A_1010 = arith.mulf %add3A_1007, %mul3A_1009 : vector<16xf32>
    %sub3A_1011 = arith.constant 1.000000e+00 : f32
    %sub3A_1012 = vector.broadcast %sub3A_1011 : f32 to vector<16xf32>
    %sub3A_1013 = arith.subf %mul3A_1010, %sub3A_1012 : vector<16xf32>
    %div3A_1014 = arith.constant 2.000000e+00 : f32
    %div3A_1015 = vector.broadcast %div3A_1014 : f32 to vector<16xf32>
    %div3A_1016 = arith.divf %sub3A_1013, %div3A_1015 : vector<16xf32>
    %convert_element_type3A_1017 = arith.fptosi %div3A_1004 : vector<16xf32> to vector<16xi32>
    %convert_element_type3A_1018 = arith.fptosi %div3A_1016 : vector<16xf32> to vector<16xi32>
    %convert_element_type3A_1019 = arith.sitofp %convert_element_type3A_1017 : vector<16xi32> to vector<16xf32>
    %convert_element_type3A_1020 = arith.sitofp %convert_element_type3A_1018 : vector<16xi32> to vector<16xf32>
    %gt3A_1021 = arith.cmpf ogt, %convert_element_type3A_1019, %div3A_1004 : vector<16xf32>
    %sub3A_1022 = arith.constant 1 : i32
    %sub3A_1023 = vector.broadcast %sub3A_1022 : i32 to vector<16xi32>
    %sub3A_1024 = arith.subi %convert_element_type3A_1017, %sub3A_1023 : vector<16xi32>
    %select_n3A_1025 = arith.select %gt3A_1021, %sub3A_1024, %convert_element_type3A_1017 : vector<16xi1>, vector<16xi32>
    %gt3A_1026 = arith.cmpf ogt, %convert_element_type3A_1020, %div3A_1016 : vector<16xf32>
    %sub3A_1027 = arith.constant 1 : i32
    %sub3A_1028 = vector.broadcast %sub3A_1027 : i32 to vector<16xi32>
    %sub3A_1029 = arith.subi %convert_element_type3A_1018, %sub3A_1028 : vector<16xi32>
    %select_n3A_1030 = arith.select %gt3A_1026, %sub3A_1029, %convert_element_type3A_1018 : vector<16xi1>, vector<16xi32>
    %gt3A_1031 = arith.cmpf ogt, %convert_element_type3A_1019, %div3A_1004 : vector<16xf32>
    %sub3A_1032 = arith.constant 1.000000e+00 : f32
    %sub3A_1033 = vector.broadcast %sub3A_1032 : f32 to vector<16xf32>
    %sub3A_1034 = arith.subf %convert_element_type3A_1019, %sub3A_1033 : vector<16xf32>
    %select_n3A_1035 = arith.select %gt3A_1031, %sub3A_1034, %convert_element_type3A_1019 : vector<16xi1>, vector<16xf32>
    %gt3A_1036 = arith.cmpf ogt, %convert_element_type3A_1020, %div3A_1016 : vector<16xf32>
    %sub3A_1037 = arith.constant 1.000000e+00 : f32
    %sub3A_1038 = vector.broadcast %sub3A_1037 : f32 to vector<16xf32>
    %sub3A_1039 = arith.subf %convert_element_type3A_1020, %sub3A_1038 : vector<16xf32>
    %select_n3A_1040 = arith.select %gt3A_1036, %sub3A_1039, %convert_element_type3A_1020 : vector<16xi1>, vector<16xf32>
    %sub3A_1041 = arith.subf %div3A_1004, %select_n3A_1035 : vector<16xf32>
    %sub3A_1042 = arith.constant 1.000000e+00 : f32
    %sub3A_1043 = vector.broadcast %sub3A_1042 : f32 to vector<16xf32>
    %sub3A_1044 = arith.subf %sub3A_1043, %sub3A_1041 : vector<16xf32>
    %sub3A_1045 = arith.subf %div3A_1016, %select_n3A_1040 : vector<16xf32>
    %sub3A_1046 = arith.constant 1.000000e+00 : f32
    %sub3A_1047 = vector.broadcast %sub3A_1046 : f32 to vector<16xf32>
    %sub3A_1048 = arith.subf %sub3A_1047, %sub3A_1045 : vector<16xf32>
    %jit3A_1049 = arith.constant 0 : i32
    %jit3A_1050 = arith.constant 511 : i32
    %max3A_1051 = vector.broadcast %jit3A_1049 : i32 to vector<16xi32>
    %max3A_1052 = arith.maxsi %max3A_1051, %select_n3A_1025 : vector<16xi32>
    %min3A_1053 = vector.broadcast %jit3A_1050 : i32 to vector<16xi32>
    %min3A_1054 = arith.minsi %min3A_1053, %max3A_1052 : vector<16xi32>
    %add3A_1055 = arith.constant 1 : i32
    %add3A_1056 = vector.broadcast %add3A_1055 : i32 to vector<16xi32>
    %add3A_1057 = arith.addi %select_n3A_1025, %add3A_1056 : vector<16xi32>
    %jit3A_1058 = arith.constant 0 : i32
    %jit3A_1059 = arith.constant 511 : i32
    %max3A_1060 = vector.broadcast %jit3A_1058 : i32 to vector<16xi32>
    %max3A_1061 = arith.maxsi %max3A_1060, %add3A_1057 : vector<16xi32>
    %min3A_1062 = vector.broadcast %jit3A_1059 : i32 to vector<16xi32>
    %min3A_1063 = arith.minsi %min3A_1062, %max3A_1061 : vector<16xi32>
    %jit3A_1064 = arith.constant 0 : i32
    %jit3A_1065 = arith.constant 511 : i32
    %max3A_1066 = vector.broadcast %jit3A_1064 : i32 to vector<16xi32>
    %max3A_1067 = arith.maxsi %max3A_1066, %select_n3A_1030 : vector<16xi32>
    %min3A_1068 = vector.broadcast %jit3A_1065 : i32 to vector<16xi32>
    %min3A_1069 = arith.minsi %min3A_1068, %max3A_1067 : vector<16xi32>
    %add3A_1070 = arith.constant 1 : i32
    %add3A_1071 = vector.broadcast %add3A_1070 : i32 to vector<16xi32>
    %add3A_1072 = arith.addi %select_n3A_1030, %add3A_1071 : vector<16xi32>
    %jit3A_1073 = arith.constant 0 : i32
    %jit3A_1074 = arith.constant 511 : i32
    %max3A_1075 = vector.broadcast %jit3A_1073 : i32 to vector<16xi32>
    %max3A_1076 = arith.maxsi %max3A_1075, %add3A_1072 : vector<16xi32>
    %min3A_1077 = vector.broadcast %jit3A_1074 : i32 to vector<16xi32>
    %min3A_1078 = arith.minsi %min3A_1077, %max3A_1076 : vector<16xi32>
    %mul3A_1079 = arith.constant 512 : i32
    %mul3A_1080 = vector.broadcast %mul3A_1079 : i32 to vector<16xi32>
    %mul3A_1081 = arith.muli %min3A_1069, %mul3A_1080 : vector<16xi32>
    %add3A_1082 = vector.broadcast %mul3A_18 : i32 to vector<16xi32>
    %add3A_1083 = arith.addi %add3A_1082, %mul3A_1081 : vector<16xi32>
    %mul3A_1084 = arith.constant 512 : i32
    %mul3A_1085 = vector.broadcast %mul3A_1084 : i32 to vector<16xi32>
    %mul3A_1086 = arith.muli %min3A_1078, %mul3A_1085 : vector<16xi32>
    %add3A_1087 = vector.broadcast %mul3A_18 : i32 to vector<16xi32>
    %add3A_1088 = arith.addi %add3A_1087, %mul3A_1086 : vector<16xi32>
    %add3A_1089 = arith.addi %add3A_1083, %min3A_1054 : vector<16xi32>
    %swap3A_1090 = arith.constant 96 : index
    %swap3A_1091 = tpu.vector_load %arg8[%swap3A_1090] {strides = array<i32>} : memref<128xi32, #tpu.memory_space<vmem>>, vector<16xi32>,
    tpu.vector_store %arg8[%swap3A_1090], %add3A_1089 {strides = array<i32>} : memref<128xi32, #tpu.memory_space<vmem>>, vector<16xi32>,
    %add3A_1092 = arith.addi %add3A_1083, %min3A_1063 : vector<16xi32>
    %swap3A_1093 = arith.constant 96 : index
    %swap3A_1094 = tpu.vector_load %arg9[%swap3A_1093] {strides = array<i32>} : memref<128xi32, #tpu.memory_space<vmem>>, vector<16xi32>,
    tpu.vector_store %arg9[%swap3A_1093], %add3A_1092 {strides = array<i32>} : memref<128xi32, #tpu.memory_space<vmem>>, vector<16xi32>,
    %add3A_1095 = arith.addi %add3A_1088, %min3A_1054 : vector<16xi32>
    %swap3A_1096 = arith.constant 96 : index
    %swap3A_1097 = tpu.vector_load %arg10[%swap3A_1096] {strides = array<i32>} : memref<128xi32, #tpu.memory_space<vmem>>, vector<16xi32>,
    tpu.vector_store %arg10[%swap3A_1096], %add3A_1095 {strides = array<i32>} : memref<128xi32, #tpu.memory_space<vmem>>, vector<16xi32>,
    %add3A_1098 = arith.addi %add3A_1088, %min3A_1063 : vector<16xi32>
    %swap3A_1099 = arith.constant 96 : index
    %swap3A_1100 = tpu.vector_load %arg11[%swap3A_1099] {strides = array<i32>} : memref<128xi32, #tpu.memory_space<vmem>>, vector<16xi32>,
    tpu.vector_store %arg11[%swap3A_1099], %add3A_1098 {strides = array<i32>} : memref<128xi32, #tpu.memory_space<vmem>>, vector<16xi32>,
    %mul3A_1101 = arith.mulf %sub3A_1048, %sub3A_1044 : vector<16xf32>
    %swap3A_1102 = arith.constant 0 : i32
    %swap3A_1103 = arith.index_cast %swap3A_1102 : i32 to index
    %swap3A_1104 = arith.constant 96 : index
    %swap3A_1105 = tpu.vector_load %arg16[%swap3A_1103, %swap3A_1104] {strides = array<i32>} : memref<4x128xf32, #tpu.memory_space<vmem>>, vector<16xf32>,
    tpu.vector_store %arg16[%swap3A_1103, %swap3A_1104], %mul3A_1101 {strides = array<i32>} : memref<4x128xf32, #tpu.memory_space<vmem>>, vector<16xf32>,
    %mul3A_1106 = arith.mulf %sub3A_1048, %sub3A_1041 : vector<16xf32>
    %swap3A_1107 = arith.constant 1 : i32
    %swap3A_1108 = arith.index_cast %swap3A_1107 : i32 to index
    %swap3A_1109 = arith.constant 96 : index
    %swap3A_1110 = tpu.vector_load %arg16[%swap3A_1108, %swap3A_1109] {strides = array<i32>} : memref<4x128xf32, #tpu.memory_space<vmem>>, vector<16xf32>,
    tpu.vector_store %arg16[%swap3A_1108, %swap3A_1109], %mul3A_1106 {strides = array<i32>} : memref<4x128xf32, #tpu.memory_space<vmem>>, vector<16xf32>,
    %mul3A_1111 = arith.mulf %sub3A_1045, %sub3A_1044 : vector<16xf32>
    %swap3A_1112 = arith.constant 2 : i32
    %swap3A_1113 = arith.index_cast %swap3A_1112 : i32 to index
    %swap3A_1114 = arith.constant 96 : index
    %swap3A_1115 = tpu.vector_load %arg16[%swap3A_1113, %swap3A_1114] {strides = array<i32>} : memref<4x128xf32, #tpu.memory_space<vmem>>, vector<16xf32>,
    tpu.vector_store %arg16[%swap3A_1113, %swap3A_1114], %mul3A_1111 {strides = array<i32>} : memref<4x128xf32, #tpu.memory_space<vmem>>, vector<16xf32>,
    %mul3A_1116 = arith.mulf %sub3A_1045, %sub3A_1041 : vector<16xf32>
    %swap3A_1117 = arith.constant 3 : i32
    %swap3A_1118 = arith.index_cast %swap3A_1117 : i32 to index
    %swap3A_1119 = arith.constant 96 : index
    %swap3A_1120 = tpu.vector_load %arg16[%swap3A_1118, %swap3A_1119] {strides = array<i32>} : memref<4x128xf32, #tpu.memory_space<vmem>>, vector<16xf32>,
    tpu.vector_store %arg16[%swap3A_1118, %swap3A_1119], %mul3A_1116 {strides = array<i32>} : memref<4x128xf32, #tpu.memory_space<vmem>>, vector<16xf32>,
    %add3A_1121 = arith.constant 112 : i32
    %add3A_1122 = arith.addi %mul3A_47, %add3A_1121 : i32
    %get3A_1123 = arith.index_cast %add3A_1122 : i32 to index
    %get3A_1124 = tpu.vector_load %arg6[%get3A_1123] {strides = array<i32>} : memref<2048xf32, #tpu.memory_space<vmem>>, vector<16xf32>,
    %add3A_1125 = arith.constant 112 : i32
    %add3A_1126 = arith.addi %mul3A_47, %add3A_1125 : i32
    %get3A_1127 = arith.index_cast %add3A_1126 : i32 to index
    %get3A_1128 = tpu.vector_load %arg7[%get3A_1127] {strides = array<i32>} : memref<2048xf32, #tpu.memory_space<vmem>>, vector<16xf32>,
    %div3A_1129 = arith.constant 5.110000e+02 : f32
    %div3A_1130 = vector.broadcast %div3A_1129 : f32 to vector<16xf32>
    %div3A_1131 = arith.divf %get3A_1124, %div3A_1130 : vector<16xf32>
    %mul3A_1132 = arith.constant 2.000000e+00 : f32
    %mul3A_1133 = vector.broadcast %mul3A_1132 : f32 to vector<16xf32>
    %mul3A_1134 = arith.mulf %div3A_1131, %mul3A_1133 : vector<16xf32>
    %sub3A_1135 = arith.constant 1.000000e+00 : f32
    %sub3A_1136 = vector.broadcast %sub3A_1135 : f32 to vector<16xf32>
    %sub3A_1137 = arith.subf %mul3A_1134, %sub3A_1136 : vector<16xf32>
    %div3A_1138 = arith.constant 5.110000e+02 : f32
    %div3A_1139 = vector.broadcast %div3A_1138 : f32 to vector<16xf32>
    %div3A_1140 = arith.divf %get3A_1128, %div3A_1139 : vector<16xf32>
    %mul3A_1141 = arith.constant 2.000000e+00 : f32
    %mul3A_1142 = vector.broadcast %mul3A_1141 : f32 to vector<16xf32>
    %mul3A_1143 = arith.mulf %div3A_1140, %mul3A_1142 : vector<16xf32>
    %sub3A_1144 = arith.constant 1.000000e+00 : f32
    %sub3A_1145 = vector.broadcast %sub3A_1144 : f32 to vector<16xf32>
    %sub3A_1146 = arith.subf %mul3A_1143, %sub3A_1145 : vector<16xf32>
    %add3A_1147 = arith.constant 1.000000e+00 : f32
    %add3A_1148 = vector.broadcast %add3A_1147 : f32 to vector<16xf32>
    %add3A_1149 = arith.addf %sub3A_1137, %add3A_1148 : vector<16xf32>
    %mul3A_1150 = arith.constant 5.120000e+02 : f32
    %mul3A_1151 = vector.broadcast %mul3A_1150 : f32 to vector<16xf32>
    %mul3A_1152 = arith.mulf %add3A_1149, %mul3A_1151 : vector<16xf32>
    %sub3A_1153 = arith.constant 1.000000e+00 : f32
    %sub3A_1154 = vector.broadcast %sub3A_1153 : f32 to vector<16xf32>
    %sub3A_1155 = arith.subf %mul3A_1152, %sub3A_1154 : vector<16xf32>
    %div3A_1156 = arith.constant 2.000000e+00 : f32
    %div3A_1157 = vector.broadcast %div3A_1156 : f32 to vector<16xf32>
    %div3A_1158 = arith.divf %sub3A_1155, %div3A_1157 : vector<16xf32>
    %add3A_1159 = arith.constant 1.000000e+00 : f32
    %add3A_1160 = vector.broadcast %add3A_1159 : f32 to vector<16xf32>
    %add3A_1161 = arith.addf %sub3A_1146, %add3A_1160 : vector<16xf32>
    %mul3A_1162 = arith.constant 5.120000e+02 : f32
    %mul3A_1163 = vector.broadcast %mul3A_1162 : f32 to vector<16xf32>
    %mul3A_1164 = arith.mulf %add3A_1161, %mul3A_1163 : vector<16xf32>
    %sub3A_1165 = arith.constant 1.000000e+00 : f32
    %sub3A_1166 = vector.broadcast %sub3A_1165 : f32 to vector<16xf32>
    %sub3A_1167 = arith.subf %mul3A_1164, %sub3A_1166 : vector<16xf32>
    %div3A_1168 = arith.constant 2.000000e+00 : f32
    %div3A_1169 = vector.broadcast %div3A_1168 : f32 to vector<16xf32>
    %div3A_1170 = arith.divf %sub3A_1167, %div3A_1169 : vector<16xf32>
    %convert_element_type3A_1171 = arith.fptosi %div3A_1158 : vector<16xf32> to vector<16xi32>
    %convert_element_type3A_1172 = arith.fptosi %div3A_1170 : vector<16xf32> to vector<16xi32>
    %convert_element_type3A_1173 = arith.sitofp %convert_element_type3A_1171 : vector<16xi32> to vector<16xf32>
    %convert_element_type3A_1174 = arith.sitofp %convert_element_type3A_1172 : vector<16xi32> to vector<16xf32>
    %gt3A_1175 = arith.cmpf ogt, %convert_element_type3A_1173, %div3A_1158 : vector<16xf32>
    %sub3A_1176 = arith.constant 1 : i32
    %sub3A_1177 = vector.broadcast %sub3A_1176 : i32 to vector<16xi32>
    %sub3A_1178 = arith.subi %convert_element_type3A_1171, %sub3A_1177 : vector<16xi32>
    %select_n3A_1179 = arith.select %gt3A_1175, %sub3A_1178, %convert_element_type3A_1171 : vector<16xi1>, vector<16xi32>
    %gt3A_1180 = arith.cmpf ogt, %convert_element_type3A_1174, %div3A_1170 : vector<16xf32>
    %sub3A_1181 = arith.constant 1 : i32
    %sub3A_1182 = vector.broadcast %sub3A_1181 : i32 to vector<16xi32>
    %sub3A_1183 = arith.subi %convert_element_type3A_1172, %sub3A_1182 : vector<16xi32>
    %select_n3A_1184 = arith.select %gt3A_1180, %sub3A_1183, %convert_element_type3A_1172 : vector<16xi1>, vector<16xi32>
    %gt3A_1185 = arith.cmpf ogt, %convert_element_type3A_1173, %div3A_1158 : vector<16xf32>
    %sub3A_1186 = arith.constant 1.000000e+00 : f32
    %sub3A_1187 = vector.broadcast %sub3A_1186 : f32 to vector<16xf32>
    %sub3A_1188 = arith.subf %convert_element_type3A_1173, %sub3A_1187 : vector<16xf32>
    %select_n3A_1189 = arith.select %gt3A_1185, %sub3A_1188, %convert_element_type3A_1173 : vector<16xi1>, vector<16xf32>
    %gt3A_1190 = arith.cmpf ogt, %convert_element_type3A_1174, %div3A_1170 : vector<16xf32>
    %sub3A_1191 = arith.constant 1.000000e+00 : f32
    %sub3A_1192 = vector.broadcast %sub3A_1191 : f32 to vector<16xf32>
    %sub3A_1193 = arith.subf %convert_element_type3A_1174, %sub3A_1192 : vector<16xf32>
    %select_n3A_1194 = arith.select %gt3A_1190, %sub3A_1193, %convert_element_type3A_1174 : vector<16xi1>, vector<16xf32>
    %sub3A_1195 = arith.subf %div3A_1158, %select_n3A_1189 : vector<16xf32>
    %sub3A_1196 = arith.constant 1.000000e+00 : f32
    %sub3A_1197 = vector.broadcast %sub3A_1196 : f32 to vector<16xf32>
    %sub3A_1198 = arith.subf %sub3A_1197, %sub3A_1195 : vector<16xf32>
    %sub3A_1199 = arith.subf %div3A_1170, %select_n3A_1194 : vector<16xf32>
    %sub3A_1200 = arith.constant 1.000000e+00 : f32
    %sub3A_1201 = vector.broadcast %sub3A_1200 : f32 to vector<16xf32>
    %sub3A_1202 = arith.subf %sub3A_1201, %sub3A_1199 : vector<16xf32>
    %jit3A_1203 = arith.constant 0 : i32
    %jit3A_1204 = arith.constant 511 : i32
    %max3A_1205 = vector.broadcast %jit3A_1203 : i32 to vector<16xi32>
    %max3A_1206 = arith.maxsi %max3A_1205, %select_n3A_1179 : vector<16xi32>
    %min3A_1207 = vector.broadcast %jit3A_1204 : i32 to vector<16xi32>
    %min3A_1208 = arith.minsi %min3A_1207, %max3A_1206 : vector<16xi32>
    %add3A_1209 = arith.constant 1 : i32
    %add3A_1210 = vector.broadcast %add3A_1209 : i32 to vector<16xi32>
    %add3A_1211 = arith.addi %select_n3A_1179, %add3A_1210 : vector<16xi32>
    %jit3A_1212 = arith.constant 0 : i32
    %jit3A_1213 = arith.constant 511 : i32
    %max3A_1214 = vector.broadcast %jit3A_1212 : i32 to vector<16xi32>
    %max3A_1215 = arith.maxsi %max3A_1214, %add3A_1211 : vector<16xi32>
    %min3A_1216 = vector.broadcast %jit3A_1213 : i32 to vector<16xi32>
    %min3A_1217 = arith.minsi %min3A_1216, %max3A_1215 : vector<16xi32>
    %jit3A_1218 = arith.constant 0 : i32
    %jit3A_1219 = arith.constant 511 : i32
    %max3A_1220 = vector.broadcast %jit3A_1218 : i32 to vector<16xi32>
    %max3A_1221 = arith.maxsi %max3A_1220, %select_n3A_1184 : vector<16xi32>
    %min3A_1222 = vector.broadcast %jit3A_1219 : i32 to vector<16xi32>
    %min3A_1223 = arith.minsi %min3A_1222, %max3A_1221 : vector<16xi32>
    %add3A_1224 = arith.constant 1 : i32
    %add3A_1225 = vector.broadcast %add3A_1224 : i32 to vector<16xi32>
    %add3A_1226 = arith.addi %select_n3A_1184, %add3A_1225 : vector<16xi32>
    %jit3A_1227 = arith.constant 0 : i32
    %jit3A_1228 = arith.constant 511 : i32
    %max3A_1229 = vector.broadcast %jit3A_1227 : i32 to vector<16xi32>
    %max3A_1230 = arith.maxsi %max3A_1229, %add3A_1226 : vector<16xi32>
    %min3A_1231 = vector.broadcast %jit3A_1228 : i32 to vector<16xi32>
    %min3A_1232 = arith.minsi %min3A_1231, %max3A_1230 : vector<16xi32>
    %mul3A_1233 = arith.constant 512 : i32
    %mul3A_1234 = vector.broadcast %mul3A_1233 : i32 to vector<16xi32>
    %mul3A_1235 = arith.muli %min3A_1223, %mul3A_1234 : vector<16xi32>
    %add3A_1236 = vector.broadcast %mul3A_18 : i32 to vector<16xi32>
    %add3A_1237 = arith.addi %add3A_1236, %mul3A_1235 : vector<16xi32>
    %mul3A_1238 = arith.constant 512 : i32
    %mul3A_1239 = vector.broadcast %mul3A_1238 : i32 to vector<16xi32>
    %mul3A_1240 = arith.muli %min3A_1232, %mul3A_1239 : vector<16xi32>
    %add3A_1241 = vector.broadcast %mul3A_18 : i32 to vector<16xi32>
    %add3A_1242 = arith.addi %add3A_1241, %mul3A_1240 : vector<16xi32>
    %add3A_1243 = arith.addi %add3A_1237, %min3A_1208 : vector<16xi32>
    %swap3A_1244 = arith.constant 112 : index
    %swap3A_1245 = tpu.vector_load %arg8[%swap3A_1244] {strides = array<i32>} : memref<128xi32, #tpu.memory_space<vmem>>, vector<16xi32>,
    tpu.vector_store %arg8[%swap3A_1244], %add3A_1243 {strides = array<i32>} : memref<128xi32, #tpu.memory_space<vmem>>, vector<16xi32>,
    %add3A_1246 = arith.addi %add3A_1237, %min3A_1217 : vector<16xi32>
    %swap3A_1247 = arith.constant 112 : index
    %swap3A_1248 = tpu.vector_load %arg9[%swap3A_1247] {strides = array<i32>} : memref<128xi32, #tpu.memory_space<vmem>>, vector<16xi32>,
    tpu.vector_store %arg9[%swap3A_1247], %add3A_1246 {strides = array<i32>} : memref<128xi32, #tpu.memory_space<vmem>>, vector<16xi32>,
    %add3A_1249 = arith.addi %add3A_1242, %min3A_1208 : vector<16xi32>
    %swap3A_1250 = arith.constant 112 : index
    %swap3A_1251 = tpu.vector_load %arg10[%swap3A_1250] {strides = array<i32>} : memref<128xi32, #tpu.memory_space<vmem>>, vector<16xi32>,
    tpu.vector_store %arg10[%swap3A_1250], %add3A_1249 {strides = array<i32>} : memref<128xi32, #tpu.memory_space<vmem>>, vector<16xi32>,
    %add3A_1252 = arith.addi %add3A_1242, %min3A_1217 : vector<16xi32>
    %swap3A_1253 = arith.constant 112 : index
    %swap3A_1254 = tpu.vector_load %arg11[%swap3A_1253] {strides = array<i32>} : memref<128xi32, #tpu.memory_space<vmem>>, vector<16xi32>,
    tpu.vector_store %arg11[%swap3A_1253], %add3A_1252 {strides = array<i32>} : memref<128xi32, #tpu.memory_space<vmem>>, vector<16xi32>,
    %mul3A_1255 = arith.mulf %sub3A_1202, %sub3A_1198 : vector<16xf32>
    %swap3A_1256 = arith.constant 0 : i32
    %swap3A_1257 = arith.index_cast %swap3A_1256 : i32 to index
    %swap3A_1258 = arith.constant 112 : index
    %swap3A_1259 = tpu.vector_load %arg16[%swap3A_1257, %swap3A_1258] {strides = array<i32>} : memref<4x128xf32, #tpu.memory_space<vmem>>, vector<16xf32>,
    tpu.vector_store %arg16[%swap3A_1257, %swap3A_1258], %mul3A_1255 {strides = array<i32>} : memref<4x128xf32, #tpu.memory_space<vmem>>, vector<16xf32>,
    %mul3A_1260 = arith.mulf %sub3A_1202, %sub3A_1195 : vector<16xf32>
    %swap3A_1261 = arith.constant 1 : i32
    %swap3A_1262 = arith.index_cast %swap3A_1261 : i32 to index
    %swap3A_1263 = arith.constant 112 : index
    %swap3A_1264 = tpu.vector_load %arg16[%swap3A_1262, %swap3A_1263] {strides = array<i32>} : memref<4x128xf32, #tpu.memory_space<vmem>>, vector<16xf32>,
    tpu.vector_store %arg16[%swap3A_1262, %swap3A_1263], %mul3A_1260 {strides = array<i32>} : memref<4x128xf32, #tpu.memory_space<vmem>>, vector<16xf32>,
    %mul3A_1265 = arith.mulf %sub3A_1199, %sub3A_1198 : vector<16xf32>
    %swap3A_1266 = arith.constant 2 : i32
    %swap3A_1267 = arith.index_cast %swap3A_1266 : i32 to index
    %swap3A_1268 = arith.constant 112 : index
    %swap3A_1269 = tpu.vector_load %arg16[%swap3A_1267, %swap3A_1268] {strides = array<i32>} : memref<4x128xf32, #tpu.memory_space<vmem>>, vector<16xf32>,
    tpu.vector_store %arg16[%swap3A_1267, %swap3A_1268], %mul3A_1265 {strides = array<i32>} : memref<4x128xf32, #tpu.memory_space<vmem>>, vector<16xf32>,
    %mul3A_1270 = arith.mulf %sub3A_1199, %sub3A_1195 : vector<16xf32>
    %swap3A_1271 = arith.constant 3 : i32
    %swap3A_1272 = arith.index_cast %swap3A_1271 : i32 to index
    %swap3A_1273 = arith.constant 112 : index
    %swap3A_1274 = tpu.vector_load %arg16[%swap3A_1272, %swap3A_1273] {strides = array<i32>} : memref<4x128xf32, #tpu.memory_space<vmem>>, vector<16xf32>,
    tpu.vector_store %arg16[%swap3A_1272, %swap3A_1273], %mul3A_1270 {strides = array<i32>} : memref<4x128xf32, #tpu.memory_space<vmem>>, vector<16xf32>,
    %dma_start3A = arith.constant 0 : i32
    %dma_start3A_1275 = arith.constant 0 : i32
    %dma_start3A_1276 = tpu.memref_slice %arg2[%dma_start3A, %dma_start3A_1275] : memref<524288x96xf32, #tpu.memory_space<hbm>> -> memref<524288x96xf32, #tpu.memory_space<hbm>>
    tpu.enqueue_indirect_dma source(%dma_start3A_1276 : memref<524288x96xf32, #tpu.memory_space<hbm>>) target(%arg18 : memref<128x96xf32, #tpu.memory_space<vmem>>) offsets(%arg8 : memref<128xi32, #tpu.memory_space<vmem>>) semaphore(%arg28 : memref<!tpu.dma_semaphore, #tpu.memory_space<semaphore_mem>>)
    %dma_start3A_1277 = arith.constant 0 : i32
    %dma_start3A_1278 = arith.constant 0 : i32
    %dma_start3A_1279 = tpu.memref_slice %arg2[%dma_start3A_1277, %dma_start3A_1278] : memref<524288x96xf32, #tpu.memory_space<hbm>> -> memref<524288x96xf32, #tpu.memory_space<hbm>>
    tpu.enqueue_indirect_dma source(%dma_start3A_1279 : memref<524288x96xf32, #tpu.memory_space<hbm>>) target(%arg19 : memref<128x96xf32, #tpu.memory_space<vmem>>) offsets(%arg9 : memref<128xi32, #tpu.memory_space<vmem>>) semaphore(%arg28 : memref<!tpu.dma_semaphore, #tpu.memory_space<semaphore_mem>>)
    %dma_start3A_1280 = arith.constant 0 : i32
    %dma_start3A_1281 = arith.constant 0 : i32
    %dma_start3A_1282 = tpu.memref_slice %arg2[%dma_start3A_1280, %dma_start3A_1281] : memref<524288x96xf32, #tpu.memory_space<hbm>> -> memref<524288x96xf32, #tpu.memory_space<hbm>>
    tpu.enqueue_indirect_dma source(%dma_start3A_1282 : memref<524288x96xf32, #tpu.memory_space<hbm>>) target(%arg20 : memref<128x96xf32, #tpu.memory_space<vmem>>) offsets(%arg10 : memref<128xi32, #tpu.memory_space<vmem>>) semaphore(%arg28 : memref<!tpu.dma_semaphore, #tpu.memory_space<semaphore_mem>>)
    %dma_start3A_1283 = arith.constant 0 : i32
    %dma_start3A_1284 = arith.constant 0 : i32
    %dma_start3A_1285 = tpu.memref_slice %arg2[%dma_start3A_1283, %dma_start3A_1284] : memref<524288x96xf32, #tpu.memory_space<hbm>> -> memref<524288x96xf32, #tpu.memory_space<hbm>>
    tpu.enqueue_indirect_dma source(%dma_start3A_1285 : memref<524288x96xf32, #tpu.memory_space<hbm>>) target(%arg21 : memref<128x96xf32, #tpu.memory_space<vmem>>) offsets(%arg11 : memref<128xi32, #tpu.memory_space<vmem>>) semaphore(%arg28 : memref<!tpu.dma_semaphore, #tpu.memory_space<semaphore_mem>>)
    %scan3A = arith.constant 0 : i32
    %scan3A_1286 = arith.constant 0 : i32
    %scan3A_1287 = arith.constant 64 : i32
    %scan3A_1288 = arith.addi %scan3A_1286, %scan3A_1287 : i32
    %scan3A_1289 = arith.constant 1 : i32
    scf.for %scan3A_1306 = %scan3A_1286 to %scan3A_1288 step %scan3A_1289  : i32 {
      %mul3A_1307 = arith.constant 2 : i32
      %mul3A_1308 = arith.muli %mul3A_1307, %scan3A_1306 : i32
      %mul3A_1309 = arith.constant 2 : i32
      %mul3A_1310 = arith.muli %mul3A_1309, %scan3A_1306 : i32
      %add3A_1311 = arith.constant 1 : i32
      %add3A_1312 = arith.addi %mul3A_1310, %add3A_1311 : i32
      %dma_wait3A_1313 = arith.constant 0 : i32
      %dma_wait3A_1314 = arith.constant 0 : i32
      %dma_wait3A_1315 = tpu.memref_slice %arg2[%dma_wait3A_1313, %dma_wait3A_1314] : memref<524288x96xf32, #tpu.memory_space<hbm>> -> memref<524288x96xf32, #tpu.memory_space<hbm>>
      tpu.wait_indirect_dma semaphore(%arg28 : memref<!tpu.dma_semaphore, #tpu.memory_space<semaphore_mem>>) src(%dma_wait3A_1315 : memref<524288x96xf32, #tpu.memory_space<hbm>>) dst(%arg18 : memref<128x96xf32, #tpu.memory_space<vmem>>)
      %dma_wait3A_1316 = arith.constant 0 : i32
      %dma_wait3A_1317 = arith.constant 0 : i32
      %dma_wait3A_1318 = tpu.memref_slice %arg2[%dma_wait3A_1316, %dma_wait3A_1317] : memref<524288x96xf32, #tpu.memory_space<hbm>> -> memref<524288x96xf32, #tpu.memory_space<hbm>>
      tpu.wait_indirect_dma semaphore(%arg28 : memref<!tpu.dma_semaphore, #tpu.memory_space<semaphore_mem>>) src(%dma_wait3A_1318 : memref<524288x96xf32, #tpu.memory_space<hbm>>) dst(%arg19 : memref<128x96xf32, #tpu.memory_space<vmem>>)
      %dma_wait3A_1319 = arith.constant 0 : i32
      %dma_wait3A_1320 = arith.constant 0 : i32
      %dma_wait3A_1321 = tpu.memref_slice %arg2[%dma_wait3A_1319, %dma_wait3A_1320] : memref<524288x96xf32, #tpu.memory_space<hbm>> -> memref<524288x96xf32, #tpu.memory_space<hbm>>
      tpu.wait_indirect_dma semaphore(%arg28 : memref<!tpu.dma_semaphore, #tpu.memory_space<semaphore_mem>>) src(%dma_wait3A_1321 : memref<524288x96xf32, #tpu.memory_space<hbm>>) dst(%arg20 : memref<128x96xf32, #tpu.memory_space<vmem>>)
      %dma_wait3A_1322 = arith.constant 0 : i32
      %dma_wait3A_1323 = arith.constant 0 : i32
      %dma_wait3A_1324 = tpu.memref_slice %arg2[%dma_wait3A_1322, %dma_wait3A_1323] : memref<524288x96xf32, #tpu.memory_space<hbm>> -> memref<524288x96xf32, #tpu.memory_space<hbm>>
      tpu.wait_indirect_dma semaphore(%arg28 : memref<!tpu.dma_semaphore, #tpu.memory_space<semaphore_mem>>) src(%dma_wait3A_1324 : memref<524288x96xf32, #tpu.memory_space<hbm>>) dst(%arg21 : memref<128x96xf32, #tpu.memory_space<vmem>>)
      %rem3A_1325 = arith.constant 16 : i32
      %rem3A_1326 = arith.remsi %add3A_1312, %rem3A_1325 : i32
      %eq3A_1327 = arith.constant 0 : i32
      %eq3A_1328 = arith.cmpi eq, %rem3A_1326, %eq3A_1327 : i32
      %convert_element_type3A_1329 = arith.extui %eq3A_1328 : i1 to i32
      %cond3A_1330 = arith.constant 0 : i32
      %cond3A_1331 = arith.cmpi ne, %convert_element_type3A_1329, %cond3A_1330 : i32
      scf.if %cond3A_1331 {
        %mul3A_2637 = arith.constant 128 : i32
        %mul3A_2638 = arith.muli %add3A_1312, %mul3A_2637 : i32
        %add3A_2639 = arith.addi %mul3A_20, %mul3A_2638 : i32
        "tpu.region"() ({
          %run_scoped3A = tpu.sem_alloc : memref<!tpu.dma_semaphore, #tpu.memory_space<semaphore_mem>>
          %dma_start3A_2640 = tpu.memref_slice %arg3[%add3A_2639] : memref<524288xf32, #tpu.memory_space<hbm>> -> memref<2048xf32, #tpu.memory_space<hbm>>
          %dma_start3A_2641 = tpu.memref_slice %arg3[%add3A_2639] : memref<524288xf32, #tpu.memory_space<hbm>> -> memref<2048xf32, #tpu.memory_space<hbm>>
          tpu.enqueue_dma source(%dma_start3A_2641 : memref<2048xf32, #tpu.memory_space<hbm>>) target(%arg6 : memref<2048xf32, #tpu.memory_space<vmem>>) target_semaphore(%run_scoped3A : memref<!tpu.dma_semaphore, #tpu.memory_space<semaphore_mem>>)
          %dma_wait3A_2642 = tpu.memref_slice %arg3[%add3A_2639] : memref<524288xf32, #tpu.memory_space<hbm>> -> memref<2048xf32, #tpu.memory_space<hbm>>
          %dma_wait3A_2643 = tpu.memref_slice %arg3[%add3A_2639] : memref<524288xf32, #tpu.memory_space<hbm>> -> memref<2048xf32, #tpu.memory_space<hbm>>
          tpu.wait_dma2 semaphore(%run_scoped3A : memref<!tpu.dma_semaphore, #tpu.memory_space<semaphore_mem>>) src(%dma_wait3A_2643 : memref<2048xf32, #tpu.memory_space<hbm>>) dst(%arg6 : memref<2048xf32, #tpu.memory_space<vmem>>)
          tpu.yield
        }) : () -> ()
        "tpu.region"() ({
          %run_scoped3A = tpu.sem_alloc : memref<!tpu.dma_semaphore, #tpu.memory_space<semaphore_mem>>
          %dma_start3A_2640 = tpu.memref_slice %arg4[%add3A_2639] : memref<524288xf32, #tpu.memory_space<hbm>> -> memref<2048xf32, #tpu.memory_space<hbm>>
          %dma_start3A_2641 = tpu.memref_slice %arg4[%add3A_2639] : memref<524288xf32, #tpu.memory_space<hbm>> -> memref<2048xf32, #tpu.memory_space<hbm>>
          tpu.enqueue_dma source(%dma_start3A_2641 : memref<2048xf32, #tpu.memory_space<hbm>>) target(%arg7 : memref<2048xf32, #tpu.memory_space<vmem>>) target_semaphore(%run_scoped3A : memref<!tpu.dma_semaphore, #tpu.memory_space<semaphore_mem>>)
          %dma_wait3A_2642 = tpu.memref_slice %arg4[%add3A_2639] : memref<524288xf32, #tpu.memory_space<hbm>> -> memref<2048xf32, #tpu.memory_space<hbm>>
          %dma_wait3A_2643 = tpu.memref_slice %arg4[%add3A_2639] : memref<524288xf32, #tpu.memory_space<hbm>> -> memref<2048xf32, #tpu.memory_space<hbm>>
          tpu.wait_dma2 semaphore(%run_scoped3A : memref<!tpu.dma_semaphore, #tpu.memory_space<semaphore_mem>>) src(%dma_wait3A_2643 : memref<2048xf32, #tpu.memory_space<hbm>>) dst(%arg7 : memref<2048xf32, #tpu.memory_space<vmem>>)
          tpu.yield
        }) : () -> ()
      } else {
      }
      %rem3A_1332 = arith.constant 16 : i32
      %rem3A_1333 = arith.remsi %add3A_1312, %rem3A_1332 : i32
      %mul3A_1334 = arith.constant 128 : i32
      %mul3A_1335 = arith.muli %rem3A_1333, %mul3A_1334 : i32
      %add3A_1336 = arith.constant 0 : i32
      %add3A_1337 = arith.addi %mul3A_1335, %add3A_1336 : i32
      %get3A_1338 = arith.index_cast %add3A_1337 : i32 to index
      %get3A_1339 = tpu.vector_load %arg6[%get3A_1338] {strides = array<i32>} : memref<2048xf32, #tpu.memory_space<vmem>>, vector<16xf32>,
      %add3A_1340 = arith.constant 0 : i32
      %add3A_1341 = arith.addi %mul3A_1335, %add3A_1340 : i32
      %get3A_1342 = arith.index_cast %add3A_1341 : i32 to index
      %get3A_1343 = tpu.vector_load %arg7[%get3A_1342] {strides = array<i32>} : memref<2048xf32, #tpu.memory_space<vmem>>, vector<16xf32>,
      %div3A_1344 = arith.constant 5.110000e+02 : f32
      %div3A_1345 = vector.broadcast %div3A_1344 : f32 to vector<16xf32>
      %div3A_1346 = arith.divf %get3A_1339, %div3A_1345 : vector<16xf32>
      %mul3A_1347 = arith.constant 2.000000e+00 : f32
      %mul3A_1348 = vector.broadcast %mul3A_1347 : f32 to vector<16xf32>
      %mul3A_1349 = arith.mulf %div3A_1346, %mul3A_1348 : vector<16xf32>
      %sub3A_1350 = arith.constant 1.000000e+00 : f32
      %sub3A_1351 = vector.broadcast %sub3A_1350 : f32 to vector<16xf32>
      %sub3A_1352 = arith.subf %mul3A_1349, %sub3A_1351 : vector<16xf32>
      %div3A_1353 = arith.constant 5.110000e+02 : f32
      %div3A_1354 = vector.broadcast %div3A_1353 : f32 to vector<16xf32>
      %div3A_1355 = arith.divf %get3A_1343, %div3A_1354 : vector<16xf32>
      %mul3A_1356 = arith.constant 2.000000e+00 : f32
      %mul3A_1357 = vector.broadcast %mul3A_1356 : f32 to vector<16xf32>
      %mul3A_1358 = arith.mulf %div3A_1355, %mul3A_1357 : vector<16xf32>
      %sub3A_1359 = arith.constant 1.000000e+00 : f32
      %sub3A_1360 = vector.broadcast %sub3A_1359 : f32 to vector<16xf32>
      %sub3A_1361 = arith.subf %mul3A_1358, %sub3A_1360 : vector<16xf32>
      %add3A_1362 = arith.constant 1.000000e+00 : f32
      %add3A_1363 = vector.broadcast %add3A_1362 : f32 to vector<16xf32>
      %add3A_1364 = arith.addf %sub3A_1352, %add3A_1363 : vector<16xf32>
      %mul3A_1365 = arith.constant 5.120000e+02 : f32
      %mul3A_1366 = vector.broadcast %mul3A_1365 : f32 to vector<16xf32>
      %mul3A_1367 = arith.mulf %add3A_1364, %mul3A_1366 : vector<16xf32>
      %sub3A_1368 = arith.constant 1.000000e+00 : f32
      %sub3A_1369 = vector.broadcast %sub3A_1368 : f32 to vector<16xf32>
      %sub3A_1370 = arith.subf %mul3A_1367, %sub3A_1369 : vector<16xf32>
      %div3A_1371 = arith.constant 2.000000e+00 : f32
      %div3A_1372 = vector.broadcast %div3A_1371 : f32 to vector<16xf32>
      %div3A_1373 = arith.divf %sub3A_1370, %div3A_1372 : vector<16xf32>
      %add3A_1374 = arith.constant 1.000000e+00 : f32
      %add3A_1375 = vector.broadcast %add3A_1374 : f32 to vector<16xf32>
      %add3A_1376 = arith.addf %sub3A_1361, %add3A_1375 : vector<16xf32>
      %mul3A_1377 = arith.constant 5.120000e+02 : f32
      %mul3A_1378 = vector.broadcast %mul3A_1377 : f32 to vector<16xf32>
      %mul3A_1379 = arith.mulf %add3A_1376, %mul3A_1378 : vector<16xf32>
      %sub3A_1380 = arith.constant 1.000000e+00 : f32
      %sub3A_1381 = vector.broadcast %sub3A_1380 : f32 to vector<16xf32>
      %sub3A_1382 = arith.subf %mul3A_1379, %sub3A_1381 : vector<16xf32>
      %div3A_1383 = arith.constant 2.000000e+00 : f32
      %div3A_1384 = vector.broadcast %div3A_1383 : f32 to vector<16xf32>
      %div3A_1385 = arith.divf %sub3A_1382, %div3A_1384 : vector<16xf32>
      %convert_element_type3A_1386 = arith.fptosi %div3A_1373 : vector<16xf32> to vector<16xi32>
      %convert_element_type3A_1387 = arith.fptosi %div3A_1385 : vector<16xf32> to vector<16xi32>
      %convert_element_type3A_1388 = arith.sitofp %convert_element_type3A_1386 : vector<16xi32> to vector<16xf32>
      %convert_element_type3A_1389 = arith.sitofp %convert_element_type3A_1387 : vector<16xi32> to vector<16xf32>
      %gt3A_1390 = arith.cmpf ogt, %convert_element_type3A_1388, %div3A_1373 : vector<16xf32>
      %sub3A_1391 = arith.constant 1 : i32
      %sub3A_1392 = vector.broadcast %sub3A_1391 : i32 to vector<16xi32>
      %sub3A_1393 = arith.subi %convert_element_type3A_1386, %sub3A_1392 : vector<16xi32>
      %select_n3A_1394 = arith.select %gt3A_1390, %sub3A_1393, %convert_element_type3A_1386 : vector<16xi1>, vector<16xi32>
      %gt3A_1395 = arith.cmpf ogt, %convert_element_type3A_1389, %div3A_1385 : vector<16xf32>
      %sub3A_1396 = arith.constant 1 : i32
      %sub3A_1397 = vector.broadcast %sub3A_1396 : i32 to vector<16xi32>
      %sub3A_1398 = arith.subi %convert_element_type3A_1387, %sub3A_1397 : vector<16xi32>
      %select_n3A_1399 = arith.select %gt3A_1395, %sub3A_1398, %convert_element_type3A_1387 : vector<16xi1>, vector<16xi32>
      %gt3A_1400 = arith.cmpf ogt, %convert_element_type3A_1388, %div3A_1373 : vector<16xf32>
      %sub3A_1401 = arith.constant 1.000000e+00 : f32
      %sub3A_1402 = vector.broadcast %sub3A_1401 : f32 to vector<16xf32>
      %sub3A_1403 = arith.subf %convert_element_type3A_1388, %sub3A_1402 : vector<16xf32>
      %select_n3A_1404 = arith.select %gt3A_1400, %sub3A_1403, %convert_element_type3A_1388 : vector<16xi1>, vector<16xf32>
      %gt3A_1405 = arith.cmpf ogt, %convert_element_type3A_1389, %div3A_1385 : vector<16xf32>
      %sub3A_1406 = arith.constant 1.000000e+00 : f32
      %sub3A_1407 = vector.broadcast %sub3A_1406 : f32 to vector<16xf32>
      %sub3A_1408 = arith.subf %convert_element_type3A_1389, %sub3A_1407 : vector<16xf32>
      %select_n3A_1409 = arith.select %gt3A_1405, %sub3A_1408, %convert_element_type3A_1389 : vector<16xi1>, vector<16xf32>
      %sub3A_1410 = arith.subf %div3A_1373, %select_n3A_1404 : vector<16xf32>
      %sub3A_1411 = arith.constant 1.000000e+00 : f32
      %sub3A_1412 = vector.broadcast %sub3A_1411 : f32 to vector<16xf32>
      %sub3A_1413 = arith.subf %sub3A_1412, %sub3A_1410 : vector<16xf32>
      %sub3A_1414 = arith.subf %div3A_1385, %select_n3A_1409 : vector<16xf32>
      %sub3A_1415 = arith.constant 1.000000e+00 : f32
      %sub3A_1416 = vector.broadcast %sub3A_1415 : f32 to vector<16xf32>
      %sub3A_1417 = arith.subf %sub3A_1416, %sub3A_1414 : vector<16xf32>
      %jit3A_1418 = arith.constant 0 : i32
      %jit3A_1419 = arith.constant 511 : i32
      %max3A_1420 = vector.broadcast %jit3A_1418 : i32 to vector<16xi32>
      %max3A_1421 = arith.maxsi %max3A_1420, %select_n3A_1394 : vector<16xi32>
      %min3A_1422 = vector.broadcast %jit3A_1419 : i32 to vector<16xi32>
      %min3A_1423 = arith.minsi %min3A_1422, %max3A_1421 : vector<16xi32>
      %add3A_1424 = arith.constant 1 : i32
      %add3A_1425 = vector.broadcast %add3A_1424 : i32 to vector<16xi32>
      %add3A_1426 = arith.addi %select_n3A_1394, %add3A_1425 : vector<16xi32>
      %jit3A_1427 = arith.constant 0 : i32
      %jit3A_1428 = arith.constant 511 : i32
      %max3A_1429 = vector.broadcast %jit3A_1427 : i32 to vector<16xi32>
      %max3A_1430 = arith.maxsi %max3A_1429, %add3A_1426 : vector<16xi32>
      %min3A_1431 = vector.broadcast %jit3A_1428 : i32 to vector<16xi32>
      %min3A_1432 = arith.minsi %min3A_1431, %max3A_1430 : vector<16xi32>
      %jit3A_1433 = arith.constant 0 : i32
      %jit3A_1434 = arith.constant 511 : i32
      %max3A_1435 = vector.broadcast %jit3A_1433 : i32 to vector<16xi32>
      %max3A_1436 = arith.maxsi %max3A_1435, %select_n3A_1399 : vector<16xi32>
      %min3A_1437 = vector.broadcast %jit3A_1434 : i32 to vector<16xi32>
      %min3A_1438 = arith.minsi %min3A_1437, %max3A_1436 : vector<16xi32>
      %add3A_1439 = arith.constant 1 : i32
      %add3A_1440 = vector.broadcast %add3A_1439 : i32 to vector<16xi32>
      %add3A_1441 = arith.addi %select_n3A_1399, %add3A_1440 : vector<16xi32>
      %jit3A_1442 = arith.constant 0 : i32
      %jit3A_1443 = arith.constant 511 : i32
      %max3A_1444 = vector.broadcast %jit3A_1442 : i32 to vector<16xi32>
      %max3A_1445 = arith.maxsi %max3A_1444, %add3A_1441 : vector<16xi32>
      %min3A_1446 = vector.broadcast %jit3A_1443 : i32 to vector<16xi32>
      %min3A_1447 = arith.minsi %min3A_1446, %max3A_1445 : vector<16xi32>
      %mul3A_1448 = arith.constant 512 : i32
      %mul3A_1449 = vector.broadcast %mul3A_1448 : i32 to vector<16xi32>
      %mul3A_1450 = arith.muli %min3A_1438, %mul3A_1449 : vector<16xi32>
      %add3A_1451 = vector.broadcast %mul3A_18 : i32 to vector<16xi32>
      %add3A_1452 = arith.addi %add3A_1451, %mul3A_1450 : vector<16xi32>
      %mul3A_1453 = arith.constant 512 : i32
      %mul3A_1454 = vector.broadcast %mul3A_1453 : i32 to vector<16xi32>
      %mul3A_1455 = arith.muli %min3A_1447, %mul3A_1454 : vector<16xi32>
      %add3A_1456 = vector.broadcast %mul3A_18 : i32 to vector<16xi32>
      %add3A_1457 = arith.addi %add3A_1456, %mul3A_1455 : vector<16xi32>
      %add3A_1458 = arith.addi %add3A_1452, %min3A_1423 : vector<16xi32>
      %swap3A_1459 = arith.constant 0 : index
      %swap3A_1460 = tpu.vector_load %arg12[%swap3A_1459] {strides = array<i32>} : memref<128xi32, #tpu.memory_space<vmem>>, vector<16xi32>,
      tpu.vector_store %arg12[%swap3A_1459], %add3A_1458 {strides = array<i32>} : memref<128xi32, #tpu.memory_space<vmem>>, vector<16xi32>,
      %add3A_1461 = arith.addi %add3A_1452, %min3A_1432 : vector<16xi32>
      %swap3A_1462 = arith.constant 0 : index
      %swap3A_1463 = tpu.vector_load %arg13[%swap3A_1462] {strides = array<i32>} : memref<128xi32, #tpu.memory_space<vmem>>, vector<16xi32>,
      tpu.vector_store %arg13[%swap3A_1462], %add3A_1461 {strides = array<i32>} : memref<128xi32, #tpu.memory_space<vmem>>, vector<16xi32>,
      %add3A_1464 = arith.addi %add3A_1457, %min3A_1423 : vector<16xi32>
      %swap3A_1465 = arith.constant 0 : index
      %swap3A_1466 = tpu.vector_load %arg14[%swap3A_1465] {strides = array<i32>} : memref<128xi32, #tpu.memory_space<vmem>>, vector<16xi32>,
      tpu.vector_store %arg14[%swap3A_1465], %add3A_1464 {strides = array<i32>} : memref<128xi32, #tpu.memory_space<vmem>>, vector<16xi32>,
      %add3A_1467 = arith.addi %add3A_1457, %min3A_1432 : vector<16xi32>
      %swap3A_1468 = arith.constant 0 : index
      %swap3A_1469 = tpu.vector_load %arg15[%swap3A_1468] {strides = array<i32>} : memref<128xi32, #tpu.memory_space<vmem>>, vector<16xi32>,
      tpu.vector_store %arg15[%swap3A_1468], %add3A_1467 {strides = array<i32>} : memref<128xi32, #tpu.memory_space<vmem>>, vector<16xi32>,
      %mul3A_1470 = arith.mulf %sub3A_1417, %sub3A_1413 : vector<16xf32>
      %swap3A_1471 = arith.constant 0 : i32
      %swap3A_1472 = arith.index_cast %swap3A_1471 : i32 to index
      %swap3A_1473 = arith.constant 0 : index
      %swap3A_1474 = tpu.vector_load %arg17[%swap3A_1472, %swap3A_1473] {strides = array<i32>} : memref<4x128xf32, #tpu.memory_space<vmem>>, vector<16xf32>,
      tpu.vector_store %arg17[%swap3A_1472, %swap3A_1473], %mul3A_1470 {strides = array<i32>} : memref<4x128xf32, #tpu.memory_space<vmem>>, vector<16xf32>,
      %mul3A_1475 = arith.mulf %sub3A_1417, %sub3A_1410 : vector<16xf32>
      %swap3A_1476 = arith.constant 1 : i32
      %swap3A_1477 = arith.index_cast %swap3A_1476 : i32 to index
      %swap3A_1478 = arith.constant 0 : index
      %swap3A_1479 = tpu.vector_load %arg17[%swap3A_1477, %swap3A_1478] {strides = array<i32>} : memref<4x128xf32, #tpu.memory_space<vmem>>, vector<16xf32>,
      tpu.vector_store %arg17[%swap3A_1477, %swap3A_1478], %mul3A_1475 {strides = array<i32>} : memref<4x128xf32, #tpu.memory_space<vmem>>, vector<16xf32>,
      %mul3A_1480 = arith.mulf %sub3A_1414, %sub3A_1413 : vector<16xf32>
      %swap3A_1481 = arith.constant 2 : i32
      %swap3A_1482 = arith.index_cast %swap3A_1481 : i32 to index
      %swap3A_1483 = arith.constant 0 : index
      %swap3A_1484 = tpu.vector_load %arg17[%swap3A_1482, %swap3A_1483] {strides = array<i32>} : memref<4x128xf32, #tpu.memory_space<vmem>>, vector<16xf32>,
      tpu.vector_store %arg17[%swap3A_1482, %swap3A_1483], %mul3A_1480 {strides = array<i32>} : memref<4x128xf32, #tpu.memory_space<vmem>>, vector<16xf32>,
      %mul3A_1485 = arith.mulf %sub3A_1414, %sub3A_1410 : vector<16xf32>
      %swap3A_1486 = arith.constant 3 : i32
      %swap3A_1487 = arith.index_cast %swap3A_1486 : i32 to index
      %swap3A_1488 = arith.constant 0 : index
      %swap3A_1489 = tpu.vector_load %arg17[%swap3A_1487, %swap3A_1488] {strides = array<i32>} : memref<4x128xf32, #tpu.memory_space<vmem>>, vector<16xf32>,
      tpu.vector_store %arg17[%swap3A_1487, %swap3A_1488], %mul3A_1485 {strides = array<i32>} : memref<4x128xf32, #tpu.memory_space<vmem>>, vector<16xf32>,
      %add3A_1490 = arith.constant 16 : i32
      %add3A_1491 = arith.addi %mul3A_1335, %add3A_1490 : i32
      %get3A_1492 = arith.index_cast %add3A_1491 : i32 to index
      %get3A_1493 = tpu.vector_load %arg6[%get3A_1492] {strides = array<i32>} : memref<2048xf32, #tpu.memory_space<vmem>>, vector<16xf32>,
      %add3A_1494 = arith.constant 16 : i32
      %add3A_1495 = arith.addi %mul3A_1335, %add3A_1494 : i32
      %get3A_1496 = arith.index_cast %add3A_1495 : i32 to index
      %get3A_1497 = tpu.vector_load %arg7[%get3A_1496] {strides = array<i32>} : memref<2048xf32, #tpu.memory_space<vmem>>, vector<16xf32>,
      %div3A_1498 = arith.constant 5.110000e+02 : f32
      %div3A_1499 = vector.broadcast %div3A_1498 : f32 to vector<16xf32>
      %div3A_1500 = arith.divf %get3A_1493, %div3A_1499 : vector<16xf32>
      %mul3A_1501 = arith.constant 2.000000e+00 : f32
      %mul3A_1502 = vector.broadcast %mul3A_1501 : f32 to vector<16xf32>
      %mul3A_1503 = arith.mulf %div3A_1500, %mul3A_1502 : vector<16xf32>
      %sub3A_1504 = arith.constant 1.000000e+00 : f32
      %sub3A_1505 = vector.broadcast %sub3A_1504 : f32 to vector<16xf32>
      %sub3A_1506 = arith.subf %mul3A_1503, %sub3A_1505 : vector<16xf32>
      %div3A_1507 = arith.constant 5.110000e+02 : f32
      %div3A_1508 = vector.broadcast %div3A_1507 : f32 to vector<16xf32>
      %div3A_1509 = arith.divf %get3A_1497, %div3A_1508 : vector<16xf32>
      %mul3A_1510 = arith.constant 2.000000e+00 : f32
      %mul3A_1511 = vector.broadcast %mul3A_1510 : f32 to vector<16xf32>
      %mul3A_1512 = arith.mulf %div3A_1509, %mul3A_1511 : vector<16xf32>
      %sub3A_1513 = arith.constant 1.000000e+00 : f32
      %sub3A_1514 = vector.broadcast %sub3A_1513 : f32 to vector<16xf32>
      %sub3A_1515 = arith.subf %mul3A_1512, %sub3A_1514 : vector<16xf32>
      %add3A_1516 = arith.constant 1.000000e+00 : f32
      %add3A_1517 = vector.broadcast %add3A_1516 : f32 to vector<16xf32>
      %add3A_1518 = arith.addf %sub3A_1506, %add3A_1517 : vector<16xf32>
      %mul3A_1519 = arith.constant 5.120000e+02 : f32
      %mul3A_1520 = vector.broadcast %mul3A_1519 : f32 to vector<16xf32>
      %mul3A_1521 = arith.mulf %add3A_1518, %mul3A_1520 : vector<16xf32>
      %sub3A_1522 = arith.constant 1.000000e+00 : f32
      %sub3A_1523 = vector.broadcast %sub3A_1522 : f32 to vector<16xf32>
      %sub3A_1524 = arith.subf %mul3A_1521, %sub3A_1523 : vector<16xf32>
      %div3A_1525 = arith.constant 2.000000e+00 : f32
      %div3A_1526 = vector.broadcast %div3A_1525 : f32 to vector<16xf32>
      %div3A_1527 = arith.divf %sub3A_1524, %div3A_1526 : vector<16xf32>
      %add3A_1528 = arith.constant 1.000000e+00 : f32
      %add3A_1529 = vector.broadcast %add3A_1528 : f32 to vector<16xf32>
      %add3A_1530 = arith.addf %sub3A_1515, %add3A_1529 : vector<16xf32>
      %mul3A_1531 = arith.constant 5.120000e+02 : f32
      %mul3A_1532 = vector.broadcast %mul3A_1531 : f32 to vector<16xf32>
      %mul3A_1533 = arith.mulf %add3A_1530, %mul3A_1532 : vector<16xf32>
      %sub3A_1534 = arith.constant 1.000000e+00 : f32
      %sub3A_1535 = vector.broadcast %sub3A_1534 : f32 to vector<16xf32>
      %sub3A_1536 = arith.subf %mul3A_1533, %sub3A_1535 : vector<16xf32>
      %div3A_1537 = arith.constant 2.000000e+00 : f32
      %div3A_1538 = vector.broadcast %div3A_1537 : f32 to vector<16xf32>
      %div3A_1539 = arith.divf %sub3A_1536, %div3A_1538 : vector<16xf32>
      %convert_element_type3A_1540 = arith.fptosi %div3A_1527 : vector<16xf32> to vector<16xi32>
      %convert_element_type3A_1541 = arith.fptosi %div3A_1539 : vector<16xf32> to vector<16xi32>
      %convert_element_type3A_1542 = arith.sitofp %convert_element_type3A_1540 : vector<16xi32> to vector<16xf32>
      %convert_element_type3A_1543 = arith.sitofp %convert_element_type3A_1541 : vector<16xi32> to vector<16xf32>
      %gt3A_1544 = arith.cmpf ogt, %convert_element_type3A_1542, %div3A_1527 : vector<16xf32>
      %sub3A_1545 = arith.constant 1 : i32
      %sub3A_1546 = vector.broadcast %sub3A_1545 : i32 to vector<16xi32>
      %sub3A_1547 = arith.subi %convert_element_type3A_1540, %sub3A_1546 : vector<16xi32>
      %select_n3A_1548 = arith.select %gt3A_1544, %sub3A_1547, %convert_element_type3A_1540 : vector<16xi1>, vector<16xi32>
      %gt3A_1549 = arith.cmpf ogt, %convert_element_type3A_1543, %div3A_1539 : vector<16xf32>
      %sub3A_1550 = arith.constant 1 : i32
      %sub3A_1551 = vector.broadcast %sub3A_1550 : i32 to vector<16xi32>
      %sub3A_1552 = arith.subi %convert_element_type3A_1541, %sub3A_1551 : vector<16xi32>
      %select_n3A_1553 = arith.select %gt3A_1549, %sub3A_1552, %convert_element_type3A_1541 : vector<16xi1>, vector<16xi32>
      %gt3A_1554 = arith.cmpf ogt, %convert_element_type3A_1542, %div3A_1527 : vector<16xf32>
      %sub3A_1555 = arith.constant 1.000000e+00 : f32
      %sub3A_1556 = vector.broadcast %sub3A_1555 : f32 to vector<16xf32>
      %sub3A_1557 = arith.subf %convert_element_type3A_1542, %sub3A_1556 : vector<16xf32>
      %select_n3A_1558 = arith.select %gt3A_1554, %sub3A_1557, %convert_element_type3A_1542 : vector<16xi1>, vector<16xf32>
      %gt3A_1559 = arith.cmpf ogt, %convert_element_type3A_1543, %div3A_1539 : vector<16xf32>
      %sub3A_1560 = arith.constant 1.000000e+00 : f32
      %sub3A_1561 = vector.broadcast %sub3A_1560 : f32 to vector<16xf32>
      %sub3A_1562 = arith.subf %convert_element_type3A_1543, %sub3A_1561 : vector<16xf32>
      %select_n3A_1563 = arith.select %gt3A_1559, %sub3A_1562, %convert_element_type3A_1543 : vector<16xi1>, vector<16xf32>
      %sub3A_1564 = arith.subf %div3A_1527, %select_n3A_1558 : vector<16xf32>
      %sub3A_1565 = arith.constant 1.000000e+00 : f32
      %sub3A_1566 = vector.broadcast %sub3A_1565 : f32 to vector<16xf32>
      %sub3A_1567 = arith.subf %sub3A_1566, %sub3A_1564 : vector<16xf32>
      %sub3A_1568 = arith.subf %div3A_1539, %select_n3A_1563 : vector<16xf32>
      %sub3A_1569 = arith.constant 1.000000e+00 : f32
      %sub3A_1570 = vector.broadcast %sub3A_1569 : f32 to vector<16xf32>
      %sub3A_1571 = arith.subf %sub3A_1570, %sub3A_1568 : vector<16xf32>
      %jit3A_1572 = arith.constant 0 : i32
      %jit3A_1573 = arith.constant 511 : i32
      %max3A_1574 = vector.broadcast %jit3A_1572 : i32 to vector<16xi32>
      %max3A_1575 = arith.maxsi %max3A_1574, %select_n3A_1548 : vector<16xi32>
      %min3A_1576 = vector.broadcast %jit3A_1573 : i32 to vector<16xi32>
      %min3A_1577 = arith.minsi %min3A_1576, %max3A_1575 : vector<16xi32>
      %add3A_1578 = arith.constant 1 : i32
      %add3A_1579 = vector.broadcast %add3A_1578 : i32 to vector<16xi32>
      %add3A_1580 = arith.addi %select_n3A_1548, %add3A_1579 : vector<16xi32>
      %jit3A_1581 = arith.constant 0 : i32
      %jit3A_1582 = arith.constant 511 : i32
      %max3A_1583 = vector.broadcast %jit3A_1581 : i32 to vector<16xi32>
      %max3A_1584 = arith.maxsi %max3A_1583, %add3A_1580 : vector<16xi32>
      %min3A_1585 = vector.broadcast %jit3A_1582 : i32 to vector<16xi32>
      %min3A_1586 = arith.minsi %min3A_1585, %max3A_1584 : vector<16xi32>
      %jit3A_1587 = arith.constant 0 : i32
      %jit3A_1588 = arith.constant 511 : i32
      %max3A_1589 = vector.broadcast %jit3A_1587 : i32 to vector<16xi32>
      %max3A_1590 = arith.maxsi %max3A_1589, %select_n3A_1553 : vector<16xi32>
      %min3A_1591 = vector.broadcast %jit3A_1588 : i32 to vector<16xi32>
      %min3A_1592 = arith.minsi %min3A_1591, %max3A_1590 : vector<16xi32>
      %add3A_1593 = arith.constant 1 : i32
      %add3A_1594 = vector.broadcast %add3A_1593 : i32 to vector<16xi32>
      %add3A_1595 = arith.addi %select_n3A_1553, %add3A_1594 : vector<16xi32>
      %jit3A_1596 = arith.constant 0 : i32
      %jit3A_1597 = arith.constant 511 : i32
      %max3A_1598 = vector.broadcast %jit3A_1596 : i32 to vector<16xi32>
      %max3A_1599 = arith.maxsi %max3A_1598, %add3A_1595 : vector<16xi32>
      %min3A_1600 = vector.broadcast %jit3A_1597 : i32 to vector<16xi32>
      %min3A_1601 = arith.minsi %min3A_1600, %max3A_1599 : vector<16xi32>
      %mul3A_1602 = arith.constant 512 : i32
      %mul3A_1603 = vector.broadcast %mul3A_1602 : i32 to vector<16xi32>
      %mul3A_1604 = arith.muli %min3A_1592, %mul3A_1603 : vector<16xi32>
      %add3A_1605 = vector.broadcast %mul3A_18 : i32 to vector<16xi32>
      %add3A_1606 = arith.addi %add3A_1605, %mul3A_1604 : vector<16xi32>
      %mul3A_1607 = arith.constant 512 : i32
      %mul3A_1608 = vector.broadcast %mul3A_1607 : i32 to vector<16xi32>
      %mul3A_1609 = arith.muli %min3A_1601, %mul3A_1608 : vector<16xi32>
      %add3A_1610 = vector.broadcast %mul3A_18 : i32 to vector<16xi32>
      %add3A_1611 = arith.addi %add3A_1610, %mul3A_1609 : vector<16xi32>
      %add3A_1612 = arith.addi %add3A_1606, %min3A_1577 : vector<16xi32>
      %swap3A_1613 = arith.constant 16 : index
      %swap3A_1614 = tpu.vector_load %arg12[%swap3A_1613] {strides = array<i32>} : memref<128xi32, #tpu.memory_space<vmem>>, vector<16xi32>,
      tpu.vector_store %arg12[%swap3A_1613], %add3A_1612 {strides = array<i32>} : memref<128xi32, #tpu.memory_space<vmem>>, vector<16xi32>,
      %add3A_1615 = arith.addi %add3A_1606, %min3A_1586 : vector<16xi32>
      %swap3A_1616 = arith.constant 16 : index
      %swap3A_1617 = tpu.vector_load %arg13[%swap3A_1616] {strides = array<i32>} : memref<128xi32, #tpu.memory_space<vmem>>, vector<16xi32>,
      tpu.vector_store %arg13[%swap3A_1616], %add3A_1615 {strides = array<i32>} : memref<128xi32, #tpu.memory_space<vmem>>, vector<16xi32>,
      %add3A_1618 = arith.addi %add3A_1611, %min3A_1577 : vector<16xi32>
      %swap3A_1619 = arith.constant 16 : index
      %swap3A_1620 = tpu.vector_load %arg14[%swap3A_1619] {strides = array<i32>} : memref<128xi32, #tpu.memory_space<vmem>>, vector<16xi32>,
      tpu.vector_store %arg14[%swap3A_1619], %add3A_1618 {strides = array<i32>} : memref<128xi32, #tpu.memory_space<vmem>>, vector<16xi32>,
      %add3A_1621 = arith.addi %add3A_1611, %min3A_1586 : vector<16xi32>
      %swap3A_1622 = arith.constant 16 : index
      %swap3A_1623 = tpu.vector_load %arg15[%swap3A_1622] {strides = array<i32>} : memref<128xi32, #tpu.memory_space<vmem>>, vector<16xi32>,
      tpu.vector_store %arg15[%swap3A_1622], %add3A_1621 {strides = array<i32>} : memref<128xi32, #tpu.memory_space<vmem>>, vector<16xi32>,
      %mul3A_1624 = arith.mulf %sub3A_1571, %sub3A_1567 : vector<16xf32>
      %swap3A_1625 = arith.constant 0 : i32
      %swap3A_1626 = arith.index_cast %swap3A_1625 : i32 to index
      %swap3A_1627 = arith.constant 16 : index
      %swap3A_1628 = tpu.vector_load %arg17[%swap3A_1626, %swap3A_1627] {strides = array<i32>} : memref<4x128xf32, #tpu.memory_space<vmem>>, vector<16xf32>,
      tpu.vector_store %arg17[%swap3A_1626, %swap3A_1627], %mul3A_1624 {strides = array<i32>} : memref<4x128xf32, #tpu.memory_space<vmem>>, vector<16xf32>,
      %mul3A_1629 = arith.mulf %sub3A_1571, %sub3A_1564 : vector<16xf32>
      %swap3A_1630 = arith.constant 1 : i32
      %swap3A_1631 = arith.index_cast %swap3A_1630 : i32 to index
      %swap3A_1632 = arith.constant 16 : index
      %swap3A_1633 = tpu.vector_load %arg17[%swap3A_1631, %swap3A_1632] {strides = array<i32>} : memref<4x128xf32, #tpu.memory_space<vmem>>, vector<16xf32>,
      tpu.vector_store %arg17[%swap3A_1631, %swap3A_1632], %mul3A_1629 {strides = array<i32>} : memref<4x128xf32, #tpu.memory_space<vmem>>, vector<16xf32>,
      %mul3A_1634 = arith.mulf %sub3A_1568, %sub3A_1567 : vector<16xf32>
      %swap3A_1635 = arith.constant 2 : i32
      %swap3A_1636 = arith.index_cast %swap3A_1635 : i32 to index
      %swap3A_1637 = arith.constant 16 : index
      %swap3A_1638 = tpu.vector_load %arg17[%swap3A_1636, %swap3A_1637] {strides = array<i32>} : memref<4x128xf32, #tpu.memory_space<vmem>>, vector<16xf32>,
      tpu.vector_store %arg17[%swap3A_1636, %swap3A_1637], %mul3A_1634 {strides = array<i32>} : memref<4x128xf32, #tpu.memory_space<vmem>>, vector<16xf32>,
      %mul3A_1639 = arith.mulf %sub3A_1568, %sub3A_1564 : vector<16xf32>
      %swap3A_1640 = arith.constant 3 : i32
      %swap3A_1641 = arith.index_cast %swap3A_1640 : i32 to index
      %swap3A_1642 = arith.constant 16 : index
      %swap3A_1643 = tpu.vector_load %arg17[%swap3A_1641, %swap3A_1642] {strides = array<i32>} : memref<4x128xf32, #tpu.memory_space<vmem>>, vector<16xf32>,
      tpu.vector_store %arg17[%swap3A_1641, %swap3A_1642], %mul3A_1639 {strides = array<i32>} : memref<4x128xf32, #tpu.memory_space<vmem>>, vector<16xf32>,
      %add3A_1644 = arith.constant 32 : i32
      %add3A_1645 = arith.addi %mul3A_1335, %add3A_1644 : i32
      %get3A_1646 = arith.index_cast %add3A_1645 : i32 to index
      %get3A_1647 = tpu.vector_load %arg6[%get3A_1646] {strides = array<i32>} : memref<2048xf32, #tpu.memory_space<vmem>>, vector<16xf32>,
      %add3A_1648 = arith.constant 32 : i32
      %add3A_1649 = arith.addi %mul3A_1335, %add3A_1648 : i32
      %get3A_1650 = arith.index_cast %add3A_1649 : i32 to index
      %get3A_1651 = tpu.vector_load %arg7[%get3A_1650] {strides = array<i32>} : memref<2048xf32, #tpu.memory_space<vmem>>, vector<16xf32>,
      %div3A_1652 = arith.constant 5.110000e+02 : f32
      %div3A_1653 = vector.broadcast %div3A_1652 : f32 to vector<16xf32>
      %div3A_1654 = arith.divf %get3A_1647, %div3A_1653 : vector<16xf32>
      %mul3A_1655 = arith.constant 2.000000e+00 : f32
      %mul3A_1656 = vector.broadcast %mul3A_1655 : f32 to vector<16xf32>
      %mul3A_1657 = arith.mulf %div3A_1654, %mul3A_1656 : vector<16xf32>
      %sub3A_1658 = arith.constant 1.000000e+00 : f32
      %sub3A_1659 = vector.broadcast %sub3A_1658 : f32 to vector<16xf32>
      %sub3A_1660 = arith.subf %mul3A_1657, %sub3A_1659 : vector<16xf32>
      %div3A_1661 = arith.constant 5.110000e+02 : f32
      %div3A_1662 = vector.broadcast %div3A_1661 : f32 to vector<16xf32>
      %div3A_1663 = arith.divf %get3A_1651, %div3A_1662 : vector<16xf32>
      %mul3A_1664 = arith.constant 2.000000e+00 : f32
      %mul3A_1665 = vector.broadcast %mul3A_1664 : f32 to vector<16xf32>
      %mul3A_1666 = arith.mulf %div3A_1663, %mul3A_1665 : vector<16xf32>
      %sub3A_1667 = arith.constant 1.000000e+00 : f32
      %sub3A_1668 = vector.broadcast %sub3A_1667 : f32 to vector<16xf32>
      %sub3A_1669 = arith.subf %mul3A_1666, %sub3A_1668 : vector<16xf32>
      %add3A_1670 = arith.constant 1.000000e+00 : f32
      %add3A_1671 = vector.broadcast %add3A_1670 : f32 to vector<16xf32>
      %add3A_1672 = arith.addf %sub3A_1660, %add3A_1671 : vector<16xf32>
      %mul3A_1673 = arith.constant 5.120000e+02 : f32
      %mul3A_1674 = vector.broadcast %mul3A_1673 : f32 to vector<16xf32>
      %mul3A_1675 = arith.mulf %add3A_1672, %mul3A_1674 : vector<16xf32>
      %sub3A_1676 = arith.constant 1.000000e+00 : f32
      %sub3A_1677 = vector.broadcast %sub3A_1676 : f32 to vector<16xf32>
      %sub3A_1678 = arith.subf %mul3A_1675, %sub3A_1677 : vector<16xf32>
      %div3A_1679 = arith.constant 2.000000e+00 : f32
      %div3A_1680 = vector.broadcast %div3A_1679 : f32 to vector<16xf32>
      %div3A_1681 = arith.divf %sub3A_1678, %div3A_1680 : vector<16xf32>
      %add3A_1682 = arith.constant 1.000000e+00 : f32
      %add3A_1683 = vector.broadcast %add3A_1682 : f32 to vector<16xf32>
      %add3A_1684 = arith.addf %sub3A_1669, %add3A_1683 : vector<16xf32>
      %mul3A_1685 = arith.constant 5.120000e+02 : f32
      %mul3A_1686 = vector.broadcast %mul3A_1685 : f32 to vector<16xf32>
      %mul3A_1687 = arith.mulf %add3A_1684, %mul3A_1686 : vector<16xf32>
      %sub3A_1688 = arith.constant 1.000000e+00 : f32
      %sub3A_1689 = vector.broadcast %sub3A_1688 : f32 to vector<16xf32>
      %sub3A_1690 = arith.subf %mul3A_1687, %sub3A_1689 : vector<16xf32>
      %div3A_1691 = arith.constant 2.000000e+00 : f32
      %div3A_1692 = vector.broadcast %div3A_1691 : f32 to vector<16xf32>
      %div3A_1693 = arith.divf %sub3A_1690, %div3A_1692 : vector<16xf32>
      %convert_element_type3A_1694 = arith.fptosi %div3A_1681 : vector<16xf32> to vector<16xi32>
      %convert_element_type3A_1695 = arith.fptosi %div3A_1693 : vector<16xf32> to vector<16xi32>
      %convert_element_type3A_1696 = arith.sitofp %convert_element_type3A_1694 : vector<16xi32> to vector<16xf32>
      %convert_element_type3A_1697 = arith.sitofp %convert_element_type3A_1695 : vector<16xi32> to vector<16xf32>
      %gt3A_1698 = arith.cmpf ogt, %convert_element_type3A_1696, %div3A_1681 : vector<16xf32>
      %sub3A_1699 = arith.constant 1 : i32
      %sub3A_1700 = vector.broadcast %sub3A_1699 : i32 to vector<16xi32>
      %sub3A_1701 = arith.subi %convert_element_type3A_1694, %sub3A_1700 : vector<16xi32>
      %select_n3A_1702 = arith.select %gt3A_1698, %sub3A_1701, %convert_element_type3A_1694 : vector<16xi1>, vector<16xi32>
      %gt3A_1703 = arith.cmpf ogt, %convert_element_type3A_1697, %div3A_1693 : vector<16xf32>
      %sub3A_1704 = arith.constant 1 : i32
      %sub3A_1705 = vector.broadcast %sub3A_1704 : i32 to vector<16xi32>
      %sub3A_1706 = arith.subi %convert_element_type3A_1695, %sub3A_1705 : vector<16xi32>
      %select_n3A_1707 = arith.select %gt3A_1703, %sub3A_1706, %convert_element_type3A_1695 : vector<16xi1>, vector<16xi32>
      %gt3A_1708 = arith.cmpf ogt, %convert_element_type3A_1696, %div3A_1681 : vector<16xf32>
      %sub3A_1709 = arith.constant 1.000000e+00 : f32
      %sub3A_1710 = vector.broadcast %sub3A_1709 : f32 to vector<16xf32>
      %sub3A_1711 = arith.subf %convert_element_type3A_1696, %sub3A_1710 : vector<16xf32>
      %select_n3A_1712 = arith.select %gt3A_1708, %sub3A_1711, %convert_element_type3A_1696 : vector<16xi1>, vector<16xf32>
      %gt3A_1713 = arith.cmpf ogt, %convert_element_type3A_1697, %div3A_1693 : vector<16xf32>
      %sub3A_1714 = arith.constant 1.000000e+00 : f32
      %sub3A_1715 = vector.broadcast %sub3A_1714 : f32 to vector<16xf32>
      %sub3A_1716 = arith.subf %convert_element_type3A_1697, %sub3A_1715 : vector<16xf32>
      %select_n3A_1717 = arith.select %gt3A_1713, %sub3A_1716, %convert_element_type3A_1697 : vector<16xi1>, vector<16xf32>
      %sub3A_1718 = arith.subf %div3A_1681, %select_n3A_1712 : vector<16xf32>
      %sub3A_1719 = arith.constant 1.000000e+00 : f32
      %sub3A_1720 = vector.broadcast %sub3A_1719 : f32 to vector<16xf32>
      %sub3A_1721 = arith.subf %sub3A_1720, %sub3A_1718 : vector<16xf32>
      %sub3A_1722 = arith.subf %div3A_1693, %select_n3A_1717 : vector<16xf32>
      %sub3A_1723 = arith.constant 1.000000e+00 : f32
      %sub3A_1724 = vector.broadcast %sub3A_1723 : f32 to vector<16xf32>
      %sub3A_1725 = arith.subf %sub3A_1724, %sub3A_1722 : vector<16xf32>
      %jit3A_1726 = arith.constant 0 : i32
      %jit3A_1727 = arith.constant 511 : i32
      %max3A_1728 = vector.broadcast %jit3A_1726 : i32 to vector<16xi32>
      %max3A_1729 = arith.maxsi %max3A_1728, %select_n3A_1702 : vector<16xi32>
      %min3A_1730 = vector.broadcast %jit3A_1727 : i32 to vector<16xi32>
      %min3A_1731 = arith.minsi %min3A_1730, %max3A_1729 : vector<16xi32>
      %add3A_1732 = arith.constant 1 : i32
      %add3A_1733 = vector.broadcast %add3A_1732 : i32 to vector<16xi32>
      %add3A_1734 = arith.addi %select_n3A_1702, %add3A_1733 : vector<16xi32>
      %jit3A_1735 = arith.constant 0 : i32
      %jit3A_1736 = arith.constant 511 : i32
      %max3A_1737 = vector.broadcast %jit3A_1735 : i32 to vector<16xi32>
      %max3A_1738 = arith.maxsi %max3A_1737, %add3A_1734 : vector<16xi32>
      %min3A_1739 = vector.broadcast %jit3A_1736 : i32 to vector<16xi32>
      %min3A_1740 = arith.minsi %min3A_1739, %max3A_1738 : vector<16xi32>
      %jit3A_1741 = arith.constant 0 : i32
      %jit3A_1742 = arith.constant 511 : i32
      %max3A_1743 = vector.broadcast %jit3A_1741 : i32 to vector<16xi32>
      %max3A_1744 = arith.maxsi %max3A_1743, %select_n3A_1707 : vector<16xi32>
      %min3A_1745 = vector.broadcast %jit3A_1742 : i32 to vector<16xi32>
      %min3A_1746 = arith.minsi %min3A_1745, %max3A_1744 : vector<16xi32>
      %add3A_1747 = arith.constant 1 : i32
      %add3A_1748 = vector.broadcast %add3A_1747 : i32 to vector<16xi32>
      %add3A_1749 = arith.addi %select_n3A_1707, %add3A_1748 : vector<16xi32>
      %jit3A_1750 = arith.constant 0 : i32
      %jit3A_1751 = arith.constant 511 : i32
      %max3A_1752 = vector.broadcast %jit3A_1750 : i32 to vector<16xi32>
      %max3A_1753 = arith.maxsi %max3A_1752, %add3A_1749 : vector<16xi32>
      %min3A_1754 = vector.broadcast %jit3A_1751 : i32 to vector<16xi32>
      %min3A_1755 = arith.minsi %min3A_1754, %max3A_1753 : vector<16xi32>
      %mul3A_1756 = arith.constant 512 : i32
      %mul3A_1757 = vector.broadcast %mul3A_1756 : i32 to vector<16xi32>
      %mul3A_1758 = arith.muli %min3A_1746, %mul3A_1757 : vector<16xi32>
      %add3A_1759 = vector.broadcast %mul3A_18 : i32 to vector<16xi32>
      %add3A_1760 = arith.addi %add3A_1759, %mul3A_1758 : vector<16xi32>
      %mul3A_1761 = arith.constant 512 : i32
      %mul3A_1762 = vector.broadcast %mul3A_1761 : i32 to vector<16xi32>
      %mul3A_1763 = arith.muli %min3A_1755, %mul3A_1762 : vector<16xi32>
      %add3A_1764 = vector.broadcast %mul3A_18 : i32 to vector<16xi32>
      %add3A_1765 = arith.addi %add3A_1764, %mul3A_1763 : vector<16xi32>
      %add3A_1766 = arith.addi %add3A_1760, %min3A_1731 : vector<16xi32>
      %swap3A_1767 = arith.constant 32 : index
      %swap3A_1768 = tpu.vector_load %arg12[%swap3A_1767] {strides = array<i32>} : memref<128xi32, #tpu.memory_space<vmem>>, vector<16xi32>,
      tpu.vector_store %arg12[%swap3A_1767], %add3A_1766 {strides = array<i32>} : memref<128xi32, #tpu.memory_space<vmem>>, vector<16xi32>,
      %add3A_1769 = arith.addi %add3A_1760, %min3A_1740 : vector<16xi32>
      %swap3A_1770 = arith.constant 32 : index
      %swap3A_1771 = tpu.vector_load %arg13[%swap3A_1770] {strides = array<i32>} : memref<128xi32, #tpu.memory_space<vmem>>, vector<16xi32>,
      tpu.vector_store %arg13[%swap3A_1770], %add3A_1769 {strides = array<i32>} : memref<128xi32, #tpu.memory_space<vmem>>, vector<16xi32>,
      %add3A_1772 = arith.addi %add3A_1765, %min3A_1731 : vector<16xi32>
      %swap3A_1773 = arith.constant 32 : index
      %swap3A_1774 = tpu.vector_load %arg14[%swap3A_1773] {strides = array<i32>} : memref<128xi32, #tpu.memory_space<vmem>>, vector<16xi32>,
      tpu.vector_store %arg14[%swap3A_1773], %add3A_1772 {strides = array<i32>} : memref<128xi32, #tpu.memory_space<vmem>>, vector<16xi32>,
      %add3A_1775 = arith.addi %add3A_1765, %min3A_1740 : vector<16xi32>
      %swap3A_1776 = arith.constant 32 : index
      %swap3A_1777 = tpu.vector_load %arg15[%swap3A_1776] {strides = array<i32>} : memref<128xi32, #tpu.memory_space<vmem>>, vector<16xi32>,
      tpu.vector_store %arg15[%swap3A_1776], %add3A_1775 {strides = array<i32>} : memref<128xi32, #tpu.memory_space<vmem>>, vector<16xi32>,
      %mul3A_1778 = arith.mulf %sub3A_1725, %sub3A_1721 : vector<16xf32>
      %swap3A_1779 = arith.constant 0 : i32
      %swap3A_1780 = arith.index_cast %swap3A_1779 : i32 to index
      %swap3A_1781 = arith.constant 32 : index
      %swap3A_1782 = tpu.vector_load %arg17[%swap3A_1780, %swap3A_1781] {strides = array<i32>} : memref<4x128xf32, #tpu.memory_space<vmem>>, vector<16xf32>,
      tpu.vector_store %arg17[%swap3A_1780, %swap3A_1781], %mul3A_1778 {strides = array<i32>} : memref<4x128xf32, #tpu.memory_space<vmem>>, vector<16xf32>,
      %mul3A_1783 = arith.mulf %sub3A_1725, %sub3A_1718 : vector<16xf32>
      %swap3A_1784 = arith.constant 1 : i32
      %swap3A_1785 = arith.index_cast %swap3A_1784 : i32 to index
      %swap3A_1786 = arith.constant 32 : index
      %swap3A_1787 = tpu.vector_load %arg17[%swap3A_1785, %swap3A_1786] {strides = array<i32>} : memref<4x128xf32, #tpu.memory_space<vmem>>, vector<16xf32>,
      tpu.vector_store %arg17[%swap3A_1785, %swap3A_1786], %mul3A_1783 {strides = array<i32>} : memref<4x128xf32, #tpu.memory_space<vmem>>, vector<16xf32>,
      %mul3A_1788 = arith.mulf %sub3A_1722, %sub3A_1721 : vector<16xf32>
      %swap3A_1789 = arith.constant 2 : i32
      %swap3A_1790 = arith.index_cast %swap3A_1789 : i32 to index
      %swap3A_1791 = arith.constant 32 : index
      %swap3A_1792 = tpu.vector_load %arg17[%swap3A_1790, %swap3A_1791] {strides = array<i32>} : memref<4x128xf32, #tpu.memory_space<vmem>>, vector<16xf32>,
      tpu.vector_store %arg17[%swap3A_1790, %swap3A_1791], %mul3A_1788 {strides = array<i32>} : memref<4x128xf32, #tpu.memory_space<vmem>>, vector<16xf32>,
      %mul3A_1793 = arith.mulf %sub3A_1722, %sub3A_1718 : vector<16xf32>
      %swap3A_1794 = arith.constant 3 : i32
      %swap3A_1795 = arith.index_cast %swap3A_1794 : i32 to index
      %swap3A_1796 = arith.constant 32 : index
      %swap3A_1797 = tpu.vector_load %arg17[%swap3A_1795, %swap3A_1796] {strides = array<i32>} : memref<4x128xf32, #tpu.memory_space<vmem>>, vector<16xf32>,
      tpu.vector_store %arg17[%swap3A_1795, %swap3A_1796], %mul3A_1793 {strides = array<i32>} : memref<4x128xf32, #tpu.memory_space<vmem>>, vector<16xf32>,
      %add3A_1798 = arith.constant 48 : i32
      %add3A_1799 = arith.addi %mul3A_1335, %add3A_1798 : i32
      %get3A_1800 = arith.index_cast %add3A_1799 : i32 to index
      %get3A_1801 = tpu.vector_load %arg6[%get3A_1800] {strides = array<i32>} : memref<2048xf32, #tpu.memory_space<vmem>>, vector<16xf32>,
      %add3A_1802 = arith.constant 48 : i32
      %add3A_1803 = arith.addi %mul3A_1335, %add3A_1802 : i32
      %get3A_1804 = arith.index_cast %add3A_1803 : i32 to index
      %get3A_1805 = tpu.vector_load %arg7[%get3A_1804] {strides = array<i32>} : memref<2048xf32, #tpu.memory_space<vmem>>, vector<16xf32>,
      %div3A_1806 = arith.constant 5.110000e+02 : f32
      %div3A_1807 = vector.broadcast %div3A_1806 : f32 to vector<16xf32>
      %div3A_1808 = arith.divf %get3A_1801, %div3A_1807 : vector<16xf32>
      %mul3A_1809 = arith.constant 2.000000e+00 : f32
      %mul3A_1810 = vector.broadcast %mul3A_1809 : f32 to vector<16xf32>
      %mul3A_1811 = arith.mulf %div3A_1808, %mul3A_1810 : vector<16xf32>
      %sub3A_1812 = arith.constant 1.000000e+00 : f32
      %sub3A_1813 = vector.broadcast %sub3A_1812 : f32 to vector<16xf32>
      %sub3A_1814 = arith.subf %mul3A_1811, %sub3A_1813 : vector<16xf32>
      %div3A_1815 = arith.constant 5.110000e+02 : f32
      %div3A_1816 = vector.broadcast %div3A_1815 : f32 to vector<16xf32>
      %div3A_1817 = arith.divf %get3A_1805, %div3A_1816 : vector<16xf32>
      %mul3A_1818 = arith.constant 2.000000e+00 : f32
      %mul3A_1819 = vector.broadcast %mul3A_1818 : f32 to vector<16xf32>
      %mul3A_1820 = arith.mulf %div3A_1817, %mul3A_1819 : vector<16xf32>
      %sub3A_1821 = arith.constant 1.000000e+00 : f32
      %sub3A_1822 = vector.broadcast %sub3A_1821 : f32 to vector<16xf32>
      %sub3A_1823 = arith.subf %mul3A_1820, %sub3A_1822 : vector<16xf32>
      %add3A_1824 = arith.constant 1.000000e+00 : f32
      %add3A_1825 = vector.broadcast %add3A_1824 : f32 to vector<16xf32>
      %add3A_1826 = arith.addf %sub3A_1814, %add3A_1825 : vector<16xf32>
      %mul3A_1827 = arith.constant 5.120000e+02 : f32
      %mul3A_1828 = vector.broadcast %mul3A_1827 : f32 to vector<16xf32>
      %mul3A_1829 = arith.mulf %add3A_1826, %mul3A_1828 : vector<16xf32>
      %sub3A_1830 = arith.constant 1.000000e+00 : f32
      %sub3A_1831 = vector.broadcast %sub3A_1830 : f32 to vector<16xf32>
      %sub3A_1832 = arith.subf %mul3A_1829, %sub3A_1831 : vector<16xf32>
      %div3A_1833 = arith.constant 2.000000e+00 : f32
      %div3A_1834 = vector.broadcast %div3A_1833 : f32 to vector<16xf32>
      %div3A_1835 = arith.divf %sub3A_1832, %div3A_1834 : vector<16xf32>
      %add3A_1836 = arith.constant 1.000000e+00 : f32
      %add3A_1837 = vector.broadcast %add3A_1836 : f32 to vector<16xf32>
      %add3A_1838 = arith.addf %sub3A_1823, %add3A_1837 : vector<16xf32>
      %mul3A_1839 = arith.constant 5.120000e+02 : f32
      %mul3A_1840 = vector.broadcast %mul3A_1839 : f32 to vector<16xf32>
      %mul3A_1841 = arith.mulf %add3A_1838, %mul3A_1840 : vector<16xf32>
      %sub3A_1842 = arith.constant 1.000000e+00 : f32
      %sub3A_1843 = vector.broadcast %sub3A_1842 : f32 to vector<16xf32>
      %sub3A_1844 = arith.subf %mul3A_1841, %sub3A_1843 : vector<16xf32>
      %div3A_1845 = arith.constant 2.000000e+00 : f32
      %div3A_1846 = vector.broadcast %div3A_1845 : f32 to vector<16xf32>
      %div3A_1847 = arith.divf %sub3A_1844, %div3A_1846 : vector<16xf32>
      %convert_element_type3A_1848 = arith.fptosi %div3A_1835 : vector<16xf32> to vector<16xi32>
      %convert_element_type3A_1849 = arith.fptosi %div3A_1847 : vector<16xf32> to vector<16xi32>
      %convert_element_type3A_1850 = arith.sitofp %convert_element_type3A_1848 : vector<16xi32> to vector<16xf32>
      %convert_element_type3A_1851 = arith.sitofp %convert_element_type3A_1849 : vector<16xi32> to vector<16xf32>
      %gt3A_1852 = arith.cmpf ogt, %convert_element_type3A_1850, %div3A_1835 : vector<16xf32>
      %sub3A_1853 = arith.constant 1 : i32
      %sub3A_1854 = vector.broadcast %sub3A_1853 : i32 to vector<16xi32>
      %sub3A_1855 = arith.subi %convert_element_type3A_1848, %sub3A_1854 : vector<16xi32>
      %select_n3A_1856 = arith.select %gt3A_1852, %sub3A_1855, %convert_element_type3A_1848 : vector<16xi1>, vector<16xi32>
      %gt3A_1857 = arith.cmpf ogt, %convert_element_type3A_1851, %div3A_1847 : vector<16xf32>
      %sub3A_1858 = arith.constant 1 : i32
      %sub3A_1859 = vector.broadcast %sub3A_1858 : i32 to vector<16xi32>
      %sub3A_1860 = arith.subi %convert_element_type3A_1849, %sub3A_1859 : vector<16xi32>
      %select_n3A_1861 = arith.select %gt3A_1857, %sub3A_1860, %convert_element_type3A_1849 : vector<16xi1>, vector<16xi32>
      %gt3A_1862 = arith.cmpf ogt, %convert_element_type3A_1850, %div3A_1835 : vector<16xf32>
      %sub3A_1863 = arith.constant 1.000000e+00 : f32
      %sub3A_1864 = vector.broadcast %sub3A_1863 : f32 to vector<16xf32>
      %sub3A_1865 = arith.subf %convert_element_type3A_1850, %sub3A_1864 : vector<16xf32>
      %select_n3A_1866 = arith.select %gt3A_1862, %sub3A_1865, %convert_element_type3A_1850 : vector<16xi1>, vector<16xf32>
      %gt3A_1867 = arith.cmpf ogt, %convert_element_type3A_1851, %div3A_1847 : vector<16xf32>
      %sub3A_1868 = arith.constant 1.000000e+00 : f32
      %sub3A_1869 = vector.broadcast %sub3A_1868 : f32 to vector<16xf32>
      %sub3A_1870 = arith.subf %convert_element_type3A_1851, %sub3A_1869 : vector<16xf32>
      %select_n3A_1871 = arith.select %gt3A_1867, %sub3A_1870, %convert_element_type3A_1851 : vector<16xi1>, vector<16xf32>
      %sub3A_1872 = arith.subf %div3A_1835, %select_n3A_1866 : vector<16xf32>
      %sub3A_1873 = arith.constant 1.000000e+00 : f32
      %sub3A_1874 = vector.broadcast %sub3A_1873 : f32 to vector<16xf32>
      %sub3A_1875 = arith.subf %sub3A_1874, %sub3A_1872 : vector<16xf32>
      %sub3A_1876 = arith.subf %div3A_1847, %select_n3A_1871 : vector<16xf32>
      %sub3A_1877 = arith.constant 1.000000e+00 : f32
      %sub3A_1878 = vector.broadcast %sub3A_1877 : f32 to vector<16xf32>
      %sub3A_1879 = arith.subf %sub3A_1878, %sub3A_1876 : vector<16xf32>
      %jit3A_1880 = arith.constant 0 : i32
      %jit3A_1881 = arith.constant 511 : i32
      %max3A_1882 = vector.broadcast %jit3A_1880 : i32 to vector<16xi32>
      %max3A_1883 = arith.maxsi %max3A_1882, %select_n3A_1856 : vector<16xi32>
      %min3A_1884 = vector.broadcast %jit3A_1881 : i32 to vector<16xi32>
      %min3A_1885 = arith.minsi %min3A_1884, %max3A_1883 : vector<16xi32>
      %add3A_1886 = arith.constant 1 : i32
      %add3A_1887 = vector.broadcast %add3A_1886 : i32 to vector<16xi32>
      %add3A_1888 = arith.addi %select_n3A_1856, %add3A_1887 : vector<16xi32>
      %jit3A_1889 = arith.constant 0 : i32
      %jit3A_1890 = arith.constant 511 : i32
      %max3A_1891 = vector.broadcast %jit3A_1889 : i32 to vector<16xi32>
      %max3A_1892 = arith.maxsi %max3A_1891, %add3A_1888 : vector<16xi32>
      %min3A_1893 = vector.broadcast %jit3A_1890 : i32 to vector<16xi32>
      %min3A_1894 = arith.minsi %min3A_1893, %max3A_1892 : vector<16xi32>
      %jit3A_1895 = arith.constant 0 : i32
      %jit3A_1896 = arith.constant 511 : i32
      %max3A_1897 = vector.broadcast %jit3A_1895 : i32 to vector<16xi32>
      %max3A_1898 = arith.maxsi %max3A_1897, %select_n3A_1861 : vector<16xi32>
      %min3A_1899 = vector.broadcast %jit3A_1896 : i32 to vector<16xi32>
      %min3A_1900 = arith.minsi %min3A_1899, %max3A_1898 : vector<16xi32>
      %add3A_1901 = arith.constant 1 : i32
      %add3A_1902 = vector.broadcast %add3A_1901 : i32 to vector<16xi32>
      %add3A_1903 = arith.addi %select_n3A_1861, %add3A_1902 : vector<16xi32>
      %jit3A_1904 = arith.constant 0 : i32
      %jit3A_1905 = arith.constant 511 : i32
      %max3A_1906 = vector.broadcast %jit3A_1904 : i32 to vector<16xi32>
      %max3A_1907 = arith.maxsi %max3A_1906, %add3A_1903 : vector<16xi32>
      %min3A_1908 = vector.broadcast %jit3A_1905 : i32 to vector<16xi32>
      %min3A_1909 = arith.minsi %min3A_1908, %max3A_1907 : vector<16xi32>
      %mul3A_1910 = arith.constant 512 : i32
      %mul3A_1911 = vector.broadcast %mul3A_1910 : i32 to vector<16xi32>
      %mul3A_1912 = arith.muli %min3A_1900, %mul3A_1911 : vector<16xi32>
      %add3A_1913 = vector.broadcast %mul3A_18 : i32 to vector<16xi32>
      %add3A_1914 = arith.addi %add3A_1913, %mul3A_1912 : vector<16xi32>
      %mul3A_1915 = arith.constant 512 : i32
      %mul3A_1916 = vector.broadcast %mul3A_1915 : i32 to vector<16xi32>
      %mul3A_1917 = arith.muli %min3A_1909, %mul3A_1916 : vector<16xi32>
      %add3A_1918 = vector.broadcast %mul3A_18 : i32 to vector<16xi32>
      %add3A_1919 = arith.addi %add3A_1918, %mul3A_1917 : vector<16xi32>
      %add3A_1920 = arith.addi %add3A_1914, %min3A_1885 : vector<16xi32>
      %swap3A_1921 = arith.constant 48 : index
      %swap3A_1922 = tpu.vector_load %arg12[%swap3A_1921] {strides = array<i32>} : memref<128xi32, #tpu.memory_space<vmem>>, vector<16xi32>,
      tpu.vector_store %arg12[%swap3A_1921], %add3A_1920 {strides = array<i32>} : memref<128xi32, #tpu.memory_space<vmem>>, vector<16xi32>,
      %add3A_1923 = arith.addi %add3A_1914, %min3A_1894 : vector<16xi32>
      %swap3A_1924 = arith.constant 48 : index
      %swap3A_1925 = tpu.vector_load %arg13[%swap3A_1924] {strides = array<i32>} : memref<128xi32, #tpu.memory_space<vmem>>, vector<16xi32>,
      tpu.vector_store %arg13[%swap3A_1924], %add3A_1923 {strides = array<i32>} : memref<128xi32, #tpu.memory_space<vmem>>, vector<16xi32>,
      %add3A_1926 = arith.addi %add3A_1919, %min3A_1885 : vector<16xi32>
      %swap3A_1927 = arith.constant 48 : index
      %swap3A_1928 = tpu.vector_load %arg14[%swap3A_1927] {strides = array<i32>} : memref<128xi32, #tpu.memory_space<vmem>>, vector<16xi32>,
      tpu.vector_store %arg14[%swap3A_1927], %add3A_1926 {strides = array<i32>} : memref<128xi32, #tpu.memory_space<vmem>>, vector<16xi32>,
      %add3A_1929 = arith.addi %add3A_1919, %min3A_1894 : vector<16xi32>
      %swap3A_1930 = arith.constant 48 : index
      %swap3A_1931 = tpu.vector_load %arg15[%swap3A_1930] {strides = array<i32>} : memref<128xi32, #tpu.memory_space<vmem>>, vector<16xi32>,
      tpu.vector_store %arg15[%swap3A_1930], %add3A_1929 {strides = array<i32>} : memref<128xi32, #tpu.memory_space<vmem>>, vector<16xi32>,
      %mul3A_1932 = arith.mulf %sub3A_1879, %sub3A_1875 : vector<16xf32>
      %swap3A_1933 = arith.constant 0 : i32
      %swap3A_1934 = arith.index_cast %swap3A_1933 : i32 to index
      %swap3A_1935 = arith.constant 48 : index
      %swap3A_1936 = tpu.vector_load %arg17[%swap3A_1934, %swap3A_1935] {strides = array<i32>} : memref<4x128xf32, #tpu.memory_space<vmem>>, vector<16xf32>,
      tpu.vector_store %arg17[%swap3A_1934, %swap3A_1935], %mul3A_1932 {strides = array<i32>} : memref<4x128xf32, #tpu.memory_space<vmem>>, vector<16xf32>,
      %mul3A_1937 = arith.mulf %sub3A_1879, %sub3A_1872 : vector<16xf32>
      %swap3A_1938 = arith.constant 1 : i32
      %swap3A_1939 = arith.index_cast %swap3A_1938 : i32 to index
      %swap3A_1940 = arith.constant 48 : index
      %swap3A_1941 = tpu.vector_load %arg17[%swap3A_1939, %swap3A_1940] {strides = array<i32>} : memref<4x128xf32, #tpu.memory_space<vmem>>, vector<16xf32>,
      tpu.vector_store %arg17[%swap3A_1939, %swap3A_1940], %mul3A_1937 {strides = array<i32>} : memref<4x128xf32, #tpu.memory_space<vmem>>, vector<16xf32>,
      %mul3A_1942 = arith.mulf %sub3A_1876, %sub3A_1875 : vector<16xf32>
      %swap3A_1943 = arith.constant 2 : i32
      %swap3A_1944 = arith.index_cast %swap3A_1943 : i32 to index
      %swap3A_1945 = arith.constant 48 : index
      %swap3A_1946 = tpu.vector_load %arg17[%swap3A_1944, %swap3A_1945] {strides = array<i32>} : memref<4x128xf32, #tpu.memory_space<vmem>>, vector<16xf32>,
      tpu.vector_store %arg17[%swap3A_1944, %swap3A_1945], %mul3A_1942 {strides = array<i32>} : memref<4x128xf32, #tpu.memory_space<vmem>>, vector<16xf32>,
      %mul3A_1947 = arith.mulf %sub3A_1876, %sub3A_1872 : vector<16xf32>
      %swap3A_1948 = arith.constant 3 : i32
      %swap3A_1949 = arith.index_cast %swap3A_1948 : i32 to index
      %swap3A_1950 = arith.constant 48 : index
      %swap3A_1951 = tpu.vector_load %arg17[%swap3A_1949, %swap3A_1950] {strides = array<i32>} : memref<4x128xf32, #tpu.memory_space<vmem>>, vector<16xf32>,
      tpu.vector_store %arg17[%swap3A_1949, %swap3A_1950], %mul3A_1947 {strides = array<i32>} : memref<4x128xf32, #tpu.memory_space<vmem>>, vector<16xf32>,
      %add3A_1952 = arith.constant 64 : i32
      %add3A_1953 = arith.addi %mul3A_1335, %add3A_1952 : i32
      %get3A_1954 = arith.index_cast %add3A_1953 : i32 to index
      %get3A_1955 = tpu.vector_load %arg6[%get3A_1954] {strides = array<i32>} : memref<2048xf32, #tpu.memory_space<vmem>>, vector<16xf32>,
      %add3A_1956 = arith.constant 64 : i32
      %add3A_1957 = arith.addi %mul3A_1335, %add3A_1956 : i32
      %get3A_1958 = arith.index_cast %add3A_1957 : i32 to index
      %get3A_1959 = tpu.vector_load %arg7[%get3A_1958] {strides = array<i32>} : memref<2048xf32, #tpu.memory_space<vmem>>, vector<16xf32>,
      %div3A_1960 = arith.constant 5.110000e+02 : f32
      %div3A_1961 = vector.broadcast %div3A_1960 : f32 to vector<16xf32>
      %div3A_1962 = arith.divf %get3A_1955, %div3A_1961 : vector<16xf32>
      %mul3A_1963 = arith.constant 2.000000e+00 : f32
      %mul3A_1964 = vector.broadcast %mul3A_1963 : f32 to vector<16xf32>
      %mul3A_1965 = arith.mulf %div3A_1962, %mul3A_1964 : vector<16xf32>
      %sub3A_1966 = arith.constant 1.000000e+00 : f32
      %sub3A_1967 = vector.broadcast %sub3A_1966 : f32 to vector<16xf32>
      %sub3A_1968 = arith.subf %mul3A_1965, %sub3A_1967 : vector<16xf32>
      %div3A_1969 = arith.constant 5.110000e+02 : f32
      %div3A_1970 = vector.broadcast %div3A_1969 : f32 to vector<16xf32>
      %div3A_1971 = arith.divf %get3A_1959, %div3A_1970 : vector<16xf32>
      %mul3A_1972 = arith.constant 2.000000e+00 : f32
      %mul3A_1973 = vector.broadcast %mul3A_1972 : f32 to vector<16xf32>
      %mul3A_1974 = arith.mulf %div3A_1971, %mul3A_1973 : vector<16xf32>
      %sub3A_1975 = arith.constant 1.000000e+00 : f32
      %sub3A_1976 = vector.broadcast %sub3A_1975 : f32 to vector<16xf32>
      %sub3A_1977 = arith.subf %mul3A_1974, %sub3A_1976 : vector<16xf32>
      %add3A_1978 = arith.constant 1.000000e+00 : f32
      %add3A_1979 = vector.broadcast %add3A_1978 : f32 to vector<16xf32>
      %add3A_1980 = arith.addf %sub3A_1968, %add3A_1979 : vector<16xf32>
      %mul3A_1981 = arith.constant 5.120000e+02 : f32
      %mul3A_1982 = vector.broadcast %mul3A_1981 : f32 to vector<16xf32>
      %mul3A_1983 = arith.mulf %add3A_1980, %mul3A_1982 : vector<16xf32>
      %sub3A_1984 = arith.constant 1.000000e+00 : f32
      %sub3A_1985 = vector.broadcast %sub3A_1984 : f32 to vector<16xf32>
      %sub3A_1986 = arith.subf %mul3A_1983, %sub3A_1985 : vector<16xf32>
      %div3A_1987 = arith.constant 2.000000e+00 : f32
      %div3A_1988 = vector.broadcast %div3A_1987 : f32 to vector<16xf32>
      %div3A_1989 = arith.divf %sub3A_1986, %div3A_1988 : vector<16xf32>
      %add3A_1990 = arith.constant 1.000000e+00 : f32
      %add3A_1991 = vector.broadcast %add3A_1990 : f32 to vector<16xf32>
      %add3A_1992 = arith.addf %sub3A_1977, %add3A_1991 : vector<16xf32>
      %mul3A_1993 = arith.constant 5.120000e+02 : f32
      %mul3A_1994 = vector.broadcast %mul3A_1993 : f32 to vector<16xf32>
      %mul3A_1995 = arith.mulf %add3A_1992, %mul3A_1994 : vector<16xf32>
      %sub3A_1996 = arith.constant 1.000000e+00 : f32
      %sub3A_1997 = vector.broadcast %sub3A_1996 : f32 to vector<16xf32>
      %sub3A_1998 = arith.subf %mul3A_1995, %sub3A_1997 : vector<16xf32>
      %div3A_1999 = arith.constant 2.000000e+00 : f32
      %div3A_2000 = vector.broadcast %div3A_1999 : f32 to vector<16xf32>
      %div3A_2001 = arith.divf %sub3A_1998, %div3A_2000 : vector<16xf32>
      %convert_element_type3A_2002 = arith.fptosi %div3A_1989 : vector<16xf32> to vector<16xi32>
      %convert_element_type3A_2003 = arith.fptosi %div3A_2001 : vector<16xf32> to vector<16xi32>
      %convert_element_type3A_2004 = arith.sitofp %convert_element_type3A_2002 : vector<16xi32> to vector<16xf32>
      %convert_element_type3A_2005 = arith.sitofp %convert_element_type3A_2003 : vector<16xi32> to vector<16xf32>
      %gt3A_2006 = arith.cmpf ogt, %convert_element_type3A_2004, %div3A_1989 : vector<16xf32>
      %sub3A_2007 = arith.constant 1 : i32
      %sub3A_2008 = vector.broadcast %sub3A_2007 : i32 to vector<16xi32>
      %sub3A_2009 = arith.subi %convert_element_type3A_2002, %sub3A_2008 : vector<16xi32>
      %select_n3A_2010 = arith.select %gt3A_2006, %sub3A_2009, %convert_element_type3A_2002 : vector<16xi1>, vector<16xi32>
      %gt3A_2011 = arith.cmpf ogt, %convert_element_type3A_2005, %div3A_2001 : vector<16xf32>
      %sub3A_2012 = arith.constant 1 : i32
      %sub3A_2013 = vector.broadcast %sub3A_2012 : i32 to vector<16xi32>
      %sub3A_2014 = arith.subi %convert_element_type3A_2003, %sub3A_2013 : vector<16xi32>
      %select_n3A_2015 = arith.select %gt3A_2011, %sub3A_2014, %convert_element_type3A_2003 : vector<16xi1>, vector<16xi32>
      %gt3A_2016 = arith.cmpf ogt, %convert_element_type3A_2004, %div3A_1989 : vector<16xf32>
      %sub3A_2017 = arith.constant 1.000000e+00 : f32
      %sub3A_2018 = vector.broadcast %sub3A_2017 : f32 to vector<16xf32>
      %sub3A_2019 = arith.subf %convert_element_type3A_2004, %sub3A_2018 : vector<16xf32>
      %select_n3A_2020 = arith.select %gt3A_2016, %sub3A_2019, %convert_element_type3A_2004 : vector<16xi1>, vector<16xf32>
      %gt3A_2021 = arith.cmpf ogt, %convert_element_type3A_2005, %div3A_2001 : vector<16xf32>
      %sub3A_2022 = arith.constant 1.000000e+00 : f32
      %sub3A_2023 = vector.broadcast %sub3A_2022 : f32 to vector<16xf32>
      %sub3A_2024 = arith.subf %convert_element_type3A_2005, %sub3A_2023 : vector<16xf32>
      %select_n3A_2025 = arith.select %gt3A_2021, %sub3A_2024, %convert_element_type3A_2005 : vector<16xi1>, vector<16xf32>
      %sub3A_2026 = arith.subf %div3A_1989, %select_n3A_2020 : vector<16xf32>
      %sub3A_2027 = arith.constant 1.000000e+00 : f32
      %sub3A_2028 = vector.broadcast %sub3A_2027 : f32 to vector<16xf32>
      %sub3A_2029 = arith.subf %sub3A_2028, %sub3A_2026 : vector<16xf32>
      %sub3A_2030 = arith.subf %div3A_2001, %select_n3A_2025 : vector<16xf32>
      %sub3A_2031 = arith.constant 1.000000e+00 : f32
      %sub3A_2032 = vector.broadcast %sub3A_2031 : f32 to vector<16xf32>
      %sub3A_2033 = arith.subf %sub3A_2032, %sub3A_2030 : vector<16xf32>
      %jit3A_2034 = arith.constant 0 : i32
      %jit3A_2035 = arith.constant 511 : i32
      %max3A_2036 = vector.broadcast %jit3A_2034 : i32 to vector<16xi32>
      %max3A_2037 = arith.maxsi %max3A_2036, %select_n3A_2010 : vector<16xi32>
      %min3A_2038 = vector.broadcast %jit3A_2035 : i32 to vector<16xi32>
      %min3A_2039 = arith.minsi %min3A_2038, %max3A_2037 : vector<16xi32>
      %add3A_2040 = arith.constant 1 : i32
      %add3A_2041 = vector.broadcast %add3A_2040 : i32 to vector<16xi32>
      %add3A_2042 = arith.addi %select_n3A_2010, %add3A_2041 : vector<16xi32>
      %jit3A_2043 = arith.constant 0 : i32
      %jit3A_2044 = arith.constant 511 : i32
      %max3A_2045 = vector.broadcast %jit3A_2043 : i32 to vector<16xi32>
      %max3A_2046 = arith.maxsi %max3A_2045, %add3A_2042 : vector<16xi32>
      %min3A_2047 = vector.broadcast %jit3A_2044 : i32 to vector<16xi32>
      %min3A_2048 = arith.minsi %min3A_2047, %max3A_2046 : vector<16xi32>
      %jit3A_2049 = arith.constant 0 : i32
      %jit3A_2050 = arith.constant 511 : i32
      %max3A_2051 = vector.broadcast %jit3A_2049 : i32 to vector<16xi32>
      %max3A_2052 = arith.maxsi %max3A_2051, %select_n3A_2015 : vector<16xi32>
      %min3A_2053 = vector.broadcast %jit3A_2050 : i32 to vector<16xi32>
      %min3A_2054 = arith.minsi %min3A_2053, %max3A_2052 : vector<16xi32>
      %add3A_2055 = arith.constant 1 : i32
      %add3A_2056 = vector.broadcast %add3A_2055 : i32 to vector<16xi32>
      %add3A_2057 = arith.addi %select_n3A_2015, %add3A_2056 : vector<16xi32>
      %jit3A_2058 = arith.constant 0 : i32
      %jit3A_2059 = arith.constant 511 : i32
      %max3A_2060 = vector.broadcast %jit3A_2058 : i32 to vector<16xi32>
      %max3A_2061 = arith.maxsi %max3A_2060, %add3A_2057 : vector<16xi32>
      %min3A_2062 = vector.broadcast %jit3A_2059 : i32 to vector<16xi32>
      %min3A_2063 = arith.minsi %min3A_2062, %max3A_2061 : vector<16xi32>
      %mul3A_2064 = arith.constant 512 : i32
      %mul3A_2065 = vector.broadcast %mul3A_2064 : i32 to vector<16xi32>
      %mul3A_2066 = arith.muli %min3A_2054, %mul3A_2065 : vector<16xi32>
      %add3A_2067 = vector.broadcast %mul3A_18 : i32 to vector<16xi32>
      %add3A_2068 = arith.addi %add3A_2067, %mul3A_2066 : vector<16xi32>
      %mul3A_2069 = arith.constant 512 : i32
      %mul3A_2070 = vector.broadcast %mul3A_2069 : i32 to vector<16xi32>
      %mul3A_2071 = arith.muli %min3A_2063, %mul3A_2070 : vector<16xi32>
      %add3A_2072 = vector.broadcast %mul3A_18 : i32 to vector<16xi32>
      %add3A_2073 = arith.addi %add3A_2072, %mul3A_2071 : vector<16xi32>
      %add3A_2074 = arith.addi %add3A_2068, %min3A_2039 : vector<16xi32>
      %swap3A_2075 = arith.constant 64 : index
      %swap3A_2076 = tpu.vector_load %arg12[%swap3A_2075] {strides = array<i32>} : memref<128xi32, #tpu.memory_space<vmem>>, vector<16xi32>,
      tpu.vector_store %arg12[%swap3A_2075], %add3A_2074 {strides = array<i32>} : memref<128xi32, #tpu.memory_space<vmem>>, vector<16xi32>,
      %add3A_2077 = arith.addi %add3A_2068, %min3A_2048 : vector<16xi32>
      %swap3A_2078 = arith.constant 64 : index
      %swap3A_2079 = tpu.vector_load %arg13[%swap3A_2078] {strides = array<i32>} : memref<128xi32, #tpu.memory_space<vmem>>, vector<16xi32>,
      tpu.vector_store %arg13[%swap3A_2078], %add3A_2077 {strides = array<i32>} : memref<128xi32, #tpu.memory_space<vmem>>, vector<16xi32>,
      %add3A_2080 = arith.addi %add3A_2073, %min3A_2039 : vector<16xi32>
      %swap3A_2081 = arith.constant 64 : index
      %swap3A_2082 = tpu.vector_load %arg14[%swap3A_2081] {strides = array<i32>} : memref<128xi32, #tpu.memory_space<vmem>>, vector<16xi32>,
      tpu.vector_store %arg14[%swap3A_2081], %add3A_2080 {strides = array<i32>} : memref<128xi32, #tpu.memory_space<vmem>>, vector<16xi32>,
      %add3A_2083 = arith.addi %add3A_2073, %min3A_2048 : vector<16xi32>
      %swap3A_2084 = arith.constant 64 : index
      %swap3A_2085 = tpu.vector_load %arg15[%swap3A_2084] {strides = array<i32>} : memref<128xi32, #tpu.memory_space<vmem>>, vector<16xi32>,
      tpu.vector_store %arg15[%swap3A_2084], %add3A_2083 {strides = array<i32>} : memref<128xi32, #tpu.memory_space<vmem>>, vector<16xi32>,
      %mul3A_2086 = arith.mulf %sub3A_2033, %sub3A_2029 : vector<16xf32>
      %swap3A_2087 = arith.constant 0 : i32
      %swap3A_2088 = arith.index_cast %swap3A_2087 : i32 to index
      %swap3A_2089 = arith.constant 64 : index
      %swap3A_2090 = tpu.vector_load %arg17[%swap3A_2088, %swap3A_2089] {strides = array<i32>} : memref<4x128xf32, #tpu.memory_space<vmem>>, vector<16xf32>,
      tpu.vector_store %arg17[%swap3A_2088, %swap3A_2089], %mul3A_2086 {strides = array<i32>} : memref<4x128xf32, #tpu.memory_space<vmem>>, vector<16xf32>,
      %mul3A_2091 = arith.mulf %sub3A_2033, %sub3A_2026 : vector<16xf32>
      %swap3A_2092 = arith.constant 1 : i32
      %swap3A_2093 = arith.index_cast %swap3A_2092 : i32 to index
      %swap3A_2094 = arith.constant 64 : index
      %swap3A_2095 = tpu.vector_load %arg17[%swap3A_2093, %swap3A_2094] {strides = array<i32>} : memref<4x128xf32, #tpu.memory_space<vmem>>, vector<16xf32>,
      tpu.vector_store %arg17[%swap3A_2093, %swap3A_2094], %mul3A_2091 {strides = array<i32>} : memref<4x128xf32, #tpu.memory_space<vmem>>, vector<16xf32>,
      %mul3A_2096 = arith.mulf %sub3A_2030, %sub3A_2029 : vector<16xf32>
      %swap3A_2097 = arith.constant 2 : i32
      %swap3A_2098 = arith.index_cast %swap3A_2097 : i32 to index
      %swap3A_2099 = arith.constant 64 : index
      %swap3A_2100 = tpu.vector_load %arg17[%swap3A_2098, %swap3A_2099] {strides = array<i32>} : memref<4x128xf32, #tpu.memory_space<vmem>>, vector<16xf32>,
      tpu.vector_store %arg17[%swap3A_2098, %swap3A_2099], %mul3A_2096 {strides = array<i32>} : memref<4x128xf32, #tpu.memory_space<vmem>>, vector<16xf32>,
      %mul3A_2101 = arith.mulf %sub3A_2030, %sub3A_2026 : vector<16xf32>
      %swap3A_2102 = arith.constant 3 : i32
      %swap3A_2103 = arith.index_cast %swap3A_2102 : i32 to index
      %swap3A_2104 = arith.constant 64 : index
      %swap3A_2105 = tpu.vector_load %arg17[%swap3A_2103, %swap3A_2104] {strides = array<i32>} : memref<4x128xf32, #tpu.memory_space<vmem>>, vector<16xf32>,
      tpu.vector_store %arg17[%swap3A_2103, %swap3A_2104], %mul3A_2101 {strides = array<i32>} : memref<4x128xf32, #tpu.memory_space<vmem>>, vector<16xf32>,
      %add3A_2106 = arith.constant 80 : i32
      %add3A_2107 = arith.addi %mul3A_1335, %add3A_2106 : i32
      %get3A_2108 = arith.index_cast %add3A_2107 : i32 to index
      %get3A_2109 = tpu.vector_load %arg6[%get3A_2108] {strides = array<i32>} : memref<2048xf32, #tpu.memory_space<vmem>>, vector<16xf32>,
      %add3A_2110 = arith.constant 80 : i32
      %add3A_2111 = arith.addi %mul3A_1335, %add3A_2110 : i32
      %get3A_2112 = arith.index_cast %add3A_2111 : i32 to index
      %get3A_2113 = tpu.vector_load %arg7[%get3A_2112] {strides = array<i32>} : memref<2048xf32, #tpu.memory_space<vmem>>, vector<16xf32>,
      %div3A_2114 = arith.constant 5.110000e+02 : f32
      %div3A_2115 = vector.broadcast %div3A_2114 : f32 to vector<16xf32>
      %div3A_2116 = arith.divf %get3A_2109, %div3A_2115 : vector<16xf32>
      %mul3A_2117 = arith.constant 2.000000e+00 : f32
      %mul3A_2118 = vector.broadcast %mul3A_2117 : f32 to vector<16xf32>
      %mul3A_2119 = arith.mulf %div3A_2116, %mul3A_2118 : vector<16xf32>
      %sub3A_2120 = arith.constant 1.000000e+00 : f32
      %sub3A_2121 = vector.broadcast %sub3A_2120 : f32 to vector<16xf32>
      %sub3A_2122 = arith.subf %mul3A_2119, %sub3A_2121 : vector<16xf32>
      %div3A_2123 = arith.constant 5.110000e+02 : f32
      %div3A_2124 = vector.broadcast %div3A_2123 : f32 to vector<16xf32>
      %div3A_2125 = arith.divf %get3A_2113, %div3A_2124 : vector<16xf32>
      %mul3A_2126 = arith.constant 2.000000e+00 : f32
      %mul3A_2127 = vector.broadcast %mul3A_2126 : f32 to vector<16xf32>
      %mul3A_2128 = arith.mulf %div3A_2125, %mul3A_2127 : vector<16xf32>
      %sub3A_2129 = arith.constant 1.000000e+00 : f32
      %sub3A_2130 = vector.broadcast %sub3A_2129 : f32 to vector<16xf32>
      %sub3A_2131 = arith.subf %mul3A_2128, %sub3A_2130 : vector<16xf32>
      %add3A_2132 = arith.constant 1.000000e+00 : f32
      %add3A_2133 = vector.broadcast %add3A_2132 : f32 to vector<16xf32>
      %add3A_2134 = arith.addf %sub3A_2122, %add3A_2133 : vector<16xf32>
      %mul3A_2135 = arith.constant 5.120000e+02 : f32
      %mul3A_2136 = vector.broadcast %mul3A_2135 : f32 to vector<16xf32>
      %mul3A_2137 = arith.mulf %add3A_2134, %mul3A_2136 : vector<16xf32>
      %sub3A_2138 = arith.constant 1.000000e+00 : f32
      %sub3A_2139 = vector.broadcast %sub3A_2138 : f32 to vector<16xf32>
      %sub3A_2140 = arith.subf %mul3A_2137, %sub3A_2139 : vector<16xf32>
      %div3A_2141 = arith.constant 2.000000e+00 : f32
      %div3A_2142 = vector.broadcast %div3A_2141 : f32 to vector<16xf32>
      %div3A_2143 = arith.divf %sub3A_2140, %div3A_2142 : vector<16xf32>
      %add3A_2144 = arith.constant 1.000000e+00 : f32
      %add3A_2145 = vector.broadcast %add3A_2144 : f32 to vector<16xf32>
      %add3A_2146 = arith.addf %sub3A_2131, %add3A_2145 : vector<16xf32>
      %mul3A_2147 = arith.constant 5.120000e+02 : f32
      %mul3A_2148 = vector.broadcast %mul3A_2147 : f32 to vector<16xf32>
      %mul3A_2149 = arith.mulf %add3A_2146, %mul3A_2148 : vector<16xf32>
      %sub3A_2150 = arith.constant 1.000000e+00 : f32
      %sub3A_2151 = vector.broadcast %sub3A_2150 : f32 to vector<16xf32>
      %sub3A_2152 = arith.subf %mul3A_2149, %sub3A_2151 : vector<16xf32>
      %div3A_2153 = arith.constant 2.000000e+00 : f32
      %div3A_2154 = vector.broadcast %div3A_2153 : f32 to vector<16xf32>
      %div3A_2155 = arith.divf %sub3A_2152, %div3A_2154 : vector<16xf32>
      %convert_element_type3A_2156 = arith.fptosi %div3A_2143 : vector<16xf32> to vector<16xi32>
      %convert_element_type3A_2157 = arith.fptosi %div3A_2155 : vector<16xf32> to vector<16xi32>
      %convert_element_type3A_2158 = arith.sitofp %convert_element_type3A_2156 : vector<16xi32> to vector<16xf32>
      %convert_element_type3A_2159 = arith.sitofp %convert_element_type3A_2157 : vector<16xi32> to vector<16xf32>
      %gt3A_2160 = arith.cmpf ogt, %convert_element_type3A_2158, %div3A_2143 : vector<16xf32>
      %sub3A_2161 = arith.constant 1 : i32
      %sub3A_2162 = vector.broadcast %sub3A_2161 : i32 to vector<16xi32>
      %sub3A_2163 = arith.subi %convert_element_type3A_2156, %sub3A_2162 : vector<16xi32>
      %select_n3A_2164 = arith.select %gt3A_2160, %sub3A_2163, %convert_element_type3A_2156 : vector<16xi1>, vector<16xi32>
      %gt3A_2165 = arith.cmpf ogt, %convert_element_type3A_2159, %div3A_2155 : vector<16xf32>
      %sub3A_2166 = arith.constant 1 : i32
      %sub3A_2167 = vector.broadcast %sub3A_2166 : i32 to vector<16xi32>
      %sub3A_2168 = arith.subi %convert_element_type3A_2157, %sub3A_2167 : vector<16xi32>
      %select_n3A_2169 = arith.select %gt3A_2165, %sub3A_2168, %convert_element_type3A_2157 : vector<16xi1>, vector<16xi32>
      %gt3A_2170 = arith.cmpf ogt, %convert_element_type3A_2158, %div3A_2143 : vector<16xf32>
      %sub3A_2171 = arith.constant 1.000000e+00 : f32
      %sub3A_2172 = vector.broadcast %sub3A_2171 : f32 to vector<16xf32>
      %sub3A_2173 = arith.subf %convert_element_type3A_2158, %sub3A_2172 : vector<16xf32>
      %select_n3A_2174 = arith.select %gt3A_2170, %sub3A_2173, %convert_element_type3A_2158 : vector<16xi1>, vector<16xf32>
      %gt3A_2175 = arith.cmpf ogt, %convert_element_type3A_2159, %div3A_2155 : vector<16xf32>
      %sub3A_2176 = arith.constant 1.000000e+00 : f32
      %sub3A_2177 = vector.broadcast %sub3A_2176 : f32 to vector<16xf32>
      %sub3A_2178 = arith.subf %convert_element_type3A_2159, %sub3A_2177 : vector<16xf32>
      %select_n3A_2179 = arith.select %gt3A_2175, %sub3A_2178, %convert_element_type3A_2159 : vector<16xi1>, vector<16xf32>
      %sub3A_2180 = arith.subf %div3A_2143, %select_n3A_2174 : vector<16xf32>
      %sub3A_2181 = arith.constant 1.000000e+00 : f32
      %sub3A_2182 = vector.broadcast %sub3A_2181 : f32 to vector<16xf32>
      %sub3A_2183 = arith.subf %sub3A_2182, %sub3A_2180 : vector<16xf32>
      %sub3A_2184 = arith.subf %div3A_2155, %select_n3A_2179 : vector<16xf32>
      %sub3A_2185 = arith.constant 1.000000e+00 : f32
      %sub3A_2186 = vector.broadcast %sub3A_2185 : f32 to vector<16xf32>
      %sub3A_2187 = arith.subf %sub3A_2186, %sub3A_2184 : vector<16xf32>
      %jit3A_2188 = arith.constant 0 : i32
      %jit3A_2189 = arith.constant 511 : i32
      %max3A_2190 = vector.broadcast %jit3A_2188 : i32 to vector<16xi32>
      %max3A_2191 = arith.maxsi %max3A_2190, %select_n3A_2164 : vector<16xi32>
      %min3A_2192 = vector.broadcast %jit3A_2189 : i32 to vector<16xi32>
      %min3A_2193 = arith.minsi %min3A_2192, %max3A_2191 : vector<16xi32>
      %add3A_2194 = arith.constant 1 : i32
      %add3A_2195 = vector.broadcast %add3A_2194 : i32 to vector<16xi32>
      %add3A_2196 = arith.addi %select_n3A_2164, %add3A_2195 : vector<16xi32>
      %jit3A_2197 = arith.constant 0 : i32
      %jit3A_2198 = arith.constant 511 : i32
      %max3A_2199 = vector.broadcast %jit3A_2197 : i32 to vector<16xi32>
      %max3A_2200 = arith.maxsi %max3A_2199, %add3A_2196 : vector<16xi32>
      %min3A_2201 = vector.broadcast %jit3A_2198 : i32 to vector<16xi32>
      %min3A_2202 = arith.minsi %min3A_2201, %max3A_2200 : vector<16xi32>
      %jit3A_2203 = arith.constant 0 : i32
      %jit3A_2204 = arith.constant 511 : i32
      %max3A_2205 = vector.broadcast %jit3A_2203 : i32 to vector<16xi32>
      %max3A_2206 = arith.maxsi %max3A_2205, %select_n3A_2169 : vector<16xi32>
      %min3A_2207 = vector.broadcast %jit3A_2204 : i32 to vector<16xi32>
      %min3A_2208 = arith.minsi %min3A_2207, %max3A_2206 : vector<16xi32>
      %add3A_2209 = arith.constant 1 : i32
      %add3A_2210 = vector.broadcast %add3A_2209 : i32 to vector<16xi32>
      %add3A_2211 = arith.addi %select_n3A_2169, %add3A_2210 : vector<16xi32>
      %jit3A_2212 = arith.constant 0 : i32
      %jit3A_2213 = arith.constant 511 : i32
      %max3A_2214 = vector.broadcast %jit3A_2212 : i32 to vector<16xi32>
      %max3A_2215 = arith.maxsi %max3A_2214, %add3A_2211 : vector<16xi32>
      %min3A_2216 = vector.broadcast %jit3A_2213 : i32 to vector<16xi32>
      %min3A_2217 = arith.minsi %min3A_2216, %max3A_2215 : vector<16xi32>
      %mul3A_2218 = arith.constant 512 : i32
      %mul3A_2219 = vector.broadcast %mul3A_2218 : i32 to vector<16xi32>
      %mul3A_2220 = arith.muli %min3A_2208, %mul3A_2219 : vector<16xi32>
      %add3A_2221 = vector.broadcast %mul3A_18 : i32 to vector<16xi32>
      %add3A_2222 = arith.addi %add3A_2221, %mul3A_2220 : vector<16xi32>
      %mul3A_2223 = arith.constant 512 : i32
      %mul3A_2224 = vector.broadcast %mul3A_2223 : i32 to vector<16xi32>
      %mul3A_2225 = arith.muli %min3A_2217, %mul3A_2224 : vector<16xi32>
      %add3A_2226 = vector.broadcast %mul3A_18 : i32 to vector<16xi32>
      %add3A_2227 = arith.addi %add3A_2226, %mul3A_2225 : vector<16xi32>
      %add3A_2228 = arith.addi %add3A_2222, %min3A_2193 : vector<16xi32>
      %swap3A_2229 = arith.constant 80 : index
      %swap3A_2230 = tpu.vector_load %arg12[%swap3A_2229] {strides = array<i32>} : memref<128xi32, #tpu.memory_space<vmem>>, vector<16xi32>,
      tpu.vector_store %arg12[%swap3A_2229], %add3A_2228 {strides = array<i32>} : memref<128xi32, #tpu.memory_space<vmem>>, vector<16xi32>,
      %add3A_2231 = arith.addi %add3A_2222, %min3A_2202 : vector<16xi32>
      %swap3A_2232 = arith.constant 80 : index
      %swap3A_2233 = tpu.vector_load %arg13[%swap3A_2232] {strides = array<i32>} : memref<128xi32, #tpu.memory_space<vmem>>, vector<16xi32>,
      tpu.vector_store %arg13[%swap3A_2232], %add3A_2231 {strides = array<i32>} : memref<128xi32, #tpu.memory_space<vmem>>, vector<16xi32>,
      %add3A_2234 = arith.addi %add3A_2227, %min3A_2193 : vector<16xi32>
      %swap3A_2235 = arith.constant 80 : index
      %swap3A_2236 = tpu.vector_load %arg14[%swap3A_2235] {strides = array<i32>} : memref<128xi32, #tpu.memory_space<vmem>>, vector<16xi32>,
      tpu.vector_store %arg14[%swap3A_2235], %add3A_2234 {strides = array<i32>} : memref<128xi32, #tpu.memory_space<vmem>>, vector<16xi32>,
      %add3A_2237 = arith.addi %add3A_2227, %min3A_2202 : vector<16xi32>
      %swap3A_2238 = arith.constant 80 : index
      %swap3A_2239 = tpu.vector_load %arg15[%swap3A_2238] {strides = array<i32>} : memref<128xi32, #tpu.memory_space<vmem>>, vector<16xi32>,
      tpu.vector_store %arg15[%swap3A_2238], %add3A_2237 {strides = array<i32>} : memref<128xi32, #tpu.memory_space<vmem>>, vector<16xi32>,
      %mul3A_2240 = arith.mulf %sub3A_2187, %sub3A_2183 : vector<16xf32>
      %swap3A_2241 = arith.constant 0 : i32
      %swap3A_2242 = arith.index_cast %swap3A_2241 : i32 to index
      %swap3A_2243 = arith.constant 80 : index
      %swap3A_2244 = tpu.vector_load %arg17[%swap3A_2242, %swap3A_2243] {strides = array<i32>} : memref<4x128xf32, #tpu.memory_space<vmem>>, vector<16xf32>,
      tpu.vector_store %arg17[%swap3A_2242, %swap3A_2243], %mul3A_2240 {strides = array<i32>} : memref<4x128xf32, #tpu.memory_space<vmem>>, vector<16xf32>,
      %mul3A_2245 = arith.mulf %sub3A_2187, %sub3A_2180 : vector<16xf32>
      %swap3A_2246 = arith.constant 1 : i32
      %swap3A_2247 = arith.index_cast %swap3A_2246 : i32 to index
      %swap3A_2248 = arith.constant 80 : index
      %swap3A_2249 = tpu.vector_load %arg17[%swap3A_2247, %swap3A_2248] {strides = array<i32>} : memref<4x128xf32, #tpu.memory_space<vmem>>, vector<16xf32>,
      tpu.vector_store %arg17[%swap3A_2247, %swap3A_2248], %mul3A_2245 {strides = array<i32>} : memref<4x128xf32, #tpu.memory_space<vmem>>, vector<16xf32>,
      %mul3A_2250 = arith.mulf %sub3A_2184, %sub3A_2183 : vector<16xf32>
      %swap3A_2251 = arith.constant 2 : i32
      %swap3A_2252 = arith.index_cast %swap3A_2251 : i32 to index
      %swap3A_2253 = arith.constant 80 : index
      %swap3A_2254 = tpu.vector_load %arg17[%swap3A_2252, %swap3A_2253] {strides = array<i32>} : memref<4x128xf32, #tpu.memory_space<vmem>>, vector<16xf32>,
      tpu.vector_store %arg17[%swap3A_2252, %swap3A_2253], %mul3A_2250 {strides = array<i32>} : memref<4x128xf32, #tpu.memory_space<vmem>>, vector<16xf32>,
      %mul3A_2255 = arith.mulf %sub3A_2184, %sub3A_2180 : vector<16xf32>
      %swap3A_2256 = arith.constant 3 : i32
      %swap3A_2257 = arith.index_cast %swap3A_2256 : i32 to index
      %swap3A_2258 = arith.constant 80 : index
      %swap3A_2259 = tpu.vector_load %arg17[%swap3A_2257, %swap3A_2258] {strides = array<i32>} : memref<4x128xf32, #tpu.memory_space<vmem>>, vector<16xf32>,
      tpu.vector_store %arg17[%swap3A_2257, %swap3A_2258], %mul3A_2255 {strides = array<i32>} : memref<4x128xf32, #tpu.memory_space<vmem>>, vector<16xf32>,
      %add3A_2260 = arith.constant 96 : i32
      %add3A_2261 = arith.addi %mul3A_1335, %add3A_2260 : i32
      %get3A_2262 = arith.index_cast %add3A_2261 : i32 to index
      %get3A_2263 = tpu.vector_load %arg6[%get3A_2262] {strides = array<i32>} : memref<2048xf32, #tpu.memory_space<vmem>>, vector<16xf32>,
      %add3A_2264 = arith.constant 96 : i32
      %add3A_2265 = arith.addi %mul3A_1335, %add3A_2264 : i32
      %get3A_2266 = arith.index_cast %add3A_2265 : i32 to index
      %get3A_2267 = tpu.vector_load %arg7[%get3A_2266] {strides = array<i32>} : memref<2048xf32, #tpu.memory_space<vmem>>, vector<16xf32>,
      %div3A_2268 = arith.constant 5.110000e+02 : f32
      %div3A_2269 = vector.broadcast %div3A_2268 : f32 to vector<16xf32>
      %div3A_2270 = arith.divf %get3A_2263, %div3A_2269 : vector<16xf32>
      %mul3A_2271 = arith.constant 2.000000e+00 : f32
      %mul3A_2272 = vector.broadcast %mul3A_2271 : f32 to vector<16xf32>
      %mul3A_2273 = arith.mulf %div3A_2270, %mul3A_2272 : vector<16xf32>
      %sub3A_2274 = arith.constant 1.000000e+00 : f32
      %sub3A_2275 = vector.broadcast %sub3A_2274 : f32 to vector<16xf32>
      %sub3A_2276 = arith.subf %mul3A_2273, %sub3A_2275 : vector<16xf32>
      %div3A_2277 = arith.constant 5.110000e+02 : f32
      %div3A_2278 = vector.broadcast %div3A_2277 : f32 to vector<16xf32>
      %div3A_2279 = arith.divf %get3A_2267, %div3A_2278 : vector<16xf32>
      %mul3A_2280 = arith.constant 2.000000e+00 : f32
      %mul3A_2281 = vector.broadcast %mul3A_2280 : f32 to vector<16xf32>
      %mul3A_2282 = arith.mulf %div3A_2279, %mul3A_2281 : vector<16xf32>
      %sub3A_2283 = arith.constant 1.000000e+00 : f32
      %sub3A_2284 = vector.broadcast %sub3A_2283 : f32 to vector<16xf32>
      %sub3A_2285 = arith.subf %mul3A_2282, %sub3A_2284 : vector<16xf32>
      %add3A_2286 = arith.constant 1.000000e+00 : f32
      %add3A_2287 = vector.broadcast %add3A_2286 : f32 to vector<16xf32>
      %add3A_2288 = arith.addf %sub3A_2276, %add3A_2287 : vector<16xf32>
      %mul3A_2289 = arith.constant 5.120000e+02 : f32
      %mul3A_2290 = vector.broadcast %mul3A_2289 : f32 to vector<16xf32>
      %mul3A_2291 = arith.mulf %add3A_2288, %mul3A_2290 : vector<16xf32>
      %sub3A_2292 = arith.constant 1.000000e+00 : f32
      %sub3A_2293 = vector.broadcast %sub3A_2292 : f32 to vector<16xf32>
      %sub3A_2294 = arith.subf %mul3A_2291, %sub3A_2293 : vector<16xf32>
      %div3A_2295 = arith.constant 2.000000e+00 : f32
      %div3A_2296 = vector.broadcast %div3A_2295 : f32 to vector<16xf32>
      %div3A_2297 = arith.divf %sub3A_2294, %div3A_2296 : vector<16xf32>
      %add3A_2298 = arith.constant 1.000000e+00 : f32
      %add3A_2299 = vector.broadcast %add3A_2298 : f32 to vector<16xf32>
      %add3A_2300 = arith.addf %sub3A_2285, %add3A_2299 : vector<16xf32>
      %mul3A_2301 = arith.constant 5.120000e+02 : f32
      %mul3A_2302 = vector.broadcast %mul3A_2301 : f32 to vector<16xf32>
      %mul3A_2303 = arith.mulf %add3A_2300, %mul3A_2302 : vector<16xf32>
      %sub3A_2304 = arith.constant 1.000000e+00 : f32
      %sub3A_2305 = vector.broadcast %sub3A_2304 : f32 to vector<16xf32>
      %sub3A_2306 = arith.subf %mul3A_2303, %sub3A_2305 : vector<16xf32>
      %div3A_2307 = arith.constant 2.000000e+00 : f32
      %div3A_2308 = vector.broadcast %div3A_2307 : f32 to vector<16xf32>
      %div3A_2309 = arith.divf %sub3A_2306, %div3A_2308 : vector<16xf32>
      %convert_element_type3A_2310 = arith.fptosi %div3A_2297 : vector<16xf32> to vector<16xi32>
      %convert_element_type3A_2311 = arith.fptosi %div3A_2309 : vector<16xf32> to vector<16xi32>
      %convert_element_type3A_2312 = arith.sitofp %convert_element_type3A_2310 : vector<16xi32> to vector<16xf32>
      %convert_element_type3A_2313 = arith.sitofp %convert_element_type3A_2311 : vector<16xi32> to vector<16xf32>
      %gt3A_2314 = arith.cmpf ogt, %convert_element_type3A_2312, %div3A_2297 : vector<16xf32>
      %sub3A_2315 = arith.constant 1 : i32
      %sub3A_2316 = vector.broadcast %sub3A_2315 : i32 to vector<16xi32>
      %sub3A_2317 = arith.subi %convert_element_type3A_2310, %sub3A_2316 : vector<16xi32>
      %select_n3A_2318 = arith.select %gt3A_2314, %sub3A_2317, %convert_element_type3A_2310 : vector<16xi1>, vector<16xi32>
      %gt3A_2319 = arith.cmpf ogt, %convert_element_type3A_2313, %div3A_2309 : vector<16xf32>
      %sub3A_2320 = arith.constant 1 : i32
      %sub3A_2321 = vector.broadcast %sub3A_2320 : i32 to vector<16xi32>
      %sub3A_2322 = arith.subi %convert_element_type3A_2311, %sub3A_2321 : vector<16xi32>
      %select_n3A_2323 = arith.select %gt3A_2319, %sub3A_2322, %convert_element_type3A_2311 : vector<16xi1>, vector<16xi32>
      %gt3A_2324 = arith.cmpf ogt, %convert_element_type3A_2312, %div3A_2297 : vector<16xf32>
      %sub3A_2325 = arith.constant 1.000000e+00 : f32
      %sub3A_2326 = vector.broadcast %sub3A_2325 : f32 to vector<16xf32>
      %sub3A_2327 = arith.subf %convert_element_type3A_2312, %sub3A_2326 : vector<16xf32>
      %select_n3A_2328 = arith.select %gt3A_2324, %sub3A_2327, %convert_element_type3A_2312 : vector<16xi1>, vector<16xf32>
      %gt3A_2329 = arith.cmpf ogt, %convert_element_type3A_2313, %div3A_2309 : vector<16xf32>
      %sub3A_2330 = arith.constant 1.000000e+00 : f32
      %sub3A_2331 = vector.broadcast %sub3A_2330 : f32 to vector<16xf32>
      %sub3A_2332 = arith.subf %convert_element_type3A_2313, %sub3A_2331 : vector<16xf32>
      %select_n3A_2333 = arith.select %gt3A_2329, %sub3A_2332, %convert_element_type3A_2313 : vector<16xi1>, vector<16xf32>
      %sub3A_2334 = arith.subf %div3A_2297, %select_n3A_2328 : vector<16xf32>
      %sub3A_2335 = arith.constant 1.000000e+00 : f32
      %sub3A_2336 = vector.broadcast %sub3A_2335 : f32 to vector<16xf32>
      %sub3A_2337 = arith.subf %sub3A_2336, %sub3A_2334 : vector<16xf32>
      %sub3A_2338 = arith.subf %div3A_2309, %select_n3A_2333 : vector<16xf32>
      %sub3A_2339 = arith.constant 1.000000e+00 : f32
      %sub3A_2340 = vector.broadcast %sub3A_2339 : f32 to vector<16xf32>
      %sub3A_2341 = arith.subf %sub3A_2340, %sub3A_2338 : vector<16xf32>
      %jit3A_2342 = arith.constant 0 : i32
      %jit3A_2343 = arith.constant 511 : i32
      %max3A_2344 = vector.broadcast %jit3A_2342 : i32 to vector<16xi32>
      %max3A_2345 = arith.maxsi %max3A_2344, %select_n3A_2318 : vector<16xi32>
      %min3A_2346 = vector.broadcast %jit3A_2343 : i32 to vector<16xi32>
      %min3A_2347 = arith.minsi %min3A_2346, %max3A_2345 : vector<16xi32>
      %add3A_2348 = arith.constant 1 : i32
      %add3A_2349 = vector.broadcast %add3A_2348 : i32 to vector<16xi32>
      %add3A_2350 = arith.addi %select_n3A_2318, %add3A_2349 : vector<16xi32>
      %jit3A_2351 = arith.constant 0 : i32
      %jit3A_2352 = arith.constant 511 : i32
      %max3A_2353 = vector.broadcast %jit3A_2351 : i32 to vector<16xi32>
      %max3A_2354 = arith.maxsi %max3A_2353, %add3A_2350 : vector<16xi32>
      %min3A_2355 = vector.broadcast %jit3A_2352 : i32 to vector<16xi32>
      %min3A_2356 = arith.minsi %min3A_2355, %max3A_2354 : vector<16xi32>
      %jit3A_2357 = arith.constant 0 : i32
      %jit3A_2358 = arith.constant 511 : i32
      %max3A_2359 = vector.broadcast %jit3A_2357 : i32 to vector<16xi32>
      %max3A_2360 = arith.maxsi %max3A_2359, %select_n3A_2323 : vector<16xi32>
      %min3A_2361 = vector.broadcast %jit3A_2358 : i32 to vector<16xi32>
      %min3A_2362 = arith.minsi %min3A_2361, %max3A_2360 : vector<16xi32>
      %add3A_2363 = arith.constant 1 : i32
      %add3A_2364 = vector.broadcast %add3A_2363 : i32 to vector<16xi32>
      %add3A_2365 = arith.addi %select_n3A_2323, %add3A_2364 : vector<16xi32>
      %jit3A_2366 = arith.constant 0 : i32
      %jit3A_2367 = arith.constant 511 : i32
      %max3A_2368 = vector.broadcast %jit3A_2366 : i32 to vector<16xi32>
      %max3A_2369 = arith.maxsi %max3A_2368, %add3A_2365 : vector<16xi32>
      %min3A_2370 = vector.broadcast %jit3A_2367 : i32 to vector<16xi32>
      %min3A_2371 = arith.minsi %min3A_2370, %max3A_2369 : vector<16xi32>
      %mul3A_2372 = arith.constant 512 : i32
      %mul3A_2373 = vector.broadcast %mul3A_2372 : i32 to vector<16xi32>
      %mul3A_2374 = arith.muli %min3A_2362, %mul3A_2373 : vector<16xi32>
      %add3A_2375 = vector.broadcast %mul3A_18 : i32 to vector<16xi32>
      %add3A_2376 = arith.addi %add3A_2375, %mul3A_2374 : vector<16xi32>
      %mul3A_2377 = arith.constant 512 : i32
      %mul3A_2378 = vector.broadcast %mul3A_2377 : i32 to vector<16xi32>
      %mul3A_2379 = arith.muli %min3A_2371, %mul3A_2378 : vector<16xi32>
      %add3A_2380 = vector.broadcast %mul3A_18 : i32 to vector<16xi32>
      %add3A_2381 = arith.addi %add3A_2380, %mul3A_2379 : vector<16xi32>
      %add3A_2382 = arith.addi %add3A_2376, %min3A_2347 : vector<16xi32>
      %swap3A_2383 = arith.constant 96 : index
      %swap3A_2384 = tpu.vector_load %arg12[%swap3A_2383] {strides = array<i32>} : memref<128xi32, #tpu.memory_space<vmem>>, vector<16xi32>,
      tpu.vector_store %arg12[%swap3A_2383], %add3A_2382 {strides = array<i32>} : memref<128xi32, #tpu.memory_space<vmem>>, vector<16xi32>,
      %add3A_2385 = arith.addi %add3A_2376, %min3A_2356 : vector<16xi32>
      %swap3A_2386 = arith.constant 96 : index
      %swap3A_2387 = tpu.vector_load %arg13[%swap3A_2386] {strides = array<i32>} : memref<128xi32, #tpu.memory_space<vmem>>, vector<16xi32>,
      tpu.vector_store %arg13[%swap3A_2386], %add3A_2385 {strides = array<i32>} : memref<128xi32, #tpu.memory_space<vmem>>, vector<16xi32>,
      %add3A_2388 = arith.addi %add3A_2381, %min3A_2347 : vector<16xi32>
      %swap3A_2389 = arith.constant 96 : index
      %swap3A_2390 = tpu.vector_load %arg14[%swap3A_2389] {strides = array<i32>} : memref<128xi32, #tpu.memory_space<vmem>>, vector<16xi32>,
      tpu.vector_store %arg14[%swap3A_2389], %add3A_2388 {strides = array<i32>} : memref<128xi32, #tpu.memory_space<vmem>>, vector<16xi32>,
      %add3A_2391 = arith.addi %add3A_2381, %min3A_2356 : vector<16xi32>
      %swap3A_2392 = arith.constant 96 : index
      %swap3A_2393 = tpu.vector_load %arg15[%swap3A_2392] {strides = array<i32>} : memref<128xi32, #tpu.memory_space<vmem>>, vector<16xi32>,
      tpu.vector_store %arg15[%swap3A_2392], %add3A_2391 {strides = array<i32>} : memref<128xi32, #tpu.memory_space<vmem>>, vector<16xi32>,
      %mul3A_2394 = arith.mulf %sub3A_2341, %sub3A_2337 : vector<16xf32>
      %swap3A_2395 = arith.constant 0 : i32
      %swap3A_2396 = arith.index_cast %swap3A_2395 : i32 to index
      %swap3A_2397 = arith.constant 96 : index
      %swap3A_2398 = tpu.vector_load %arg17[%swap3A_2396, %swap3A_2397] {strides = array<i32>} : memref<4x128xf32, #tpu.memory_space<vmem>>, vector<16xf32>,
      tpu.vector_store %arg17[%swap3A_2396, %swap3A_2397], %mul3A_2394 {strides = array<i32>} : memref<4x128xf32, #tpu.memory_space<vmem>>, vector<16xf32>,
      %mul3A_2399 = arith.mulf %sub3A_2341, %sub3A_2334 : vector<16xf32>
      %swap3A_2400 = arith.constant 1 : i32
      %swap3A_2401 = arith.index_cast %swap3A_2400 : i32 to index
      %swap3A_2402 = arith.constant 96 : index
      %swap3A_2403 = tpu.vector_load %arg17[%swap3A_2401, %swap3A_2402] {strides = array<i32>} : memref<4x128xf32, #tpu.memory_space<vmem>>, vector<16xf32>,
      tpu.vector_store %arg17[%swap3A_2401, %swap3A_2402], %mul3A_2399 {strides = array<i32>} : memref<4x128xf32, #tpu.memory_space<vmem>>, vector<16xf32>,
      %mul3A_2404 = arith.mulf %sub3A_2338, %sub3A_2337 : vector<16xf32>
      %swap3A_2405 = arith.constant 2 : i32
      %swap3A_2406 = arith.index_cast %swap3A_2405 : i32 to index
      %swap3A_2407 = arith.constant 96 : index
      %swap3A_2408 = tpu.vector_load %arg17[%swap3A_2406, %swap3A_2407] {strides = array<i32>} : memref<4x128xf32, #tpu.memory_space<vmem>>, vector<16xf32>,
      tpu.vector_store %arg17[%swap3A_2406, %swap3A_2407], %mul3A_2404 {strides = array<i32>} : memref<4x128xf32, #tpu.memory_space<vmem>>, vector<16xf32>,
      %mul3A_2409 = arith.mulf %sub3A_2338, %sub3A_2334 : vector<16xf32>
      %swap3A_2410 = arith.constant 3 : i32
      %swap3A_2411 = arith.index_cast %swap3A_2410 : i32 to index
      %swap3A_2412 = arith.constant 96 : index
      %swap3A_2413 = tpu.vector_load %arg17[%swap3A_2411, %swap3A_2412] {strides = array<i32>} : memref<4x128xf32, #tpu.memory_space<vmem>>, vector<16xf32>,
      tpu.vector_store %arg17[%swap3A_2411, %swap3A_2412], %mul3A_2409 {strides = array<i32>} : memref<4x128xf32, #tpu.memory_space<vmem>>, vector<16xf32>,
      %add3A_2414 = arith.constant 112 : i32
      %add3A_2415 = arith.addi %mul3A_1335, %add3A_2414 : i32
      %get3A_2416 = arith.index_cast %add3A_2415 : i32 to index
      %get3A_2417 = tpu.vector_load %arg6[%get3A_2416] {strides = array<i32>} : memref<2048xf32, #tpu.memory_space<vmem>>, vector<16xf32>,
      %add3A_2418 = arith.constant 112 : i32
      %add3A_2419 = arith.addi %mul3A_1335, %add3A_2418 : i32
      %get3A_2420 = arith.index_cast %add3A_2419 : i32 to index
      %get3A_2421 = tpu.vector_load %arg7[%get3A_2420] {strides = array<i32>} : memref<2048xf32, #tpu.memory_space<vmem>>, vector<16xf32>,
      %div3A_2422 = arith.constant 5.110000e+02 : f32
      %div3A_2423 = vector.broadcast %div3A_2422 : f32 to vector<16xf32>
      %div3A_2424 = arith.divf %get3A_2417, %div3A_2423 : vector<16xf32>
      %mul3A_2425 = arith.constant 2.000000e+00 : f32
      %mul3A_2426 = vector.broadcast %mul3A_2425 : f32 to vector<16xf32>
      %mul3A_2427 = arith.mulf %div3A_2424, %mul3A_2426 : vector<16xf32>
      %sub3A_2428 = arith.constant 1.000000e+00 : f32
      %sub3A_2429 = vector.broadcast %sub3A_2428 : f32 to vector<16xf32>
      %sub3A_2430 = arith.subf %mul3A_2427, %sub3A_2429 : vector<16xf32>
      %div3A_2431 = arith.constant 5.110000e+02 : f32
      %div3A_2432 = vector.broadcast %div3A_2431 : f32 to vector<16xf32>
      %div3A_2433 = arith.divf %get3A_2421, %div3A_2432 : vector<16xf32>
      %mul3A_2434 = arith.constant 2.000000e+00 : f32
      %mul3A_2435 = vector.broadcast %mul3A_2434 : f32 to vector<16xf32>
      %mul3A_2436 = arith.mulf %div3A_2433, %mul3A_2435 : vector<16xf32>
      %sub3A_2437 = arith.constant 1.000000e+00 : f32
      %sub3A_2438 = vector.broadcast %sub3A_2437 : f32 to vector<16xf32>
      %sub3A_2439 = arith.subf %mul3A_2436, %sub3A_2438 : vector<16xf32>
      %add3A_2440 = arith.constant 1.000000e+00 : f32
      %add3A_2441 = vector.broadcast %add3A_2440 : f32 to vector<16xf32>
      %add3A_2442 = arith.addf %sub3A_2430, %add3A_2441 : vector<16xf32>
      %mul3A_2443 = arith.constant 5.120000e+02 : f32
      %mul3A_2444 = vector.broadcast %mul3A_2443 : f32 to vector<16xf32>
      %mul3A_2445 = arith.mulf %add3A_2442, %mul3A_2444 : vector<16xf32>
      %sub3A_2446 = arith.constant 1.000000e+00 : f32
      %sub3A_2447 = vector.broadcast %sub3A_2446 : f32 to vector<16xf32>
      %sub3A_2448 = arith.subf %mul3A_2445, %sub3A_2447 : vector<16xf32>
      %div3A_2449 = arith.constant 2.000000e+00 : f32
      %div3A_2450 = vector.broadcast %div3A_2449 : f32 to vector<16xf32>
      %div3A_2451 = arith.divf %sub3A_2448, %div3A_2450 : vector<16xf32>
      %add3A_2452 = arith.constant 1.000000e+00 : f32
      %add3A_2453 = vector.broadcast %add3A_2452 : f32 to vector<16xf32>
      %add3A_2454 = arith.addf %sub3A_2439, %add3A_2453 : vector<16xf32>
      %mul3A_2455 = arith.constant 5.120000e+02 : f32
      %mul3A_2456 = vector.broadcast %mul3A_2455 : f32 to vector<16xf32>
      %mul3A_2457 = arith.mulf %add3A_2454, %mul3A_2456 : vector<16xf32>
      %sub3A_2458 = arith.constant 1.000000e+00 : f32
      %sub3A_2459 = vector.broadcast %sub3A_2458 : f32 to vector<16xf32>
      %sub3A_2460 = arith.subf %mul3A_2457, %sub3A_2459 : vector<16xf32>
      %div3A_2461 = arith.constant 2.000000e+00 : f32
      %div3A_2462 = vector.broadcast %div3A_2461 : f32 to vector<16xf32>
      %div3A_2463 = arith.divf %sub3A_2460, %div3A_2462 : vector<16xf32>
      %convert_element_type3A_2464 = arith.fptosi %div3A_2451 : vector<16xf32> to vector<16xi32>
      %convert_element_type3A_2465 = arith.fptosi %div3A_2463 : vector<16xf32> to vector<16xi32>
      %convert_element_type3A_2466 = arith.sitofp %convert_element_type3A_2464 : vector<16xi32> to vector<16xf32>
      %convert_element_type3A_2467 = arith.sitofp %convert_element_type3A_2465 : vector<16xi32> to vector<16xf32>
      %gt3A_2468 = arith.cmpf ogt, %convert_element_type3A_2466, %div3A_2451 : vector<16xf32>
      %sub3A_2469 = arith.constant 1 : i32
      %sub3A_2470 = vector.broadcast %sub3A_2469 : i32 to vector<16xi32>
      %sub3A_2471 = arith.subi %convert_element_type3A_2464, %sub3A_2470 : vector<16xi32>
      %select_n3A_2472 = arith.select %gt3A_2468, %sub3A_2471, %convert_element_type3A_2464 : vector<16xi1>, vector<16xi32>
      %gt3A_2473 = arith.cmpf ogt, %convert_element_type3A_2467, %div3A_2463 : vector<16xf32>
      %sub3A_2474 = arith.constant 1 : i32
      %sub3A_2475 = vector.broadcast %sub3A_2474 : i32 to vector<16xi32>
      %sub3A_2476 = arith.subi %convert_element_type3A_2465, %sub3A_2475 : vector<16xi32>
      %select_n3A_2477 = arith.select %gt3A_2473, %sub3A_2476, %convert_element_type3A_2465 : vector<16xi1>, vector<16xi32>
      %gt3A_2478 = arith.cmpf ogt, %convert_element_type3A_2466, %div3A_2451 : vector<16xf32>
      %sub3A_2479 = arith.constant 1.000000e+00 : f32
      %sub3A_2480 = vector.broadcast %sub3A_2479 : f32 to vector<16xf32>
      %sub3A_2481 = arith.subf %convert_element_type3A_2466, %sub3A_2480 : vector<16xf32>
      %select_n3A_2482 = arith.select %gt3A_2478, %sub3A_2481, %convert_element_type3A_2466 : vector<16xi1>, vector<16xf32>
      %gt3A_2483 = arith.cmpf ogt, %convert_element_type3A_2467, %div3A_2463 : vector<16xf32>
      %sub3A_2484 = arith.constant 1.000000e+00 : f32
      %sub3A_2485 = vector.broadcast %sub3A_2484 : f32 to vector<16xf32>
      %sub3A_2486 = arith.subf %convert_element_type3A_2467, %sub3A_2485 : vector<16xf32>
      %select_n3A_2487 = arith.select %gt3A_2483, %sub3A_2486, %convert_element_type3A_2467 : vector<16xi1>, vector<16xf32>
      %sub3A_2488 = arith.subf %div3A_2451, %select_n3A_2482 : vector<16xf32>
      %sub3A_2489 = arith.constant 1.000000e+00 : f32
      %sub3A_2490 = vector.broadcast %sub3A_2489 : f32 to vector<16xf32>
      %sub3A_2491 = arith.subf %sub3A_2490, %sub3A_2488 : vector<16xf32>
      %sub3A_2492 = arith.subf %div3A_2463, %select_n3A_2487 : vector<16xf32>
      %sub3A_2493 = arith.constant 1.000000e+00 : f32
      %sub3A_2494 = vector.broadcast %sub3A_2493 : f32 to vector<16xf32>
      %sub3A_2495 = arith.subf %sub3A_2494, %sub3A_2492 : vector<16xf32>
      %jit3A_2496 = arith.constant 0 : i32
      %jit3A_2497 = arith.constant 511 : i32
      %max3A_2498 = vector.broadcast %jit3A_2496 : i32 to vector<16xi32>
      %max3A_2499 = arith.maxsi %max3A_2498, %select_n3A_2472 : vector<16xi32>
      %min3A_2500 = vector.broadcast %jit3A_2497 : i32 to vector<16xi32>
      %min3A_2501 = arith.minsi %min3A_2500, %max3A_2499 : vector<16xi32>
      %add3A_2502 = arith.constant 1 : i32
      %add3A_2503 = vector.broadcast %add3A_2502 : i32 to vector<16xi32>
      %add3A_2504 = arith.addi %select_n3A_2472, %add3A_2503 : vector<16xi32>
      %jit3A_2505 = arith.constant 0 : i32
      %jit3A_2506 = arith.constant 511 : i32
      %max3A_2507 = vector.broadcast %jit3A_2505 : i32 to vector<16xi32>
      %max3A_2508 = arith.maxsi %max3A_2507, %add3A_2504 : vector<16xi32>
      %min3A_2509 = vector.broadcast %jit3A_2506 : i32 to vector<16xi32>
      %min3A_2510 = arith.minsi %min3A_2509, %max3A_2508 : vector<16xi32>
      %jit3A_2511 = arith.constant 0 : i32
      %jit3A_2512 = arith.constant 511 : i32
      %max3A_2513 = vector.broadcast %jit3A_2511 : i32 to vector<16xi32>
      %max3A_2514 = arith.maxsi %max3A_2513, %select_n3A_2477 : vector<16xi32>
      %min3A_2515 = vector.broadcast %jit3A_2512 : i32 to vector<16xi32>
      %min3A_2516 = arith.minsi %min3A_2515, %max3A_2514 : vector<16xi32>
      %add3A_2517 = arith.constant 1 : i32
      %add3A_2518 = vector.broadcast %add3A_2517 : i32 to vector<16xi32>
      %add3A_2519 = arith.addi %select_n3A_2477, %add3A_2518 : vector<16xi32>
      %jit3A_2520 = arith.constant 0 : i32
      %jit3A_2521 = arith.constant 511 : i32
      %max3A_2522 = vector.broadcast %jit3A_2520 : i32 to vector<16xi32>
      %max3A_2523 = arith.maxsi %max3A_2522, %add3A_2519 : vector<16xi32>
      %min3A_2524 = vector.broadcast %jit3A_2521 : i32 to vector<16xi32>
      %min3A_2525 = arith.minsi %min3A_2524, %max3A_2523 : vector<16xi32>
      %mul3A_2526 = arith.constant 512 : i32
      %mul3A_2527 = vector.broadcast %mul3A_2526 : i32 to vector<16xi32>
      %mul3A_2528 = arith.muli %min3A_2516, %mul3A_2527 : vector<16xi32>
      %add3A_2529 = vector.broadcast %mul3A_18 : i32 to vector<16xi32>
      %add3A_2530 = arith.addi %add3A_2529, %mul3A_2528 : vector<16xi32>
      %mul3A_2531 = arith.constant 512 : i32
      %mul3A_2532 = vector.broadcast %mul3A_2531 : i32 to vector<16xi32>
      %mul3A_2533 = arith.muli %min3A_2525, %mul3A_2532 : vector<16xi32>
      %add3A_2534 = vector.broadcast %mul3A_18 : i32 to vector<16xi32>
      %add3A_2535 = arith.addi %add3A_2534, %mul3A_2533 : vector<16xi32>
      %add3A_2536 = arith.addi %add3A_2530, %min3A_2501 : vector<16xi32>
      %swap3A_2537 = arith.constant 112 : index
      %swap3A_2538 = tpu.vector_load %arg12[%swap3A_2537] {strides = array<i32>} : memref<128xi32, #tpu.memory_space<vmem>>, vector<16xi32>,
      tpu.vector_store %arg12[%swap3A_2537], %add3A_2536 {strides = array<i32>} : memref<128xi32, #tpu.memory_space<vmem>>, vector<16xi32>,
      %add3A_2539 = arith.addi %add3A_2530, %min3A_2510 : vector<16xi32>
      %swap3A_2540 = arith.constant 112 : index
      %swap3A_2541 = tpu.vector_load %arg13[%swap3A_2540] {strides = array<i32>} : memref<128xi32, #tpu.memory_space<vmem>>, vector<16xi32>,
      tpu.vector_store %arg13[%swap3A_2540], %add3A_2539 {strides = array<i32>} : memref<128xi32, #tpu.memory_space<vmem>>, vector<16xi32>,
      %add3A_2542 = arith.addi %add3A_2535, %min3A_2501 : vector<16xi32>
      %swap3A_2543 = arith.constant 112 : index
      %swap3A_2544 = tpu.vector_load %arg14[%swap3A_2543] {strides = array<i32>} : memref<128xi32, #tpu.memory_space<vmem>>, vector<16xi32>,
      tpu.vector_store %arg14[%swap3A_2543], %add3A_2542 {strides = array<i32>} : memref<128xi32, #tpu.memory_space<vmem>>, vector<16xi32>,
      %add3A_2545 = arith.addi %add3A_2535, %min3A_2510 : vector<16xi32>
      %swap3A_2546 = arith.constant 112 : index
      %swap3A_2547 = tpu.vector_load %arg15[%swap3A_2546] {strides = array<i32>} : memref<128xi32, #tpu.memory_space<vmem>>, vector<16xi32>,
      tpu.vector_store %arg15[%swap3A_2546], %add3A_2545 {strides = array<i32>} : memref<128xi32, #tpu.memory_space<vmem>>, vector<16xi32>,
      %mul3A_2548 = arith.mulf %sub3A_2495, %sub3A_2491 : vector<16xf32>
      %swap3A_2549 = arith.constant 0 : i32
      %swap3A_2550 = arith.index_cast %swap3A_2549 : i32 to index
      %swap3A_2551 = arith.constant 112 : index
      %swap3A_2552 = tpu.vector_load %arg17[%swap3A_2550, %swap3A_2551] {strides = array<i32>} : memref<4x128xf32, #tpu.memory_space<vmem>>, vector<16xf32>,
      tpu.vector_store %arg17[%swap3A_2550, %swap3A_2551], %mul3A_2548 {strides = array<i32>} : memref<4x128xf32, #tpu.memory_space<vmem>>, vector<16xf32>,
      %mul3A_2553 = arith.mulf %sub3A_2495, %sub3A_2488 : vector<16xf32>
      %swap3A_2554 = arith.constant 1 : i32
      %swap3A_2555 = arith.index_cast %swap3A_2554 : i32 to index
      %swap3A_2556 = arith.constant 112 : index
      %swap3A_2557 = tpu.vector_load %arg17[%swap3A_2555, %swap3A_2556] {strides = array<i32>} : memref<4x128xf32, #tpu.memory_space<vmem>>, vector<16xf32>,
      tpu.vector_store %arg17[%swap3A_2555, %swap3A_2556], %mul3A_2553 {strides = array<i32>} : memref<4x128xf32, #tpu.memory_space<vmem>>, vector<16xf32>,
      %mul3A_2558 = arith.mulf %sub3A_2492, %sub3A_2491 : vector<16xf32>
      %swap3A_2559 = arith.constant 2 : i32
      %swap3A_2560 = arith.index_cast %swap3A_2559 : i32 to index
      %swap3A_2561 = arith.constant 112 : index
      %swap3A_2562 = tpu.vector_load %arg17[%swap3A_2560, %swap3A_2561] {strides = array<i32>} : memref<4x128xf32, #tpu.memory_space<vmem>>, vector<16xf32>,
      tpu.vector_store %arg17[%swap3A_2560, %swap3A_2561], %mul3A_2558 {strides = array<i32>} : memref<4x128xf32, #tpu.memory_space<vmem>>, vector<16xf32>,
      %mul3A_2563 = arith.mulf %sub3A_2492, %sub3A_2488 : vector<16xf32>
      %swap3A_2564 = arith.constant 3 : i32
      %swap3A_2565 = arith.index_cast %swap3A_2564 : i32 to index
      %swap3A_2566 = arith.constant 112 : index
      %swap3A_2567 = tpu.vector_load %arg17[%swap3A_2565, %swap3A_2566] {strides = array<i32>} : memref<4x128xf32, #tpu.memory_space<vmem>>, vector<16xf32>,
      tpu.vector_store %arg17[%swap3A_2565, %swap3A_2566], %mul3A_2563 {strides = array<i32>} : memref<4x128xf32, #tpu.memory_space<vmem>>, vector<16xf32>,
      %dma_start3A_2568 = arith.constant 0 : i32
      %dma_start3A_2569 = arith.constant 0 : i32
      %dma_start3A_2570 = tpu.memref_slice %arg2[%dma_start3A_2568, %dma_start3A_2569] : memref<524288x96xf32, #tpu.memory_space<hbm>> -> memref<524288x96xf32, #tpu.memory_space<hbm>>
      tpu.enqueue_indirect_dma source(%dma_start3A_2570 : memref<524288x96xf32, #tpu.memory_space<hbm>>) target(%arg22 : memref<128x96xf32, #tpu.memory_space<vmem>>) offsets(%arg12 : memref<128xi32, #tpu.memory_space<vmem>>) semaphore(%arg29 : memref<!tpu.dma_semaphore, #tpu.memory_space<semaphore_mem>>)
      %dma_start3A_2571 = arith.constant 0 : i32
      %dma_start3A_2572 = arith.constant 0 : i32
      %dma_start3A_2573 = tpu.memref_slice %arg2[%dma_start3A_2571, %dma_start3A_2572] : memref<524288x96xf32, #tpu.memory_space<hbm>> -> memref<524288x96xf32, #tpu.memory_space<hbm>>
      tpu.enqueue_indirect_dma source(%dma_start3A_2573 : memref<524288x96xf32, #tpu.memory_space<hbm>>) target(%arg23 : memref<128x96xf32, #tpu.memory_space<vmem>>) offsets(%arg13 : memref<128xi32, #tpu.memory_space<vmem>>) semaphore(%arg29 : memref<!tpu.dma_semaphore, #tpu.memory_space<semaphore_mem>>)
      %dma_start3A_2574 = arith.constant 0 : i32
      %dma_start3A_2575 = arith.constant 0 : i32
      %dma_start3A_2576 = tpu.memref_slice %arg2[%dma_start3A_2574, %dma_start3A_2575] : memref<524288x96xf32, #tpu.memory_space<hbm>> -> memref<524288x96xf32, #tpu.memory_space<hbm>>
      tpu.enqueue_indirect_dma source(%dma_start3A_2576 : memref<524288x96xf32, #tpu.memory_space<hbm>>) target(%arg24 : memref<128x96xf32, #tpu.memory_space<vmem>>) offsets(%arg14 : memref<128xi32, #tpu.memory_space<vmem>>) semaphore(%arg29 : memref<!tpu.dma_semaphore, #tpu.memory_space<semaphore_mem>>)
      %dma_start3A_2577 = arith.constant 0 : i32
      %dma_start3A_2578 = arith.constant 0 : i32
      %dma_start3A_2579 = tpu.memref_slice %arg2[%dma_start3A_2577, %dma_start3A_2578] : memref<524288x96xf32, #tpu.memory_space<hbm>> -> memref<524288x96xf32, #tpu.memory_space<hbm>>
      tpu.enqueue_indirect_dma source(%dma_start3A_2579 : memref<524288x96xf32, #tpu.memory_space<hbm>>) target(%arg25 : memref<128x96xf32, #tpu.memory_space<vmem>>) offsets(%arg15 : memref<128xi32, #tpu.memory_space<vmem>>) semaphore(%arg29 : memref<!tpu.dma_semaphore, #tpu.memory_space<semaphore_mem>>)
      %gt3A_2580 = arith.constant 0 : i32
      %gt3A_2581 = arith.cmpi sgt, %scan3A_1306, %gt3A_2580 : i32
      %convert_element_type3A_2582 = arith.extui %gt3A_2581 : i1 to i32
      %cond3A_2583 = arith.constant 0 : i32
      %cond3A_2584 = arith.cmpi ne, %convert_element_type3A_2582, %cond3A_2583 : i32
      scf.if %cond3A_2584 {
        %add3A_2637 = arith.constant 0 : i32
        %add3A_2638 = arith.addi %mul3A_36, %add3A_2637 : i32
        %dma_wait3A_2639 = arith.constant 0 : i32
        %dma_wait3A_2640 = tpu.memref_slice %arg5[%select_n3A, %dma_wait3A_2639, %add3A_2638] : memref<2x96x262144xf32, #tpu.memory_space<hbm>> -> memref<1x96x128xf32, #tpu.memory_space<hbm>>
        %dma_wait3A_2641 = tpu.memref_squeeze %dma_wait3A_2640 : memref<1x96x128xf32, #tpu.memory_space<hbm>> -> memref<96x128xf32, #tpu.memory_space<hbm>>
        %dma_wait3A_2642 = arith.constant 0 : i32
        %dma_wait3A_2643 = tpu.memref_slice %arg5[%select_n3A, %dma_wait3A_2642, %add3A_2638] : memref<2x96x262144xf32, #tpu.memory_space<hbm>> -> memref<1x96x128xf32, #tpu.memory_space<hbm>>
        %dma_wait3A_2644 = tpu.memref_squeeze %dma_wait3A_2643 : memref<1x96x128xf32, #tpu.memory_space<hbm>> -> memref<96x128xf32, #tpu.memory_space<hbm>>
        tpu.wait_dma2 semaphore(%arg30 : memref<!tpu.dma_semaphore, #tpu.memory_space<semaphore_mem>>) src(%arg26 : memref<96x128xf32, #tpu.memory_space<vmem>>) dst(%dma_wait3A_2644 : memref<96x128xf32, #tpu.memory_space<hbm>>)
      } else {
      }
      %scan3A_2585 = arith.constant 0 : i32
      %scan3A_2586 = arith.constant 0 : i32
      %scan3A_2587 = arith.constant 8 : i32
      %scan3A_2588 = arith.addi %scan3A_2586, %scan3A_2587 : i32
      %scan3A_2589 = arith.constant 1 : i32
      scf.for %scan3A_2637 = %scan3A_2586 to %scan3A_2588 step %scan3A_2589  : i32 {
        %mul3A_2638 = arith.constant 16 : i32
        %mul3A_2639 = arith.muli %scan3A_2637, %mul3A_2638 : i32
        %iota3A = tpu.iota {dimensions = array<i32: 0>} : vector<16xi32>
        %mul3A_2640 = arith.constant 16 : i32
        %mul3A_2641 = arith.muli %scan3A_2637, %mul3A_2640 : i32
        %add3A_2642 = vector.broadcast %mul3A_2641 : i32 to vector<16xi32>
        %add3A_2643 = arith.addi %iota3A, %add3A_2642 : vector<16xi32>
        %iota3A_2644 = tpu.iota {dimensions = array<i32: 0>} : vector<16xi32>
        %get3A_2645 = arith.constant 0 : i32
        %get3A_2646 = arith.index_cast %get3A_2645 : i32 to index
        %get3A_2647 = arith.index_cast %mul3A_2639 : i32 to index
        %get3A_2648 = tpu.vector_load %arg16[%get3A_2646, %get3A_2647] {strides = array<i32>} : memref<4x128xf32, #tpu.memory_space<vmem>>, vector<16xf32>,
        %get3A_2649 = arith.constant 1 : i32
        %get3A_2650 = arith.index_cast %get3A_2649 : i32 to index
        %get3A_2651 = arith.index_cast %mul3A_2639 : i32 to index
        %get3A_2652 = tpu.vector_load %arg16[%get3A_2650, %get3A_2651] {strides = array<i32>} : memref<4x128xf32, #tpu.memory_space<vmem>>, vector<16xf32>,
        %get3A_2653 = arith.constant 2 : i32
        %get3A_2654 = arith.index_cast %get3A_2653 : i32 to index
        %get3A_2655 = arith.index_cast %mul3A_2639 : i32 to index
        %get3A_2656 = tpu.vector_load %arg16[%get3A_2654, %get3A_2655] {strides = array<i32>} : memref<4x128xf32, #tpu.memory_space<vmem>>, vector<16xf32>,
        %get3A_2657 = arith.constant 3 : i32
        %get3A_2658 = arith.index_cast %get3A_2657 : i32 to index
        %get3A_2659 = arith.index_cast %mul3A_2639 : i32 to index
        %get3A_2660 = tpu.vector_load %arg16[%get3A_2658, %get3A_2659] {strides = array<i32>} : memref<4x128xf32, #tpu.memory_space<vmem>>, vector<16xf32>,
        %parallel_loop3A = arith.constant 0 : i32
        %parallel_loop3A_2661 = arith.constant 96 : i32
        %parallel_loop3A_2662 = arith.constant 1 : i32
        scf.for %parallel_loop3A_2663 = %parallel_loop3A to %parallel_loop3A_2661 step %parallel_loop3A_2662  : i32 {
          %parallel_loop3A_2664 = vector.broadcast %parallel_loop3A_2663 : i32 to vector<16xi32>
          %parallel_loop3A_2665 = arith.addi %iota3A_2644, %parallel_loop3A_2664 : vector<16xi32>
          %parallel_loop3A_2666 = arith.constant 96 : i32
          %parallel_loop3A_2667 = vector.broadcast %parallel_loop3A_2666 : i32 to vector<16xi32>
          %parallel_loop3A_2668 = arith.cmpi sge, %parallel_loop3A_2665, %parallel_loop3A_2667 : vector<16xi32>
          %parallel_loop3A_2669 = arith.constant 96 : i32
          %parallel_loop3A_2670 = vector.broadcast %parallel_loop3A_2669 : i32 to vector<16xi32>
          %parallel_loop3A_2671 = arith.subi %parallel_loop3A_2665, %parallel_loop3A_2670 : vector<16xi32>
          %parallel_loop3A_2672 = arith.select %parallel_loop3A_2668, %parallel_loop3A_2671, %parallel_loop3A_2665 : vector<16xi1>, vector<16xi32>
          %parallel_loop3A_2673 = tpu.vector_load_idx %arg18[%add3A_2643, %parallel_loop3A_2672] : memref<128x96xf32, #tpu.memory_space<vmem>>[vector<16xi32>, vector<16xi32>], vector<16xf32>,
          %parallel_loop3A_2674 = tpu.vector_load_idx %arg19[%add3A_2643, %parallel_loop3A_2672] : memref<128x96xf32, #tpu.memory_space<vmem>>[vector<16xi32>, vector<16xi32>], vector<16xf32>,
          %parallel_loop3A_2675 = tpu.vector_load_idx %arg20[%add3A_2643, %parallel_loop3A_2672] : memref<128x96xf32, #tpu.memory_space<vmem>>[vector<16xi32>, vector<16xi32>], vector<16xf32>,
          %parallel_loop3A_2676 = tpu.vector_load_idx %arg21[%add3A_2643, %parallel_loop3A_2672] : memref<128x96xf32, #tpu.memory_space<vmem>>[vector<16xi32>, vector<16xi32>], vector<16xf32>,
          %parallel_loop3A_2677 = arith.mulf %parallel_loop3A_2673, %get3A_2648 : vector<16xf32>
          %parallel_loop3A_2678 = arith.mulf %parallel_loop3A_2674, %get3A_2652 : vector<16xf32>
          %parallel_loop3A_2679 = arith.addf %parallel_loop3A_2677, %parallel_loop3A_2678 : vector<16xf32>
          %parallel_loop3A_2680 = arith.mulf %parallel_loop3A_2675, %get3A_2656 : vector<16xf32>
          %parallel_loop3A_2681 = arith.addf %parallel_loop3A_2679, %parallel_loop3A_2680 : vector<16xf32>
          %parallel_loop3A_2682 = arith.mulf %parallel_loop3A_2676, %get3A_2660 : vector<16xf32>
          %parallel_loop3A_2683 = arith.addf %parallel_loop3A_2681, %parallel_loop3A_2682 : vector<16xf32>
          tpu.vector_store_idx %arg26[%parallel_loop3A_2672, %add3A_2643], %parallel_loop3A_2683 : memref<96x128xf32, #tpu.memory_space<vmem>>[vector<16xi32>, vector<16xi32>], vector<16xf32>,
        } {sc.loop_unroll_factor = 8 : i64, sc.parallel_access}
      }
      %scan3A_2590 = arith.constant 8 : i32
      %mul3A_2591 = arith.constant 128 : i32
      %mul3A_2592 = arith.muli %mul3A_1308, %mul3A_2591 : i32
      %add3A_2593 = arith.addi %mul3A_36, %mul3A_2592 : i32
      %dma_start3A_2594 = arith.constant 0 : i32
      %dma_start3A_2595 = tpu.memref_slice %arg5[%select_n3A, %dma_start3A_2594, %add3A_2593] : memref<2x96x262144xf32, #tpu.memory_space<hbm>> -> memref<1x96x128xf32, #tpu.memory_space<hbm>>
      %dma_start3A_2596 = tpu.memref_squeeze %dma_start3A_2595 : memref<1x96x128xf32, #tpu.memory_space<hbm>> -> memref<96x128xf32, #tpu.memory_space<hbm>>
      %dma_start3A_2597 = arith.constant 0 : i32
      %dma_start3A_2598 = tpu.memref_slice %arg5[%select_n3A, %dma_start3A_2597, %add3A_2593] : memref<2x96x262144xf32, #tpu.memory_space<hbm>> -> memref<1x96x128xf32, #tpu.memory_space<hbm>>
      %dma_start3A_2599 = tpu.memref_squeeze %dma_start3A_2598 : memref<1x96x128xf32, #tpu.memory_space<hbm>> -> memref<96x128xf32, #tpu.memory_space<hbm>>
      tpu.enqueue_dma source(%arg26 : memref<96x128xf32, #tpu.memory_space<vmem>>) target(%dma_start3A_2599 : memref<96x128xf32, #tpu.memory_space<hbm>>) target_semaphore(%arg30 : memref<!tpu.dma_semaphore, #tpu.memory_space<semaphore_mem>>)
      %dma_wait3A_2600 = arith.constant 0 : i32
      %dma_wait3A_2601 = arith.constant 0 : i32
      %dma_wait3A_2602 = tpu.memref_slice %arg2[%dma_wait3A_2600, %dma_wait3A_2601] : memref<524288x96xf32, #tpu.memory_space<hbm>> -> memref<524288x96xf32, #tpu.memory_space<hbm>>
      tpu.wait_indirect_dma semaphore(%arg29 : memref<!tpu.dma_semaphore, #tpu.memory_space<semaphore_mem>>) src(%dma_wait3A_2602 : memref<524288x96xf32, #tpu.memory_space<hbm>>) dst(%arg22 : memref<128x96xf32, #tpu.memory_space<vmem>>)
      %dma_wait3A_2603 = arith.constant 0 : i32
      %dma_wait3A_2604 = arith.constant 0 : i32
      %dma_wait3A_2605 = tpu.memref_slice %arg2[%dma_wait3A_2603, %dma_wait3A_2604] : memref<524288x96xf32, #tpu.memory_space<hbm>> -> memref<524288x96xf32, #tpu.memory_space<hbm>>
      tpu.wait_indirect_dma semaphore(%arg29 : memref<!tpu.dma_semaphore, #tpu.memory_space<semaphore_mem>>) src(%dma_wait3A_2605 : memref<524288x96xf32, #tpu.memory_space<hbm>>) dst(%arg23 : memref<128x96xf32, #tpu.memory_space<vmem>>)
      %dma_wait3A_2606 = arith.constant 0 : i32
      %dma_wait3A_2607 = arith.constant 0 : i32
      %dma_wait3A_2608 = tpu.memref_slice %arg2[%dma_wait3A_2606, %dma_wait3A_2607] : memref<524288x96xf32, #tpu.memory_space<hbm>> -> memref<524288x96xf32, #tpu.memory_space<hbm>>
      tpu.wait_indirect_dma semaphore(%arg29 : memref<!tpu.dma_semaphore, #tpu.memory_space<semaphore_mem>>) src(%dma_wait3A_2608 : memref<524288x96xf32, #tpu.memory_space<hbm>>) dst(%arg24 : memref<128x96xf32, #tpu.memory_space<vmem>>)
      %dma_wait3A_2609 = arith.constant 0 : i32
      %dma_wait3A_2610 = arith.constant 0 : i32
      %dma_wait3A_2611 = tpu.memref_slice %arg2[%dma_wait3A_2609, %dma_wait3A_2610] : memref<524288x96xf32, #tpu.memory_space<hbm>> -> memref<524288x96xf32, #tpu.memory_space<hbm>>
      tpu.wait_indirect_dma semaphore(%arg29 : memref<!tpu.dma_semaphore, #tpu.memory_space<semaphore_mem>>) src(%dma_wait3A_2611 : memref<524288x96xf32, #tpu.memory_space<hbm>>) dst(%arg25 : memref<128x96xf32, #tpu.memory_space<vmem>>)
      %lt3A_2612 = arith.constant 63 : i32
      %lt3A_2613 = arith.cmpi slt, %scan3A_1306, %lt3A_2612 : i32
      %convert_element_type3A_2614 = arith.extui %lt3A_2613 : i1 to i32
      %cond3A_2615 = arith.constant 0 : i32
      %cond3A_2616 = arith.cmpi ne, %convert_element_type3A_2614, %cond3A_2615 : i32
      scf.if %cond3A_2616 {
        %add3A_2637 = arith.constant 2 : i32
        %add3A_2638 = arith.addi %mul3A_1308, %add3A_2637 : i32
        %rem3A_2639 = arith.constant 16 : i32
        %rem3A_2640 = arith.remsi %add3A_2638, %rem3A_2639 : i32
        %eq3A_2641 = arith.constant 0 : i32
        %eq3A_2642 = arith.cmpi eq, %rem3A_2640, %eq3A_2641 : i32
        %convert_element_type3A_2643 = arith.extui %eq3A_2642 : i1 to i32
        %cond3A_2644 = arith.constant 0 : i32
        %cond3A_2645 = arith.cmpi ne, %convert_element_type3A_2643, %cond3A_2644 : i32
        scf.if %cond3A_2645 {
          %mul3A_3894 = arith.constant 128 : i32
          %mul3A_3895 = arith.muli %add3A_2638, %mul3A_3894 : i32
          %add3A_3896 = arith.addi %mul3A_20, %mul3A_3895 : i32
          "tpu.region"() ({
            %run_scoped3A = tpu.sem_alloc : memref<!tpu.dma_semaphore, #tpu.memory_space<semaphore_mem>>
            %dma_start3A_3897 = tpu.memref_slice %arg3[%add3A_3896] : memref<524288xf32, #tpu.memory_space<hbm>> -> memref<2048xf32, #tpu.memory_space<hbm>>
            %dma_start3A_3898 = tpu.memref_slice %arg3[%add3A_3896] : memref<524288xf32, #tpu.memory_space<hbm>> -> memref<2048xf32, #tpu.memory_space<hbm>>
            tpu.enqueue_dma source(%dma_start3A_3898 : memref<2048xf32, #tpu.memory_space<hbm>>) target(%arg6 : memref<2048xf32, #tpu.memory_space<vmem>>) target_semaphore(%run_scoped3A : memref<!tpu.dma_semaphore, #tpu.memory_space<semaphore_mem>>)
            %dma_wait3A_3899 = tpu.memref_slice %arg3[%add3A_3896] : memref<524288xf32, #tpu.memory_space<hbm>> -> memref<2048xf32, #tpu.memory_space<hbm>>
            %dma_wait3A_3900 = tpu.memref_slice %arg3[%add3A_3896] : memref<524288xf32, #tpu.memory_space<hbm>> -> memref<2048xf32, #tpu.memory_space<hbm>>
            tpu.wait_dma2 semaphore(%run_scoped3A : memref<!tpu.dma_semaphore, #tpu.memory_space<semaphore_mem>>) src(%dma_wait3A_3900 : memref<2048xf32, #tpu.memory_space<hbm>>) dst(%arg6 : memref<2048xf32, #tpu.memory_space<vmem>>)
            tpu.yield
          }) : () -> ()
          "tpu.region"() ({
            %run_scoped3A = tpu.sem_alloc : memref<!tpu.dma_semaphore, #tpu.memory_space<semaphore_mem>>
            %dma_start3A_3897 = tpu.memref_slice %arg4[%add3A_3896] : memref<524288xf32, #tpu.memory_space<hbm>> -> memref<2048xf32, #tpu.memory_space<hbm>>
            %dma_start3A_3898 = tpu.memref_slice %arg4[%add3A_3896] : memref<524288xf32, #tpu.memory_space<hbm>> -> memref<2048xf32, #tpu.memory_space<hbm>>
            tpu.enqueue_dma source(%dma_start3A_3898 : memref<2048xf32, #tpu.memory_space<hbm>>) target(%arg7 : memref<2048xf32, #tpu.memory_space<vmem>>) target_semaphore(%run_scoped3A : memref<!tpu.dma_semaphore, #tpu.memory_space<semaphore_mem>>)
            %dma_wait3A_3899 = tpu.memref_slice %arg4[%add3A_3896] : memref<524288xf32, #tpu.memory_space<hbm>> -> memref<2048xf32, #tpu.memory_space<hbm>>
            %dma_wait3A_3900 = tpu.memref_slice %arg4[%add3A_3896] : memref<524288xf32, #tpu.memory_space<hbm>> -> memref<2048xf32, #tpu.memory_space<hbm>>
            tpu.wait_dma2 semaphore(%run_scoped3A : memref<!tpu.dma_semaphore, #tpu.memory_space<semaphore_mem>>) src(%dma_wait3A_3900 : memref<2048xf32, #tpu.memory_space<hbm>>) dst(%arg7 : memref<2048xf32, #tpu.memory_space<vmem>>)
            tpu.yield
          }) : () -> ()
        } else {
        }
        %rem3A_2646 = arith.constant 16 : i32
        %rem3A_2647 = arith.remsi %add3A_2638, %rem3A_2646 : i32
        %mul3A_2648 = arith.constant 128 : i32
        %mul3A_2649 = arith.muli %rem3A_2647, %mul3A_2648 : i32
        %add3A_2650 = arith.constant 0 : i32
        %add3A_2651 = arith.addi %mul3A_2649, %add3A_2650 : i32
        %get3A_2652 = arith.index_cast %add3A_2651 : i32 to index
        %get3A_2653 = tpu.vector_load %arg6[%get3A_2652] {strides = array<i32>} : memref<2048xf32, #tpu.memory_space<vmem>>, vector<16xf32>,
        %add3A_2654 = arith.constant 0 : i32
        %add3A_2655 = arith.addi %mul3A_2649, %add3A_2654 : i32
        %get3A_2656 = arith.index_cast %add3A_2655 : i32 to index
        %get3A_2657 = tpu.vector_load %arg7[%get3A_2656] {strides = array<i32>} : memref<2048xf32, #tpu.memory_space<vmem>>, vector<16xf32>,
        %div3A_2658 = arith.constant 5.110000e+02 : f32
        %div3A_2659 = vector.broadcast %div3A_2658 : f32 to vector<16xf32>
        %div3A_2660 = arith.divf %get3A_2653, %div3A_2659 : vector<16xf32>
        %mul3A_2661 = arith.constant 2.000000e+00 : f32
        %mul3A_2662 = vector.broadcast %mul3A_2661 : f32 to vector<16xf32>
        %mul3A_2663 = arith.mulf %div3A_2660, %mul3A_2662 : vector<16xf32>
        %sub3A_2664 = arith.constant 1.000000e+00 : f32
        %sub3A_2665 = vector.broadcast %sub3A_2664 : f32 to vector<16xf32>
        %sub3A_2666 = arith.subf %mul3A_2663, %sub3A_2665 : vector<16xf32>
        %div3A_2667 = arith.constant 5.110000e+02 : f32
        %div3A_2668 = vector.broadcast %div3A_2667 : f32 to vector<16xf32>
        %div3A_2669 = arith.divf %get3A_2657, %div3A_2668 : vector<16xf32>
        %mul3A_2670 = arith.constant 2.000000e+00 : f32
        %mul3A_2671 = vector.broadcast %mul3A_2670 : f32 to vector<16xf32>
        %mul3A_2672 = arith.mulf %div3A_2669, %mul3A_2671 : vector<16xf32>
        %sub3A_2673 = arith.constant 1.000000e+00 : f32
        %sub3A_2674 = vector.broadcast %sub3A_2673 : f32 to vector<16xf32>
        %sub3A_2675 = arith.subf %mul3A_2672, %sub3A_2674 : vector<16xf32>
        %add3A_2676 = arith.constant 1.000000e+00 : f32
        %add3A_2677 = vector.broadcast %add3A_2676 : f32 to vector<16xf32>
        %add3A_2678 = arith.addf %sub3A_2666, %add3A_2677 : vector<16xf32>
        %mul3A_2679 = arith.constant 5.120000e+02 : f32
        %mul3A_2680 = vector.broadcast %mul3A_2679 : f32 to vector<16xf32>
        %mul3A_2681 = arith.mulf %add3A_2678, %mul3A_2680 : vector<16xf32>
        %sub3A_2682 = arith.constant 1.000000e+00 : f32
        %sub3A_2683 = vector.broadcast %sub3A_2682 : f32 to vector<16xf32>
        %sub3A_2684 = arith.subf %mul3A_2681, %sub3A_2683 : vector<16xf32>
        %div3A_2685 = arith.constant 2.000000e+00 : f32
        %div3A_2686 = vector.broadcast %div3A_2685 : f32 to vector<16xf32>
        %div3A_2687 = arith.divf %sub3A_2684, %div3A_2686 : vector<16xf32>
        %add3A_2688 = arith.constant 1.000000e+00 : f32
        %add3A_2689 = vector.broadcast %add3A_2688 : f32 to vector<16xf32>
        %add3A_2690 = arith.addf %sub3A_2675, %add3A_2689 : vector<16xf32>
        %mul3A_2691 = arith.constant 5.120000e+02 : f32
        %mul3A_2692 = vector.broadcast %mul3A_2691 : f32 to vector<16xf32>
        %mul3A_2693 = arith.mulf %add3A_2690, %mul3A_2692 : vector<16xf32>
        %sub3A_2694 = arith.constant 1.000000e+00 : f32
        %sub3A_2695 = vector.broadcast %sub3A_2694 : f32 to vector<16xf32>
        %sub3A_2696 = arith.subf %mul3A_2693, %sub3A_2695 : vector<16xf32>
        %div3A_2697 = arith.constant 2.000000e+00 : f32
        %div3A_2698 = vector.broadcast %div3A_2697 : f32 to vector<16xf32>
        %div3A_2699 = arith.divf %sub3A_2696, %div3A_2698 : vector<16xf32>
        %convert_element_type3A_2700 = arith.fptosi %div3A_2687 : vector<16xf32> to vector<16xi32>
        %convert_element_type3A_2701 = arith.fptosi %div3A_2699 : vector<16xf32> to vector<16xi32>
        %convert_element_type3A_2702 = arith.sitofp %convert_element_type3A_2700 : vector<16xi32> to vector<16xf32>
        %convert_element_type3A_2703 = arith.sitofp %convert_element_type3A_2701 : vector<16xi32> to vector<16xf32>
        %gt3A_2704 = arith.cmpf ogt, %convert_element_type3A_2702, %div3A_2687 : vector<16xf32>
        %sub3A_2705 = arith.constant 1 : i32
        %sub3A_2706 = vector.broadcast %sub3A_2705 : i32 to vector<16xi32>
        %sub3A_2707 = arith.subi %convert_element_type3A_2700, %sub3A_2706 : vector<16xi32>
        %select_n3A_2708 = arith.select %gt3A_2704, %sub3A_2707, %convert_element_type3A_2700 : vector<16xi1>, vector<16xi32>
        %gt3A_2709 = arith.cmpf ogt, %convert_element_type3A_2703, %div3A_2699 : vector<16xf32>
        %sub3A_2710 = arith.constant 1 : i32
        %sub3A_2711 = vector.broadcast %sub3A_2710 : i32 to vector<16xi32>
        %sub3A_2712 = arith.subi %convert_element_type3A_2701, %sub3A_2711 : vector<16xi32>
        %select_n3A_2713 = arith.select %gt3A_2709, %sub3A_2712, %convert_element_type3A_2701 : vector<16xi1>, vector<16xi32>
        %gt3A_2714 = arith.cmpf ogt, %convert_element_type3A_2702, %div3A_2687 : vector<16xf32>
        %sub3A_2715 = arith.constant 1.000000e+00 : f32
        %sub3A_2716 = vector.broadcast %sub3A_2715 : f32 to vector<16xf32>
        %sub3A_2717 = arith.subf %convert_element_type3A_2702, %sub3A_2716 : vector<16xf32>
        %select_n3A_2718 = arith.select %gt3A_2714, %sub3A_2717, %convert_element_type3A_2702 : vector<16xi1>, vector<16xf32>
        %gt3A_2719 = arith.cmpf ogt, %convert_element_type3A_2703, %div3A_2699 : vector<16xf32>
        %sub3A_2720 = arith.constant 1.000000e+00 : f32
        %sub3A_2721 = vector.broadcast %sub3A_2720 : f32 to vector<16xf32>
        %sub3A_2722 = arith.subf %convert_element_type3A_2703, %sub3A_2721 : vector<16xf32>
        %select_n3A_2723 = arith.select %gt3A_2719, %sub3A_2722, %convert_element_type3A_2703 : vector<16xi1>, vector<16xf32>
        %sub3A_2724 = arith.subf %div3A_2687, %select_n3A_2718 : vector<16xf32>
        %sub3A_2725 = arith.constant 1.000000e+00 : f32
        %sub3A_2726 = vector.broadcast %sub3A_2725 : f32 to vector<16xf32>
        %sub3A_2727 = arith.subf %sub3A_2726, %sub3A_2724 : vector<16xf32>
        %sub3A_2728 = arith.subf %div3A_2699, %select_n3A_2723 : vector<16xf32>
        %sub3A_2729 = arith.constant 1.000000e+00 : f32
        %sub3A_2730 = vector.broadcast %sub3A_2729 : f32 to vector<16xf32>
        %sub3A_2731 = arith.subf %sub3A_2730, %sub3A_2728 : vector<16xf32>
        %jit3A_2732 = arith.constant 0 : i32
        %jit3A_2733 = arith.constant 511 : i32
        %max3A_2734 = vector.broadcast %jit3A_2732 : i32 to vector<16xi32>
        %max3A_2735 = arith.maxsi %max3A_2734, %select_n3A_2708 : vector<16xi32>
        %min3A_2736 = vector.broadcast %jit3A_2733 : i32 to vector<16xi32>
        %min3A_2737 = arith.minsi %min3A_2736, %max3A_2735 : vector<16xi32>
        %add3A_2738 = arith.constant 1 : i32
        %add3A_2739 = vector.broadcast %add3A_2738 : i32 to vector<16xi32>
        %add3A_2740 = arith.addi %select_n3A_2708, %add3A_2739 : vector<16xi32>
        %jit3A_2741 = arith.constant 0 : i32
        %jit3A_2742 = arith.constant 511 : i32
        %max3A_2743 = vector.broadcast %jit3A_2741 : i32 to vector<16xi32>
        %max3A_2744 = arith.maxsi %max3A_2743, %add3A_2740 : vector<16xi32>
        %min3A_2745 = vector.broadcast %jit3A_2742 : i32 to vector<16xi32>
        %min3A_2746 = arith.minsi %min3A_2745, %max3A_2744 : vector<16xi32>
        %jit3A_2747 = arith.constant 0 : i32
        %jit3A_2748 = arith.constant 511 : i32
        %max3A_2749 = vector.broadcast %jit3A_2747 : i32 to vector<16xi32>
        %max3A_2750 = arith.maxsi %max3A_2749, %select_n3A_2713 : vector<16xi32>
        %min3A_2751 = vector.broadcast %jit3A_2748 : i32 to vector<16xi32>
        %min3A_2752 = arith.minsi %min3A_2751, %max3A_2750 : vector<16xi32>
        %add3A_2753 = arith.constant 1 : i32
        %add3A_2754 = vector.broadcast %add3A_2753 : i32 to vector<16xi32>
        %add3A_2755 = arith.addi %select_n3A_2713, %add3A_2754 : vector<16xi32>
        %jit3A_2756 = arith.constant 0 : i32
        %jit3A_2757 = arith.constant 511 : i32
        %max3A_2758 = vector.broadcast %jit3A_2756 : i32 to vector<16xi32>
        %max3A_2759 = arith.maxsi %max3A_2758, %add3A_2755 : vector<16xi32>
        %min3A_2760 = vector.broadcast %jit3A_2757 : i32 to vector<16xi32>
        %min3A_2761 = arith.minsi %min3A_2760, %max3A_2759 : vector<16xi32>
        %mul3A_2762 = arith.constant 512 : i32
        %mul3A_2763 = vector.broadcast %mul3A_2762 : i32 to vector<16xi32>
        %mul3A_2764 = arith.muli %min3A_2752, %mul3A_2763 : vector<16xi32>
        %add3A_2765 = vector.broadcast %mul3A_18 : i32 to vector<16xi32>
        %add3A_2766 = arith.addi %add3A_2765, %mul3A_2764 : vector<16xi32>
        %mul3A_2767 = arith.constant 512 : i32
        %mul3A_2768 = vector.broadcast %mul3A_2767 : i32 to vector<16xi32>
        %mul3A_2769 = arith.muli %min3A_2761, %mul3A_2768 : vector<16xi32>
        %add3A_2770 = vector.broadcast %mul3A_18 : i32 to vector<16xi32>
        %add3A_2771 = arith.addi %add3A_2770, %mul3A_2769 : vector<16xi32>
        %add3A_2772 = arith.addi %add3A_2766, %min3A_2737 : vector<16xi32>
        %swap3A_2773 = arith.constant 0 : index
        %swap3A_2774 = tpu.vector_load %arg8[%swap3A_2773] {strides = array<i32>} : memref<128xi32, #tpu.memory_space<vmem>>, vector<16xi32>,
        tpu.vector_store %arg8[%swap3A_2773], %add3A_2772 {strides = array<i32>} : memref<128xi32, #tpu.memory_space<vmem>>, vector<16xi32>,
        %add3A_2775 = arith.addi %add3A_2766, %min3A_2746 : vector<16xi32>
        %swap3A_2776 = arith.constant 0 : index
        %swap3A_2777 = tpu.vector_load %arg9[%swap3A_2776] {strides = array<i32>} : memref<128xi32, #tpu.memory_space<vmem>>, vector<16xi32>,
        tpu.vector_store %arg9[%swap3A_2776], %add3A_2775 {strides = array<i32>} : memref<128xi32, #tpu.memory_space<vmem>>, vector<16xi32>,
        %add3A_2778 = arith.addi %add3A_2771, %min3A_2737 : vector<16xi32>
        %swap3A_2779 = arith.constant 0 : index
        %swap3A_2780 = tpu.vector_load %arg10[%swap3A_2779] {strides = array<i32>} : memref<128xi32, #tpu.memory_space<vmem>>, vector<16xi32>,
        tpu.vector_store %arg10[%swap3A_2779], %add3A_2778 {strides = array<i32>} : memref<128xi32, #tpu.memory_space<vmem>>, vector<16xi32>,
        %add3A_2781 = arith.addi %add3A_2771, %min3A_2746 : vector<16xi32>
        %swap3A_2782 = arith.constant 0 : index
        %swap3A_2783 = tpu.vector_load %arg11[%swap3A_2782] {strides = array<i32>} : memref<128xi32, #tpu.memory_space<vmem>>, vector<16xi32>,
        tpu.vector_store %arg11[%swap3A_2782], %add3A_2781 {strides = array<i32>} : memref<128xi32, #tpu.memory_space<vmem>>, vector<16xi32>,
        %mul3A_2784 = arith.mulf %sub3A_2731, %sub3A_2727 : vector<16xf32>
        %swap3A_2785 = arith.constant 0 : i32
        %swap3A_2786 = arith.index_cast %swap3A_2785 : i32 to index
        %swap3A_2787 = arith.constant 0 : index
        %swap3A_2788 = tpu.vector_load %arg16[%swap3A_2786, %swap3A_2787] {strides = array<i32>} : memref<4x128xf32, #tpu.memory_space<vmem>>, vector<16xf32>,
        tpu.vector_store %arg16[%swap3A_2786, %swap3A_2787], %mul3A_2784 {strides = array<i32>} : memref<4x128xf32, #tpu.memory_space<vmem>>, vector<16xf32>,
        %mul3A_2789 = arith.mulf %sub3A_2731, %sub3A_2724 : vector<16xf32>
        %swap3A_2790 = arith.constant 1 : i32
        %swap3A_2791 = arith.index_cast %swap3A_2790 : i32 to index
        %swap3A_2792 = arith.constant 0 : index
        %swap3A_2793 = tpu.vector_load %arg16[%swap3A_2791, %swap3A_2792] {strides = array<i32>} : memref<4x128xf32, #tpu.memory_space<vmem>>, vector<16xf32>,
        tpu.vector_store %arg16[%swap3A_2791, %swap3A_2792], %mul3A_2789 {strides = array<i32>} : memref<4x128xf32, #tpu.memory_space<vmem>>, vector<16xf32>,
        %mul3A_2794 = arith.mulf %sub3A_2728, %sub3A_2727 : vector<16xf32>
        %swap3A_2795 = arith.constant 2 : i32
        %swap3A_2796 = arith.index_cast %swap3A_2795 : i32 to index
        %swap3A_2797 = arith.constant 0 : index
        %swap3A_2798 = tpu.vector_load %arg16[%swap3A_2796, %swap3A_2797] {strides = array<i32>} : memref<4x128xf32, #tpu.memory_space<vmem>>, vector<16xf32>,
        tpu.vector_store %arg16[%swap3A_2796, %swap3A_2797], %mul3A_2794 {strides = array<i32>} : memref<4x128xf32, #tpu.memory_space<vmem>>, vector<16xf32>,
        %mul3A_2799 = arith.mulf %sub3A_2728, %sub3A_2724 : vector<16xf32>
        %swap3A_2800 = arith.constant 3 : i32
        %swap3A_2801 = arith.index_cast %swap3A_2800 : i32 to index
        %swap3A_2802 = arith.constant 0 : index
        %swap3A_2803 = tpu.vector_load %arg16[%swap3A_2801, %swap3A_2802] {strides = array<i32>} : memref<4x128xf32, #tpu.memory_space<vmem>>, vector<16xf32>,
        tpu.vector_store %arg16[%swap3A_2801, %swap3A_2802], %mul3A_2799 {strides = array<i32>} : memref<4x128xf32, #tpu.memory_space<vmem>>, vector<16xf32>,
        %add3A_2804 = arith.constant 16 : i32
        %add3A_2805 = arith.addi %mul3A_2649, %add3A_2804 : i32
        %get3A_2806 = arith.index_cast %add3A_2805 : i32 to index
        %get3A_2807 = tpu.vector_load %arg6[%get3A_2806] {strides = array<i32>} : memref<2048xf32, #tpu.memory_space<vmem>>, vector<16xf32>,
        %add3A_2808 = arith.constant 16 : i32
        %add3A_2809 = arith.addi %mul3A_2649, %add3A_2808 : i32
        %get3A_2810 = arith.index_cast %add3A_2809 : i32 to index
        %get3A_2811 = tpu.vector_load %arg7[%get3A_2810] {strides = array<i32>} : memref<2048xf32, #tpu.memory_space<vmem>>, vector<16xf32>,
        %div3A_2812 = arith.constant 5.110000e+02 : f32
        %div3A_2813 = vector.broadcast %div3A_2812 : f32 to vector<16xf32>
        %div3A_2814 = arith.divf %get3A_2807, %div3A_2813 : vector<16xf32>
        %mul3A_2815 = arith.constant 2.000000e+00 : f32
        %mul3A_2816 = vector.broadcast %mul3A_2815 : f32 to vector<16xf32>
        %mul3A_2817 = arith.mulf %div3A_2814, %mul3A_2816 : vector<16xf32>
        %sub3A_2818 = arith.constant 1.000000e+00 : f32
        %sub3A_2819 = vector.broadcast %sub3A_2818 : f32 to vector<16xf32>
        %sub3A_2820 = arith.subf %mul3A_2817, %sub3A_2819 : vector<16xf32>
        %div3A_2821 = arith.constant 5.110000e+02 : f32
        %div3A_2822 = vector.broadcast %div3A_2821 : f32 to vector<16xf32>
        %div3A_2823 = arith.divf %get3A_2811, %div3A_2822 : vector<16xf32>
        %mul3A_2824 = arith.constant 2.000000e+00 : f32
        %mul3A_2825 = vector.broadcast %mul3A_2824 : f32 to vector<16xf32>
        %mul3A_2826 = arith.mulf %div3A_2823, %mul3A_2825 : vector<16xf32>
        %sub3A_2827 = arith.constant 1.000000e+00 : f32
        %sub3A_2828 = vector.broadcast %sub3A_2827 : f32 to vector<16xf32>
        %sub3A_2829 = arith.subf %mul3A_2826, %sub3A_2828 : vector<16xf32>
        %add3A_2830 = arith.constant 1.000000e+00 : f32
        %add3A_2831 = vector.broadcast %add3A_2830 : f32 to vector<16xf32>
        %add3A_2832 = arith.addf %sub3A_2820, %add3A_2831 : vector<16xf32>
        %mul3A_2833 = arith.constant 5.120000e+02 : f32
        %mul3A_2834 = vector.broadcast %mul3A_2833 : f32 to vector<16xf32>
        %mul3A_2835 = arith.mulf %add3A_2832, %mul3A_2834 : vector<16xf32>
        %sub3A_2836 = arith.constant 1.000000e+00 : f32
        %sub3A_2837 = vector.broadcast %sub3A_2836 : f32 to vector<16xf32>
        %sub3A_2838 = arith.subf %mul3A_2835, %sub3A_2837 : vector<16xf32>
        %div3A_2839 = arith.constant 2.000000e+00 : f32
        %div3A_2840 = vector.broadcast %div3A_2839 : f32 to vector<16xf32>
        %div3A_2841 = arith.divf %sub3A_2838, %div3A_2840 : vector<16xf32>
        %add3A_2842 = arith.constant 1.000000e+00 : f32
        %add3A_2843 = vector.broadcast %add3A_2842 : f32 to vector<16xf32>
        %add3A_2844 = arith.addf %sub3A_2829, %add3A_2843 : vector<16xf32>
        %mul3A_2845 = arith.constant 5.120000e+02 : f32
        %mul3A_2846 = vector.broadcast %mul3A_2845 : f32 to vector<16xf32>
        %mul3A_2847 = arith.mulf %add3A_2844, %mul3A_2846 : vector<16xf32>
        %sub3A_2848 = arith.constant 1.000000e+00 : f32
        %sub3A_2849 = vector.broadcast %sub3A_2848 : f32 to vector<16xf32>
        %sub3A_2850 = arith.subf %mul3A_2847, %sub3A_2849 : vector<16xf32>
        %div3A_2851 = arith.constant 2.000000e+00 : f32
        %div3A_2852 = vector.broadcast %div3A_2851 : f32 to vector<16xf32>
        %div3A_2853 = arith.divf %sub3A_2850, %div3A_2852 : vector<16xf32>
        %convert_element_type3A_2854 = arith.fptosi %div3A_2841 : vector<16xf32> to vector<16xi32>
        %convert_element_type3A_2855 = arith.fptosi %div3A_2853 : vector<16xf32> to vector<16xi32>
        %convert_element_type3A_2856 = arith.sitofp %convert_element_type3A_2854 : vector<16xi32> to vector<16xf32>
        %convert_element_type3A_2857 = arith.sitofp %convert_element_type3A_2855 : vector<16xi32> to vector<16xf32>
        %gt3A_2858 = arith.cmpf ogt, %convert_element_type3A_2856, %div3A_2841 : vector<16xf32>
        %sub3A_2859 = arith.constant 1 : i32
        %sub3A_2860 = vector.broadcast %sub3A_2859 : i32 to vector<16xi32>
        %sub3A_2861 = arith.subi %convert_element_type3A_2854, %sub3A_2860 : vector<16xi32>
        %select_n3A_2862 = arith.select %gt3A_2858, %sub3A_2861, %convert_element_type3A_2854 : vector<16xi1>, vector<16xi32>
        %gt3A_2863 = arith.cmpf ogt, %convert_element_type3A_2857, %div3A_2853 : vector<16xf32>
        %sub3A_2864 = arith.constant 1 : i32
        %sub3A_2865 = vector.broadcast %sub3A_2864 : i32 to vector<16xi32>
        %sub3A_2866 = arith.subi %convert_element_type3A_2855, %sub3A_2865 : vector<16xi32>
        %select_n3A_2867 = arith.select %gt3A_2863, %sub3A_2866, %convert_element_type3A_2855 : vector<16xi1>, vector<16xi32>
        %gt3A_2868 = arith.cmpf ogt, %convert_element_type3A_2856, %div3A_2841 : vector<16xf32>
        %sub3A_2869 = arith.constant 1.000000e+00 : f32
        %sub3A_2870 = vector.broadcast %sub3A_2869 : f32 to vector<16xf32>
        %sub3A_2871 = arith.subf %convert_element_type3A_2856, %sub3A_2870 : vector<16xf32>
        %select_n3A_2872 = arith.select %gt3A_2868, %sub3A_2871, %convert_element_type3A_2856 : vector<16xi1>, vector<16xf32>
        %gt3A_2873 = arith.cmpf ogt, %convert_element_type3A_2857, %div3A_2853 : vector<16xf32>
        %sub3A_2874 = arith.constant 1.000000e+00 : f32
        %sub3A_2875 = vector.broadcast %sub3A_2874 : f32 to vector<16xf32>
        %sub3A_2876 = arith.subf %convert_element_type3A_2857, %sub3A_2875 : vector<16xf32>
        %select_n3A_2877 = arith.select %gt3A_2873, %sub3A_2876, %convert_element_type3A_2857 : vector<16xi1>, vector<16xf32>
        %sub3A_2878 = arith.subf %div3A_2841, %select_n3A_2872 : vector<16xf32>
        %sub3A_2879 = arith.constant 1.000000e+00 : f32
        %sub3A_2880 = vector.broadcast %sub3A_2879 : f32 to vector<16xf32>
        %sub3A_2881 = arith.subf %sub3A_2880, %sub3A_2878 : vector<16xf32>
        %sub3A_2882 = arith.subf %div3A_2853, %select_n3A_2877 : vector<16xf32>
        %sub3A_2883 = arith.constant 1.000000e+00 : f32
        %sub3A_2884 = vector.broadcast %sub3A_2883 : f32 to vector<16xf32>
        %sub3A_2885 = arith.subf %sub3A_2884, %sub3A_2882 : vector<16xf32>
        %jit3A_2886 = arith.constant 0 : i32
        %jit3A_2887 = arith.constant 511 : i32
        %max3A_2888 = vector.broadcast %jit3A_2886 : i32 to vector<16xi32>
        %max3A_2889 = arith.maxsi %max3A_2888, %select_n3A_2862 : vector<16xi32>
        %min3A_2890 = vector.broadcast %jit3A_2887 : i32 to vector<16xi32>
        %min3A_2891 = arith.minsi %min3A_2890, %max3A_2889 : vector<16xi32>
        %add3A_2892 = arith.constant 1 : i32
        %add3A_2893 = vector.broadcast %add3A_2892 : i32 to vector<16xi32>
        %add3A_2894 = arith.addi %select_n3A_2862, %add3A_2893 : vector<16xi32>
        %jit3A_2895 = arith.constant 0 : i32
        %jit3A_2896 = arith.constant 511 : i32
        %max3A_2897 = vector.broadcast %jit3A_2895 : i32 to vector<16xi32>
        %max3A_2898 = arith.maxsi %max3A_2897, %add3A_2894 : vector<16xi32>
        %min3A_2899 = vector.broadcast %jit3A_2896 : i32 to vector<16xi32>
        %min3A_2900 = arith.minsi %min3A_2899, %max3A_2898 : vector<16xi32>
        %jit3A_2901 = arith.constant 0 : i32
        %jit3A_2902 = arith.constant 511 : i32
        %max3A_2903 = vector.broadcast %jit3A_2901 : i32 to vector<16xi32>
        %max3A_2904 = arith.maxsi %max3A_2903, %select_n3A_2867 : vector<16xi32>
        %min3A_2905 = vector.broadcast %jit3A_2902 : i32 to vector<16xi32>
        %min3A_2906 = arith.minsi %min3A_2905, %max3A_2904 : vector<16xi32>
        %add3A_2907 = arith.constant 1 : i32
        %add3A_2908 = vector.broadcast %add3A_2907 : i32 to vector<16xi32>
        %add3A_2909 = arith.addi %select_n3A_2867, %add3A_2908 : vector<16xi32>
        %jit3A_2910 = arith.constant 0 : i32
        %jit3A_2911 = arith.constant 511 : i32
        %max3A_2912 = vector.broadcast %jit3A_2910 : i32 to vector<16xi32>
        %max3A_2913 = arith.maxsi %max3A_2912, %add3A_2909 : vector<16xi32>
        %min3A_2914 = vector.broadcast %jit3A_2911 : i32 to vector<16xi32>
        %min3A_2915 = arith.minsi %min3A_2914, %max3A_2913 : vector<16xi32>
        %mul3A_2916 = arith.constant 512 : i32
        %mul3A_2917 = vector.broadcast %mul3A_2916 : i32 to vector<16xi32>
        %mul3A_2918 = arith.muli %min3A_2906, %mul3A_2917 : vector<16xi32>
        %add3A_2919 = vector.broadcast %mul3A_18 : i32 to vector<16xi32>
        %add3A_2920 = arith.addi %add3A_2919, %mul3A_2918 : vector<16xi32>
        %mul3A_2921 = arith.constant 512 : i32
        %mul3A_2922 = vector.broadcast %mul3A_2921 : i32 to vector<16xi32>
        %mul3A_2923 = arith.muli %min3A_2915, %mul3A_2922 : vector<16xi32>
        %add3A_2924 = vector.broadcast %mul3A_18 : i32 to vector<16xi32>
        %add3A_2925 = arith.addi %add3A_2924, %mul3A_2923 : vector<16xi32>
        %add3A_2926 = arith.addi %add3A_2920, %min3A_2891 : vector<16xi32>
        %swap3A_2927 = arith.constant 16 : index
        %swap3A_2928 = tpu.vector_load %arg8[%swap3A_2927] {strides = array<i32>} : memref<128xi32, #tpu.memory_space<vmem>>, vector<16xi32>,
        tpu.vector_store %arg8[%swap3A_2927], %add3A_2926 {strides = array<i32>} : memref<128xi32, #tpu.memory_space<vmem>>, vector<16xi32>,
        %add3A_2929 = arith.addi %add3A_2920, %min3A_2900 : vector<16xi32>
        %swap3A_2930 = arith.constant 16 : index
        %swap3A_2931 = tpu.vector_load %arg9[%swap3A_2930] {strides = array<i32>} : memref<128xi32, #tpu.memory_space<vmem>>, vector<16xi32>,
        tpu.vector_store %arg9[%swap3A_2930], %add3A_2929 {strides = array<i32>} : memref<128xi32, #tpu.memory_space<vmem>>, vector<16xi32>,
        %add3A_2932 = arith.addi %add3A_2925, %min3A_2891 : vector<16xi32>
        %swap3A_2933 = arith.constant 16 : index
        %swap3A_2934 = tpu.vector_load %arg10[%swap3A_2933] {strides = array<i32>} : memref<128xi32, #tpu.memory_space<vmem>>, vector<16xi32>,
        tpu.vector_store %arg10[%swap3A_2933], %add3A_2932 {strides = array<i32>} : memref<128xi32, #tpu.memory_space<vmem>>, vector<16xi32>,
        %add3A_2935 = arith.addi %add3A_2925, %min3A_2900 : vector<16xi32>
        %swap3A_2936 = arith.constant 16 : index
        %swap3A_2937 = tpu.vector_load %arg11[%swap3A_2936] {strides = array<i32>} : memref<128xi32, #tpu.memory_space<vmem>>, vector<16xi32>,
        tpu.vector_store %arg11[%swap3A_2936], %add3A_2935 {strides = array<i32>} : memref<128xi32, #tpu.memory_space<vmem>>, vector<16xi32>,
        %mul3A_2938 = arith.mulf %sub3A_2885, %sub3A_2881 : vector<16xf32>
        %swap3A_2939 = arith.constant 0 : i32
        %swap3A_2940 = arith.index_cast %swap3A_2939 : i32 to index
        %swap3A_2941 = arith.constant 16 : index
        %swap3A_2942 = tpu.vector_load %arg16[%swap3A_2940, %swap3A_2941] {strides = array<i32>} : memref<4x128xf32, #tpu.memory_space<vmem>>, vector<16xf32>,
        tpu.vector_store %arg16[%swap3A_2940, %swap3A_2941], %mul3A_2938 {strides = array<i32>} : memref<4x128xf32, #tpu.memory_space<vmem>>, vector<16xf32>,
        %mul3A_2943 = arith.mulf %sub3A_2885, %sub3A_2878 : vector<16xf32>
        %swap3A_2944 = arith.constant 1 : i32
        %swap3A_2945 = arith.index_cast %swap3A_2944 : i32 to index
        %swap3A_2946 = arith.constant 16 : index
        %swap3A_2947 = tpu.vector_load %arg16[%swap3A_2945, %swap3A_2946] {strides = array<i32>} : memref<4x128xf32, #tpu.memory_space<vmem>>, vector<16xf32>,
        tpu.vector_store %arg16[%swap3A_2945, %swap3A_2946], %mul3A_2943 {strides = array<i32>} : memref<4x128xf32, #tpu.memory_space<vmem>>, vector<16xf32>,
        %mul3A_2948 = arith.mulf %sub3A_2882, %sub3A_2881 : vector<16xf32>
        %swap3A_2949 = arith.constant 2 : i32
        %swap3A_2950 = arith.index_cast %swap3A_2949 : i32 to index
        %swap3A_2951 = arith.constant 16 : index
        %swap3A_2952 = tpu.vector_load %arg16[%swap3A_2950, %swap3A_2951] {strides = array<i32>} : memref<4x128xf32, #tpu.memory_space<vmem>>, vector<16xf32>,
        tpu.vector_store %arg16[%swap3A_2950, %swap3A_2951], %mul3A_2948 {strides = array<i32>} : memref<4x128xf32, #tpu.memory_space<vmem>>, vector<16xf32>,
        %mul3A_2953 = arith.mulf %sub3A_2882, %sub3A_2878 : vector<16xf32>
        %swap3A_2954 = arith.constant 3 : i32
        %swap3A_2955 = arith.index_cast %swap3A_2954 : i32 to index
        %swap3A_2956 = arith.constant 16 : index
        %swap3A_2957 = tpu.vector_load %arg16[%swap3A_2955, %swap3A_2956] {strides = array<i32>} : memref<4x128xf32, #tpu.memory_space<vmem>>, vector<16xf32>,
        tpu.vector_store %arg16[%swap3A_2955, %swap3A_2956], %mul3A_2953 {strides = array<i32>} : memref<4x128xf32, #tpu.memory_space<vmem>>, vector<16xf32>,
        %add3A_2958 = arith.constant 32 : i32
        %add3A_2959 = arith.addi %mul3A_2649, %add3A_2958 : i32
        %get3A_2960 = arith.index_cast %add3A_2959 : i32 to index
        %get3A_2961 = tpu.vector_load %arg6[%get3A_2960] {strides = array<i32>} : memref<2048xf32, #tpu.memory_space<vmem>>, vector<16xf32>,
        %add3A_2962 = arith.constant 32 : i32
        %add3A_2963 = arith.addi %mul3A_2649, %add3A_2962 : i32
        %get3A_2964 = arith.index_cast %add3A_2963 : i32 to index
        %get3A_2965 = tpu.vector_load %arg7[%get3A_2964] {strides = array<i32>} : memref<2048xf32, #tpu.memory_space<vmem>>, vector<16xf32>,
        %div3A_2966 = arith.constant 5.110000e+02 : f32
        %div3A_2967 = vector.broadcast %div3A_2966 : f32 to vector<16xf32>
        %div3A_2968 = arith.divf %get3A_2961, %div3A_2967 : vector<16xf32>
        %mul3A_2969 = arith.constant 2.000000e+00 : f32
        %mul3A_2970 = vector.broadcast %mul3A_2969 : f32 to vector<16xf32>
        %mul3A_2971 = arith.mulf %div3A_2968, %mul3A_2970 : vector<16xf32>
        %sub3A_2972 = arith.constant 1.000000e+00 : f32
        %sub3A_2973 = vector.broadcast %sub3A_2972 : f32 to vector<16xf32>
        %sub3A_2974 = arith.subf %mul3A_2971, %sub3A_2973 : vector<16xf32>
        %div3A_2975 = arith.constant 5.110000e+02 : f32
        %div3A_2976 = vector.broadcast %div3A_2975 : f32 to vector<16xf32>
        %div3A_2977 = arith.divf %get3A_2965, %div3A_2976 : vector<16xf32>
        %mul3A_2978 = arith.constant 2.000000e+00 : f32
        %mul3A_2979 = vector.broadcast %mul3A_2978 : f32 to vector<16xf32>
        %mul3A_2980 = arith.mulf %div3A_2977, %mul3A_2979 : vector<16xf32>
        %sub3A_2981 = arith.constant 1.000000e+00 : f32
        %sub3A_2982 = vector.broadcast %sub3A_2981 : f32 to vector<16xf32>
        %sub3A_2983 = arith.subf %mul3A_2980, %sub3A_2982 : vector<16xf32>
        %add3A_2984 = arith.constant 1.000000e+00 : f32
        %add3A_2985 = vector.broadcast %add3A_2984 : f32 to vector<16xf32>
        %add3A_2986 = arith.addf %sub3A_2974, %add3A_2985 : vector<16xf32>
        %mul3A_2987 = arith.constant 5.120000e+02 : f32
        %mul3A_2988 = vector.broadcast %mul3A_2987 : f32 to vector<16xf32>
        %mul3A_2989 = arith.mulf %add3A_2986, %mul3A_2988 : vector<16xf32>
        %sub3A_2990 = arith.constant 1.000000e+00 : f32
        %sub3A_2991 = vector.broadcast %sub3A_2990 : f32 to vector<16xf32>
        %sub3A_2992 = arith.subf %mul3A_2989, %sub3A_2991 : vector<16xf32>
        %div3A_2993 = arith.constant 2.000000e+00 : f32
        %div3A_2994 = vector.broadcast %div3A_2993 : f32 to vector<16xf32>
        %div3A_2995 = arith.divf %sub3A_2992, %div3A_2994 : vector<16xf32>
        %add3A_2996 = arith.constant 1.000000e+00 : f32
        %add3A_2997 = vector.broadcast %add3A_2996 : f32 to vector<16xf32>
        %add3A_2998 = arith.addf %sub3A_2983, %add3A_2997 : vector<16xf32>
        %mul3A_2999 = arith.constant 5.120000e+02 : f32
        %mul3A_3000 = vector.broadcast %mul3A_2999 : f32 to vector<16xf32>
        %mul3A_3001 = arith.mulf %add3A_2998, %mul3A_3000 : vector<16xf32>
        %sub3A_3002 = arith.constant 1.000000e+00 : f32
        %sub3A_3003 = vector.broadcast %sub3A_3002 : f32 to vector<16xf32>
        %sub3A_3004 = arith.subf %mul3A_3001, %sub3A_3003 : vector<16xf32>
        %div3A_3005 = arith.constant 2.000000e+00 : f32
        %div3A_3006 = vector.broadcast %div3A_3005 : f32 to vector<16xf32>
        %div3A_3007 = arith.divf %sub3A_3004, %div3A_3006 : vector<16xf32>
        %convert_element_type3A_3008 = arith.fptosi %div3A_2995 : vector<16xf32> to vector<16xi32>
        %convert_element_type3A_3009 = arith.fptosi %div3A_3007 : vector<16xf32> to vector<16xi32>
        %convert_element_type3A_3010 = arith.sitofp %convert_element_type3A_3008 : vector<16xi32> to vector<16xf32>
        %convert_element_type3A_3011 = arith.sitofp %convert_element_type3A_3009 : vector<16xi32> to vector<16xf32>
        %gt3A_3012 = arith.cmpf ogt, %convert_element_type3A_3010, %div3A_2995 : vector<16xf32>
        %sub3A_3013 = arith.constant 1 : i32
        %sub3A_3014 = vector.broadcast %sub3A_3013 : i32 to vector<16xi32>
        %sub3A_3015 = arith.subi %convert_element_type3A_3008, %sub3A_3014 : vector<16xi32>
        %select_n3A_3016 = arith.select %gt3A_3012, %sub3A_3015, %convert_element_type3A_3008 : vector<16xi1>, vector<16xi32>
        %gt3A_3017 = arith.cmpf ogt, %convert_element_type3A_3011, %div3A_3007 : vector<16xf32>
        %sub3A_3018 = arith.constant 1 : i32
        %sub3A_3019 = vector.broadcast %sub3A_3018 : i32 to vector<16xi32>
        %sub3A_3020 = arith.subi %convert_element_type3A_3009, %sub3A_3019 : vector<16xi32>
        %select_n3A_3021 = arith.select %gt3A_3017, %sub3A_3020, %convert_element_type3A_3009 : vector<16xi1>, vector<16xi32>
        %gt3A_3022 = arith.cmpf ogt, %convert_element_type3A_3010, %div3A_2995 : vector<16xf32>
        %sub3A_3023 = arith.constant 1.000000e+00 : f32
        %sub3A_3024 = vector.broadcast %sub3A_3023 : f32 to vector<16xf32>
        %sub3A_3025 = arith.subf %convert_element_type3A_3010, %sub3A_3024 : vector<16xf32>
        %select_n3A_3026 = arith.select %gt3A_3022, %sub3A_3025, %convert_element_type3A_3010 : vector<16xi1>, vector<16xf32>
        %gt3A_3027 = arith.cmpf ogt, %convert_element_type3A_3011, %div3A_3007 : vector<16xf32>
        %sub3A_3028 = arith.constant 1.000000e+00 : f32
        %sub3A_3029 = vector.broadcast %sub3A_3028 : f32 to vector<16xf32>
        %sub3A_3030 = arith.subf %convert_element_type3A_3011, %sub3A_3029 : vector<16xf32>
        %select_n3A_3031 = arith.select %gt3A_3027, %sub3A_3030, %convert_element_type3A_3011 : vector<16xi1>, vector<16xf32>
        %sub3A_3032 = arith.subf %div3A_2995, %select_n3A_3026 : vector<16xf32>
        %sub3A_3033 = arith.constant 1.000000e+00 : f32
        %sub3A_3034 = vector.broadcast %sub3A_3033 : f32 to vector<16xf32>
        %sub3A_3035 = arith.subf %sub3A_3034, %sub3A_3032 : vector<16xf32>
        %sub3A_3036 = arith.subf %div3A_3007, %select_n3A_3031 : vector<16xf32>
        %sub3A_3037 = arith.constant 1.000000e+00 : f32
        %sub3A_3038 = vector.broadcast %sub3A_3037 : f32 to vector<16xf32>
        %sub3A_3039 = arith.subf %sub3A_3038, %sub3A_3036 : vector<16xf32>
        %jit3A_3040 = arith.constant 0 : i32
        %jit3A_3041 = arith.constant 511 : i32
        %max3A_3042 = vector.broadcast %jit3A_3040 : i32 to vector<16xi32>
        %max3A_3043 = arith.maxsi %max3A_3042, %select_n3A_3016 : vector<16xi32>
        %min3A_3044 = vector.broadcast %jit3A_3041 : i32 to vector<16xi32>
        %min3A_3045 = arith.minsi %min3A_3044, %max3A_3043 : vector<16xi32>
        %add3A_3046 = arith.constant 1 : i32
        %add3A_3047 = vector.broadcast %add3A_3046 : i32 to vector<16xi32>
        %add3A_3048 = arith.addi %select_n3A_3016, %add3A_3047 : vector<16xi32>
        %jit3A_3049 = arith.constant 0 : i32
        %jit3A_3050 = arith.constant 511 : i32
        %max3A_3051 = vector.broadcast %jit3A_3049 : i32 to vector<16xi32>
        %max3A_3052 = arith.maxsi %max3A_3051, %add3A_3048 : vector<16xi32>
        %min3A_3053 = vector.broadcast %jit3A_3050 : i32 to vector<16xi32>
        %min3A_3054 = arith.minsi %min3A_3053, %max3A_3052 : vector<16xi32>
        %jit3A_3055 = arith.constant 0 : i32
        %jit3A_3056 = arith.constant 511 : i32
        %max3A_3057 = vector.broadcast %jit3A_3055 : i32 to vector<16xi32>
        %max3A_3058 = arith.maxsi %max3A_3057, %select_n3A_3021 : vector<16xi32>
        %min3A_3059 = vector.broadcast %jit3A_3056 : i32 to vector<16xi32>
        %min3A_3060 = arith.minsi %min3A_3059, %max3A_3058 : vector<16xi32>
        %add3A_3061 = arith.constant 1 : i32
        %add3A_3062 = vector.broadcast %add3A_3061 : i32 to vector<16xi32>
        %add3A_3063 = arith.addi %select_n3A_3021, %add3A_3062 : vector<16xi32>
        %jit3A_3064 = arith.constant 0 : i32
        %jit3A_3065 = arith.constant 511 : i32
        %max3A_3066 = vector.broadcast %jit3A_3064 : i32 to vector<16xi32>
        %max3A_3067 = arith.maxsi %max3A_3066, %add3A_3063 : vector<16xi32>
        %min3A_3068 = vector.broadcast %jit3A_3065 : i32 to vector<16xi32>
        %min3A_3069 = arith.minsi %min3A_3068, %max3A_3067 : vector<16xi32>
        %mul3A_3070 = arith.constant 512 : i32
        %mul3A_3071 = vector.broadcast %mul3A_3070 : i32 to vector<16xi32>
        %mul3A_3072 = arith.muli %min3A_3060, %mul3A_3071 : vector<16xi32>
        %add3A_3073 = vector.broadcast %mul3A_18 : i32 to vector<16xi32>
        %add3A_3074 = arith.addi %add3A_3073, %mul3A_3072 : vector<16xi32>
        %mul3A_3075 = arith.constant 512 : i32
        %mul3A_3076 = vector.broadcast %mul3A_3075 : i32 to vector<16xi32>
        %mul3A_3077 = arith.muli %min3A_3069, %mul3A_3076 : vector<16xi32>
        %add3A_3078 = vector.broadcast %mul3A_18 : i32 to vector<16xi32>
        %add3A_3079 = arith.addi %add3A_3078, %mul3A_3077 : vector<16xi32>
        %add3A_3080 = arith.addi %add3A_3074, %min3A_3045 : vector<16xi32>
        %swap3A_3081 = arith.constant 32 : index
        %swap3A_3082 = tpu.vector_load %arg8[%swap3A_3081] {strides = array<i32>} : memref<128xi32, #tpu.memory_space<vmem>>, vector<16xi32>,
        tpu.vector_store %arg8[%swap3A_3081], %add3A_3080 {strides = array<i32>} : memref<128xi32, #tpu.memory_space<vmem>>, vector<16xi32>,
        %add3A_3083 = arith.addi %add3A_3074, %min3A_3054 : vector<16xi32>
        %swap3A_3084 = arith.constant 32 : index
        %swap3A_3085 = tpu.vector_load %arg9[%swap3A_3084] {strides = array<i32>} : memref<128xi32, #tpu.memory_space<vmem>>, vector<16xi32>,
        tpu.vector_store %arg9[%swap3A_3084], %add3A_3083 {strides = array<i32>} : memref<128xi32, #tpu.memory_space<vmem>>, vector<16xi32>,
        %add3A_3086 = arith.addi %add3A_3079, %min3A_3045 : vector<16xi32>
        %swap3A_3087 = arith.constant 32 : index
        %swap3A_3088 = tpu.vector_load %arg10[%swap3A_3087] {strides = array<i32>} : memref<128xi32, #tpu.memory_space<vmem>>, vector<16xi32>,
        tpu.vector_store %arg10[%swap3A_3087], %add3A_3086 {strides = array<i32>} : memref<128xi32, #tpu.memory_space<vmem>>, vector<16xi32>,
        %add3A_3089 = arith.addi %add3A_3079, %min3A_3054 : vector<16xi32>
        %swap3A_3090 = arith.constant 32 : index
        %swap3A_3091 = tpu.vector_load %arg11[%swap3A_3090] {strides = array<i32>} : memref<128xi32, #tpu.memory_space<vmem>>, vector<16xi32>,
        tpu.vector_store %arg11[%swap3A_3090], %add3A_3089 {strides = array<i32>} : memref<128xi32, #tpu.memory_space<vmem>>, vector<16xi32>,
        %mul3A_3092 = arith.mulf %sub3A_3039, %sub3A_3035 : vector<16xf32>
        %swap3A_3093 = arith.constant 0 : i32
        %swap3A_3094 = arith.index_cast %swap3A_3093 : i32 to index
        %swap3A_3095 = arith.constant 32 : index
        %swap3A_3096 = tpu.vector_load %arg16[%swap3A_3094, %swap3A_3095] {strides = array<i32>} : memref<4x128xf32, #tpu.memory_space<vmem>>, vector<16xf32>,
        tpu.vector_store %arg16[%swap3A_3094, %swap3A_3095], %mul3A_3092 {strides = array<i32>} : memref<4x128xf32, #tpu.memory_space<vmem>>, vector<16xf32>,
        %mul3A_3097 = arith.mulf %sub3A_3039, %sub3A_3032 : vector<16xf32>
        %swap3A_3098 = arith.constant 1 : i32
        %swap3A_3099 = arith.index_cast %swap3A_3098 : i32 to index
        %swap3A_3100 = arith.constant 32 : index
        %swap3A_3101 = tpu.vector_load %arg16[%swap3A_3099, %swap3A_3100] {strides = array<i32>} : memref<4x128xf32, #tpu.memory_space<vmem>>, vector<16xf32>,
        tpu.vector_store %arg16[%swap3A_3099, %swap3A_3100], %mul3A_3097 {strides = array<i32>} : memref<4x128xf32, #tpu.memory_space<vmem>>, vector<16xf32>,
        %mul3A_3102 = arith.mulf %sub3A_3036, %sub3A_3035 : vector<16xf32>
        %swap3A_3103 = arith.constant 2 : i32
        %swap3A_3104 = arith.index_cast %swap3A_3103 : i32 to index
        %swap3A_3105 = arith.constant 32 : index
        %swap3A_3106 = tpu.vector_load %arg16[%swap3A_3104, %swap3A_3105] {strides = array<i32>} : memref<4x128xf32, #tpu.memory_space<vmem>>, vector<16xf32>,
        tpu.vector_store %arg16[%swap3A_3104, %swap3A_3105], %mul3A_3102 {strides = array<i32>} : memref<4x128xf32, #tpu.memory_space<vmem>>, vector<16xf32>,
        %mul3A_3107 = arith.mulf %sub3A_3036, %sub3A_3032 : vector<16xf32>
        %swap3A_3108 = arith.constant 3 : i32
        %swap3A_3109 = arith.index_cast %swap3A_3108 : i32 to index
        %swap3A_3110 = arith.constant 32 : index
        %swap3A_3111 = tpu.vector_load %arg16[%swap3A_3109, %swap3A_3110] {strides = array<i32>} : memref<4x128xf32, #tpu.memory_space<vmem>>, vector<16xf32>,
        tpu.vector_store %arg16[%swap3A_3109, %swap3A_3110], %mul3A_3107 {strides = array<i32>} : memref<4x128xf32, #tpu.memory_space<vmem>>, vector<16xf32>,
        %add3A_3112 = arith.constant 48 : i32
        %add3A_3113 = arith.addi %mul3A_2649, %add3A_3112 : i32
        %get3A_3114 = arith.index_cast %add3A_3113 : i32 to index
        %get3A_3115 = tpu.vector_load %arg6[%get3A_3114] {strides = array<i32>} : memref<2048xf32, #tpu.memory_space<vmem>>, vector<16xf32>,
        %add3A_3116 = arith.constant 48 : i32
        %add3A_3117 = arith.addi %mul3A_2649, %add3A_3116 : i32
        %get3A_3118 = arith.index_cast %add3A_3117 : i32 to index
        %get3A_3119 = tpu.vector_load %arg7[%get3A_3118] {strides = array<i32>} : memref<2048xf32, #tpu.memory_space<vmem>>, vector<16xf32>,
        %div3A_3120 = arith.constant 5.110000e+02 : f32
        %div3A_3121 = vector.broadcast %div3A_3120 : f32 to vector<16xf32>
        %div3A_3122 = arith.divf %get3A_3115, %div3A_3121 : vector<16xf32>
        %mul3A_3123 = arith.constant 2.000000e+00 : f32
        %mul3A_3124 = vector.broadcast %mul3A_3123 : f32 to vector<16xf32>
        %mul3A_3125 = arith.mulf %div3A_3122, %mul3A_3124 : vector<16xf32>
        %sub3A_3126 = arith.constant 1.000000e+00 : f32
        %sub3A_3127 = vector.broadcast %sub3A_3126 : f32 to vector<16xf32>
        %sub3A_3128 = arith.subf %mul3A_3125, %sub3A_3127 : vector<16xf32>
        %div3A_3129 = arith.constant 5.110000e+02 : f32
        %div3A_3130 = vector.broadcast %div3A_3129 : f32 to vector<16xf32>
        %div3A_3131 = arith.divf %get3A_3119, %div3A_3130 : vector<16xf32>
        %mul3A_3132 = arith.constant 2.000000e+00 : f32
        %mul3A_3133 = vector.broadcast %mul3A_3132 : f32 to vector<16xf32>
        %mul3A_3134 = arith.mulf %div3A_3131, %mul3A_3133 : vector<16xf32>
        %sub3A_3135 = arith.constant 1.000000e+00 : f32
        %sub3A_3136 = vector.broadcast %sub3A_3135 : f32 to vector<16xf32>
        %sub3A_3137 = arith.subf %mul3A_3134, %sub3A_3136 : vector<16xf32>
        %add3A_3138 = arith.constant 1.000000e+00 : f32
        %add3A_3139 = vector.broadcast %add3A_3138 : f32 to vector<16xf32>
        %add3A_3140 = arith.addf %sub3A_3128, %add3A_3139 : vector<16xf32>
        %mul3A_3141 = arith.constant 5.120000e+02 : f32
        %mul3A_3142 = vector.broadcast %mul3A_3141 : f32 to vector<16xf32>
        %mul3A_3143 = arith.mulf %add3A_3140, %mul3A_3142 : vector<16xf32>
        %sub3A_3144 = arith.constant 1.000000e+00 : f32
        %sub3A_3145 = vector.broadcast %sub3A_3144 : f32 to vector<16xf32>
        %sub3A_3146 = arith.subf %mul3A_3143, %sub3A_3145 : vector<16xf32>
        %div3A_3147 = arith.constant 2.000000e+00 : f32
        %div3A_3148 = vector.broadcast %div3A_3147 : f32 to vector<16xf32>
        %div3A_3149 = arith.divf %sub3A_3146, %div3A_3148 : vector<16xf32>
        %add3A_3150 = arith.constant 1.000000e+00 : f32
        %add3A_3151 = vector.broadcast %add3A_3150 : f32 to vector<16xf32>
        %add3A_3152 = arith.addf %sub3A_3137, %add3A_3151 : vector<16xf32>
        %mul3A_3153 = arith.constant 5.120000e+02 : f32
        %mul3A_3154 = vector.broadcast %mul3A_3153 : f32 to vector<16xf32>
        %mul3A_3155 = arith.mulf %add3A_3152, %mul3A_3154 : vector<16xf32>
        %sub3A_3156 = arith.constant 1.000000e+00 : f32
        %sub3A_3157 = vector.broadcast %sub3A_3156 : f32 to vector<16xf32>
        %sub3A_3158 = arith.subf %mul3A_3155, %sub3A_3157 : vector<16xf32>
        %div3A_3159 = arith.constant 2.000000e+00 : f32
        %div3A_3160 = vector.broadcast %div3A_3159 : f32 to vector<16xf32>
        %div3A_3161 = arith.divf %sub3A_3158, %div3A_3160 : vector<16xf32>
        %convert_element_type3A_3162 = arith.fptosi %div3A_3149 : vector<16xf32> to vector<16xi32>
        %convert_element_type3A_3163 = arith.fptosi %div3A_3161 : vector<16xf32> to vector<16xi32>
        %convert_element_type3A_3164 = arith.sitofp %convert_element_type3A_3162 : vector<16xi32> to vector<16xf32>
        %convert_element_type3A_3165 = arith.sitofp %convert_element_type3A_3163 : vector<16xi32> to vector<16xf32>
        %gt3A_3166 = arith.cmpf ogt, %convert_element_type3A_3164, %div3A_3149 : vector<16xf32>
        %sub3A_3167 = arith.constant 1 : i32
        %sub3A_3168 = vector.broadcast %sub3A_3167 : i32 to vector<16xi32>
        %sub3A_3169 = arith.subi %convert_element_type3A_3162, %sub3A_3168 : vector<16xi32>
        %select_n3A_3170 = arith.select %gt3A_3166, %sub3A_3169, %convert_element_type3A_3162 : vector<16xi1>, vector<16xi32>
        %gt3A_3171 = arith.cmpf ogt, %convert_element_type3A_3165, %div3A_3161 : vector<16xf32>
        %sub3A_3172 = arith.constant 1 : i32
        %sub3A_3173 = vector.broadcast %sub3A_3172 : i32 to vector<16xi32>
        %sub3A_3174 = arith.subi %convert_element_type3A_3163, %sub3A_3173 : vector<16xi32>
        %select_n3A_3175 = arith.select %gt3A_3171, %sub3A_3174, %convert_element_type3A_3163 : vector<16xi1>, vector<16xi32>
        %gt3A_3176 = arith.cmpf ogt, %convert_element_type3A_3164, %div3A_3149 : vector<16xf32>
        %sub3A_3177 = arith.constant 1.000000e+00 : f32
        %sub3A_3178 = vector.broadcast %sub3A_3177 : f32 to vector<16xf32>
        %sub3A_3179 = arith.subf %convert_element_type3A_3164, %sub3A_3178 : vector<16xf32>
        %select_n3A_3180 = arith.select %gt3A_3176, %sub3A_3179, %convert_element_type3A_3164 : vector<16xi1>, vector<16xf32>
        %gt3A_3181 = arith.cmpf ogt, %convert_element_type3A_3165, %div3A_3161 : vector<16xf32>
        %sub3A_3182 = arith.constant 1.000000e+00 : f32
        %sub3A_3183 = vector.broadcast %sub3A_3182 : f32 to vector<16xf32>
        %sub3A_3184 = arith.subf %convert_element_type3A_3165, %sub3A_3183 : vector<16xf32>
        %select_n3A_3185 = arith.select %gt3A_3181, %sub3A_3184, %convert_element_type3A_3165 : vector<16xi1>, vector<16xf32>
        %sub3A_3186 = arith.subf %div3A_3149, %select_n3A_3180 : vector<16xf32>
        %sub3A_3187 = arith.constant 1.000000e+00 : f32
        %sub3A_3188 = vector.broadcast %sub3A_3187 : f32 to vector<16xf32>
        %sub3A_3189 = arith.subf %sub3A_3188, %sub3A_3186 : vector<16xf32>
        %sub3A_3190 = arith.subf %div3A_3161, %select_n3A_3185 : vector<16xf32>
        %sub3A_3191 = arith.constant 1.000000e+00 : f32
        %sub3A_3192 = vector.broadcast %sub3A_3191 : f32 to vector<16xf32>
        %sub3A_3193 = arith.subf %sub3A_3192, %sub3A_3190 : vector<16xf32>
        %jit3A_3194 = arith.constant 0 : i32
        %jit3A_3195 = arith.constant 511 : i32
        %max3A_3196 = vector.broadcast %jit3A_3194 : i32 to vector<16xi32>
        %max3A_3197 = arith.maxsi %max3A_3196, %select_n3A_3170 : vector<16xi32>
        %min3A_3198 = vector.broadcast %jit3A_3195 : i32 to vector<16xi32>
        %min3A_3199 = arith.minsi %min3A_3198, %max3A_3197 : vector<16xi32>
        %add3A_3200 = arith.constant 1 : i32
        %add3A_3201 = vector.broadcast %add3A_3200 : i32 to vector<16xi32>
        %add3A_3202 = arith.addi %select_n3A_3170, %add3A_3201 : vector<16xi32>
        %jit3A_3203 = arith.constant 0 : i32
        %jit3A_3204 = arith.constant 511 : i32
        %max3A_3205 = vector.broadcast %jit3A_3203 : i32 to vector<16xi32>
        %max3A_3206 = arith.maxsi %max3A_3205, %add3A_3202 : vector<16xi32>
        %min3A_3207 = vector.broadcast %jit3A_3204 : i32 to vector<16xi32>
        %min3A_3208 = arith.minsi %min3A_3207, %max3A_3206 : vector<16xi32>
        %jit3A_3209 = arith.constant 0 : i32
        %jit3A_3210 = arith.constant 511 : i32
        %max3A_3211 = vector.broadcast %jit3A_3209 : i32 to vector<16xi32>
        %max3A_3212 = arith.maxsi %max3A_3211, %select_n3A_3175 : vector<16xi32>
        %min3A_3213 = vector.broadcast %jit3A_3210 : i32 to vector<16xi32>
        %min3A_3214 = arith.minsi %min3A_3213, %max3A_3212 : vector<16xi32>
        %add3A_3215 = arith.constant 1 : i32
        %add3A_3216 = vector.broadcast %add3A_3215 : i32 to vector<16xi32>
        %add3A_3217 = arith.addi %select_n3A_3175, %add3A_3216 : vector<16xi32>
        %jit3A_3218 = arith.constant 0 : i32
        %jit3A_3219 = arith.constant 511 : i32
        %max3A_3220 = vector.broadcast %jit3A_3218 : i32 to vector<16xi32>
        %max3A_3221 = arith.maxsi %max3A_3220, %add3A_3217 : vector<16xi32>
        %min3A_3222 = vector.broadcast %jit3A_3219 : i32 to vector<16xi32>
        %min3A_3223 = arith.minsi %min3A_3222, %max3A_3221 : vector<16xi32>
        %mul3A_3224 = arith.constant 512 : i32
        %mul3A_3225 = vector.broadcast %mul3A_3224 : i32 to vector<16xi32>
        %mul3A_3226 = arith.muli %min3A_3214, %mul3A_3225 : vector<16xi32>
        %add3A_3227 = vector.broadcast %mul3A_18 : i32 to vector<16xi32>
        %add3A_3228 = arith.addi %add3A_3227, %mul3A_3226 : vector<16xi32>
        %mul3A_3229 = arith.constant 512 : i32
        %mul3A_3230 = vector.broadcast %mul3A_3229 : i32 to vector<16xi32>
        %mul3A_3231 = arith.muli %min3A_3223, %mul3A_3230 : vector<16xi32>
        %add3A_3232 = vector.broadcast %mul3A_18 : i32 to vector<16xi32>
        %add3A_3233 = arith.addi %add3A_3232, %mul3A_3231 : vector<16xi32>
        %add3A_3234 = arith.addi %add3A_3228, %min3A_3199 : vector<16xi32>
        %swap3A_3235 = arith.constant 48 : index
        %swap3A_3236 = tpu.vector_load %arg8[%swap3A_3235] {strides = array<i32>} : memref<128xi32, #tpu.memory_space<vmem>>, vector<16xi32>,
        tpu.vector_store %arg8[%swap3A_3235], %add3A_3234 {strides = array<i32>} : memref<128xi32, #tpu.memory_space<vmem>>, vector<16xi32>,
        %add3A_3237 = arith.addi %add3A_3228, %min3A_3208 : vector<16xi32>
        %swap3A_3238 = arith.constant 48 : index
        %swap3A_3239 = tpu.vector_load %arg9[%swap3A_3238] {strides = array<i32>} : memref<128xi32, #tpu.memory_space<vmem>>, vector<16xi32>,
        tpu.vector_store %arg9[%swap3A_3238], %add3A_3237 {strides = array<i32>} : memref<128xi32, #tpu.memory_space<vmem>>, vector<16xi32>,
        %add3A_3240 = arith.addi %add3A_3233, %min3A_3199 : vector<16xi32>
        %swap3A_3241 = arith.constant 48 : index
        %swap3A_3242 = tpu.vector_load %arg10[%swap3A_3241] {strides = array<i32>} : memref<128xi32, #tpu.memory_space<vmem>>, vector<16xi32>,
        tpu.vector_store %arg10[%swap3A_3241], %add3A_3240 {strides = array<i32>} : memref<128xi32, #tpu.memory_space<vmem>>, vector<16xi32>,
        %add3A_3243 = arith.addi %add3A_3233, %min3A_3208 : vector<16xi32>
        %swap3A_3244 = arith.constant 48 : index
        %swap3A_3245 = tpu.vector_load %arg11[%swap3A_3244] {strides = array<i32>} : memref<128xi32, #tpu.memory_space<vmem>>, vector<16xi32>,
        tpu.vector_store %arg11[%swap3A_3244], %add3A_3243 {strides = array<i32>} : memref<128xi32, #tpu.memory_space<vmem>>, vector<16xi32>,
        %mul3A_3246 = arith.mulf %sub3A_3193, %sub3A_3189 : vector<16xf32>
        %swap3A_3247 = arith.constant 0 : i32
        %swap3A_3248 = arith.index_cast %swap3A_3247 : i32 to index
        %swap3A_3249 = arith.constant 48 : index
        %swap3A_3250 = tpu.vector_load %arg16[%swap3A_3248, %swap3A_3249] {strides = array<i32>} : memref<4x128xf32, #tpu.memory_space<vmem>>, vector<16xf32>,
        tpu.vector_store %arg16[%swap3A_3248, %swap3A_3249], %mul3A_3246 {strides = array<i32>} : memref<4x128xf32, #tpu.memory_space<vmem>>, vector<16xf32>,
        %mul3A_3251 = arith.mulf %sub3A_3193, %sub3A_3186 : vector<16xf32>
        %swap3A_3252 = arith.constant 1 : i32
        %swap3A_3253 = arith.index_cast %swap3A_3252 : i32 to index
        %swap3A_3254 = arith.constant 48 : index
        %swap3A_3255 = tpu.vector_load %arg16[%swap3A_3253, %swap3A_3254] {strides = array<i32>} : memref<4x128xf32, #tpu.memory_space<vmem>>, vector<16xf32>,
        tpu.vector_store %arg16[%swap3A_3253, %swap3A_3254], %mul3A_3251 {strides = array<i32>} : memref<4x128xf32, #tpu.memory_space<vmem>>, vector<16xf32>,
        %mul3A_3256 = arith.mulf %sub3A_3190, %sub3A_3189 : vector<16xf32>
        %swap3A_3257 = arith.constant 2 : i32
        %swap3A_3258 = arith.index_cast %swap3A_3257 : i32 to index
        %swap3A_3259 = arith.constant 48 : index
        %swap3A_3260 = tpu.vector_load %arg16[%swap3A_3258, %swap3A_3259] {strides = array<i32>} : memref<4x128xf32, #tpu.memory_space<vmem>>, vector<16xf32>,
        tpu.vector_store %arg16[%swap3A_3258, %swap3A_3259], %mul3A_3256 {strides = array<i32>} : memref<4x128xf32, #tpu.memory_space<vmem>>, vector<16xf32>,
        %mul3A_3261 = arith.mulf %sub3A_3190, %sub3A_3186 : vector<16xf32>
        %swap3A_3262 = arith.constant 3 : i32
        %swap3A_3263 = arith.index_cast %swap3A_3262 : i32 to index
        %swap3A_3264 = arith.constant 48 : index
        %swap3A_3265 = tpu.vector_load %arg16[%swap3A_3263, %swap3A_3264] {strides = array<i32>} : memref<4x128xf32, #tpu.memory_space<vmem>>, vector<16xf32>,
        tpu.vector_store %arg16[%swap3A_3263, %swap3A_3264], %mul3A_3261 {strides = array<i32>} : memref<4x128xf32, #tpu.memory_space<vmem>>, vector<16xf32>,
        %add3A_3266 = arith.constant 64 : i32
        %add3A_3267 = arith.addi %mul3A_2649, %add3A_3266 : i32
        %get3A_3268 = arith.index_cast %add3A_3267 : i32 to index
        %get3A_3269 = tpu.vector_load %arg6[%get3A_3268] {strides = array<i32>} : memref<2048xf32, #tpu.memory_space<vmem>>, vector<16xf32>,
        %add3A_3270 = arith.constant 64 : i32
        %add3A_3271 = arith.addi %mul3A_2649, %add3A_3270 : i32
        %get3A_3272 = arith.index_cast %add3A_3271 : i32 to index
        %get3A_3273 = tpu.vector_load %arg7[%get3A_3272] {strides = array<i32>} : memref<2048xf32, #tpu.memory_space<vmem>>, vector<16xf32>,
        %div3A_3274 = arith.constant 5.110000e+02 : f32
        %div3A_3275 = vector.broadcast %div3A_3274 : f32 to vector<16xf32>
        %div3A_3276 = arith.divf %get3A_3269, %div3A_3275 : vector<16xf32>
        %mul3A_3277 = arith.constant 2.000000e+00 : f32
        %mul3A_3278 = vector.broadcast %mul3A_3277 : f32 to vector<16xf32>
        %mul3A_3279 = arith.mulf %div3A_3276, %mul3A_3278 : vector<16xf32>
        %sub3A_3280 = arith.constant 1.000000e+00 : f32
        %sub3A_3281 = vector.broadcast %sub3A_3280 : f32 to vector<16xf32>
        %sub3A_3282 = arith.subf %mul3A_3279, %sub3A_3281 : vector<16xf32>
        %div3A_3283 = arith.constant 5.110000e+02 : f32
        %div3A_3284 = vector.broadcast %div3A_3283 : f32 to vector<16xf32>
        %div3A_3285 = arith.divf %get3A_3273, %div3A_3284 : vector<16xf32>
        %mul3A_3286 = arith.constant 2.000000e+00 : f32
        %mul3A_3287 = vector.broadcast %mul3A_3286 : f32 to vector<16xf32>
        %mul3A_3288 = arith.mulf %div3A_3285, %mul3A_3287 : vector<16xf32>
        %sub3A_3289 = arith.constant 1.000000e+00 : f32
        %sub3A_3290 = vector.broadcast %sub3A_3289 : f32 to vector<16xf32>
        %sub3A_3291 = arith.subf %mul3A_3288, %sub3A_3290 : vector<16xf32>
        %add3A_3292 = arith.constant 1.000000e+00 : f32
        %add3A_3293 = vector.broadcast %add3A_3292 : f32 to vector<16xf32>
        %add3A_3294 = arith.addf %sub3A_3282, %add3A_3293 : vector<16xf32>
        %mul3A_3295 = arith.constant 5.120000e+02 : f32
        %mul3A_3296 = vector.broadcast %mul3A_3295 : f32 to vector<16xf32>
        %mul3A_3297 = arith.mulf %add3A_3294, %mul3A_3296 : vector<16xf32>
        %sub3A_3298 = arith.constant 1.000000e+00 : f32
        %sub3A_3299 = vector.broadcast %sub3A_3298 : f32 to vector<16xf32>
        %sub3A_3300 = arith.subf %mul3A_3297, %sub3A_3299 : vector<16xf32>
        %div3A_3301 = arith.constant 2.000000e+00 : f32
        %div3A_3302 = vector.broadcast %div3A_3301 : f32 to vector<16xf32>
        %div3A_3303 = arith.divf %sub3A_3300, %div3A_3302 : vector<16xf32>
        %add3A_3304 = arith.constant 1.000000e+00 : f32
        %add3A_3305 = vector.broadcast %add3A_3304 : f32 to vector<16xf32>
        %add3A_3306 = arith.addf %sub3A_3291, %add3A_3305 : vector<16xf32>
        %mul3A_3307 = arith.constant 5.120000e+02 : f32
        %mul3A_3308 = vector.broadcast %mul3A_3307 : f32 to vector<16xf32>
        %mul3A_3309 = arith.mulf %add3A_3306, %mul3A_3308 : vector<16xf32>
        %sub3A_3310 = arith.constant 1.000000e+00 : f32
        %sub3A_3311 = vector.broadcast %sub3A_3310 : f32 to vector<16xf32>
        %sub3A_3312 = arith.subf %mul3A_3309, %sub3A_3311 : vector<16xf32>
        %div3A_3313 = arith.constant 2.000000e+00 : f32
        %div3A_3314 = vector.broadcast %div3A_3313 : f32 to vector<16xf32>
        %div3A_3315 = arith.divf %sub3A_3312, %div3A_3314 : vector<16xf32>
        %convert_element_type3A_3316 = arith.fptosi %div3A_3303 : vector<16xf32> to vector<16xi32>
        %convert_element_type3A_3317 = arith.fptosi %div3A_3315 : vector<16xf32> to vector<16xi32>
        %convert_element_type3A_3318 = arith.sitofp %convert_element_type3A_3316 : vector<16xi32> to vector<16xf32>
        %convert_element_type3A_3319 = arith.sitofp %convert_element_type3A_3317 : vector<16xi32> to vector<16xf32>
        %gt3A_3320 = arith.cmpf ogt, %convert_element_type3A_3318, %div3A_3303 : vector<16xf32>
        %sub3A_3321 = arith.constant 1 : i32
        %sub3A_3322 = vector.broadcast %sub3A_3321 : i32 to vector<16xi32>
        %sub3A_3323 = arith.subi %convert_element_type3A_3316, %sub3A_3322 : vector<16xi32>
        %select_n3A_3324 = arith.select %gt3A_3320, %sub3A_3323, %convert_element_type3A_3316 : vector<16xi1>, vector<16xi32>
        %gt3A_3325 = arith.cmpf ogt, %convert_element_type3A_3319, %div3A_3315 : vector<16xf32>
        %sub3A_3326 = arith.constant 1 : i32
        %sub3A_3327 = vector.broadcast %sub3A_3326 : i32 to vector<16xi32>
        %sub3A_3328 = arith.subi %convert_element_type3A_3317, %sub3A_3327 : vector<16xi32>
        %select_n3A_3329 = arith.select %gt3A_3325, %sub3A_3328, %convert_element_type3A_3317 : vector<16xi1>, vector<16xi32>
        %gt3A_3330 = arith.cmpf ogt, %convert_element_type3A_3318, %div3A_3303 : vector<16xf32>
        %sub3A_3331 = arith.constant 1.000000e+00 : f32
        %sub3A_3332 = vector.broadcast %sub3A_3331 : f32 to vector<16xf32>
        %sub3A_3333 = arith.subf %convert_element_type3A_3318, %sub3A_3332 : vector<16xf32>
        %select_n3A_3334 = arith.select %gt3A_3330, %sub3A_3333, %convert_element_type3A_3318 : vector<16xi1>, vector<16xf32>
        %gt3A_3335 = arith.cmpf ogt, %convert_element_type3A_3319, %div3A_3315 : vector<16xf32>
        %sub3A_3336 = arith.constant 1.000000e+00 : f32
        %sub3A_3337 = vector.broadcast %sub3A_3336 : f32 to vector<16xf32>
        %sub3A_3338 = arith.subf %convert_element_type3A_3319, %sub3A_3337 : vector<16xf32>
        %select_n3A_3339 = arith.select %gt3A_3335, %sub3A_3338, %convert_element_type3A_3319 : vector<16xi1>, vector<16xf32>
        %sub3A_3340 = arith.subf %div3A_3303, %select_n3A_3334 : vector<16xf32>
        %sub3A_3341 = arith.constant 1.000000e+00 : f32
        %sub3A_3342 = vector.broadcast %sub3A_3341 : f32 to vector<16xf32>
        %sub3A_3343 = arith.subf %sub3A_3342, %sub3A_3340 : vector<16xf32>
        %sub3A_3344 = arith.subf %div3A_3315, %select_n3A_3339 : vector<16xf32>
        %sub3A_3345 = arith.constant 1.000000e+00 : f32
        %sub3A_3346 = vector.broadcast %sub3A_3345 : f32 to vector<16xf32>
        %sub3A_3347 = arith.subf %sub3A_3346, %sub3A_3344 : vector<16xf32>
        %jit3A_3348 = arith.constant 0 : i32
        %jit3A_3349 = arith.constant 511 : i32
        %max3A_3350 = vector.broadcast %jit3A_3348 : i32 to vector<16xi32>
        %max3A_3351 = arith.maxsi %max3A_3350, %select_n3A_3324 : vector<16xi32>
        %min3A_3352 = vector.broadcast %jit3A_3349 : i32 to vector<16xi32>
        %min3A_3353 = arith.minsi %min3A_3352, %max3A_3351 : vector<16xi32>
        %add3A_3354 = arith.constant 1 : i32
        %add3A_3355 = vector.broadcast %add3A_3354 : i32 to vector<16xi32>
        %add3A_3356 = arith.addi %select_n3A_3324, %add3A_3355 : vector<16xi32>
        %jit3A_3357 = arith.constant 0 : i32
        %jit3A_3358 = arith.constant 511 : i32
        %max3A_3359 = vector.broadcast %jit3A_3357 : i32 to vector<16xi32>
        %max3A_3360 = arith.maxsi %max3A_3359, %add3A_3356 : vector<16xi32>
        %min3A_3361 = vector.broadcast %jit3A_3358 : i32 to vector<16xi32>
        %min3A_3362 = arith.minsi %min3A_3361, %max3A_3360 : vector<16xi32>
        %jit3A_3363 = arith.constant 0 : i32
        %jit3A_3364 = arith.constant 511 : i32
        %max3A_3365 = vector.broadcast %jit3A_3363 : i32 to vector<16xi32>
        %max3A_3366 = arith.maxsi %max3A_3365, %select_n3A_3329 : vector<16xi32>
        %min3A_3367 = vector.broadcast %jit3A_3364 : i32 to vector<16xi32>
        %min3A_3368 = arith.minsi %min3A_3367, %max3A_3366 : vector<16xi32>
        %add3A_3369 = arith.constant 1 : i32
        %add3A_3370 = vector.broadcast %add3A_3369 : i32 to vector<16xi32>
        %add3A_3371 = arith.addi %select_n3A_3329, %add3A_3370 : vector<16xi32>
        %jit3A_3372 = arith.constant 0 : i32
        %jit3A_3373 = arith.constant 511 : i32
        %max3A_3374 = vector.broadcast %jit3A_3372 : i32 to vector<16xi32>
        %max3A_3375 = arith.maxsi %max3A_3374, %add3A_3371 : vector<16xi32>
        %min3A_3376 = vector.broadcast %jit3A_3373 : i32 to vector<16xi32>
        %min3A_3377 = arith.minsi %min3A_3376, %max3A_3375 : vector<16xi32>
        %mul3A_3378 = arith.constant 512 : i32
        %mul3A_3379 = vector.broadcast %mul3A_3378 : i32 to vector<16xi32>
        %mul3A_3380 = arith.muli %min3A_3368, %mul3A_3379 : vector<16xi32>
        %add3A_3381 = vector.broadcast %mul3A_18 : i32 to vector<16xi32>
        %add3A_3382 = arith.addi %add3A_3381, %mul3A_3380 : vector<16xi32>
        %mul3A_3383 = arith.constant 512 : i32
        %mul3A_3384 = vector.broadcast %mul3A_3383 : i32 to vector<16xi32>
        %mul3A_3385 = arith.muli %min3A_3377, %mul3A_3384 : vector<16xi32>
        %add3A_3386 = vector.broadcast %mul3A_18 : i32 to vector<16xi32>
        %add3A_3387 = arith.addi %add3A_3386, %mul3A_3385 : vector<16xi32>
        %add3A_3388 = arith.addi %add3A_3382, %min3A_3353 : vector<16xi32>
        %swap3A_3389 = arith.constant 64 : index
        %swap3A_3390 = tpu.vector_load %arg8[%swap3A_3389] {strides = array<i32>} : memref<128xi32, #tpu.memory_space<vmem>>, vector<16xi32>,
        tpu.vector_store %arg8[%swap3A_3389], %add3A_3388 {strides = array<i32>} : memref<128xi32, #tpu.memory_space<vmem>>, vector<16xi32>,
        %add3A_3391 = arith.addi %add3A_3382, %min3A_3362 : vector<16xi32>
        %swap3A_3392 = arith.constant 64 : index
        %swap3A_3393 = tpu.vector_load %arg9[%swap3A_3392] {strides = array<i32>} : memref<128xi32, #tpu.memory_space<vmem>>, vector<16xi32>,
        tpu.vector_store %arg9[%swap3A_3392], %add3A_3391 {strides = array<i32>} : memref<128xi32, #tpu.memory_space<vmem>>, vector<16xi32>,
        %add3A_3394 = arith.addi %add3A_3387, %min3A_3353 : vector<16xi32>
        %swap3A_3395 = arith.constant 64 : index
        %swap3A_3396 = tpu.vector_load %arg10[%swap3A_3395] {strides = array<i32>} : memref<128xi32, #tpu.memory_space<vmem>>, vector<16xi32>,
        tpu.vector_store %arg10[%swap3A_3395], %add3A_3394 {strides = array<i32>} : memref<128xi32, #tpu.memory_space<vmem>>, vector<16xi32>,
        %add3A_3397 = arith.addi %add3A_3387, %min3A_3362 : vector<16xi32>
        %swap3A_3398 = arith.constant 64 : index
        %swap3A_3399 = tpu.vector_load %arg11[%swap3A_3398] {strides = array<i32>} : memref<128xi32, #tpu.memory_space<vmem>>, vector<16xi32>,
        tpu.vector_store %arg11[%swap3A_3398], %add3A_3397 {strides = array<i32>} : memref<128xi32, #tpu.memory_space<vmem>>, vector<16xi32>,
        %mul3A_3400 = arith.mulf %sub3A_3347, %sub3A_3343 : vector<16xf32>
        %swap3A_3401 = arith.constant 0 : i32
        %swap3A_3402 = arith.index_cast %swap3A_3401 : i32 to index
        %swap3A_3403 = arith.constant 64 : index
        %swap3A_3404 = tpu.vector_load %arg16[%swap3A_3402, %swap3A_3403] {strides = array<i32>} : memref<4x128xf32, #tpu.memory_space<vmem>>, vector<16xf32>,
        tpu.vector_store %arg16[%swap3A_3402, %swap3A_3403], %mul3A_3400 {strides = array<i32>} : memref<4x128xf32, #tpu.memory_space<vmem>>, vector<16xf32>,
        %mul3A_3405 = arith.mulf %sub3A_3347, %sub3A_3340 : vector<16xf32>
        %swap3A_3406 = arith.constant 1 : i32
        %swap3A_3407 = arith.index_cast %swap3A_3406 : i32 to index
        %swap3A_3408 = arith.constant 64 : index
        %swap3A_3409 = tpu.vector_load %arg16[%swap3A_3407, %swap3A_3408] {strides = array<i32>} : memref<4x128xf32, #tpu.memory_space<vmem>>, vector<16xf32>,
        tpu.vector_store %arg16[%swap3A_3407, %swap3A_3408], %mul3A_3405 {strides = array<i32>} : memref<4x128xf32, #tpu.memory_space<vmem>>, vector<16xf32>,
        %mul3A_3410 = arith.mulf %sub3A_3344, %sub3A_3343 : vector<16xf32>
        %swap3A_3411 = arith.constant 2 : i32
        %swap3A_3412 = arith.index_cast %swap3A_3411 : i32 to index
        %swap3A_3413 = arith.constant 64 : index
        %swap3A_3414 = tpu.vector_load %arg16[%swap3A_3412, %swap3A_3413] {strides = array<i32>} : memref<4x128xf32, #tpu.memory_space<vmem>>, vector<16xf32>,
        tpu.vector_store %arg16[%swap3A_3412, %swap3A_3413], %mul3A_3410 {strides = array<i32>} : memref<4x128xf32, #tpu.memory_space<vmem>>, vector<16xf32>,
        %mul3A_3415 = arith.mulf %sub3A_3344, %sub3A_3340 : vector<16xf32>
        %swap3A_3416 = arith.constant 3 : i32
        %swap3A_3417 = arith.index_cast %swap3A_3416 : i32 to index
        %swap3A_3418 = arith.constant 64 : index
        %swap3A_3419 = tpu.vector_load %arg16[%swap3A_3417, %swap3A_3418] {strides = array<i32>} : memref<4x128xf32, #tpu.memory_space<vmem>>, vector<16xf32>,
        tpu.vector_store %arg16[%swap3A_3417, %swap3A_3418], %mul3A_3415 {strides = array<i32>} : memref<4x128xf32, #tpu.memory_space<vmem>>, vector<16xf32>,
        %add3A_3420 = arith.constant 80 : i32
        %add3A_3421 = arith.addi %mul3A_2649, %add3A_3420 : i32
        %get3A_3422 = arith.index_cast %add3A_3421 : i32 to index
        %get3A_3423 = tpu.vector_load %arg6[%get3A_3422] {strides = array<i32>} : memref<2048xf32, #tpu.memory_space<vmem>>, vector<16xf32>,
        %add3A_3424 = arith.constant 80 : i32
        %add3A_3425 = arith.addi %mul3A_2649, %add3A_3424 : i32
        %get3A_3426 = arith.index_cast %add3A_3425 : i32 to index
        %get3A_3427 = tpu.vector_load %arg7[%get3A_3426] {strides = array<i32>} : memref<2048xf32, #tpu.memory_space<vmem>>, vector<16xf32>,
        %div3A_3428 = arith.constant 5.110000e+02 : f32
        %div3A_3429 = vector.broadcast %div3A_3428 : f32 to vector<16xf32>
        %div3A_3430 = arith.divf %get3A_3423, %div3A_3429 : vector<16xf32>
        %mul3A_3431 = arith.constant 2.000000e+00 : f32
        %mul3A_3432 = vector.broadcast %mul3A_3431 : f32 to vector<16xf32>
        %mul3A_3433 = arith.mulf %div3A_3430, %mul3A_3432 : vector<16xf32>
        %sub3A_3434 = arith.constant 1.000000e+00 : f32
        %sub3A_3435 = vector.broadcast %sub3A_3434 : f32 to vector<16xf32>
        %sub3A_3436 = arith.subf %mul3A_3433, %sub3A_3435 : vector<16xf32>
        %div3A_3437 = arith.constant 5.110000e+02 : f32
        %div3A_3438 = vector.broadcast %div3A_3437 : f32 to vector<16xf32>
        %div3A_3439 = arith.divf %get3A_3427, %div3A_3438 : vector<16xf32>
        %mul3A_3440 = arith.constant 2.000000e+00 : f32
        %mul3A_3441 = vector.broadcast %mul3A_3440 : f32 to vector<16xf32>
        %mul3A_3442 = arith.mulf %div3A_3439, %mul3A_3441 : vector<16xf32>
        %sub3A_3443 = arith.constant 1.000000e+00 : f32
        %sub3A_3444 = vector.broadcast %sub3A_3443 : f32 to vector<16xf32>
        %sub3A_3445 = arith.subf %mul3A_3442, %sub3A_3444 : vector<16xf32>
        %add3A_3446 = arith.constant 1.000000e+00 : f32
        %add3A_3447 = vector.broadcast %add3A_3446 : f32 to vector<16xf32>
        %add3A_3448 = arith.addf %sub3A_3436, %add3A_3447 : vector<16xf32>
        %mul3A_3449 = arith.constant 5.120000e+02 : f32
        %mul3A_3450 = vector.broadcast %mul3A_3449 : f32 to vector<16xf32>
        %mul3A_3451 = arith.mulf %add3A_3448, %mul3A_3450 : vector<16xf32>
        %sub3A_3452 = arith.constant 1.000000e+00 : f32
        %sub3A_3453 = vector.broadcast %sub3A_3452 : f32 to vector<16xf32>
        %sub3A_3454 = arith.subf %mul3A_3451, %sub3A_3453 : vector<16xf32>
        %div3A_3455 = arith.constant 2.000000e+00 : f32
        %div3A_3456 = vector.broadcast %div3A_3455 : f32 to vector<16xf32>
        %div3A_3457 = arith.divf %sub3A_3454, %div3A_3456 : vector<16xf32>
        %add3A_3458 = arith.constant 1.000000e+00 : f32
        %add3A_3459 = vector.broadcast %add3A_3458 : f32 to vector<16xf32>
        %add3A_3460 = arith.addf %sub3A_3445, %add3A_3459 : vector<16xf32>
        %mul3A_3461 = arith.constant 5.120000e+02 : f32
        %mul3A_3462 = vector.broadcast %mul3A_3461 : f32 to vector<16xf32>
        %mul3A_3463 = arith.mulf %add3A_3460, %mul3A_3462 : vector<16xf32>
        %sub3A_3464 = arith.constant 1.000000e+00 : f32
        %sub3A_3465 = vector.broadcast %sub3A_3464 : f32 to vector<16xf32>
        %sub3A_3466 = arith.subf %mul3A_3463, %sub3A_3465 : vector<16xf32>
        %div3A_3467 = arith.constant 2.000000e+00 : f32
        %div3A_3468 = vector.broadcast %div3A_3467 : f32 to vector<16xf32>
        %div3A_3469 = arith.divf %sub3A_3466, %div3A_3468 : vector<16xf32>
        %convert_element_type3A_3470 = arith.fptosi %div3A_3457 : vector<16xf32> to vector<16xi32>
        %convert_element_type3A_3471 = arith.fptosi %div3A_3469 : vector<16xf32> to vector<16xi32>
        %convert_element_type3A_3472 = arith.sitofp %convert_element_type3A_3470 : vector<16xi32> to vector<16xf32>
        %convert_element_type3A_3473 = arith.sitofp %convert_element_type3A_3471 : vector<16xi32> to vector<16xf32>
        %gt3A_3474 = arith.cmpf ogt, %convert_element_type3A_3472, %div3A_3457 : vector<16xf32>
        %sub3A_3475 = arith.constant 1 : i32
        %sub3A_3476 = vector.broadcast %sub3A_3475 : i32 to vector<16xi32>
        %sub3A_3477 = arith.subi %convert_element_type3A_3470, %sub3A_3476 : vector<16xi32>
        %select_n3A_3478 = arith.select %gt3A_3474, %sub3A_3477, %convert_element_type3A_3470 : vector<16xi1>, vector<16xi32>
        %gt3A_3479 = arith.cmpf ogt, %convert_element_type3A_3473, %div3A_3469 : vector<16xf32>
        %sub3A_3480 = arith.constant 1 : i32
        %sub3A_3481 = vector.broadcast %sub3A_3480 : i32 to vector<16xi32>
        %sub3A_3482 = arith.subi %convert_element_type3A_3471, %sub3A_3481 : vector<16xi32>
        %select_n3A_3483 = arith.select %gt3A_3479, %sub3A_3482, %convert_element_type3A_3471 : vector<16xi1>, vector<16xi32>
        %gt3A_3484 = arith.cmpf ogt, %convert_element_type3A_3472, %div3A_3457 : vector<16xf32>
        %sub3A_3485 = arith.constant 1.000000e+00 : f32
        %sub3A_3486 = vector.broadcast %sub3A_3485 : f32 to vector<16xf32>
        %sub3A_3487 = arith.subf %convert_element_type3A_3472, %sub3A_3486 : vector<16xf32>
        %select_n3A_3488 = arith.select %gt3A_3484, %sub3A_3487, %convert_element_type3A_3472 : vector<16xi1>, vector<16xf32>
        %gt3A_3489 = arith.cmpf ogt, %convert_element_type3A_3473, %div3A_3469 : vector<16xf32>
        %sub3A_3490 = arith.constant 1.000000e+00 : f32
        %sub3A_3491 = vector.broadcast %sub3A_3490 : f32 to vector<16xf32>
        %sub3A_3492 = arith.subf %convert_element_type3A_3473, %sub3A_3491 : vector<16xf32>
        %select_n3A_3493 = arith.select %gt3A_3489, %sub3A_3492, %convert_element_type3A_3473 : vector<16xi1>, vector<16xf32>
        %sub3A_3494 = arith.subf %div3A_3457, %select_n3A_3488 : vector<16xf32>
        %sub3A_3495 = arith.constant 1.000000e+00 : f32
        %sub3A_3496 = vector.broadcast %sub3A_3495 : f32 to vector<16xf32>
        %sub3A_3497 = arith.subf %sub3A_3496, %sub3A_3494 : vector<16xf32>
        %sub3A_3498 = arith.subf %div3A_3469, %select_n3A_3493 : vector<16xf32>
        %sub3A_3499 = arith.constant 1.000000e+00 : f32
        %sub3A_3500 = vector.broadcast %sub3A_3499 : f32 to vector<16xf32>
        %sub3A_3501 = arith.subf %sub3A_3500, %sub3A_3498 : vector<16xf32>
        %jit3A_3502 = arith.constant 0 : i32
        %jit3A_3503 = arith.constant 511 : i32
        %max3A_3504 = vector.broadcast %jit3A_3502 : i32 to vector<16xi32>
        %max3A_3505 = arith.maxsi %max3A_3504, %select_n3A_3478 : vector<16xi32>
        %min3A_3506 = vector.broadcast %jit3A_3503 : i32 to vector<16xi32>
        %min3A_3507 = arith.minsi %min3A_3506, %max3A_3505 : vector<16xi32>
        %add3A_3508 = arith.constant 1 : i32
        %add3A_3509 = vector.broadcast %add3A_3508 : i32 to vector<16xi32>
        %add3A_3510 = arith.addi %select_n3A_3478, %add3A_3509 : vector<16xi32>
        %jit3A_3511 = arith.constant 0 : i32
        %jit3A_3512 = arith.constant 511 : i32
        %max3A_3513 = vector.broadcast %jit3A_3511 : i32 to vector<16xi32>
        %max3A_3514 = arith.maxsi %max3A_3513, %add3A_3510 : vector<16xi32>
        %min3A_3515 = vector.broadcast %jit3A_3512 : i32 to vector<16xi32>
        %min3A_3516 = arith.minsi %min3A_3515, %max3A_3514 : vector<16xi32>
        %jit3A_3517 = arith.constant 0 : i32
        %jit3A_3518 = arith.constant 511 : i32
        %max3A_3519 = vector.broadcast %jit3A_3517 : i32 to vector<16xi32>
        %max3A_3520 = arith.maxsi %max3A_3519, %select_n3A_3483 : vector<16xi32>
        %min3A_3521 = vector.broadcast %jit3A_3518 : i32 to vector<16xi32>
        %min3A_3522 = arith.minsi %min3A_3521, %max3A_3520 : vector<16xi32>
        %add3A_3523 = arith.constant 1 : i32
        %add3A_3524 = vector.broadcast %add3A_3523 : i32 to vector<16xi32>
        %add3A_3525 = arith.addi %select_n3A_3483, %add3A_3524 : vector<16xi32>
        %jit3A_3526 = arith.constant 0 : i32
        %jit3A_3527 = arith.constant 511 : i32
        %max3A_3528 = vector.broadcast %jit3A_3526 : i32 to vector<16xi32>
        %max3A_3529 = arith.maxsi %max3A_3528, %add3A_3525 : vector<16xi32>
        %min3A_3530 = vector.broadcast %jit3A_3527 : i32 to vector<16xi32>
        %min3A_3531 = arith.minsi %min3A_3530, %max3A_3529 : vector<16xi32>
        %mul3A_3532 = arith.constant 512 : i32
        %mul3A_3533 = vector.broadcast %mul3A_3532 : i32 to vector<16xi32>
        %mul3A_3534 = arith.muli %min3A_3522, %mul3A_3533 : vector<16xi32>
        %add3A_3535 = vector.broadcast %mul3A_18 : i32 to vector<16xi32>
        %add3A_3536 = arith.addi %add3A_3535, %mul3A_3534 : vector<16xi32>
        %mul3A_3537 = arith.constant 512 : i32
        %mul3A_3538 = vector.broadcast %mul3A_3537 : i32 to vector<16xi32>
        %mul3A_3539 = arith.muli %min3A_3531, %mul3A_3538 : vector<16xi32>
        %add3A_3540 = vector.broadcast %mul3A_18 : i32 to vector<16xi32>
        %add3A_3541 = arith.addi %add3A_3540, %mul3A_3539 : vector<16xi32>
        %add3A_3542 = arith.addi %add3A_3536, %min3A_3507 : vector<16xi32>
        %swap3A_3543 = arith.constant 80 : index
        %swap3A_3544 = tpu.vector_load %arg8[%swap3A_3543] {strides = array<i32>} : memref<128xi32, #tpu.memory_space<vmem>>, vector<16xi32>,
        tpu.vector_store %arg8[%swap3A_3543], %add3A_3542 {strides = array<i32>} : memref<128xi32, #tpu.memory_space<vmem>>, vector<16xi32>,
        %add3A_3545 = arith.addi %add3A_3536, %min3A_3516 : vector<16xi32>
        %swap3A_3546 = arith.constant 80 : index
        %swap3A_3547 = tpu.vector_load %arg9[%swap3A_3546] {strides = array<i32>} : memref<128xi32, #tpu.memory_space<vmem>>, vector<16xi32>,
        tpu.vector_store %arg9[%swap3A_3546], %add3A_3545 {strides = array<i32>} : memref<128xi32, #tpu.memory_space<vmem>>, vector<16xi32>,
        %add3A_3548 = arith.addi %add3A_3541, %min3A_3507 : vector<16xi32>
        %swap3A_3549 = arith.constant 80 : index
        %swap3A_3550 = tpu.vector_load %arg10[%swap3A_3549] {strides = array<i32>} : memref<128xi32, #tpu.memory_space<vmem>>, vector<16xi32>,
        tpu.vector_store %arg10[%swap3A_3549], %add3A_3548 {strides = array<i32>} : memref<128xi32, #tpu.memory_space<vmem>>, vector<16xi32>,
        %add3A_3551 = arith.addi %add3A_3541, %min3A_3516 : vector<16xi32>
        %swap3A_3552 = arith.constant 80 : index
        %swap3A_3553 = tpu.vector_load %arg11[%swap3A_3552] {strides = array<i32>} : memref<128xi32, #tpu.memory_space<vmem>>, vector<16xi32>,
        tpu.vector_store %arg11[%swap3A_3552], %add3A_3551 {strides = array<i32>} : memref<128xi32, #tpu.memory_space<vmem>>, vector<16xi32>,
        %mul3A_3554 = arith.mulf %sub3A_3501, %sub3A_3497 : vector<16xf32>
        %swap3A_3555 = arith.constant 0 : i32
        %swap3A_3556 = arith.index_cast %swap3A_3555 : i32 to index
        %swap3A_3557 = arith.constant 80 : index
        %swap3A_3558 = tpu.vector_load %arg16[%swap3A_3556, %swap3A_3557] {strides = array<i32>} : memref<4x128xf32, #tpu.memory_space<vmem>>, vector<16xf32>,
        tpu.vector_store %arg16[%swap3A_3556, %swap3A_3557], %mul3A_3554 {strides = array<i32>} : memref<4x128xf32, #tpu.memory_space<vmem>>, vector<16xf32>,
        %mul3A_3559 = arith.mulf %sub3A_3501, %sub3A_3494 : vector<16xf32>
        %swap3A_3560 = arith.constant 1 : i32
        %swap3A_3561 = arith.index_cast %swap3A_3560 : i32 to index
        %swap3A_3562 = arith.constant 80 : index
        %swap3A_3563 = tpu.vector_load %arg16[%swap3A_3561, %swap3A_3562] {strides = array<i32>} : memref<4x128xf32, #tpu.memory_space<vmem>>, vector<16xf32>,
        tpu.vector_store %arg16[%swap3A_3561, %swap3A_3562], %mul3A_3559 {strides = array<i32>} : memref<4x128xf32, #tpu.memory_space<vmem>>, vector<16xf32>,
        %mul3A_3564 = arith.mulf %sub3A_3498, %sub3A_3497 : vector<16xf32>
        %swap3A_3565 = arith.constant 2 : i32
        %swap3A_3566 = arith.index_cast %swap3A_3565 : i32 to index
        %swap3A_3567 = arith.constant 80 : index
        %swap3A_3568 = tpu.vector_load %arg16[%swap3A_3566, %swap3A_3567] {strides = array<i32>} : memref<4x128xf32, #tpu.memory_space<vmem>>, vector<16xf32>,
        tpu.vector_store %arg16[%swap3A_3566, %swap3A_3567], %mul3A_3564 {strides = array<i32>} : memref<4x128xf32, #tpu.memory_space<vmem>>, vector<16xf32>,
        %mul3A_3569 = arith.mulf %sub3A_3498, %sub3A_3494 : vector<16xf32>
        %swap3A_3570 = arith.constant 3 : i32
        %swap3A_3571 = arith.index_cast %swap3A_3570 : i32 to index
        %swap3A_3572 = arith.constant 80 : index
        %swap3A_3573 = tpu.vector_load %arg16[%swap3A_3571, %swap3A_3572] {strides = array<i32>} : memref<4x128xf32, #tpu.memory_space<vmem>>, vector<16xf32>,
        tpu.vector_store %arg16[%swap3A_3571, %swap3A_3572], %mul3A_3569 {strides = array<i32>} : memref<4x128xf32, #tpu.memory_space<vmem>>, vector<16xf32>,
        %add3A_3574 = arith.constant 96 : i32
        %add3A_3575 = arith.addi %mul3A_2649, %add3A_3574 : i32
        %get3A_3576 = arith.index_cast %add3A_3575 : i32 to index
        %get3A_3577 = tpu.vector_load %arg6[%get3A_3576] {strides = array<i32>} : memref<2048xf32, #tpu.memory_space<vmem>>, vector<16xf32>,
        %add3A_3578 = arith.constant 96 : i32
        %add3A_3579 = arith.addi %mul3A_2649, %add3A_3578 : i32
        %get3A_3580 = arith.index_cast %add3A_3579 : i32 to index
        %get3A_3581 = tpu.vector_load %arg7[%get3A_3580] {strides = array<i32>} : memref<2048xf32, #tpu.memory_space<vmem>>, vector<16xf32>,
        %div3A_3582 = arith.constant 5.110000e+02 : f32
        %div3A_3583 = vector.broadcast %div3A_3582 : f32 to vector<16xf32>
        %div3A_3584 = arith.divf %get3A_3577, %div3A_3583 : vector<16xf32>
        %mul3A_3585 = arith.constant 2.000000e+00 : f32
        %mul3A_3586 = vector.broadcast %mul3A_3585 : f32 to vector<16xf32>
        %mul3A_3587 = arith.mulf %div3A_3584, %mul3A_3586 : vector<16xf32>
        %sub3A_3588 = arith.constant 1.000000e+00 : f32
        %sub3A_3589 = vector.broadcast %sub3A_3588 : f32 to vector<16xf32>
        %sub3A_3590 = arith.subf %mul3A_3587, %sub3A_3589 : vector<16xf32>
        %div3A_3591 = arith.constant 5.110000e+02 : f32
        %div3A_3592 = vector.broadcast %div3A_3591 : f32 to vector<16xf32>
        %div3A_3593 = arith.divf %get3A_3581, %div3A_3592 : vector<16xf32>
        %mul3A_3594 = arith.constant 2.000000e+00 : f32
        %mul3A_3595 = vector.broadcast %mul3A_3594 : f32 to vector<16xf32>
        %mul3A_3596 = arith.mulf %div3A_3593, %mul3A_3595 : vector<16xf32>
        %sub3A_3597 = arith.constant 1.000000e+00 : f32
        %sub3A_3598 = vector.broadcast %sub3A_3597 : f32 to vector<16xf32>
        %sub3A_3599 = arith.subf %mul3A_3596, %sub3A_3598 : vector<16xf32>
        %add3A_3600 = arith.constant 1.000000e+00 : f32
        %add3A_3601 = vector.broadcast %add3A_3600 : f32 to vector<16xf32>
        %add3A_3602 = arith.addf %sub3A_3590, %add3A_3601 : vector<16xf32>
        %mul3A_3603 = arith.constant 5.120000e+02 : f32
        %mul3A_3604 = vector.broadcast %mul3A_3603 : f32 to vector<16xf32>
        %mul3A_3605 = arith.mulf %add3A_3602, %mul3A_3604 : vector<16xf32>
        %sub3A_3606 = arith.constant 1.000000e+00 : f32
        %sub3A_3607 = vector.broadcast %sub3A_3606 : f32 to vector<16xf32>
        %sub3A_3608 = arith.subf %mul3A_3605, %sub3A_3607 : vector<16xf32>
        %div3A_3609 = arith.constant 2.000000e+00 : f32
        %div3A_3610 = vector.broadcast %div3A_3609 : f32 to vector<16xf32>
        %div3A_3611 = arith.divf %sub3A_3608, %div3A_3610 : vector<16xf32>
        %add3A_3612 = arith.constant 1.000000e+00 : f32
        %add3A_3613 = vector.broadcast %add3A_3612 : f32 to vector<16xf32>
        %add3A_3614 = arith.addf %sub3A_3599, %add3A_3613 : vector<16xf32>
        %mul3A_3615 = arith.constant 5.120000e+02 : f32
        %mul3A_3616 = vector.broadcast %mul3A_3615 : f32 to vector<16xf32>
        %mul3A_3617 = arith.mulf %add3A_3614, %mul3A_3616 : vector<16xf32>
        %sub3A_3618 = arith.constant 1.000000e+00 : f32
        %sub3A_3619 = vector.broadcast %sub3A_3618 : f32 to vector<16xf32>
        %sub3A_3620 = arith.subf %mul3A_3617, %sub3A_3619 : vector<16xf32>
        %div3A_3621 = arith.constant 2.000000e+00 : f32
        %div3A_3622 = vector.broadcast %div3A_3621 : f32 to vector<16xf32>
        %div3A_3623 = arith.divf %sub3A_3620, %div3A_3622 : vector<16xf32>
        %convert_element_type3A_3624 = arith.fptosi %div3A_3611 : vector<16xf32> to vector<16xi32>
        %convert_element_type3A_3625 = arith.fptosi %div3A_3623 : vector<16xf32> to vector<16xi32>
        %convert_element_type3A_3626 = arith.sitofp %convert_element_type3A_3624 : vector<16xi32> to vector<16xf32>
        %convert_element_type3A_3627 = arith.sitofp %convert_element_type3A_3625 : vector<16xi32> to vector<16xf32>
        %gt3A_3628 = arith.cmpf ogt, %convert_element_type3A_3626, %div3A_3611 : vector<16xf32>
        %sub3A_3629 = arith.constant 1 : i32
        %sub3A_3630 = vector.broadcast %sub3A_3629 : i32 to vector<16xi32>
        %sub3A_3631 = arith.subi %convert_element_type3A_3624, %sub3A_3630 : vector<16xi32>
        %select_n3A_3632 = arith.select %gt3A_3628, %sub3A_3631, %convert_element_type3A_3624 : vector<16xi1>, vector<16xi32>
        %gt3A_3633 = arith.cmpf ogt, %convert_element_type3A_3627, %div3A_3623 : vector<16xf32>
        %sub3A_3634 = arith.constant 1 : i32
        %sub3A_3635 = vector.broadcast %sub3A_3634 : i32 to vector<16xi32>
        %sub3A_3636 = arith.subi %convert_element_type3A_3625, %sub3A_3635 : vector<16xi32>
        %select_n3A_3637 = arith.select %gt3A_3633, %sub3A_3636, %convert_element_type3A_3625 : vector<16xi1>, vector<16xi32>
        %gt3A_3638 = arith.cmpf ogt, %convert_element_type3A_3626, %div3A_3611 : vector<16xf32>
        %sub3A_3639 = arith.constant 1.000000e+00 : f32
        %sub3A_3640 = vector.broadcast %sub3A_3639 : f32 to vector<16xf32>
        %sub3A_3641 = arith.subf %convert_element_type3A_3626, %sub3A_3640 : vector<16xf32>
        %select_n3A_3642 = arith.select %gt3A_3638, %sub3A_3641, %convert_element_type3A_3626 : vector<16xi1>, vector<16xf32>
        %gt3A_3643 = arith.cmpf ogt, %convert_element_type3A_3627, %div3A_3623 : vector<16xf32>
        %sub3A_3644 = arith.constant 1.000000e+00 : f32
        %sub3A_3645 = vector.broadcast %sub3A_3644 : f32 to vector<16xf32>
        %sub3A_3646 = arith.subf %convert_element_type3A_3627, %sub3A_3645 : vector<16xf32>
        %select_n3A_3647 = arith.select %gt3A_3643, %sub3A_3646, %convert_element_type3A_3627 : vector<16xi1>, vector<16xf32>
        %sub3A_3648 = arith.subf %div3A_3611, %select_n3A_3642 : vector<16xf32>
        %sub3A_3649 = arith.constant 1.000000e+00 : f32
        %sub3A_3650 = vector.broadcast %sub3A_3649 : f32 to vector<16xf32>
        %sub3A_3651 = arith.subf %sub3A_3650, %sub3A_3648 : vector<16xf32>
        %sub3A_3652 = arith.subf %div3A_3623, %select_n3A_3647 : vector<16xf32>
        %sub3A_3653 = arith.constant 1.000000e+00 : f32
        %sub3A_3654 = vector.broadcast %sub3A_3653 : f32 to vector<16xf32>
        %sub3A_3655 = arith.subf %sub3A_3654, %sub3A_3652 : vector<16xf32>
        %jit3A_3656 = arith.constant 0 : i32
        %jit3A_3657 = arith.constant 511 : i32
        %max3A_3658 = vector.broadcast %jit3A_3656 : i32 to vector<16xi32>
        %max3A_3659 = arith.maxsi %max3A_3658, %select_n3A_3632 : vector<16xi32>
        %min3A_3660 = vector.broadcast %jit3A_3657 : i32 to vector<16xi32>
        %min3A_3661 = arith.minsi %min3A_3660, %max3A_3659 : vector<16xi32>
        %add3A_3662 = arith.constant 1 : i32
        %add3A_3663 = vector.broadcast %add3A_3662 : i32 to vector<16xi32>
        %add3A_3664 = arith.addi %select_n3A_3632, %add3A_3663 : vector<16xi32>
        %jit3A_3665 = arith.constant 0 : i32
        %jit3A_3666 = arith.constant 511 : i32
        %max3A_3667 = vector.broadcast %jit3A_3665 : i32 to vector<16xi32>
        %max3A_3668 = arith.maxsi %max3A_3667, %add3A_3664 : vector<16xi32>
        %min3A_3669 = vector.broadcast %jit3A_3666 : i32 to vector<16xi32>
        %min3A_3670 = arith.minsi %min3A_3669, %max3A_3668 : vector<16xi32>
        %jit3A_3671 = arith.constant 0 : i32
        %jit3A_3672 = arith.constant 511 : i32
        %max3A_3673 = vector.broadcast %jit3A_3671 : i32 to vector<16xi32>
        %max3A_3674 = arith.maxsi %max3A_3673, %select_n3A_3637 : vector<16xi32>
        %min3A_3675 = vector.broadcast %jit3A_3672 : i32 to vector<16xi32>
        %min3A_3676 = arith.minsi %min3A_3675, %max3A_3674 : vector<16xi32>
        %add3A_3677 = arith.constant 1 : i32
        %add3A_3678 = vector.broadcast %add3A_3677 : i32 to vector<16xi32>
        %add3A_3679 = arith.addi %select_n3A_3637, %add3A_3678 : vector<16xi32>
        %jit3A_3680 = arith.constant 0 : i32
        %jit3A_3681 = arith.constant 511 : i32
        %max3A_3682 = vector.broadcast %jit3A_3680 : i32 to vector<16xi32>
        %max3A_3683 = arith.maxsi %max3A_3682, %add3A_3679 : vector<16xi32>
        %min3A_3684 = vector.broadcast %jit3A_3681 : i32 to vector<16xi32>
        %min3A_3685 = arith.minsi %min3A_3684, %max3A_3683 : vector<16xi32>
        %mul3A_3686 = arith.constant 512 : i32
        %mul3A_3687 = vector.broadcast %mul3A_3686 : i32 to vector<16xi32>
        %mul3A_3688 = arith.muli %min3A_3676, %mul3A_3687 : vector<16xi32>
        %add3A_3689 = vector.broadcast %mul3A_18 : i32 to vector<16xi32>
        %add3A_3690 = arith.addi %add3A_3689, %mul3A_3688 : vector<16xi32>
        %mul3A_3691 = arith.constant 512 : i32
        %mul3A_3692 = vector.broadcast %mul3A_3691 : i32 to vector<16xi32>
        %mul3A_3693 = arith.muli %min3A_3685, %mul3A_3692 : vector<16xi32>
        %add3A_3694 = vector.broadcast %mul3A_18 : i32 to vector<16xi32>
        %add3A_3695 = arith.addi %add3A_3694, %mul3A_3693 : vector<16xi32>
        %add3A_3696 = arith.addi %add3A_3690, %min3A_3661 : vector<16xi32>
        %swap3A_3697 = arith.constant 96 : index
        %swap3A_3698 = tpu.vector_load %arg8[%swap3A_3697] {strides = array<i32>} : memref<128xi32, #tpu.memory_space<vmem>>, vector<16xi32>,
        tpu.vector_store %arg8[%swap3A_3697], %add3A_3696 {strides = array<i32>} : memref<128xi32, #tpu.memory_space<vmem>>, vector<16xi32>,
        %add3A_3699 = arith.addi %add3A_3690, %min3A_3670 : vector<16xi32>
        %swap3A_3700 = arith.constant 96 : index
        %swap3A_3701 = tpu.vector_load %arg9[%swap3A_3700] {strides = array<i32>} : memref<128xi32, #tpu.memory_space<vmem>>, vector<16xi32>,
        tpu.vector_store %arg9[%swap3A_3700], %add3A_3699 {strides = array<i32>} : memref<128xi32, #tpu.memory_space<vmem>>, vector<16xi32>,
        %add3A_3702 = arith.addi %add3A_3695, %min3A_3661 : vector<16xi32>
        %swap3A_3703 = arith.constant 96 : index
        %swap3A_3704 = tpu.vector_load %arg10[%swap3A_3703] {strides = array<i32>} : memref<128xi32, #tpu.memory_space<vmem>>, vector<16xi32>,
        tpu.vector_store %arg10[%swap3A_3703], %add3A_3702 {strides = array<i32>} : memref<128xi32, #tpu.memory_space<vmem>>, vector<16xi32>,
        %add3A_3705 = arith.addi %add3A_3695, %min3A_3670 : vector<16xi32>
        %swap3A_3706 = arith.constant 96 : index
        %swap3A_3707 = tpu.vector_load %arg11[%swap3A_3706] {strides = array<i32>} : memref<128xi32, #tpu.memory_space<vmem>>, vector<16xi32>,
        tpu.vector_store %arg11[%swap3A_3706], %add3A_3705 {strides = array<i32>} : memref<128xi32, #tpu.memory_space<vmem>>, vector<16xi32>,
        %mul3A_3708 = arith.mulf %sub3A_3655, %sub3A_3651 : vector<16xf32>
        %swap3A_3709 = arith.constant 0 : i32
        %swap3A_3710 = arith.index_cast %swap3A_3709 : i32 to index
        %swap3A_3711 = arith.constant 96 : index
        %swap3A_3712 = tpu.vector_load %arg16[%swap3A_3710, %swap3A_3711] {strides = array<i32>} : memref<4x128xf32, #tpu.memory_space<vmem>>, vector<16xf32>,
        tpu.vector_store %arg16[%swap3A_3710, %swap3A_3711], %mul3A_3708 {strides = array<i32>} : memref<4x128xf32, #tpu.memory_space<vmem>>, vector<16xf32>,
        %mul3A_3713 = arith.mulf %sub3A_3655, %sub3A_3648 : vector<16xf32>
        %swap3A_3714 = arith.constant 1 : i32
        %swap3A_3715 = arith.index_cast %swap3A_3714 : i32 to index
        %swap3A_3716 = arith.constant 96 : index
        %swap3A_3717 = tpu.vector_load %arg16[%swap3A_3715, %swap3A_3716] {strides = array<i32>} : memref<4x128xf32, #tpu.memory_space<vmem>>, vector<16xf32>,
        tpu.vector_store %arg16[%swap3A_3715, %swap3A_3716], %mul3A_3713 {strides = array<i32>} : memref<4x128xf32, #tpu.memory_space<vmem>>, vector<16xf32>,
        %mul3A_3718 = arith.mulf %sub3A_3652, %sub3A_3651 : vector<16xf32>
        %swap3A_3719 = arith.constant 2 : i32
        %swap3A_3720 = arith.index_cast %swap3A_3719 : i32 to index
        %swap3A_3721 = arith.constant 96 : index
        %swap3A_3722 = tpu.vector_load %arg16[%swap3A_3720, %swap3A_3721] {strides = array<i32>} : memref<4x128xf32, #tpu.memory_space<vmem>>, vector<16xf32>,
        tpu.vector_store %arg16[%swap3A_3720, %swap3A_3721], %mul3A_3718 {strides = array<i32>} : memref<4x128xf32, #tpu.memory_space<vmem>>, vector<16xf32>,
        %mul3A_3723 = arith.mulf %sub3A_3652, %sub3A_3648 : vector<16xf32>
        %swap3A_3724 = arith.constant 3 : i32
        %swap3A_3725 = arith.index_cast %swap3A_3724 : i32 to index
        %swap3A_3726 = arith.constant 96 : index
        %swap3A_3727 = tpu.vector_load %arg16[%swap3A_3725, %swap3A_3726] {strides = array<i32>} : memref<4x128xf32, #tpu.memory_space<vmem>>, vector<16xf32>,
        tpu.vector_store %arg16[%swap3A_3725, %swap3A_3726], %mul3A_3723 {strides = array<i32>} : memref<4x128xf32, #tpu.memory_space<vmem>>, vector<16xf32>,
        %add3A_3728 = arith.constant 112 : i32
        %add3A_3729 = arith.addi %mul3A_2649, %add3A_3728 : i32
        %get3A_3730 = arith.index_cast %add3A_3729 : i32 to index
        %get3A_3731 = tpu.vector_load %arg6[%get3A_3730] {strides = array<i32>} : memref<2048xf32, #tpu.memory_space<vmem>>, vector<16xf32>,
        %add3A_3732 = arith.constant 112 : i32
        %add3A_3733 = arith.addi %mul3A_2649, %add3A_3732 : i32
        %get3A_3734 = arith.index_cast %add3A_3733 : i32 to index
        %get3A_3735 = tpu.vector_load %arg7[%get3A_3734] {strides = array<i32>} : memref<2048xf32, #tpu.memory_space<vmem>>, vector<16xf32>,
        %div3A_3736 = arith.constant 5.110000e+02 : f32
        %div3A_3737 = vector.broadcast %div3A_3736 : f32 to vector<16xf32>
        %div3A_3738 = arith.divf %get3A_3731, %div3A_3737 : vector<16xf32>
        %mul3A_3739 = arith.constant 2.000000e+00 : f32
        %mul3A_3740 = vector.broadcast %mul3A_3739 : f32 to vector<16xf32>
        %mul3A_3741 = arith.mulf %div3A_3738, %mul3A_3740 : vector<16xf32>
        %sub3A_3742 = arith.constant 1.000000e+00 : f32
        %sub3A_3743 = vector.broadcast %sub3A_3742 : f32 to vector<16xf32>
        %sub3A_3744 = arith.subf %mul3A_3741, %sub3A_3743 : vector<16xf32>
        %div3A_3745 = arith.constant 5.110000e+02 : f32
        %div3A_3746 = vector.broadcast %div3A_3745 : f32 to vector<16xf32>
        %div3A_3747 = arith.divf %get3A_3735, %div3A_3746 : vector<16xf32>
        %mul3A_3748 = arith.constant 2.000000e+00 : f32
        %mul3A_3749 = vector.broadcast %mul3A_3748 : f32 to vector<16xf32>
        %mul3A_3750 = arith.mulf %div3A_3747, %mul3A_3749 : vector<16xf32>
        %sub3A_3751 = arith.constant 1.000000e+00 : f32
        %sub3A_3752 = vector.broadcast %sub3A_3751 : f32 to vector<16xf32>
        %sub3A_3753 = arith.subf %mul3A_3750, %sub3A_3752 : vector<16xf32>
        %add3A_3754 = arith.constant 1.000000e+00 : f32
        %add3A_3755 = vector.broadcast %add3A_3754 : f32 to vector<16xf32>
        %add3A_3756 = arith.addf %sub3A_3744, %add3A_3755 : vector<16xf32>
        %mul3A_3757 = arith.constant 5.120000e+02 : f32
        %mul3A_3758 = vector.broadcast %mul3A_3757 : f32 to vector<16xf32>
        %mul3A_3759 = arith.mulf %add3A_3756, %mul3A_3758 : vector<16xf32>
        %sub3A_3760 = arith.constant 1.000000e+00 : f32
        %sub3A_3761 = vector.broadcast %sub3A_3760 : f32 to vector<16xf32>
        %sub3A_3762 = arith.subf %mul3A_3759, %sub3A_3761 : vector<16xf32>
        %div3A_3763 = arith.constant 2.000000e+00 : f32
        %div3A_3764 = vector.broadcast %div3A_3763 : f32 to vector<16xf32>
        %div3A_3765 = arith.divf %sub3A_3762, %div3A_3764 : vector<16xf32>
        %add3A_3766 = arith.constant 1.000000e+00 : f32
        %add3A_3767 = vector.broadcast %add3A_3766 : f32 to vector<16xf32>
        %add3A_3768 = arith.addf %sub3A_3753, %add3A_3767 : vector<16xf32>
        %mul3A_3769 = arith.constant 5.120000e+02 : f32
        %mul3A_3770 = vector.broadcast %mul3A_3769 : f32 to vector<16xf32>
        %mul3A_3771 = arith.mulf %add3A_3768, %mul3A_3770 : vector<16xf32>
        %sub3A_3772 = arith.constant 1.000000e+00 : f32
        %sub3A_3773 = vector.broadcast %sub3A_3772 : f32 to vector<16xf32>
        %sub3A_3774 = arith.subf %mul3A_3771, %sub3A_3773 : vector<16xf32>
        %div3A_3775 = arith.constant 2.000000e+00 : f32
        %div3A_3776 = vector.broadcast %div3A_3775 : f32 to vector<16xf32>
        %div3A_3777 = arith.divf %sub3A_3774, %div3A_3776 : vector<16xf32>
        %convert_element_type3A_3778 = arith.fptosi %div3A_3765 : vector<16xf32> to vector<16xi32>
        %convert_element_type3A_3779 = arith.fptosi %div3A_3777 : vector<16xf32> to vector<16xi32>
        %convert_element_type3A_3780 = arith.sitofp %convert_element_type3A_3778 : vector<16xi32> to vector<16xf32>
        %convert_element_type3A_3781 = arith.sitofp %convert_element_type3A_3779 : vector<16xi32> to vector<16xf32>
        %gt3A_3782 = arith.cmpf ogt, %convert_element_type3A_3780, %div3A_3765 : vector<16xf32>
        %sub3A_3783 = arith.constant 1 : i32
        %sub3A_3784 = vector.broadcast %sub3A_3783 : i32 to vector<16xi32>
        %sub3A_3785 = arith.subi %convert_element_type3A_3778, %sub3A_3784 : vector<16xi32>
        %select_n3A_3786 = arith.select %gt3A_3782, %sub3A_3785, %convert_element_type3A_3778 : vector<16xi1>, vector<16xi32>
        %gt3A_3787 = arith.cmpf ogt, %convert_element_type3A_3781, %div3A_3777 : vector<16xf32>
        %sub3A_3788 = arith.constant 1 : i32
        %sub3A_3789 = vector.broadcast %sub3A_3788 : i32 to vector<16xi32>
        %sub3A_3790 = arith.subi %convert_element_type3A_3779, %sub3A_3789 : vector<16xi32>
        %select_n3A_3791 = arith.select %gt3A_3787, %sub3A_3790, %convert_element_type3A_3779 : vector<16xi1>, vector<16xi32>
        %gt3A_3792 = arith.cmpf ogt, %convert_element_type3A_3780, %div3A_3765 : vector<16xf32>
        %sub3A_3793 = arith.constant 1.000000e+00 : f32
        %sub3A_3794 = vector.broadcast %sub3A_3793 : f32 to vector<16xf32>
        %sub3A_3795 = arith.subf %convert_element_type3A_3780, %sub3A_3794 : vector<16xf32>
        %select_n3A_3796 = arith.select %gt3A_3792, %sub3A_3795, %convert_element_type3A_3780 : vector<16xi1>, vector<16xf32>
        %gt3A_3797 = arith.cmpf ogt, %convert_element_type3A_3781, %div3A_3777 : vector<16xf32>
        %sub3A_3798 = arith.constant 1.000000e+00 : f32
        %sub3A_3799 = vector.broadcast %sub3A_3798 : f32 to vector<16xf32>
        %sub3A_3800 = arith.subf %convert_element_type3A_3781, %sub3A_3799 : vector<16xf32>
        %select_n3A_3801 = arith.select %gt3A_3797, %sub3A_3800, %convert_element_type3A_3781 : vector<16xi1>, vector<16xf32>
        %sub3A_3802 = arith.subf %div3A_3765, %select_n3A_3796 : vector<16xf32>
        %sub3A_3803 = arith.constant 1.000000e+00 : f32
        %sub3A_3804 = vector.broadcast %sub3A_3803 : f32 to vector<16xf32>
        %sub3A_3805 = arith.subf %sub3A_3804, %sub3A_3802 : vector<16xf32>
        %sub3A_3806 = arith.subf %div3A_3777, %select_n3A_3801 : vector<16xf32>
        %sub3A_3807 = arith.constant 1.000000e+00 : f32
        %sub3A_3808 = vector.broadcast %sub3A_3807 : f32 to vector<16xf32>
        %sub3A_3809 = arith.subf %sub3A_3808, %sub3A_3806 : vector<16xf32>
        %jit3A_3810 = arith.constant 0 : i32
        %jit3A_3811 = arith.constant 511 : i32
        %max3A_3812 = vector.broadcast %jit3A_3810 : i32 to vector<16xi32>
        %max3A_3813 = arith.maxsi %max3A_3812, %select_n3A_3786 : vector<16xi32>
        %min3A_3814 = vector.broadcast %jit3A_3811 : i32 to vector<16xi32>
        %min3A_3815 = arith.minsi %min3A_3814, %max3A_3813 : vector<16xi32>
        %add3A_3816 = arith.constant 1 : i32
        %add3A_3817 = vector.broadcast %add3A_3816 : i32 to vector<16xi32>
        %add3A_3818 = arith.addi %select_n3A_3786, %add3A_3817 : vector<16xi32>
        %jit3A_3819 = arith.constant 0 : i32
        %jit3A_3820 = arith.constant 511 : i32
        %max3A_3821 = vector.broadcast %jit3A_3819 : i32 to vector<16xi32>
        %max3A_3822 = arith.maxsi %max3A_3821, %add3A_3818 : vector<16xi32>
        %min3A_3823 = vector.broadcast %jit3A_3820 : i32 to vector<16xi32>
        %min3A_3824 = arith.minsi %min3A_3823, %max3A_3822 : vector<16xi32>
        %jit3A_3825 = arith.constant 0 : i32
        %jit3A_3826 = arith.constant 511 : i32
        %max3A_3827 = vector.broadcast %jit3A_3825 : i32 to vector<16xi32>
        %max3A_3828 = arith.maxsi %max3A_3827, %select_n3A_3791 : vector<16xi32>
        %min3A_3829 = vector.broadcast %jit3A_3826 : i32 to vector<16xi32>
        %min3A_3830 = arith.minsi %min3A_3829, %max3A_3828 : vector<16xi32>
        %add3A_3831 = arith.constant 1 : i32
        %add3A_3832 = vector.broadcast %add3A_3831 : i32 to vector<16xi32>
        %add3A_3833 = arith.addi %select_n3A_3791, %add3A_3832 : vector<16xi32>
        %jit3A_3834 = arith.constant 0 : i32
        %jit3A_3835 = arith.constant 511 : i32
        %max3A_3836 = vector.broadcast %jit3A_3834 : i32 to vector<16xi32>
        %max3A_3837 = arith.maxsi %max3A_3836, %add3A_3833 : vector<16xi32>
        %min3A_3838 = vector.broadcast %jit3A_3835 : i32 to vector<16xi32>
        %min3A_3839 = arith.minsi %min3A_3838, %max3A_3837 : vector<16xi32>
        %mul3A_3840 = arith.constant 512 : i32
        %mul3A_3841 = vector.broadcast %mul3A_3840 : i32 to vector<16xi32>
        %mul3A_3842 = arith.muli %min3A_3830, %mul3A_3841 : vector<16xi32>
        %add3A_3843 = vector.broadcast %mul3A_18 : i32 to vector<16xi32>
        %add3A_3844 = arith.addi %add3A_3843, %mul3A_3842 : vector<16xi32>
        %mul3A_3845 = arith.constant 512 : i32
        %mul3A_3846 = vector.broadcast %mul3A_3845 : i32 to vector<16xi32>
        %mul3A_3847 = arith.muli %min3A_3839, %mul3A_3846 : vector<16xi32>
        %add3A_3848 = vector.broadcast %mul3A_18 : i32 to vector<16xi32>
        %add3A_3849 = arith.addi %add3A_3848, %mul3A_3847 : vector<16xi32>
        %add3A_3850 = arith.addi %add3A_3844, %min3A_3815 : vector<16xi32>
        %swap3A_3851 = arith.constant 112 : index
        %swap3A_3852 = tpu.vector_load %arg8[%swap3A_3851] {strides = array<i32>} : memref<128xi32, #tpu.memory_space<vmem>>, vector<16xi32>,
        tpu.vector_store %arg8[%swap3A_3851], %add3A_3850 {strides = array<i32>} : memref<128xi32, #tpu.memory_space<vmem>>, vector<16xi32>,
        %add3A_3853 = arith.addi %add3A_3844, %min3A_3824 : vector<16xi32>
        %swap3A_3854 = arith.constant 112 : index
        %swap3A_3855 = tpu.vector_load %arg9[%swap3A_3854] {strides = array<i32>} : memref<128xi32, #tpu.memory_space<vmem>>, vector<16xi32>,
        tpu.vector_store %arg9[%swap3A_3854], %add3A_3853 {strides = array<i32>} : memref<128xi32, #tpu.memory_space<vmem>>, vector<16xi32>,
        %add3A_3856 = arith.addi %add3A_3849, %min3A_3815 : vector<16xi32>
        %swap3A_3857 = arith.constant 112 : index
        %swap3A_3858 = tpu.vector_load %arg10[%swap3A_3857] {strides = array<i32>} : memref<128xi32, #tpu.memory_space<vmem>>, vector<16xi32>,
        tpu.vector_store %arg10[%swap3A_3857], %add3A_3856 {strides = array<i32>} : memref<128xi32, #tpu.memory_space<vmem>>, vector<16xi32>,
        %add3A_3859 = arith.addi %add3A_3849, %min3A_3824 : vector<16xi32>
        %swap3A_3860 = arith.constant 112 : index
        %swap3A_3861 = tpu.vector_load %arg11[%swap3A_3860] {strides = array<i32>} : memref<128xi32, #tpu.memory_space<vmem>>, vector<16xi32>,
        tpu.vector_store %arg11[%swap3A_3860], %add3A_3859 {strides = array<i32>} : memref<128xi32, #tpu.memory_space<vmem>>, vector<16xi32>,
        %mul3A_3862 = arith.mulf %sub3A_3809, %sub3A_3805 : vector<16xf32>
        %swap3A_3863 = arith.constant 0 : i32
        %swap3A_3864 = arith.index_cast %swap3A_3863 : i32 to index
        %swap3A_3865 = arith.constant 112 : index
        %swap3A_3866 = tpu.vector_load %arg16[%swap3A_3864, %swap3A_3865] {strides = array<i32>} : memref<4x128xf32, #tpu.memory_space<vmem>>, vector<16xf32>,
        tpu.vector_store %arg16[%swap3A_3864, %swap3A_3865], %mul3A_3862 {strides = array<i32>} : memref<4x128xf32, #tpu.memory_space<vmem>>, vector<16xf32>,
        %mul3A_3867 = arith.mulf %sub3A_3809, %sub3A_3802 : vector<16xf32>
        %swap3A_3868 = arith.constant 1 : i32
        %swap3A_3869 = arith.index_cast %swap3A_3868 : i32 to index
        %swap3A_3870 = arith.constant 112 : index
        %swap3A_3871 = tpu.vector_load %arg16[%swap3A_3869, %swap3A_3870] {strides = array<i32>} : memref<4x128xf32, #tpu.memory_space<vmem>>, vector<16xf32>,
        tpu.vector_store %arg16[%swap3A_3869, %swap3A_3870], %mul3A_3867 {strides = array<i32>} : memref<4x128xf32, #tpu.memory_space<vmem>>, vector<16xf32>,
        %mul3A_3872 = arith.mulf %sub3A_3806, %sub3A_3805 : vector<16xf32>
        %swap3A_3873 = arith.constant 2 : i32
        %swap3A_3874 = arith.index_cast %swap3A_3873 : i32 to index
        %swap3A_3875 = arith.constant 112 : index
        %swap3A_3876 = tpu.vector_load %arg16[%swap3A_3874, %swap3A_3875] {strides = array<i32>} : memref<4x128xf32, #tpu.memory_space<vmem>>, vector<16xf32>,
        tpu.vector_store %arg16[%swap3A_3874, %swap3A_3875], %mul3A_3872 {strides = array<i32>} : memref<4x128xf32, #tpu.memory_space<vmem>>, vector<16xf32>,
        %mul3A_3877 = arith.mulf %sub3A_3806, %sub3A_3802 : vector<16xf32>
        %swap3A_3878 = arith.constant 3 : i32
        %swap3A_3879 = arith.index_cast %swap3A_3878 : i32 to index
        %swap3A_3880 = arith.constant 112 : index
        %swap3A_3881 = tpu.vector_load %arg16[%swap3A_3879, %swap3A_3880] {strides = array<i32>} : memref<4x128xf32, #tpu.memory_space<vmem>>, vector<16xf32>,
        tpu.vector_store %arg16[%swap3A_3879, %swap3A_3880], %mul3A_3877 {strides = array<i32>} : memref<4x128xf32, #tpu.memory_space<vmem>>, vector<16xf32>,
        %dma_start3A_3882 = arith.constant 0 : i32
        %dma_start3A_3883 = arith.constant 0 : i32
        %dma_start3A_3884 = tpu.memref_slice %arg2[%dma_start3A_3882, %dma_start3A_3883] : memref<524288x96xf32, #tpu.memory_space<hbm>> -> memref<524288x96xf32, #tpu.memory_space<hbm>>
        tpu.enqueue_indirect_dma source(%dma_start3A_3884 : memref<524288x96xf32, #tpu.memory_space<hbm>>) target(%arg18 : memref<128x96xf32, #tpu.memory_space<vmem>>) offsets(%arg8 : memref<128xi32, #tpu.memory_space<vmem>>) semaphore(%arg28 : memref<!tpu.dma_semaphore, #tpu.memory_space<semaphore_mem>>)
        %dma_start3A_3885 = arith.constant 0 : i32
        %dma_start3A_3886 = arith.constant 0 : i32
        %dma_start3A_3887 = tpu.memref_slice %arg2[%dma_start3A_3885, %dma_start3A_3886] : memref<524288x96xf32, #tpu.memory_space<hbm>> -> memref<524288x96xf32, #tpu.memory_space<hbm>>
        tpu.enqueue_indirect_dma source(%dma_start3A_3887 : memref<524288x96xf32, #tpu.memory_space<hbm>>) target(%arg19 : memref<128x96xf32, #tpu.memory_space<vmem>>) offsets(%arg9 : memref<128xi32, #tpu.memory_space<vmem>>) semaphore(%arg28 : memref<!tpu.dma_semaphore, #tpu.memory_space<semaphore_mem>>)
        %dma_start3A_3888 = arith.constant 0 : i32
        %dma_start3A_3889 = arith.constant 0 : i32
        %dma_start3A_3890 = tpu.memref_slice %arg2[%dma_start3A_3888, %dma_start3A_3889] : memref<524288x96xf32, #tpu.memory_space<hbm>> -> memref<524288x96xf32, #tpu.memory_space<hbm>>
        tpu.enqueue_indirect_dma source(%dma_start3A_3890 : memref<524288x96xf32, #tpu.memory_space<hbm>>) target(%arg20 : memref<128x96xf32, #tpu.memory_space<vmem>>) offsets(%arg10 : memref<128xi32, #tpu.memory_space<vmem>>) semaphore(%arg28 : memref<!tpu.dma_semaphore, #tpu.memory_space<semaphore_mem>>)
        %dma_start3A_3891 = arith.constant 0 : i32
        %dma_start3A_3892 = arith.constant 0 : i32
        %dma_start3A_3893 = tpu.memref_slice %arg2[%dma_start3A_3891, %dma_start3A_3892] : memref<524288x96xf32, #tpu.memory_space<hbm>> -> memref<524288x96xf32, #tpu.memory_space<hbm>>
        tpu.enqueue_indirect_dma source(%dma_start3A_3893 : memref<524288x96xf32, #tpu.memory_space<hbm>>) target(%arg21 : memref<128x96xf32, #tpu.memory_space<vmem>>) offsets(%arg11 : memref<128xi32, #tpu.memory_space<vmem>>) semaphore(%arg28 : memref<!tpu.dma_semaphore, #tpu.memory_space<semaphore_mem>>)
      } else {
      }
      %gt3A_2617 = arith.constant 0 : i32
      %gt3A_2618 = arith.cmpi sgt, %scan3A_1306, %gt3A_2617 : i32
      %convert_element_type3A_2619 = arith.extui %gt3A_2618 : i1 to i32
      %cond3A_2620 = arith.constant 0 : i32
      %cond3A_2621 = arith.cmpi ne, %convert_element_type3A_2619, %cond3A_2620 : i32
      scf.if %cond3A_2621 {
        %add3A_2637 = arith.constant 0 : i32
        %add3A_2638 = arith.addi %mul3A_36, %add3A_2637 : i32
        %dma_wait3A_2639 = arith.constant 0 : i32
        %dma_wait3A_2640 = tpu.memref_slice %arg5[%select_n3A, %dma_wait3A_2639, %add3A_2638] : memref<2x96x262144xf32, #tpu.memory_space<hbm>> -> memref<1x96x128xf32, #tpu.memory_space<hbm>>
        %dma_wait3A_2641 = tpu.memref_squeeze %dma_wait3A_2640 : memref<1x96x128xf32, #tpu.memory_space<hbm>> -> memref<96x128xf32, #tpu.memory_space<hbm>>
        %dma_wait3A_2642 = arith.constant 0 : i32
        %dma_wait3A_2643 = tpu.memref_slice %arg5[%select_n3A, %dma_wait3A_2642, %add3A_2638] : memref<2x96x262144xf32, #tpu.memory_space<hbm>> -> memref<1x96x128xf32, #tpu.memory_space<hbm>>
        %dma_wait3A_2644 = tpu.memref_squeeze %dma_wait3A_2643 : memref<1x96x128xf32, #tpu.memory_space<hbm>> -> memref<96x128xf32, #tpu.memory_space<hbm>>
        tpu.wait_dma2 semaphore(%arg31 : memref<!tpu.dma_semaphore, #tpu.memory_space<semaphore_mem>>) src(%arg27 : memref<96x128xf32, #tpu.memory_space<vmem>>) dst(%dma_wait3A_2644 : memref<96x128xf32, #tpu.memory_space<hbm>>)
      } else {
      }
      %scan3A_2622 = arith.constant 0 : i32
      %scan3A_2623 = arith.constant 0 : i32
      %scan3A_2624 = arith.constant 8 : i32
      %scan3A_2625 = arith.addi %scan3A_2623, %scan3A_2624 : i32
      %scan3A_2626 = arith.constant 1 : i32
      scf.for %scan3A_2637 = %scan3A_2623 to %scan3A_2625 step %scan3A_2626  : i32 {
        %mul3A_2638 = arith.constant 16 : i32
        %mul3A_2639 = arith.muli %scan3A_2637, %mul3A_2638 : i32
        %iota3A = tpu.iota {dimensions = array<i32: 0>} : vector<16xi32>
        %mul3A_2640 = arith.constant 16 : i32
        %mul3A_2641 = arith.muli %scan3A_2637, %mul3A_2640 : i32
        %add3A_2642 = vector.broadcast %mul3A_2641 : i32 to vector<16xi32>
        %add3A_2643 = arith.addi %iota3A, %add3A_2642 : vector<16xi32>
        %iota3A_2644 = tpu.iota {dimensions = array<i32: 0>} : vector<16xi32>
        %get3A_2645 = arith.constant 0 : i32
        %get3A_2646 = arith.index_cast %get3A_2645 : i32 to index
        %get3A_2647 = arith.index_cast %mul3A_2639 : i32 to index
        %get3A_2648 = tpu.vector_load %arg17[%get3A_2646, %get3A_2647] {strides = array<i32>} : memref<4x128xf32, #tpu.memory_space<vmem>>, vector<16xf32>,
        %get3A_2649 = arith.constant 1 : i32
        %get3A_2650 = arith.index_cast %get3A_2649 : i32 to index
        %get3A_2651 = arith.index_cast %mul3A_2639 : i32 to index
        %get3A_2652 = tpu.vector_load %arg17[%get3A_2650, %get3A_2651] {strides = array<i32>} : memref<4x128xf32, #tpu.memory_space<vmem>>, vector<16xf32>,
        %get3A_2653 = arith.constant 2 : i32
        %get3A_2654 = arith.index_cast %get3A_2653 : i32 to index
        %get3A_2655 = arith.index_cast %mul3A_2639 : i32 to index
        %get3A_2656 = tpu.vector_load %arg17[%get3A_2654, %get3A_2655] {strides = array<i32>} : memref<4x128xf32, #tpu.memory_space<vmem>>, vector<16xf32>,
        %get3A_2657 = arith.constant 3 : i32
        %get3A_2658 = arith.index_cast %get3A_2657 : i32 to index
        %get3A_2659 = arith.index_cast %mul3A_2639 : i32 to index
        %get3A_2660 = tpu.vector_load %arg17[%get3A_2658, %get3A_2659] {strides = array<i32>} : memref<4x128xf32, #tpu.memory_space<vmem>>, vector<16xf32>,
        %parallel_loop3A = arith.constant 0 : i32
        %parallel_loop3A_2661 = arith.constant 96 : i32
        %parallel_loop3A_2662 = arith.constant 1 : i32
        scf.for %parallel_loop3A_2663 = %parallel_loop3A to %parallel_loop3A_2661 step %parallel_loop3A_2662  : i32 {
          %parallel_loop3A_2664 = vector.broadcast %parallel_loop3A_2663 : i32 to vector<16xi32>
          %parallel_loop3A_2665 = arith.addi %iota3A_2644, %parallel_loop3A_2664 : vector<16xi32>
          %parallel_loop3A_2666 = arith.constant 96 : i32
          %parallel_loop3A_2667 = vector.broadcast %parallel_loop3A_2666 : i32 to vector<16xi32>
          %parallel_loop3A_2668 = arith.cmpi sge, %parallel_loop3A_2665, %parallel_loop3A_2667 : vector<16xi32>
          %parallel_loop3A_2669 = arith.constant 96 : i32
          %parallel_loop3A_2670 = vector.broadcast %parallel_loop3A_2669 : i32 to vector<16xi32>
          %parallel_loop3A_2671 = arith.subi %parallel_loop3A_2665, %parallel_loop3A_2670 : vector<16xi32>
          %parallel_loop3A_2672 = arith.select %parallel_loop3A_2668, %parallel_loop3A_2671, %parallel_loop3A_2665 : vector<16xi1>, vector<16xi32>
          %parallel_loop3A_2673 = tpu.vector_load_idx %arg22[%add3A_2643, %parallel_loop3A_2672] : memref<128x96xf32, #tpu.memory_space<vmem>>[vector<16xi32>, vector<16xi32>], vector<16xf32>,
          %parallel_loop3A_2674 = tpu.vector_load_idx %arg23[%add3A_2643, %parallel_loop3A_2672] : memref<128x96xf32, #tpu.memory_space<vmem>>[vector<16xi32>, vector<16xi32>], vector<16xf32>,
          %parallel_loop3A_2675 = tpu.vector_load_idx %arg24[%add3A_2643, %parallel_loop3A_2672] : memref<128x96xf32, #tpu.memory_space<vmem>>[vector<16xi32>, vector<16xi32>], vector<16xf32>,
          %parallel_loop3A_2676 = tpu.vector_load_idx %arg25[%add3A_2643, %parallel_loop3A_2672] : memref<128x96xf32, #tpu.memory_space<vmem>>[vector<16xi32>, vector<16xi32>], vector<16xf32>,
          %parallel_loop3A_2677 = arith.mulf %parallel_loop3A_2673, %get3A_2648 : vector<16xf32>
          %parallel_loop3A_2678 = arith.mulf %parallel_loop3A_2674, %get3A_2652 : vector<16xf32>
          %parallel_loop3A_2679 = arith.addf %parallel_loop3A_2677, %parallel_loop3A_2678 : vector<16xf32>
          %parallel_loop3A_2680 = arith.mulf %parallel_loop3A_2675, %get3A_2656 : vector<16xf32>
          %parallel_loop3A_2681 = arith.addf %parallel_loop3A_2679, %parallel_loop3A_2680 : vector<16xf32>
          %parallel_loop3A_2682 = arith.mulf %parallel_loop3A_2676, %get3A_2660 : vector<16xf32>
          %parallel_loop3A_2683 = arith.addf %parallel_loop3A_2681, %parallel_loop3A_2682 : vector<16xf32>
          tpu.vector_store_idx %arg27[%parallel_loop3A_2672, %add3A_2643], %parallel_loop3A_2683 : memref<96x128xf32, #tpu.memory_space<vmem>>[vector<16xi32>, vector<16xi32>], vector<16xf32>,
        } {sc.loop_unroll_factor = 8 : i64, sc.parallel_access}
      }
      %scan3A_2627 = arith.constant 8 : i32
      %mul3A_2628 = arith.constant 128 : i32
      %mul3A_2629 = arith.muli %add3A_1312, %mul3A_2628 : i32
      %add3A_2630 = arith.addi %mul3A_36, %mul3A_2629 : i32
      %dma_start3A_2631 = arith.constant 0 : i32
      %dma_start3A_2632 = tpu.memref_slice %arg5[%select_n3A, %dma_start3A_2631, %add3A_2630] : memref<2x96x262144xf32, #tpu.memory_space<hbm>> -> memref<1x96x128xf32, #tpu.memory_space<hbm>>
      %dma_start3A_2633 = tpu.memref_squeeze %dma_start3A_2632 : memref<1x96x128xf32, #tpu.memory_space<hbm>> -> memref<96x128xf32, #tpu.memory_space<hbm>>
      %dma_start3A_2634 = arith.constant 0 : i32
      %dma_start3A_2635 = tpu.memref_slice %arg5[%select_n3A, %dma_start3A_2634, %add3A_2630] : memref<2x96x262144xf32, #tpu.memory_space<hbm>> -> memref<1x96x128xf32, #tpu.memory_space<hbm>>
      %dma_start3A_2636 = tpu.memref_squeeze %dma_start3A_2635 : memref<1x96x128xf32, #tpu.memory_space<hbm>> -> memref<96x128xf32, #tpu.memory_space<hbm>>
      tpu.enqueue_dma source(%arg27 : memref<96x128xf32, #tpu.memory_space<vmem>>) target(%dma_start3A_2636 : memref<96x128xf32, #tpu.memory_space<hbm>>) target_semaphore(%arg31 : memref<!tpu.dma_semaphore, #tpu.memory_space<semaphore_mem>>)
    }
    %scan3A_1290 = arith.constant 64 : i32
    %add3A_1291 = arith.constant 0 : i32
    %add3A_1292 = arith.addi %mul3A_36, %add3A_1291 : i32
    %dma_wait3A = arith.constant 0 : i32
    %dma_wait3A_1293 = tpu.memref_slice %arg5[%select_n3A, %dma_wait3A, %add3A_1292] : memref<2x96x262144xf32, #tpu.memory_space<hbm>> -> memref<1x96x128xf32, #tpu.memory_space<hbm>>
    %dma_wait3A_1294 = tpu.memref_squeeze %dma_wait3A_1293 : memref<1x96x128xf32, #tpu.memory_space<hbm>> -> memref<96x128xf32, #tpu.memory_space<hbm>>
    %dma_wait3A_1295 = arith.constant 0 : i32
    %dma_wait3A_1296 = tpu.memref_slice %arg5[%select_n3A, %dma_wait3A_1295, %add3A_1292] : memref<2x96x262144xf32, #tpu.memory_space<hbm>> -> memref<1x96x128xf32, #tpu.memory_space<hbm>>
    %dma_wait3A_1297 = tpu.memref_squeeze %dma_wait3A_1296 : memref<1x96x128xf32, #tpu.memory_space<hbm>> -> memref<96x128xf32, #tpu.memory_space<hbm>>
    tpu.wait_dma2 semaphore(%arg30 : memref<!tpu.dma_semaphore, #tpu.memory_space<semaphore_mem>>) src(%arg26 : memref<96x128xf32, #tpu.memory_space<vmem>>) dst(%dma_wait3A_1297 : memref<96x128xf32, #tpu.memory_space<hbm>>)
    %add3A_1298 = arith.constant 0 : i32
    %add3A_1299 = arith.addi %mul3A_36, %add3A_1298 : i32
    %dma_wait3A_1300 = arith.constant 0 : i32
    %dma_wait3A_1301 = tpu.memref_slice %arg5[%select_n3A, %dma_wait3A_1300, %add3A_1299] : memref<2x96x262144xf32, #tpu.memory_space<hbm>> -> memref<1x96x128xf32, #tpu.memory_space<hbm>>
    %dma_wait3A_1302 = tpu.memref_squeeze %dma_wait3A_1301 : memref<1x96x128xf32, #tpu.memory_space<hbm>> -> memref<96x128xf32, #tpu.memory_space<hbm>>
    %dma_wait3A_1303 = arith.constant 0 : i32
    %dma_wait3A_1304 = tpu.memref_slice %arg5[%select_n3A, %dma_wait3A_1303, %add3A_1299] : memref<2x96x262144xf32, #tpu.memory_space<hbm>> -> memref<1x96x128xf32, #tpu.memory_space<hbm>>
    %dma_wait3A_1305 = tpu.memref_squeeze %dma_wait3A_1304 : memref<1x96x128xf32, #tpu.memory_space<hbm>> -> memref<96x128xf32, #tpu.memory_space<hbm>>
    tpu.wait_dma2 semaphore(%arg31 : memref<!tpu.dma_semaphore, #tpu.memory_space<semaphore_mem>>) src(%arg27 : memref<96x128xf32, #tpu.memory_space<vmem>>) dst(%dma_wait3A_1305 : memref<96x128xf32, #tpu.memory_space<hbm>>)
    return
  }
}

</mosaic_0001>

<sc_bundles>
// kernel: kernel.3.cloned.1.call-start
scs
__scs_entry_jumppad:
0x0: {  	(pc) =	sbr.rel $0x88, $3  }
0x1: {  	(tag) =	ssettag $0x0;
	lr =	simm.s32 $0x1  }
0x2: {  	[smem:$0x3F9E] =	sst lr;
	_ =	strace $0xD0000000  }
0x3: {  	_ = 	snop  }
0x4: {  	_ = 	snop  }
0x5: {  	_ = 	snop  }
0x6: {  	_ = 	snop  }
0x7: {  	_ = 	snop  }
__scs_overlays_trampoline_lowered:
0x8: {  	[smem:$0x3FAD] =	sst s0  }
0x9: {  	[smem:$0x3FAE] =	sst s1  }
0xa: {  	[smem:$0x3FAF] =	sst s2  }
0xb: {  	[smem:$0x3FB0] =	sst s3  }
0xc: {  	[smem:$0x3FB1] =	sst s4  }
0xd: {  	[smem:$0x3FB2] =	sst s5  }
0xe: {  	[smem:$0x3FB3] =	sst s6  }
0xf: {  	[smem:$0x3FB4] =	sst s7  }
0x10: {  	[smem:$0x3FB5] =	sst s8  }
0x11: {  	[smem:$0x3FB6] =	sst s9;
	s0 =	simm.s32 @!p0 $0x0  }
0x12: {  	s1 =	sld [smem:$0x3F9C];
	s0 =	simm.s32 @p0 $0x1  }
0x13: {  	[smem:$0x3FB7] =	sst s0;
	s0 =	simm.s32 @!p1 $0x0  }
0x14: {  	s2 =	sld [smem:$0x3F9B];
	s0 =	simm.s32 @p1 $0x1  }
0x15: {  	[smem:$0x3FB8] =	sst s0;
	s0 =	simm.s32 @!p2 $0x0  }
0x16: {  	s3 =	sld [smem:$0x3FDB];
	s0 =	simm.s32 @p2 $0x1  }
0x17: {  	s4 =	simm.s32 $0x1BF5;
	[smem:$0x3FBA] =	sst s0  }
0x18: {  	s0 =	sld [smem:$0x3F9D];
	_ =	swait.ge [sflag:s4], $0x0  }
0x19: {  	s7 =	sld [smem:$0x3F9E]  }
0x1a: {  	s8 =	sadd.s32 $0xFFFFE003, lr  }
0x1b: {  	s9 =	sadd.s32 $0xFFFFFEF7, lr;
	s5 =	simm.s32 $0xFFFFFFFF;
	p2 =	slt.u32 s8, $0xFFFFF086  }
0x1c: {  	p1 =	slt.u32 s9, $0xF7A;
	s5 =	simm.s32 @!p2 $0x0  }
0x1d: {  	s5 =	simm.s32 @p1 $0x1;
	p0 =	seq.s32 s7, s2  }
0x1e: {  	s7 =	smul.u32 @!p0 $0xF7A, s2;
	p2 =	seq.s32 @!p0 s5, $0x0  }
0x1f: {  	s9 =	smul.u32 $0xF7A, s1;
	s8 =	simm.s32 @!p0 $0x1BF5;
	p2 =	por !p2, p0  }
0x20: {  	[sflag:s8] =	ssyncset.s32 @!p0 $0xFFFFF086;
	s6 =	sadd.s32 @!p0 s3, s7;
	s7 =	simm.s32 @!p0 $0x108  }
0x21: {  	s3 =	sadd.s32 s3, s9;
	s6 =	sadd.s32 @!p0 $0x88, s6;
	s7 =	simm.s32 @p2 $0x1082  }
0x22: {  	[simem:s7], [sflag:s8] =	dma.local @!p0 [hbm:s6], $0xF7A  }
0x23: {  	s9 =	sor.u32 $0xD0000000, s2;
	s6 =	simm.s32 $0x108;
	_ =	swait.ge @!p0 [sflag:s8], $0x0  }
0x24: {  	s3 =	sadd.s32 $0x88, s3;
	s6 =	simm.s32 @!p1 $0x1082;
	[sflag:s4] =	ssyncset.s32 $0xFFFFF086  }
0x25: {  	[simem:s6], [sflag:s4] =	dma.local [hbm:s3], $0xF7A  }
0x26: {  	[smem:$0x3F9E] =	sst s1;
	(tag) =	ssettag s2;
	_ =	strace s9  }
0x27: {  	s1 =	sld [smem:$0x3FAE]  }
0x28: {  	s2 =	sld [smem:$0x3FAF]  }
0x29: {  	s4 =	sld [smem:$0x3FB1]  }
0x2a: {  	p0 =	seq.s32 s5, $0x0;
	s5 =	sld [smem:$0x3FB2]  }
0x2b: {  	s6 =	sld [smem:$0x3FB3]  }
0x2c: {  	s7 =	sld [smem:$0x3FB4]  }
0x2d: {  	s3 =	simm.s32 $0x108;
	s8 =	sld [smem:$0x3FB5]  }
0x2e: {  	s3 =	simm.s32 @!p0 $0x1082;
	s9 =	sld [smem:$0x3FB6]  }
0x2f: {  	lr =	sadd.s32 s0, s3;
	s0 =	sld [smem:$0x3FAD]  }
0x30: {  	s3 =	sld [smem:$0x3FB0]  }
0x31: {  	[smem:$0x3FB9] =	sst s10  }
0x32: {  	s10 =	sld [smem:$0x3FB7];
	_ =	sdelay $0x3  }
0x33: {  	p0 =	seq.s32 s10, $0x1;
	s10 =	sld [smem:$0x3FB9];
	_ =	sdelay $0x3  }
0x34: {  	[smem:$0x3FB9] =	sst s10  }
0x35: {  	s10 =	sld [smem:$0x3FB8];
	_ =	sdelay $0x3  }
0x36: {  	p1 =	seq.s32 s10, $0x1;
	s10 =	sld [smem:$0x3FB9];
	_ =	sdelay $0x3  }
0x37: {  	[smem:$0x3FB9] =	sst s10  }
0x38: {  	s10 =	sld [smem:$0x3FBA]  }
0x39: {  	_ = 	snop;
	(pc) =	sbr.ind lr, $3  }
0x3a: {  	_ = 	snop  }
0x3b: {  	_ = 	snop  }
0x3c: {  	p2 =	seq.s32 s10, $0x1;
	s10 =	sld [smem:$0x3FB9]  }
0x3d: {  	_ =	shalt  }
0x3e: {  	_ =	shalt  }
0x3f: {  	_ =	shalt  }
0x40: {  	_ =	shalt  }
0x41: {  	_ =	shalt  }
0x42: {  	_ =	shalt  }
0x43: {  	_ =	shalt  }
0x44: {  	_ =	shalt  }
0x45: {  	_ =	shalt  }
0x46: {  	_ =	shalt  }
0x47: {  	_ =	shalt  }
0x48: {  	_ =	shalt  }
0x49: {  	_ =	shalt  }
0x4a: {  	_ =	shalt  }
0x4b: {  	_ =	shalt  }
0x4c: {  	_ =	shalt  }
0x4d: {  	_ =	shalt  }
0x4e: {  	_ =	shalt  }
0x4f: {  	_ =	shalt  }
0x50: {  	_ =	shalt  }
0x51: {  	_ =	shalt  }
0x52: {  	_ =	shalt  }
0x53: {  	_ =	shalt  }
0x54: {  	_ =	shalt  }
0x55: {  	_ =	shalt  }
0x56: {  	_ =	shalt  }
0x57: {  	_ =	shalt  }
0x58: {  	_ =	shalt  }
0x59: {  	_ =	shalt  }
0x5a: {  	_ =	shalt  }
0x5b: {  	_ =	shalt  }
0x5c: {  	_ =	shalt  }
0x5d: {  	_ =	shalt  }
0x5e: {  	_ =	shalt  }
0x5f: {  	_ =	shalt  }
0x60: {  	_ =	shalt  }
0x61: {  	_ =	shalt  }
0x62: {  	_ =	shalt  }
0x63: {  	_ =	shalt  }
0x64: {  	_ =	shalt  }
0x65: {  	_ =	shalt  }
0x66: {  	_ =	shalt  }
0x67: {  	_ =	shalt  }
0x68: {  	_ =	shalt  }
0x69: {  	_ =	shalt  }
0x6a: {  	_ =	shalt  }
0x6b: {  	_ =	shalt  }
0x6c: {  	_ =	shalt  }
0x6d: {  	_ =	shalt  }
0x6e: {  	_ =	shalt  }
0x6f: {  	_ =	shalt  }
0x70: {  	_ =	shalt  }
0x71: {  	_ =	shalt  }
0x72: {  	_ =	shalt  }
0x73: {  	_ =	shalt  }
0x74: {  	_ =	shalt  }
0x75: {  	_ =	shalt  }
0x76: {  	_ =	shalt  }
0x77: {  	_ =	shalt  }
0x78: {  	_ =	shalt  }
0x79: {  	_ =	shalt  }
0x7a: {  	_ =	shalt  }
0x7b: {  	_ =	shalt  }
0x7c: {  	_ =	shalt  }
0x7d: {  	_ =	shalt  }
0x7e: {  	_ =	shalt  }
0x7f: {  	_ =	shalt  }
0x80: {  	_ =	shalt  }
0x81: {  	_ =	shalt  }
0x82: {  	_ =	shalt  }
0x83: {  	_ =	shalt  }
0x84: {  	_ =	shalt  }
0x85: {  	_ =	shalt  }
0x86: {  	_ =	shalt  }
0x87: {  	_ =	shalt  }
.Lfunc_end0:
.L_simem_size_0:
called_computation.1_lowered:
.L_overlay_start_0:
0x88: {  	s2 =	sld [smem:$0x3FD9]  }
0x89: {  	s3 =	sld [smem:$0x3FFE];
	_ =	sdelay $0x1  }
0x8a: {  	s1 =	srdreg.scid  }
0x8b: {  	s0 =	sand.u32 $0x1, s1  }
0x8c: {  	s17 =	sshll.u32 s0, $0xA;
	s2 =	sadd.s32 s3, s2  }
0x8d: {  	s2 =	sadd.s32 s2, s17  }
0x8e: {  	[smem:$0x3FC5] =	sst s2  }
0x8f: {  	_ = 	snop  }
0x90: {  	s2 =	sld [smem:$0x3FD0];
	(tm) =	ssettm $0x1  }
0x91: {  	s18 =	sld [smem:$0x3FFB];
	_ =	sdelay $0x3  }
0x92: {  	_ =	strace s18  }
0x93: {  	s3 =	sld [smem:$0x3FFC];
	_ =	sdelay $0x3  }
0x94: {  	_ =	strace s3  }
0x95: {  	s3 =	sld [smem:$0x3FFD];
	_ =	sdelay $0x3  }
0x96: {  	_ =	strace s3  }
0x97: {  	_ =	strace $0x8FFFFFFF  }
0x98: {  	s19 =	sld [smem:$0x3FDB];
	_ =	sdelay $0x1  }
0x99: {  	s4 =	simm.s32 $_scs_section_size  }
0x9a: {  	s5 =	simm.s32 $_size__tile_overlayer_lowered;
	s6 =	simm.s32 $_tile_overlayer_lowered  }
0x9b: {  	s22 =	simm.s32 $0x1BFF;
	s21 =	sshll.u32 s6, $0x1;
	s3 =	sadd.s32 s4, s19  }
0x9c: {  	s7 =	simm.s32 $0x0;
	s20 =	sshll.u32 s5, $0x1;
	s5 =	sadd.s32 s21, s3  }
0x9d: {  	[timem:s7], [sflag:s22] =	dma.local [hbm:s5], s20  }
0x9e: {  	_ =	swait.ge [sflag:s22], s20  }
0x9f: {  	s4 =	ssub.s32 $0x0, s20;
	[sflag:s22] =	ssyncset.done $0x0  }
0xa0: {  	[sflag:s22] =	ssyncadd.s32 s4;
	_ =	sdelay $0x1  }
0xa1: {  	s23 =	simm.s32 $0x1B8B  }
0xa2: {  	_ =	swait.ge [sflag:s23], $0x1  }
0xa3: {  	[sflag:s23] =	ssyncset.done $0x0  }
0xa4: {  	s25 =	simm.s32 $0x1B8E;
	s24 =	sld [smem:$0x3FFE];
	[sflag:s23] =	ssyncadd.s32 $0xFFFFFFFF  }
0xa5: {  	s26 =	simm.s32 $execute0_lowered;
	[smem:$0x3FD2] =	sst s25  }
0xa6: {  	s5 =	sshll.u32 s26, $0x1;
	_ =	strace $0x80000049;
	[dreg:$0x1] =	wrdreg $0xFFFFFFFF  }
0xa7: {  	s28 =	simm.s32 $_size_execute0_lowered;
	s3 =	sadd.s32 s3, s5;
	[dreg:$0x0] =	wrdreg $0x0  }
0xa8: {  	s5 =	sshll.u32 s28, $0x1;
	[dreg:$0x2] =	wrdreg s3  }
0xa9: {  	[dreg:$0x3] =	wrdreg s5  }
0xaa: {  	[dreg:$0x4] =	wrdreg $0xC0  }
0xab: {  	_ =	task [dreg:s7], $0x5FFFF  }
0xac: {  	[dreg:$0x1] =	wrdreg $0xFFFFFFFF  }
0xad: {  	[dreg:$0x0] =	wrdreg $0x60  }
0xae: {  	[dreg:$0x2] =	wrdreg s2  }
0xaf: {  	[dreg:$0x3] =	wrdreg s24  }
0xb0: {  	[dreg:$0x4] =	wrdreg $0x9  }
0xb1: {  	_ =	task.clear_ibuf [dreg:s7], $0x5FFFF;
	_ =	strace $0x90000049  }
0xb2: {  	s29 =	simm.s32 $0x9;
	_ =	strace $0x8000004B  }
0xb3: {  	_ =	swait.ge [sflag:s29], $0x1  }
0xb4: {  	[sflag:s29] =	ssyncadd.s32 $0xFFFFFFFF  }
0xb5: {  	_ =	strace $0x9000004B  }
0xb6: {  	_ =	sfence  }
0xb7: {  	s30 =	sld [smem:$0x0];
	_ =	sdelay $0x2  }
0xb8: {  	s31 =	sshll.u32 s1, $0xD;
	s1 =	sshrl.u32 s1, $0x2  }
0xb9: {  	s3 =	sand.u32 $0x4000, s31;
	s1 =	sadd.s32 s1, s30  }
0xba: {  	s0 =	sor.u32 s3, s0;
	s1 =	sshll.u32 s1, $0x11  }
0xbb: {  	s0 =	sor.u32 s1, s0  }
0xbc: {  	s0 =	sadd.s32 $0x8F2B, s0  }
0xbd: {  	[sflag:s0] =	ssyncadd.remote.s32 $0x1  }
0xbe: {  	_ =	sfence.sel $0xFFFF  }
0xbf: {  	[dreg:$0x0] =	wrdreg $0xFFFFFFFF;
	(pc) =	sbr.abs _section_cstart, $3  }
0xc0: {  	[dreg:$0x1] =	wrdreg $0xFFFFFFFF  }
0xc1: {  	_ =	task.clear_ibuf [dreg:s7], $0x2FFFF;
	_ =	strace $0x9FFFFFFF  }
0xc2: {  	(tm) =	ssettm $0x7FFFFFFF  }
0xc3: {  	_ =	shalt  }
tec
execute0_lowered:
.L_overlay_start_1:
0x0: {  	(tag) =	ssettag $0x1  }
0x1: {  	s1 =	rddreg [dreg:$0x0]  }
0x2: {  	s0 =	rddreg [dreg:$0x1];
	s2 =	simm.s32 $0x0;
	s23 =	srdreg.scid  }
0x3: {  	s5 =	stileid.u32;
	s14 =	simm.s32 $0x80;
	s16 =	simm.s32 $0x1800  }
0x4: {  	s18 =	simm.s32 $0x4800;
	s20 =	simm.s32 $0x7800;
	[smem:$0x7FF] =	sst s2  }
0x5: {  	v0 =	vimm.f32 $5.110000000e+02;
	s22 =	simm.s32 $0xA800;
	s28 =	simm.s32 $0x10800;
	_ =	strace $0x8000004A  }
0x6: {  	s30 =	simm.s32 $0x13800;
	s15 =	simm.s32 $0x2;
	s17 =	simm.s32 $0x1C800;
	(erf) = vrcp.f32 v0;
	v0 =	vimm.f32 $2.000000000e+00  }
0x7: {  	s7 =	sadd.s32 $0x810C00, s0;
	s2 =	sand.u32 $0x1, s23;
	s8 =	sadd.s32 $0x800C00, s0;
	(erf) = vrcp.f32 v0  }
0x8: {  	s6 =	sadd.s32 $0xC00, s0;
	s4 =	sshll.u32 s5, $0x1;
	s25 =	sshrl.u32 s5, $0x3  }
0x9: {  	s23 =	simm.s32 $0x1;
	s3 =	ssub.s32 $0x2, s2;
	s2 =	sor.u32 s2, s4  }
0xa: {  	s26 =	smul.u32 $0x1800000, s25;
	s5 =	sshll.u32 s25, $0x12;
	[dreg:$0x3] =	wrdreg s7  }
0xb: {  	[dreg:$0x4] =	wrdreg s8;
	s25 =	simm.s32 $0xD800;
	s24 =	sshrl.u32 s3, $0x1  }
0xc: {  	s9 =	sshll.u32 s2, $0xB;
	s2 =	sshll.u32 s2, $0xE;
	v1 =	vmov s5;
	s5 =	simm.s32 $0x0  }
0xd: {  	s0 =	ssub.s32 s3, s24;
	s29 =	sadd.s32 s7, s9;
	[dreg:$0x5] =	wrdreg s9  }
0xe: {  	s2 =	sand.u32 $0x3C000, s2;
	s31 =	sadd.s32 s8, s9;
	[dreg:$0x6] =	wrdreg s29  }
0xf: {  	s3 =	simm.s32 $0x19800;
	[dreg:$0x7] =	wrdreg s31;
	s0 =	smax.u32 s0, $0x1;
	v0 =	vpop (erf)  }
0x10: {  	v3 =	vimm.s32 $0x0;
	v4 =	vlaneseq.u32;
	s10 =	sor.u32 s26, s2;
	[dreg:$0x8] =	wrdreg s0;
	s0 =	simm.s32 $0x16800;
	v2 =	vpop (erf)  }
.LBB2_1:
0x11: {  	[dreg:$0x9] =	wrdreg s5  }
0x12: {  	s2 =	simm.s32 $0x0;
	s4 =	rddreg [dreg:$0x6];
	s19 =	simm.s32 $0x5  }
0x13: {  	[tilespmem:s2], [sflag:$0x5] =	stream.linear.gather [hbm4b:s4+s2], $0x800, $0x38;
	[tilespmem:$0x1F800] =	vst v63  }
0x14: {  	_ =	swait.ge [sflag:s19], $0x800  }
0x15: {  	[sflag:s19] =	ssyncset.done $0x0  }
0x16: {  	s7 =	simm.s32 $0x800;
	s21 =	rddreg [dreg:$0x7];
	[sflag:s19] =	ssyncadd.s32 $0xFFFFF800  }
0x17: {  	[tilespmem:s7], [sflag:$0x5] =	stream.linear.gather [hbm4b:s21+s2], $0x800, $0x38;
	[tilespmem:$0x1F800] =	vst v63  }
0x18: {  	_ =	swait.ge [sflag:s19], $0x800  }
0x19: {  	[sflag:s19] =	ssyncset.done $0x0  }
0x1a: {  	[sflag:s19] =	ssyncadd.s32 $0xFFFFF800  }
0x1b: {  	v5 =	vld [tilespmem:$0x0]  }
0x1c: {  	v6 =	vld [tilespmem:$0x800];
	_ =	sdelay $0x4  }
0x1d: {  	v5 =	vmul.f32 v5, v0;
	v6 =	vmul.f32 v6, v0;
	_ =	sdelay $0x1  }
0x1e: {  	v5 =	vadd.f32 v5, v5;
	v6 =	vadd.f32 v6, v6;
	_ =	sdelay $0x1  }
0x1f: {  	v8 =	vld [tilespmem:$0x10];
	v5 =	vadd.f32 $-1.000000000e+00, v5;
	v6 =	vadd.f32 $-1.000000000e+00, v6  }
0x20: {  	v10 =	vld [tilespmem:$0x810]  }
0x21: {  	v22 =	vld [tilespmem:$0x820];
	v5 =	vadd.f32 $1.000000000e+00, v5;
	v6 =	vadd.f32 $1.000000000e+00, v6  }
0x22: {  	v27 =	vld [tilespmem:$0x30]  }
0x23: {  	v29 =	vld [tilespmem:$0x830];
	v5 =	vmul.f32 $5.120000000e+02, v5;
	v6 =	vmul.f32 $5.120000000e+02, v6;
	_ =	sdelay $0x1  }
0x24: {  	v8 =	vmul.f32 v8, v0;
	v5 =	vadd.f32 $-1.000000000e+00, v5;
	v6 =	vadd.f32 $-1.000000000e+00, v6  }
0x25: {  	v10 =	vmul.f32 v10, v0;
	v22 =	vmul.f32 v22, v0  }
0x26: {  	v5 =	vmul.f32 v5, v2;
	v6 =	vmul.f32 v6, v2  }
0x27: {  	v19 =	vld [tilespmem:$0x20];
	v27 =	vmul.f32 v27, v0;
	v29 =	vmul.f32 v29, v0  }
0x28: {  	v8 =	vadd.f32 v8, v8;
	v7 =	vtrunc.f32 v5;
	v9 =	vtrunc.f32 v6  }
0x29: {  	v10 =	vadd.f32 v10, v10;
	v7 =	vcvt.f32.s32 v7;
	v9 =	vcvt.f32.s32 v9  }
0x2a: {  	v45 =	vadd.f32 v22, v22;
	v27 =	vadd.f32 v27, v27  }
0x2b: {  	v60 =	vadd.f32 v29, v29;
	v11 =	vcvt.s32.f32 v7;
	v12 =	vcvt.s32.f32 v9  }
0x2c: {  	v41 =	vmul.f32 v19, v0;
	v35 =	vadd.f32 $-1.000000000e+00, v10;
	v62 =	vadd.f32 $-1.000000000e+00, v27  }
0x2d: {  	vm0 =	vlt.f32 v5, v11;
	v14 =	vadd.f32 $-1.000000000e+00, v11;
	vm1 =	vlt.f32 v6, v12  }
0x2e: {  	v31 =	vadd.f32 $-1.000000000e+00, v12;
	v13 =	vsel vm0, $0xFFFFFFFF, v3;
	v32 =	vsel vm1, $0xFFFFFFFF, v3  }
0x2f: {  	v11 =	vsel vm0, v14, v11;
	v33 =	vadd.s32 v9, v32;
	v9 =	vadd.f32 $1.000000000e+00, v35  }
0x30: {  	v12 =	vsel vm1, v31, v12;
	v14 =	vadd.f32 v41, v41;
	v5 =	vsub.f32 v5, v11  }
0x31: {  	v7 =	vadd.s32 v7, v13;
	v13 =	vsub.f32 v6, v12;
	v6 =	vadd.f32 $-1.000000000e+00, v8  }
0x32: {  	v36 =	vadd.s32 $0x1, v7;
	vm6 =	vgt.s32 v7, $0x0;
	vm8 =	vgt.s32 v33, $0x0  }
0x33: {  	v11 =	vadd.s32 $0x1, v33;
	vm7 =	vgt.s32 v36, $0x0;
	v7 =	vnsel vm6, $0x0, v7  }
0x34: {  	v9 =	vmul.f32 $5.120000000e+02, v9;
	v8 =	vnsel vm8, $0x0, v33;
	v14 =	vadd.f32 $-1.000000000e+00, v14  }
0x35: {  	vm9 =	vgt.s32 v11, $0x0;
	v34 =	vsub.f32 $1.000000000e+00, v5;
	v6 =	vadd.f32 $1.000000000e+00, v6  }
0x36: {  	v15 =	vsub.f32 $1.000000000e+00, v13;
	v8 =	vmin.u32 v8, $0x1FF;
	v9 =	vadd.f32 $-1.000000000e+00, v9  }
0x37: {  	v8 =	vshll.u32 v8, $0x9;
	v14 =	vadd.f32 $1.000000000e+00, v14;
	v6 =	vmul.f32 $5.120000000e+02, v6  }
0x38: {  	v10 =	vnsel vm7, $0x0, v36;
	v7 =	vmin.u32 v7, $0x1FF;
	v8 =	vor.u32 v1, v8  }
0x39: {  	v17 =	vmul.f32 v9, v2;
	v14 =	vmul.f32 $5.120000000e+02, v14;
	v6 =	vadd.f32 $-1.000000000e+00, v6  }
0x3a: {  	v11 =	vnsel vm9, $0x0, v11;
	v10 =	vmin.u32 v10, $0x1FF;
	v12 =	vor.u32 v7, v8  }
0x3b: {  	v38 =	vtrunc.f32 v17;
	v14 =	vadd.f32 $-1.000000000e+00, v14;
	v16 =	vmul.f32 v6, v2  }
0x3c: {  	v6 =	vmin.u32 v11, $0x1FF;
	v11 =	vor.u32 v10, v8;
	v20 =	vcvt.f32.s32 v38  }
0x3d: {  	v8 =	vmul.f32 v15, v34;
	v6 =	vshll.u32 v6, $0x9;
	v24 =	vmul.f32 v14, v2  }
0x3e: {  	v37 =	vtrunc.f32 v16;
	v6 =	vor.u32 v1, v6;
	v39 =	vcvt.s32.f32 v20  }
0x3f: {  	v18 =	vcvt.f32.s32 v37;
	v9 =	vor.u32 v7, v6;
	v7 =	vmul.f32 v15, v5  }
0x40: {  	v10 =	vor.u32 v10, v6;
	v6 =	vmul.f32 v34, v13;
	v55 =	vtrunc.f32 v24  }
0x41: {  	vm11 =	vlt.f32 v17, v39;
	v43 =	vadd.f32 $-1.000000000e+00, v39;
	v26 =	vcvt.f32.s32 v55  }
0x42: {  	v5 =	vmul.f32 v13, v5;
	v21 =	vcvt.s32.f32 v18;
	v23 =	vsel vm11, $0xFFFFFFFF, v3  }
0x43: {  	v44 =	vadd.s32 v20, v23;
	v15 =	vsel vm11, v43, v39;
	v30 =	vcvt.s32.f32 v26  }
0x44: {  	v40 =	vadd.f32 $-1.000000000e+00, v21;
	vm10 =	vlt.f32 v16, v21;
	v47 =	vsub.f32 v17, v15  }
0x45: {  	vm13 =	vgt.s32 v44, $0x0;
	v19 =	vadd.s32 $0x1, v44;
	v42 =	vsel vm10, $0xFFFFFFFF, v3  }
0x46: {  	v51 =	vnsel vm13, $0x0, v44;
	vm15 =	vgt.s32 v19, $0x0;
	vm4 =	vlt.f32 v24, v30  }
0x47: {  	v58 =	vadd.f32 $-1.000000000e+00, v30;
	v13 =	vsel vm10, v40, v21;
	v18 =	vadd.s32 v18, v42  }
0x48: {  	v39 =	vld [tilespmem:$0x840];
	v49 =	vsub.f32 $1.000000000e+00, v47;
	v19 =	vnsel vm15, $0x0, v19;
	v57 =	vsel vm4, $0xFFFFFFFF, v3  }
0x49: {  	v13 =	vsub.f32 v16, v13;
	vm12 =	vgt.s32 v18, $0x0;
	v16 =	vadd.f32 $-1.000000000e+00, v45  }
0x4a: {  	v50 =	vadd.s32 $0x1, v18;
	v54 =	vmin.u32 v19, $0x1FF;
	v23 =	vsel vm4, v58, v30  }
0x4b: {  	v36 =	vld [tilespmem:$0x40];
	v22 =	vadd.s32 v26, v57;
	v48 =	vnsel vm12, $0x0, v18;
	v30 =	vsub.f32 v24, v23  }
0x4c: {  	vm14 =	vgt.s32 v50, $0x0;
	v23 =	vadd.f32 $-1.000000000e+00, v60;
	v16 =	vadd.f32 $1.000000000e+00, v16  }
0x4d: {  	v18 =	vmin.u32 v51, $0x1FF;
	v41 =	vadd.s32 $0x1, v22;
	v39 =	vmul.f32 v39, v0  }
0x4e: {  	v46 =	vsub.f32 $1.000000000e+00, v13;
	v23 =	vadd.f32 $1.000000000e+00, v23;
	v16 =	vmul.f32 $5.120000000e+02, v16  }
0x4f: {  	v15 =	vmin.u32 v48, $0x1FF;
	v17 =	vnsel vm14, $0x0, v50;
	v18 =	vshll.u32 v18, $0x9  }
0x50: {  	v50 =	vmul.f32 v36, v0;
	v23 =	vmul.f32 $5.120000000e+02, v23;
	v52 =	vadd.f32 $-1.000000000e+00, v16  }
0x51: {  	v53 =	vmin.u32 v17, $0x1FF;
	v18 =	vor.u32 v1, v18;
	v17 =	vshll.u32 v54, $0x9  }
0x52: {  	v17 =	vor.u32 v1, v17;
	v23 =	vadd.f32 $-1.000000000e+00, v23;
	v25 =	vmul.f32 v52, v2  }
0x53: {  	v20 =	vor.u32 v15, v18;
	v19 =	vor.u32 v15, v17;
	v15 =	vmul.f32 v46, v47  }
0x54: {  	vm6 =	vgt.s32 v22, $0x0;
	v33 =	vmul.f32 v23, v2;
	v28 =	vtrunc.f32 v25  }
0x55: {  	vm7 =	vgt.s32 v41, $0x0;
	v16 =	vmul.f32 v49, v13;
	v28 =	vcvt.f32.s32 v28  }
0x56: {  	v22 =	vnsel vm6, $0x0, v22;
	v13 =	vmul.f32 v47, v13;
	v47 =	vtrunc.f32 v33  }
0x57: {  	v63 =	vsub.f32 $1.000000000e+00, v30;
	v37 =	vcvt.f32.s32 v47;
	v56 =	vcvt.s32.f32 v28  }
0x58: {  	v26 =	vnsel vm7, $0x0, v41;
	v22 =	vmin.u32 v22, $0x1FF;
	v55 =	vadd.f32 v39, v39  }
0x59: {  	v48 =	vcvt.s32.f32 v37;
	v59 =	vadd.f32 $-1.000000000e+00, v56;
	vm5 =	vlt.f32 v25, v56  }
0x5a: {  	v18 =	vor.u32 v53, v18;
	v14 =	vmul.f32 v49, v46;
	v61 =	vsel vm5, $0xFFFFFFFF, v3  }
0x5b: {  	vm11 =	vlt.f32 v33, v48;
	v21 =	vsel vm5, v59, v56;
	v24 =	vadd.s32 v28, v61  }
0x5c: {  	v21 =	vsub.f32 v25, v21;
	v25 =	vadd.f32 $1.000000000e+00, v62;
	v42 =	vadd.s32 $0x1, v24  }
0x5d: {  	v52 =	vsel vm11, $0xFFFFFFFF, v3;
	vm8 =	vgt.s32 v24, $0x0;
	vm9 =	vgt.s32 v42, $0x0  }
0x5e: {  	v24 =	vnsel vm8, $0x0, v24;
	v25 =	vmul.f32 $5.120000000e+02, v25;
	v27 =	vnsel vm9, $0x0, v42  }
0x5f: {  	v31 =	vsub.f32 $1.000000000e+00, v21;
	v24 =	vmin.u32 v24, $0x1FF;
	v43 =	vmin.u32 v27, $0x1FF  }
0x60: {  	v42 =	vld [tilespmem:$0x50];
	v24 =	vshll.u32 v24, $0x9;
	v25 =	vadd.f32 $-1.000000000e+00, v25;
	v45 =	vshll.u32 v43, $0x9  }
0x61: {  	v44 =	vor.u32 v1, v24;
	v23 =	vmul.f32 v31, v30;
	v34 =	vor.u32 v1, v45  }
0x62: {  	v28 =	vor.u32 v22, v44;
	v32 =	vmul.f32 v25, v2;
	v25 =	vor.u32 v22, v34  }
0x63: {  	v22 =	vmul.f32 v63, v21;
	v21 =	vmul.f32 v21, v30;
	v30 =	vadd.f32 v50, v50  }
0x64: {  	v26 =	vmin.u32 v26, $0x1FF;
	v17 =	vor.u32 v53, v17;
	v54 =	vadd.s32 v37, v52  }
0x65: {  	v50 =	vmul.f32 v42, v0;
	v46 =	vtrunc.f32 v32;
	v30 =	vadd.f32 $-1.000000000e+00, v30  }
0x66: {  	v53 =	vadd.f32 $-1.000000000e+00, v48;
	vm13 =	vgt.s32 v54, $0x0;
	v35 =	vcvt.f32.s32 v46  }
0x67: {  	v61 =	vnsel vm13, $0x0, v54;
	v39 =	vadd.f32 v50, v50;
	v30 =	vadd.f32 $1.000000000e+00, v30  }
0x68: {  	v24 =	vmul.f32 v31, v63;
	v31 =	vsel vm11, v53, v48;
	v38 =	vcvt.s32.f32 v35  }
0x69: {  	v27 =	vor.u32 v26, v44;
	v39 =	vadd.f32 $-1.000000000e+00, v39;
	v30 =	vmul.f32 $5.120000000e+02, v30  }
0x6a: {  	v26 =	vor.u32 v26, v34;
	v49 =	vadd.f32 $-1.000000000e+00, v38;
	vm10 =	vlt.f32 v32, v38  }
0x6b: {  	v39 =	vadd.f32 $1.000000000e+00, v39;
	v51 =	vsel vm10, $0xFFFFFFFF, v3;
	v30 =	vadd.f32 $-1.000000000e+00, v30  }
0x6c: {  	v29 =	vsel vm10, v49, v38;
	v34 =	vadd.s32 v35, v51;
	v38 =	vsub.f32 v33, v31  }
0x6d: {  	v35 =	vadd.s32 $0x1, v54;
	v39 =	vmul.f32 $5.120000000e+02, v39;
	v29 =	vsub.f32 v32, v29  }
0x6e: {  	vm12 =	vgt.s32 v34, $0x0;
	v32 =	vadd.f32 $-1.000000000e+00, v55;
	v60 =	vadd.s32 $0x1, v34  }
0x6f: {  	vm15 =	vgt.s32 v35, $0x0;
	v40 =	vmul.f32 v30, v2;
	v57 =	vnsel vm12, $0x0, v34  }
0x70: {  	v58 =	vsub.f32 $1.000000000e+00, v38;
	vm14 =	vgt.s32 v60, $0x0;
	v32 =	vadd.f32 $1.000000000e+00, v32  }
0x71: {  	v34 =	vmin.u32 v61, $0x1FF;
	v35 =	vnsel vm15, $0x0, v35;
	v39 =	vadd.f32 $-1.000000000e+00, v39  }
0x72: {  	v56 =	vsub.f32 $1.000000000e+00, v29;
	v31 =	vnsel vm14, $0x0, v60;
	v32 =	vmul.f32 $5.120000000e+02, v32  }
0x73: {  	v34 =	vshll.u32 v34, $0x9;
	v45 =	vmin.u32 v35, $0x1FF;
	v46 =	vtrunc.f32 v40  }
0x74: {  	v63 =	vmin.u32 v31, $0x1FF;
	v31 =	vshll.u32 v45, $0x9;
	v45 =	vld [tilespmem:$0x850];
	v62 =	vadd.f32 $-1.000000000e+00, v32  }
0x75: {  	v59 =	vmin.u32 v57, $0x1FF;
	v34 =	vor.u32 v1, v34;
	v44 =	vcvt.f32.s32 v46  }
0x76: {  	v39 =	vmul.f32 v39, v2;
	v43 =	vor.u32 v1, v31;
	v41 =	vmul.f32 v62, v2  }
0x77: {  	v36 =	vor.u32 v59, v34;
	v31 =	vmul.f32 v58, v56;
	v30 =	vmul.f32 v56, v38  }
0x78: {  	v35 =	vor.u32 v63, v34;
	v60 =	vtrunc.f32 v39;
	v47 =	vtrunc.f32 v41  }
0x79: {  	v34 =	vor.u32 v59, v43;
	v51 =	vmul.f32 v45, v0;
	v46 =	vcvt.f32.s32 v47  }
0x7a: {  	v33 =	vor.u32 v63, v43;
	v32 =	vmul.f32 v58, v29;
	v47 =	vcvt.s32.f32 v44  }
0x7b: {  	v29 =	vmul.f32 v38, v29;
	v42 =	vadd.f32 v51, v51;
	v48 =	vcvt.s32.f32 v46  }
0x7c: {  	v63 =	vcvt.f32.s32 v60;
	vm4 =	vlt.f32 v40, v47;
	v49 =	vadd.f32 $-1.000000000e+00, v47  }
0x7d: {  	v55 =	vadd.f32 $-1.000000000e+00, v42;
	v52 =	vsel vm4, $0xFFFFFFFF, v3;
	vm5 =	vlt.f32 v41, v48  }
0x7e: {  	v53 =	vadd.f32 $-1.000000000e+00, v48;
	v38 =	vsel vm4, v49, v47;
	v43 =	vadd.s32 v44, v52  }
0x7f: {  	v54 =	vsel vm5, $0xFFFFFFFF, v3;
	v38 =	vsub.f32 v40, v38;
	vm6 =	vgt.s32 v43, $0x0  }
0x80: {  	v40 =	vadd.f32 $1.000000000e+00, v55;
	v37 =	vsel vm5, v53, v48;
	v56 =	vadd.s32 v46, v54  }
0x81: {  	v58 =	vnsel vm6, $0x0, v43;
	v43 =	vadd.s32 $0x1, v43;
	v54 =	vcvt.s32.f32 v63  }
0x82: {  	v57 =	vsub.f32 $1.000000000e+00, v38;
	v37 =	vsub.f32 v41, v37;
	vm7 =	vgt.s32 v56, $0x0  }
0x83: {  	v52 =	vld [tilespmem:$0x60];
	v40 =	vmul.f32 $5.120000000e+02, v40;
	v45 =	vmin.u32 v58, $0x1FF;
	vm8 =	vgt.s32 v43, $0x0  }
0x84: {  	v42 =	vadd.s32 $0x1, v56;
	v46 =	vnsel vm7, $0x0, v56;
	v43 =	vnsel vm8, $0x0, v43  }
0x85: {  	[tilespmem:$0x1000] =	vst v12;
	vm9 =	vgt.s32 v42, $0x0;
	v56 =	vadd.f32 $-1.000000000e+00, v54;
	vm10 =	vlt.f32 v39, v54  }
0x86: {  	[tilespmem:$0x1480] =	vst v7;
	v41 =	vsub.f32 $1.000000000e+00, v37;
	v40 =	vadd.f32 $-1.000000000e+00, v40;
	v46 =	vmin.u32 v46, $0x1FF  }
0x87: {  	[tilespmem:$0x1500] =	vst v6;
	v42 =	vnsel vm9, $0x0, v42;
	v43 =	vmin.u32 v43, $0x1FF;
	v7 =	vmul.f32 v57, v37  }
0x88: {  	[tilespmem:$0x1580] =	vst v5;
	v55 =	vld [tilespmem:$0x860];
	v6 =	vmul.f32 v52, v0;
	v5 =	vmul.f32 v37, v38;
	v46 =	vshll.u32 v46, $0x9  }
0x89: {  	[tilespmem:$0x1400] =	vst v8;
	v42 =	vmin.u32 v42, $0x1FF;
	v40 =	vmul.f32 v40, v2;
	v59 =	vor.u32 v1, v46  }
0x8a: {  	[tilespmem:$0x1100] =	vst v9;
	v62 =	vshll.u32 v42, $0x9;
	v9 =	vmul.f32 v41, v57;
	v8 =	vmul.f32 v41, v38  }
0x8b: {  	[tilespmem:$0x1080] =	vst v11;
	v57 =	vsel vm10, v56, v54;
	v6 =	vadd.f32 v6, v6;
	v53 =	vor.u32 v1, v62  }
0x8c: {  	[tilespmem:$0x1010] =	vst v20;
	v52 =	vld [tilespmem:$0x70];
	v11 =	vor.u32 v45, v59;
	v12 =	vor.u32 v43, v59;
	v20 =	vsub.f32 v39, v57  }
0x8d: {  	v59 =	vsel vm10, $0xFFFFFFFF, v3;
	v62 =	vmul.f32 v55, v0;
	v61 =	vtrunc.f32 v40  }
0x8e: {  	[tilespmem:$0x1180] =	vst v10;
	v10 =	vor.u32 v45, v53;
	v43 =	vor.u32 v43, v53;
	v60 =	vadd.s32 v63, v59  }
0x8f: {  	v55 =	vld [tilespmem:$0x870];
	v6 =	vadd.f32 $-1.000000000e+00, v6;
	v46 =	vcvt.f32.s32 v61;
	v39 =	vsub.f32 $1.000000000e+00, v20  }
0x90: {  	[tilespmem:$0x1090] =	vst v18;
	v38 =	vadd.f32 v62, v62;
	vm12 =	vgt.s32 v60, $0x0;
	v45 =	vadd.s32 $0x1, v60  }
0x91: {  	[tilespmem:$0x1420] =	vst v24;
	v24 =	vmul.f32 v52, v0;
	v6 =	vadd.f32 $1.000000000e+00, v6;
	vm13 =	vgt.s32 v45, $0x0  }
0x92: {  	[tilespmem:$0x1410] =	vst v14;
	v48 =	vcvt.s32.f32 v46;
	v47 =	vadd.f32 $-1.000000000e+00, v38;
	v14 =	vnsel vm13, $0x0, v45  }
0x93: {  	[tilespmem:$0x1110] =	vst v19;
	v24 =	vadd.f32 v24, v24;
	v6 =	vmul.f32 $5.120000000e+02, v6;
	v14 =	vmin.u32 v14, $0x1FF  }
0x94: {  	[tilespmem:$0x1120] =	vst v25;
	v25 =	vmul.f32 v55, v0;
	v49 =	vadd.f32 $-1.000000000e+00, v48;
	vm11 =	vlt.f32 v40, v48  }
0x95: {  	[tilespmem:$0x1190] =	vst v17;
	v50 =	vadd.f32 $1.000000000e+00, v47;
	v24 =	vadd.f32 $-1.000000000e+00, v24;
	v63 =	vsel vm11, $0xFFFFFFFF, v3  }
0x96: {  	[tilespmem:$0x1510] =	vst v15;
	v6 =	vadd.f32 $-1.000000000e+00, v6;
	v25 =	vadd.f32 v25, v25;
	v58 =	vsel vm11, v49, v48  }
0x97: {  	[tilespmem:$0x1490] =	vst v16;
	v42 =	vadd.s32 v46, v63;
	v46 =	vnsel vm12, $0x0, v60;
	v16 =	vmul.f32 $5.120000000e+02, v50  }
0x98: {  	[tilespmem:$0x1590] =	vst v13;
	v24 =	vadd.f32 $1.000000000e+00, v24;
	v61 =	vsub.f32 v40, v58;
	v48 =	vmin.u32 v46, $0x1FF  }
0x99: {  	[tilespmem:$0x1020] =	vst v28;
	vm14 =	vgt.s32 v42, $0x0;
	v49 =	vadd.s32 $0x1, v42;
	v6 =	vmul.f32 v6, v2  }
0x9a: {  	[tilespmem:$0x10A0] =	vst v27;
	v25 =	vadd.f32 $-1.000000000e+00, v25;
	v17 =	vnsel vm14, $0x0, v42;
	vm15 =	vgt.s32 v49, $0x0  }
0x9b: {  	[tilespmem:$0x11B0] =	vst v33;
	v16 =	vadd.f32 $-1.000000000e+00, v16;
	v33 =	vmul.f32 $5.120000000e+02, v24;
	v44 =	vsub.f32 $1.000000000e+00, v61  }
0x9c: {  	[tilespmem:$0x14A0] =	vst v23;
	v13 =	vnsel vm15, $0x0, v49;
	v17 =	vmin.u32 v17, $0x1FF;
	v51 =	vtrunc.f32 v6  }
0x9d: {  	[tilespmem:$0x1130] =	vst v34;
	v58 =	vmul.f32 v39, v61;
	v34 =	vadd.f32 $1.000000000e+00, v25;
	v13 =	vmin.u32 v13, $0x1FF  }
0x9e: {  	[tilespmem:$0x11A0] =	vst v26;
	v17 =	vshll.u32 v17, $0x9;
	v16 =	vmul.f32 v16, v2;
	v18 =	vcvt.f32.s32 v51  }
0x9f: {  	[tilespmem:$0x10C0] =	vst v12;
	v12 =	vadd.f32 $-1.000000000e+00, v33;
	v13 =	vshll.u32 v13, $0x9;
	v54 =	vmul.f32 v44, v39  }
0xa0: {  	[tilespmem:$0x1520] =	vst v22;
	v17 =	vor.u32 v1, v17;
	v19 =	vmul.f32 v44, v20;
	v20 =	vmul.f32 v61, v20  }
0xa1: {  	[tilespmem:$0x15A0] =	vst v21;
	v24 =	vmul.f32 $5.120000000e+02, v34;
	v13 =	vor.u32 v1, v13;
	v53 =	vor.u32 v48, v17  }
0xa2: {  	[tilespmem:$0x1030] =	vst v36;
	v17 =	vor.u32 v14, v17;
	v56 =	vtrunc.f32 v16;
	v57 =	vcvt.s32.f32 v18  }
0xa3: {  	[tilespmem:$0x10B0] =	vst v35;
	v12 =	vmul.f32 v12, v2;
	v15 =	vor.u32 v48, v13;
	v21 =	vcvt.f32.s32 v56  }
0xa4: {  	[tilespmem:$0x1430] =	vst v31;
	v13 =	vor.u32 v14, v13;
	v24 =	vadd.f32 $-1.000000000e+00, v24;
	vm4 =	vlt.f32 v6, v57  }
0xa5: {  	[tilespmem:$0x1530] =	vst v30;
	v61 =	vadd.f32 $-1.000000000e+00, v57;
	v59 =	vcvt.s32.f32 v21;
	v60 =	vsel vm4, $0xFFFFFFFF, v3  }
0xa6: {  	[tilespmem:$0x14B0] =	vst v32;
	v41 =	vtrunc.f32 v12;
	v40 =	vmul.f32 v24, v2;
	v18 =	vadd.s32 v18, v60  }
0xa7: {  	[tilespmem:$0x15B0] =	vst v29;
	v26 =	vsel vm4, v61, v57;
	vm5 =	vlt.f32 v16, v59;
	v62 =	vadd.f32 $-1.000000000e+00, v59  }
0xa8: {  	[tilespmem:$0x1540] =	vst v7;
	v6 =	vsub.f32 v6, v26;
	vm6 =	vgt.s32 v18, $0x0;
	v42 =	vtrunc.f32 v40  }
0xa9: {  	[tilespmem:$0x15C0] =	vst v5;
	v63 =	vsel vm5, $0xFFFFFFFF, v3;
	v32 =	vnsel vm6, $0x0, v18;
	v18 =	vadd.s32 $0x1, v18  }
0xaa: {  	[tilespmem:$0x10D0] =	vst v17;
	v17 =	vcvt.f32.s32 v42;
	v21 =	vadd.s32 v21, v63;
	v27 =	vsel vm5, v62, v59  }
0xab: {  	[tilespmem:$0x1040] =	vst v11;
	vm7 =	vgt.s32 v18, $0x0;
	v38 =	vsub.f32 $1.000000000e+00, v6;
	v7 =	vmin.u32 v32, $0x1FF  }
0xac: {  	[tilespmem:$0x1440] =	vst v9;
	v31 =	vsub.f32 v16, v27;
	v35 =	vnsel vm7, $0x0, v18;
	v36 =	vadd.s32 $0x1, v21  }
0xad: {  	[tilespmem:$0x14C0] =	vst v8;
	vm8 =	vgt.s32 v21, $0x0;
	v46 =	vcvt.s32.f32 v17;
	vm9 =	vgt.s32 v36, $0x0  }
0xae: {  	[tilespmem:$0x1140] =	vst v10;
	v37 =	vnsel vm8, $0x0, v21;
	v10 =	vmin.u32 v35, $0x1FF;
	v18 =	vnsel vm9, $0x0, v36  }
0xaf: {  	[tilespmem:$0x11C0] =	vst v43;
	v39 =	vsub.f32 $1.000000000e+00, v31;
	v9 =	vmin.u32 v37, $0x1FF;
	v48 =	vmul.f32 v38, v31  }
0xb0: {  	[tilespmem:$0x1550] =	vst v58;
	vm11 =	vlt.f32 v40, v46;
	v52 =	vadd.f32 $-1.000000000e+00, v46;
	v5 =	vmin.u32 v18, $0x1FF  }
0xb1: {  	[tilespmem:$0x1050] =	vst v53;
	v9 =	vshll.u32 v9, $0x9;
	v18 =	vcvt.f32.s32 v41;
	v51 =	vsel vm11, $0xFFFFFFFF, v3  }
0xb2: {  	[tilespmem:$0x1450] =	vst v54;
	v5 =	vshll.u32 v5, $0x9;
	v9 =	vor.u32 v1, v9;
	v45 =	vmul.f32 v39, v38  }
0xb3: {  	[tilespmem:$0x14D0] =	vst v19;
	v8 =	vmul.f32 v39, v6;
	v6 =	vmul.f32 v31, v6;
	v54 =	vadd.s32 v17, v51  }
0xb4: {  	[tilespmem:$0x15D0] =	vst v20;
	v55 =	vsel vm11, v52, v46;
	v5 =	vor.u32 v1, v5;
	v43 =	vor.u32 v7, v9  }
0xb5: {  	[tilespmem:$0x1150] =	vst v15;
	v44 =	vcvt.s32.f32 v18;
	v9 =	vor.u32 v10, v9;
	vm13 =	vgt.s32 v54, $0x0  }
0xb6: {  	[tilespmem:$0x11D0] =	vst v13;
	v59 =	vadd.s32 $0x1, v54;
	v7 =	vor.u32 v7, v5;
	v5 =	vor.u32 v10, v5  }
0xb7: {  	[tilespmem:$0x10E0] =	vst v9;
	v58 =	vnsel vm13, $0x0, v54;
	vm14 =	vgt.s32 v59, $0x0;
	v47 =	vadd.f32 $-1.000000000e+00, v44  }
0xb8: {  	vm10 =	vlt.f32 v12, v44;
	[tilespmem:$0x1160] =	vst v7;
	v7 =	vsub.f32 v40, v55;
	v9 =	vmin.u32 v58, $0x1FF  }
0xb9: {  	[tilespmem:$0x1560] =	vst v48;
	v61 =	vnsel vm14, $0x0, v59;
	v50 =	vsel vm10, $0xFFFFFFFF, v3;
	v9 =	vshll.u32 v9, $0x9  }
0xba: {  	[tilespmem:$0x14E0] =	vst v8;
	v8 =	vmin.u32 v61, $0x1FF;
	v49 =	vsel vm10, v47, v44;
	v53 =	vadd.s32 v18, v50  }
0xbb: {  	[tilespmem:$0x1060] =	vst v43;
	v9 =	vor.u32 v1, v9;
	v8 =	vshll.u32 v8, $0x9;
	vm12 =	vgt.s32 v53, $0x0  }
0xbc: {  	[tilespmem:$0x1460] =	vst v45;
	v63 =	vsub.f32 $1.000000000e+00, v7;
	v60 =	vadd.s32 $0x1, v53;
	v57 =	vnsel vm12, $0x0, v53  }
0xbd: {  	[tilespmem:$0x11E0] =	vst v5;
	v12 =	vsub.f32 v12, v49;
	vm15 =	vgt.s32 v60, $0x0;
	v5 =	vmin.u32 v57, $0x1FF  }
0xbe: {  	[tilespmem:$0x15E0] =	vst v6;
	v8 =	vor.u32 v1, v8;
	v10 =	vnsel vm15, $0x0, v60;
	v62 =	vor.u32 v5, v9  }
0xbf: {  	v56 =	vsub.f32 $1.000000000e+00, v12;
	v6 =	vmin.u32 v10, $0x1FF;
	v5 =	vor.u32 v5, v8;
	[tilespmem:$0x1070] =	vst v62  }
0xc0: {  	v9 =	vor.u32 v6, v9;
	[tilespmem:$0x1170] =	vst v5  }
0xc1: {  	v5 =	vor.u32 v6, v8;
	v6 =	vmul.f32 v63, v56;
	[tilespmem:$0x10F0] =	vst v9  }
0xc2: {  	[tilespmem:$0x11F0] =	vst v5;
	v5 =	vmul.f32 v63, v12  }
0xc3: {  	[tilespmem:$0x1470] =	vst v6;
	v6 =	vmul.f32 v56, v7  }
0xc4: {  	[tilespmem:$0x14F0] =	vst v5;
	v5 =	vmul.f32 v7, v12  }
0xc5: {  	[tilespmem:$0x1570] =	vst v6  }
0xc6: {  	s24 =	simm.s32 $0x1000;
	[tilespmem:$0x15F0] =	vst v5  }
0xc7: {  	[tilespmem:s16], [sflag:$0x1] =	stream.indirect.gather [hbm4b:s1+s14], $0x60, s24, s14, $0xb8;
	[tilespmem:$0x1F800] =	vst v63  }
0xc8: {  	s26 =	simm.s32 $0x1080  }
0xc9: {  	[tilespmem:s18], [sflag:$0x1] =	stream.indirect.gather [hbm4b:s1+s14], $0x60, s26, s14, $0xb8;
	[tilespmem:$0x1F800] =	vst v63  }
0xca: {  	s29 =	simm.s32 $0x1100  }
0xcb: {  	[tilespmem:s20], [sflag:$0x1] =	stream.indirect.gather [hbm4b:s1+s14], $0x60, s29, s14, $0xb8;
	[tilespmem:$0x1F800] =	vst v63  }
0xcc: {  	s31 =	simm.s32 $0x1180;
	s8 =	simm.s32 $0x0  }
0xcd: {  	[tilespmem:s22], [sflag:$0x1] =	stream.indirect.gather [hbm4b:s1+s14], $0x60, s31, s14, $0xb8;
	[tilespmem:$0x1F800] =	vst v63  }
.LBB2_2:
0xce: {  	_ =	swait.ge [sflag:s23], $0x3000  }
0xcf: {  	[sflag:s23] =	ssyncset.done $0x0  }
0xd0: {  	[sflag:s23] =	ssyncadd.s32 $0xFFFFD000  }
0xd1: {  	_ =	swait.ge [sflag:s23], $0x3000  }
0xd2: {  	[sflag:s23] =	ssyncset.done $0x0  }
0xd3: {  	[sflag:s23] =	ssyncadd.s32 $0xFFFFD000  }
0xd4: {  	_ =	swait.ge [sflag:s23], $0x3000  }
0xd5: {  	[sflag:s23] =	ssyncset.done $0x0  }
0xd6: {  	[sflag:s23] =	ssyncadd.s32 $0xFFFFD000  }
0xd7: {  	s11 =	sshll.u32 s8, $0x8;
	_ =	swait.ge [sflag:s23], $0x3000  }
0xd8: {  	s9 =	sor.u32 $0x80, s11;
	[sflag:s23] =	ssyncset.done $0x0  }
0xd9: {  	s2 =	sand.u32 $0x780, s9;
	[sflag:s23] =	ssyncadd.s32 $0xFFFFD000  }
0xda: {  	v5 =	vld [tilespmem:s2+$0x0]  }
0xdb: {  	v6 =	vld [tilespmem:s2+$0x800];
	_ =	sdelay $0x4  }
0xdc: {  	v5 =	vmul.f32 v5, v0;
	v6 =	vmul.f32 v6, v0;
	_ =	sdelay $0x1  }
0xdd: {  	v5 =	vadd.f32 v5, v5;
	v6 =	vadd.f32 v6, v6;
	_ =	sdelay $0x1  }
0xde: {  	v5 =	vadd.f32 $-1.000000000e+00, v5;
	v6 =	vadd.f32 $-1.000000000e+00, v6;
	_ =	sdelay $0x1  }
0xdf: {  	v5 =	vadd.f32 $1.000000000e+00, v5;
	v6 =	vadd.f32 $1.000000000e+00, v6;
	_ =	sdelay $0x1  }
0xe0: {  	v5 =	vmul.f32 $5.120000000e+02, v5;
	v6 =	vmul.f32 $5.120000000e+02, v6;
	_ =	sdelay $0x1  }
0xe1: {  	v5 =	vadd.f32 $-1.000000000e+00, v5;
	v6 =	vadd.f32 $-1.000000000e+00, v6;
	_ =	sdelay $0x1  }
0xe2: {  	v5 =	vmul.f32 v5, v2;
	v6 =	vmul.f32 v6, v2;
	_ =	sdelay $0x1  }
0xe3: {  	v7 =	vtrunc.f32 v5;
	v8 =	vtrunc.f32 v6  }
0xe4: {  	v7 =	vcvt.f32.s32 v7;
	v8 =	vcvt.f32.s32 v8;
	_ =	sdelay $0x1  }
0xe5: {  	v9 =	vcvt.s32.f32 v7;
	v10 =	vcvt.s32.f32 v8;
	_ =	sdelay $0x1  }
0xe6: {  	v11 =	vadd.f32 $-1.000000000e+00, v9;
	vm0 =	vlt.f32 v5, v9;
	vm6 =	vlt.f32 v6, v10  }
0xe7: {  	v15 =	vadd.f32 $-1.000000000e+00, v10;
	v12 =	vsel vm0, $0xFFFFFFFF, v3;
	v14 =	vsel vm6, $0xFFFFFFFF, v3  }
0xe8: {  	v9 =	vsel vm0, v11, v9;
	v7 =	vadd.s32 v7, v12;
	v8 =	vadd.s32 v8, v14  }
0xe9: {  	v5 =	vsub.f32 v5, v9;
	v9 =	vsel vm6, v15, v10;
	vm7 =	vgt.s32 v7, $0x0  }
0xea: {  	vm8 =	vgt.s32 v8, $0x0;
	v6 =	vsub.f32 v6, v9;
	v17 =	vnsel vm7, $0x0, v7  }
0xeb: {  	v11 =	vnsel vm8, $0x0, v8;
	v8 =	vadd.s32 $0x1, v8;
	v7 =	vadd.s32 $0x1, v7  }
0xec: {  	v16 =	vsub.f32 $1.000000000e+00, v5;
	v9 =	vmin.u32 v17, $0x1FF;
	v11 =	vmin.u32 v11, $0x1FF  }
0xed: {  	vm9 =	vgt.s32 v8, $0x0;
	vm1 =	vgt.s32 v7, $0x0;
	v11 =	vshll.u32 v11, $0x9  }
0xee: {  	v8 =	vnsel vm9, $0x0, v8;
	v7 =	vnsel vm1, $0x0, v7;
	v11 =	vor.u32 v1, v11  }
0xef: {  	v13 =	vsub.f32 $1.000000000e+00, v6;
	v7 =	vmin.u32 v7, $0x1FF;
	v18 =	vor.u32 v9, v11  }
0xf0: {  	v8 =	vmin.u32 v8, $0x1FF;
	v20 =	vmul.f32 v16, v6;
	v11 =	vor.u32 v7, v11;
	[tilespmem:$0x1200] =	vst v18  }
0xf1: {  	v8 =	vshll.u32 v8, $0x9;
	v19 =	vmul.f32 v13, v16;
	[tilespmem:$0x1280] =	vst v11  }
0xf2: {  	v8 =	vor.u32 v1, v8;
	[tilespmem:$0x1700] =	vst v20  }
0xf3: {  	v7 =	vor.u32 v7, v8;
	[tilespmem:$0x1600] =	vst v19  }
0xf4: {  	v9 =	vor.u32 v9, v8;
	[tilespmem:$0x1380] =	vst v7;
	v7 =	vmul.f32 v13, v5  }
0xf5: {  	[tilespmem:$0x1300] =	vst v9;
	v5 =	vmul.f32 v6, v5  }
0xf6: {  	[tilespmem:$0x1680] =	vst v7  }
0xf7: {  	[tilespmem:$0x1780] =	vst v5  }
0xf8: {  	v5 =	vld [tilespmem:s2+$0x10]  }
0xf9: {  	v6 =	vld [tilespmem:s2+$0x810];
	_ =	sdelay $0x4  }
0xfa: {  	v5 =	vmul.f32 v5, v0;
	v6 =	vmul.f32 v6, v0;
	_ =	sdelay $0x1  }
0xfb: {  	v5 =	vadd.f32 v5, v5;
	v6 =	vadd.f32 v6, v6;
	_ =	sdelay $0x1  }
0xfc: {  	v5 =	vadd.f32 $-1.000000000e+00, v5;
	v6 =	vadd.f32 $-1.000000000e+00, v6;
	_ =	sdelay $0x1  }
0xfd: {  	v5 =	vadd.f32 $1.000000000e+00, v5;
	v6 =	vadd.f32 $1.000000000e+00, v6;
	_ =	sdelay $0x1  }
0xfe: {  	v5 =	vmul.f32 $5.120000000e+02, v5;
	v6 =	vmul.f32 $5.120000000e+02, v6;
	_ =	sdelay $0x1  }
0xff: {  	v5 =	vadd.f32 $-1.000000000e+00, v5;
	v6 =	vadd.f32 $-1.000000000e+00, v6;
	_ =	sdelay $0x1  }
0x100: {  	v5 =	vmul.f32 v5, v2;
	v6 =	vmul.f32 v6, v2;
	_ =	sdelay $0x1  }
0x101: {  	v7 =	vtrunc.f32 v5;
	v21 =	vtrunc.f32 v6  }
0x102: {  	v7 =	vcvt.f32.s32 v7;
	v8 =	vcvt.f32.s32 v21;
	_ =	sdelay $0x1  }
0x103: {  	v22 =	vcvt.s32.f32 v7;
	v23 =	vcvt.s32.f32 v8;
	_ =	sdelay $0x1  }
0x104: {  	v24 =	vadd.f32 $-1.000000000e+00, v22;
	vm10 =	vlt.f32 v5, v22;
	vm11 =	vlt.f32 v6, v23  }
0x105: {  	v27 =	vadd.f32 $-1.000000000e+00, v23;
	v25 =	vsel vm10, $0xFFFFFFFF, v3;
	v26 =	vsel vm11, $0xFFFFFFFF, v3  }
0x106: {  	v9 =	vsel vm10, v24, v22;
	v7 =	vadd.s32 v7, v25;
	v8 =	vadd.s32 v8, v26  }
0x107: {  	v5 =	vsub.f32 v5, v9;
	v9 =	vsel vm11, v27, v23;
	vm12 =	vgt.s32 v7, $0x0  }
0x108: {  	vm13 =	vgt.s32 v8, $0x0;
	v6 =	vsub.f32 v6, v9;
	v29 =	vnsel vm12, $0x0, v7  }
0x109: {  	v11 =	vnsel vm13, $0x0, v8;
	v8 =	vadd.s32 $0x1, v8;
	v7 =	vadd.s32 $0x1, v7  }
0x10a: {  	v28 =	vsub.f32 $1.000000000e+00, v5;
	v9 =	vmin.u32 v29, $0x1FF;
	v11 =	vmin.u32 v11, $0x1FF  }
0x10b: {  	vm14 =	vgt.s32 v8, $0x0;
	vm15 =	vgt.s32 v7, $0x0;
	v11 =	vshll.u32 v11, $0x9  }
0x10c: {  	v8 =	vnsel vm14, $0x0, v8;
	v7 =	vnsel vm15, $0x0, v7;
	v11 =	vor.u32 v1, v11  }
0x10d: {  	v31 =	vsub.f32 $1.000000000e+00, v6;
	v7 =	vmin.u32 v7, $0x1FF;
	v30 =	vor.u32 v9, v11  }
0x10e: {  	v8 =	vmin.u32 v8, $0x1FF;
	v33 =	vmul.f32 v28, v6;
	v11 =	vor.u32 v7, v11;
	[tilespmem:$0x1210] =	vst v30  }
0x10f: {  	v8 =	vshll.u32 v8, $0x9;
	v32 =	vmul.f32 v31, v28;
	[tilespmem:$0x1290] =	vst v11  }
0x110: {  	v8 =	vor.u32 v1, v8;
	[tilespmem:$0x1710] =	vst v33  }
0x111: {  	v7 =	vor.u32 v7, v8;
	[tilespmem:$0x1610] =	vst v32  }
0x112: {  	v9 =	vor.u32 v9, v8;
	[tilespmem:$0x1390] =	vst v7;
	v7 =	vmul.f32 v31, v5  }
0x113: {  	[tilespmem:$0x1310] =	vst v9;
	v5 =	vmul.f32 v6, v5  }
0x114: {  	[tilespmem:$0x1690] =	vst v7  }
0x115: {  	[tilespmem:$0x1790] =	vst v5  }
0x116: {  	v5 =	vld [tilespmem:s2+$0x20]  }
0x117: {  	v6 =	vld [tilespmem:s2+$0x820];
	_ =	sdelay $0x4  }
0x118: {  	v5 =	vmul.f32 v5, v0;
	v6 =	vmul.f32 v6, v0;
	_ =	sdelay $0x1  }
0x119: {  	v5 =	vadd.f32 v5, v5;
	v6 =	vadd.f32 v6, v6;
	_ =	sdelay $0x1  }
0x11a: {  	v5 =	vadd.f32 $-1.000000000e+00, v5;
	v6 =	vadd.f32 $-1.000000000e+00, v6;
	_ =	sdelay $0x1  }
0x11b: {  	v5 =	vadd.f32 $1.000000000e+00, v5;
	v6 =	vadd.f32 $1.000000000e+00, v6;
	_ =	sdelay $0x1  }
0x11c: {  	v5 =	vmul.f32 $5.120000000e+02, v5;
	v6 =	vmul.f32 $5.120000000e+02, v6;
	_ =	sdelay $0x1  }
0x11d: {  	v5 =	vadd.f32 $-1.000000000e+00, v5;
	v6 =	vadd.f32 $-1.000000000e+00, v6;
	_ =	sdelay $0x1  }
0x11e: {  	v5 =	vmul.f32 v5, v2;
	v6 =	vmul.f32 v6, v2;
	_ =	sdelay $0x1  }
0x11f: {  	v7 =	vtrunc.f32 v5;
	v34 =	vtrunc.f32 v6  }
0x120: {  	v7 =	vcvt.f32.s32 v7;
	v8 =	vcvt.f32.s32 v34;
	_ =	sdelay $0x1  }
0x121: {  	v35 =	vcvt.s32.f32 v7;
	v36 =	vcvt.s32.f32 v8;
	_ =	sdelay $0x1  }
0x122: {  	v37 =	vadd.f32 $-1.000000000e+00, v35;
	vm4 =	vlt.f32 v5, v35;
	vm5 =	vlt.f32 v6, v36  }
0x123: {  	v40 =	vadd.f32 $-1.000000000e+00, v36;
	v38 =	vsel vm4, $0xFFFFFFFF, v3;
	v39 =	vsel vm5, $0xFFFFFFFF, v3  }
0x124: {  	v9 =	vsel vm4, v37, v35;
	v7 =	vadd.s32 v7, v38;
	v8 =	vadd.s32 v8, v39  }
0x125: {  	v5 =	vsub.f32 v5, v9;
	v9 =	vsel vm5, v40, v36;
	vm6 =	vgt.s32 v7, $0x0  }
0x126: {  	vm7 =	vgt.s32 v8, $0x0;
	v6 =	vsub.f32 v6, v9;
	v42 =	vnsel vm6, $0x0, v7  }
0x127: {  	v11 =	vnsel vm7, $0x0, v8;
	v8 =	vadd.s32 $0x1, v8;
	v7 =	vadd.s32 $0x1, v7  }
0x128: {  	v41 =	vsub.f32 $1.000000000e+00, v5;
	v9 =	vmin.u32 v42, $0x1FF;
	v11 =	vmin.u32 v11, $0x1FF  }
0x129: {  	vm8 =	vgt.s32 v8, $0x0;
	vm9 =	vgt.s32 v7, $0x0;
	v11 =	vshll.u32 v11, $0x9  }
0x12a: {  	v8 =	vnsel vm8, $0x0, v8;
	v7 =	vnsel vm9, $0x0, v7;
	v11 =	vor.u32 v1, v11  }
0x12b: {  	v44 =	vsub.f32 $1.000000000e+00, v6;
	v7 =	vmin.u32 v7, $0x1FF;
	v43 =	vor.u32 v9, v11  }
0x12c: {  	v8 =	vmin.u32 v8, $0x1FF;
	v46 =	vmul.f32 v41, v6;
	v11 =	vor.u32 v7, v11;
	[tilespmem:$0x1220] =	vst v43  }
0x12d: {  	v8 =	vshll.u32 v8, $0x9;
	v45 =	vmul.f32 v44, v41;
	[tilespmem:$0x12A0] =	vst v11  }
0x12e: {  	v8 =	vor.u32 v1, v8;
	[tilespmem:$0x1720] =	vst v46  }
0x12f: {  	v7 =	vor.u32 v7, v8;
	[tilespmem:$0x1620] =	vst v45  }
0x130: {  	v9 =	vor.u32 v9, v8;
	[tilespmem:$0x13A0] =	vst v7;
	v7 =	vmul.f32 v44, v5  }
0x131: {  	[tilespmem:$0x1320] =	vst v9;
	v5 =	vmul.f32 v6, v5  }
0x132: {  	[tilespmem:$0x16A0] =	vst v7  }
0x133: {  	[tilespmem:$0x17A0] =	vst v5  }
0x134: {  	v5 =	vld [tilespmem:s2+$0x30]  }
0x135: {  	v6 =	vld [tilespmem:s2+$0x830];
	_ =	sdelay $0x4  }
0x136: {  	v5 =	vmul.f32 v5, v0;
	v6 =	vmul.f32 v6, v0;
	_ =	sdelay $0x1  }
0x137: {  	v5 =	vadd.f32 v5, v5;
	v6 =	vadd.f32 v6, v6;
	_ =	sdelay $0x1  }
0x138: {  	v5 =	vadd.f32 $-1.000000000e+00, v5;
	v6 =	vadd.f32 $-1.000000000e+00, v6;
	_ =	sdelay $0x1  }
0x139: {  	v5 =	vadd.f32 $1.000000000e+00, v5;
	v6 =	vadd.f32 $1.000000000e+00, v6;
	_ =	sdelay $0x1  }
0x13a: {  	v5 =	vmul.f32 $5.120000000e+02, v5;
	v6 =	vmul.f32 $5.120000000e+02, v6;
	_ =	sdelay $0x1  }
0x13b: {  	v5 =	vadd.f32 $-1.000000000e+00, v5;
	v6 =	vadd.f32 $-1.000000000e+00, v6;
	_ =	sdelay $0x1  }
0x13c: {  	v5 =	vmul.f32 v5, v2;
	v6 =	vmul.f32 v6, v2;
	_ =	sdelay $0x1  }
0x13d: {  	v7 =	vtrunc.f32 v5;
	v47 =	vtrunc.f32 v6  }
0x13e: {  	v7 =	vcvt.f32.s32 v7;
	v8 =	vcvt.f32.s32 v47;
	_ =	sdelay $0x1  }
0x13f: {  	v48 =	vcvt.s32.f32 v7;
	v49 =	vcvt.s32.f32 v8;
	_ =	sdelay $0x1  }
0x140: {  	v50 =	vadd.f32 $-1.000000000e+00, v48;
	vm10 =	vlt.f32 v5, v48;
	vm11 =	vlt.f32 v6, v49  }
0x141: {  	v53 =	vadd.f32 $-1.000000000e+00, v49;
	v51 =	vsel vm10, $0xFFFFFFFF, v3;
	v52 =	vsel vm11, $0xFFFFFFFF, v3  }
0x142: {  	v9 =	vsel vm10, v50, v48;
	v7 =	vadd.s32 v7, v51;
	v8 =	vadd.s32 v8, v52  }
0x143: {  	v5 =	vsub.f32 v5, v9;
	v9 =	vsel vm11, v53, v49;
	vm12 =	vgt.s32 v7, $0x0  }
0x144: {  	vm13 =	vgt.s32 v8, $0x0;
	v6 =	vsub.f32 v6, v9;
	v55 =	vnsel vm12, $0x0, v7  }
0x145: {  	v11 =	vnsel vm13, $0x0, v8;
	v8 =	vadd.s32 $0x1, v8;
	v7 =	vadd.s32 $0x1, v7  }
0x146: {  	v54 =	vsub.f32 $1.000000000e+00, v5;
	v9 =	vmin.u32 v55, $0x1FF;
	v11 =	vmin.u32 v11, $0x1FF  }
0x147: {  	vm14 =	vgt.s32 v8, $0x0;
	vm15 =	vgt.s32 v7, $0x0;
	v11 =	vshll.u32 v11, $0x9  }
0x148: {  	v8 =	vnsel vm14, $0x0, v8;
	v7 =	vnsel vm15, $0x0, v7;
	v11 =	vor.u32 v1, v11  }
0x149: {  	v57 =	vsub.f32 $1.000000000e+00, v6;
	v7 =	vmin.u32 v7, $0x1FF;
	v56 =	vor.u32 v9, v11  }
0x14a: {  	v8 =	vmin.u32 v8, $0x1FF;
	v59 =	vmul.f32 v54, v6;
	v11 =	vor.u32 v7, v11;
	[tilespmem:$0x1230] =	vst v56  }
0x14b: {  	v8 =	vshll.u32 v8, $0x9;
	v58 =	vmul.f32 v57, v54;
	[tilespmem:$0x12B0] =	vst v11  }
0x14c: {  	v8 =	vor.u32 v1, v8;
	[tilespmem:$0x1730] =	vst v59  }
0x14d: {  	v7 =	vor.u32 v7, v8;
	[tilespmem:$0x1630] =	vst v58  }
0x14e: {  	v9 =	vor.u32 v9, v8;
	[tilespmem:$0x13B0] =	vst v7;
	v7 =	vmul.f32 v57, v5  }
0x14f: {  	[tilespmem:$0x1330] =	vst v9;
	v5 =	vmul.f32 v6, v5  }
0x150: {  	[tilespmem:$0x16B0] =	vst v7  }
0x151: {  	[tilespmem:$0x17B0] =	vst v5  }
0x152: {  	v5 =	vld [tilespmem:s2+$0x40]  }
0x153: {  	v6 =	vld [tilespmem:s2+$0x840];
	_ =	sdelay $0x4  }
0x154: {  	v5 =	vmul.f32 v5, v0;
	v6 =	vmul.f32 v6, v0;
	_ =	sdelay $0x1  }
0x155: {  	v5 =	vadd.f32 v5, v5;
	v6 =	vadd.f32 v6, v6;
	_ =	sdelay $0x1  }
0x156: {  	v5 =	vadd.f32 $-1.000000000e+00, v5;
	v6 =	vadd.f32 $-1.000000000e+00, v6;
	_ =	sdelay $0x1  }
0x157: {  	v5 =	vadd.f32 $1.000000000e+00, v5;
	v6 =	vadd.f32 $1.000000000e+00, v6;
	_ =	sdelay $0x1  }
0x158: {  	v5 =	vmul.f32 $5.120000000e+02, v5;
	v6 =	vmul.f32 $5.120000000e+02, v6;
	_ =	sdelay $0x1  }
0x159: {  	v5 =	vadd.f32 $-1.000000000e+00, v5;
	v6 =	vadd.f32 $-1.000000000e+00, v6;
	_ =	sdelay $0x1  }
0x15a: {  	v5 =	vmul.f32 v5, v2;
	v6 =	vmul.f32 v6, v2;
	_ =	sdelay $0x1  }
0x15b: {  	v7 =	vtrunc.f32 v5;
	v60 =	vtrunc.f32 v6  }
0x15c: {  	v7 =	vcvt.f32.s32 v7;
	v8 =	vcvt.f32.s32 v60;
	_ =	sdelay $0x1  }
0x15d: {  	v61 =	vcvt.s32.f32 v7;
	v62 =	vcvt.s32.f32 v8;
	_ =	sdelay $0x1  }
0x15e: {  	v63 =	vadd.f32 $-1.000000000e+00, v61;
	vm4 =	vlt.f32 v5, v61;
	vm5 =	vlt.f32 v6, v62  }
0x15f: {  	v18 =	vadd.f32 $-1.000000000e+00, v62;
	v16 =	vsel vm4, $0xFFFFFFFF, v3;
	v17 =	vsel vm5, $0xFFFFFFFF, v3  }
0x160: {  	v9 =	vsel vm4, v63, v61;
	v7 =	vadd.s32 v7, v16;
	v8 =	vadd.s32 v8, v17  }
0x161: {  	v5 =	vsub.f32 v5, v9;
	v9 =	vsel vm5, v18, v62;
	vm6 =	vgt.s32 v7, $0x0  }
0x162: {  	vm7 =	vgt.s32 v8, $0x0;
	v6 =	vsub.f32 v6, v9;
	v20 =	vnsel vm6, $0x0, v7  }
0x163: {  	v11 =	vnsel vm7, $0x0, v8;
	v8 =	vadd.s32 $0x1, v8;
	v7 =	vadd.s32 $0x1, v7  }
0x164: {  	v19 =	vsub.f32 $1.000000000e+00, v5;
	v9 =	vmin.u32 v20, $0x1FF;
	v11 =	vmin.u32 v11, $0x1FF  }
0x165: {  	vm8 =	vgt.s32 v8, $0x0;
	vm9 =	vgt.s32 v7, $0x0;
	v11 =	vshll.u32 v11, $0x9  }
0x166: {  	v8 =	vnsel vm8, $0x0, v8;
	v7 =	vnsel vm9, $0x0, v7;
	v11 =	vor.u32 v1, v11  }
0x167: {  	v22 =	vsub.f32 $1.000000000e+00, v6;
	v7 =	vmin.u32 v7, $0x1FF;
	v21 =	vor.u32 v9, v11  }
0x168: {  	v8 =	vmin.u32 v8, $0x1FF;
	v24 =	vmul.f32 v19, v6;
	v11 =	vor.u32 v7, v11;
	[tilespmem:$0x1240] =	vst v21  }
0x169: {  	v8 =	vshll.u32 v8, $0x9;
	v23 =	vmul.f32 v22, v19;
	[tilespmem:$0x12C0] =	vst v11  }
0x16a: {  	v8 =	vor.u32 v1, v8;
	[tilespmem:$0x1740] =	vst v24  }
0x16b: {  	v7 =	vor.u32 v7, v8;
	[tilespmem:$0x1640] =	vst v23  }
0x16c: {  	v9 =	vor.u32 v9, v8;
	[tilespmem:$0x13C0] =	vst v7;
	v7 =	vmul.f32 v22, v5  }
0x16d: {  	[tilespmem:$0x1340] =	vst v9;
	v5 =	vmul.f32 v6, v5  }
0x16e: {  	[tilespmem:$0x16C0] =	vst v7  }
0x16f: {  	[tilespmem:$0x17C0] =	vst v5  }
0x170: {  	v5 =	vld [tilespmem:s2+$0x50]  }
0x171: {  	v6 =	vld [tilespmem:s2+$0x850];
	_ =	sdelay $0x4  }
0x172: {  	v5 =	vmul.f32 v5, v0;
	v6 =	vmul.f32 v6, v0;
	_ =	sdelay $0x1  }
0x173: {  	v5 =	vadd.f32 v5, v5;
	v6 =	vadd.f32 v6, v6;
	_ =	sdelay $0x1  }
0x174: {  	v5 =	vadd.f32 $-1.000000000e+00, v5;
	v6 =	vadd.f32 $-1.000000000e+00, v6;
	_ =	sdelay $0x1  }
0x175: {  	v5 =	vadd.f32 $1.000000000e+00, v5;
	v6 =	vadd.f32 $1.000000000e+00, v6;
	_ =	sdelay $0x1  }
0x176: {  	v5 =	vmul.f32 $5.120000000e+02, v5;
	v6 =	vmul.f32 $5.120000000e+02, v6;
	_ =	sdelay $0x1  }
0x177: {  	v5 =	vadd.f32 $-1.000000000e+00, v5;
	v6 =	vadd.f32 $-1.000000000e+00, v6;
	_ =	sdelay $0x1  }
0x178: {  	v5 =	vmul.f32 v5, v2;
	v6 =	vmul.f32 v6, v2;
	_ =	sdelay $0x1  }
0x179: {  	v7 =	vtrunc.f32 v5;
	v25 =	vtrunc.f32 v6  }
0x17a: {  	v7 =	vcvt.f32.s32 v7;
	v8 =	vcvt.f32.s32 v25;
	_ =	sdelay $0x1  }
0x17b: {  	v26 =	vcvt.s32.f32 v7;
	v27 =	vcvt.s32.f32 v8;
	_ =	sdelay $0x1  }
0x17c: {  	v28 =	vadd.f32 $-1.000000000e+00, v26;
	vm10 =	vlt.f32 v5, v26;
	vm11 =	vlt.f32 v6, v27  }
0x17d: {  	v31 =	vadd.f32 $-1.000000000e+00, v27;
	v29 =	vsel vm10, $0xFFFFFFFF, v3;
	v30 =	vsel vm11, $0xFFFFFFFF, v3  }
0x17e: {  	v9 =	vsel vm10, v28, v26;
	v7 =	vadd.s32 v7, v29;
	v8 =	vadd.s32 v8, v30  }
0x17f: {  	v5 =	vsub.f32 v5, v9;
	v9 =	vsel vm11, v31, v27;
	vm12 =	vgt.s32 v7, $0x0  }
0x180: {  	vm13 =	vgt.s32 v8, $0x0;
	v6 =	vsub.f32 v6, v9;
	v33 =	vnsel vm12, $0x0, v7  }
0x181: {  	v11 =	vnsel vm13, $0x0, v8;
	v8 =	vadd.s32 $0x1, v8;
	v7 =	vadd.s32 $0x1, v7  }
0x182: {  	v32 =	vsub.f32 $1.000000000e+00, v5;
	v9 =	vmin.u32 v33, $0x1FF;
	v11 =	vmin.u32 v11, $0x1FF  }
0x183: {  	vm14 =	vgt.s32 v8, $0x0;
	vm15 =	vgt.s32 v7, $0x0;
	v11 =	vshll.u32 v11, $0x9  }
0x184: {  	v8 =	vnsel vm14, $0x0, v8;
	v7 =	vnsel vm15, $0x0, v7;
	v11 =	vor.u32 v1, v11  }
0x185: {  	v35 =	vsub.f32 $1.000000000e+00, v6;
	v7 =	vmin.u32 v7, $0x1FF;
	v34 =	vor.u32 v9, v11  }
0x186: {  	v8 =	vmin.u32 v8, $0x1FF;
	v37 =	vmul.f32 v32, v6;
	v11 =	vor.u32 v7, v11;
	[tilespmem:$0x1250] =	vst v34  }
0x187: {  	v8 =	vshll.u32 v8, $0x9;
	v36 =	vmul.f32 v35, v32;
	[tilespmem:$0x12D0] =	vst v11  }
0x188: {  	v8 =	vor.u32 v1, v8;
	[tilespmem:$0x1750] =	vst v37  }
0x189: {  	v7 =	vor.u32 v7, v8;
	[tilespmem:$0x1650] =	vst v36  }
0x18a: {  	v9 =	vor.u32 v9, v8;
	[tilespmem:$0x13D0] =	vst v7;
	v7 =	vmul.f32 v35, v5  }
0x18b: {  	[tilespmem:$0x1350] =	vst v9;
	v5 =	vmul.f32 v6, v5  }
0x18c: {  	[tilespmem:$0x16D0] =	vst v7  }
0x18d: {  	[tilespmem:$0x17D0] =	vst v5  }
0x18e: {  	v5 =	vld [tilespmem:s2+$0x60]  }
0x18f: {  	v6 =	vld [tilespmem:s2+$0x860];
	_ =	sdelay $0x4  }
0x190: {  	v5 =	vmul.f32 v5, v0;
	v6 =	vmul.f32 v6, v0;
	_ =	sdelay $0x1  }
0x191: {  	v5 =	vadd.f32 v5, v5;
	v6 =	vadd.f32 v6, v6;
	_ =	sdelay $0x1  }
0x192: {  	v5 =	vadd.f32 $-1.000000000e+00, v5;
	v6 =	vadd.f32 $-1.000000000e+00, v6;
	_ =	sdelay $0x1  }
0x193: {  	v5 =	vadd.f32 $1.000000000e+00, v5;
	v6 =	vadd.f32 $1.000000000e+00, v6;
	_ =	sdelay $0x1  }
0x194: {  	v5 =	vmul.f32 $5.120000000e+02, v5;
	v6 =	vmul.f32 $5.120000000e+02, v6;
	_ =	sdelay $0x1  }
0x195: {  	v5 =	vadd.f32 $-1.000000000e+00, v5;
	v6 =	vadd.f32 $-1.000000000e+00, v6;
	_ =	sdelay $0x1  }
0x196: {  	v5 =	vmul.f32 v5, v2;
	v6 =	vmul.f32 v6, v2;
	_ =	sdelay $0x1  }
0x197: {  	v7 =	vtrunc.f32 v5;
	v38 =	vtrunc.f32 v6  }
0x198: {  	v7 =	vcvt.f32.s32 v7;
	v8 =	vcvt.f32.s32 v38;
	_ =	sdelay $0x1  }
0x199: {  	v39 =	vcvt.s32.f32 v7;
	v40 =	vcvt.s32.f32 v8;
	_ =	sdelay $0x1  }
0x19a: {  	v41 =	vadd.f32 $-1.000000000e+00, v39;
	vm4 =	vlt.f32 v5, v39;
	vm5 =	vlt.f32 v6, v40  }
0x19b: {  	v44 =	vadd.f32 $-1.000000000e+00, v40;
	v42 =	vsel vm4, $0xFFFFFFFF, v3;
	v43 =	vsel vm5, $0xFFFFFFFF, v3  }
0x19c: {  	v9 =	vsel vm4, v41, v39;
	v7 =	vadd.s32 v7, v42;
	v8 =	vadd.s32 v8, v43  }
0x19d: {  	v5 =	vsub.f32 v5, v9;
	v9 =	vsel vm5, v44, v40;
	vm6 =	vgt.s32 v7, $0x0  }
0x19e: {  	vm7 =	vgt.s32 v8, $0x0;
	v6 =	vsub.f32 v6, v9;
	v46 =	vnsel vm6, $0x0, v7  }
0x19f: {  	v11 =	vnsel vm7, $0x0, v8;
	v8 =	vadd.s32 $0x1, v8;
	v7 =	vadd.s32 $0x1, v7  }
0x1a0: {  	v45 =	vsub.f32 $1.000000000e+00, v5;
	v9 =	vmin.u32 v46, $0x1FF;
	v11 =	vmin.u32 v11, $0x1FF  }
0x1a1: {  	vm8 =	vgt.s32 v8, $0x0;
	vm9 =	vgt.s32 v7, $0x0;
	v11 =	vshll.u32 v11, $0x9  }
0x1a2: {  	v8 =	vnsel vm8, $0x0, v8;
	v7 =	vnsel vm9, $0x0, v7;
	v11 =	vor.u32 v1, v11  }
0x1a3: {  	v48 =	vsub.f32 $1.000000000e+00, v6;
	v7 =	vmin.u32 v7, $0x1FF;
	v47 =	vor.u32 v9, v11  }
0x1a4: {  	v8 =	vmin.u32 v8, $0x1FF;
	v50 =	vmul.f32 v45, v6;
	v11 =	vor.u32 v7, v11;
	[tilespmem:$0x1260] =	vst v47  }
0x1a5: {  	v8 =	vshll.u32 v8, $0x9;
	v49 =	vmul.f32 v48, v45;
	[tilespmem:$0x12E0] =	vst v11  }
0x1a6: {  	v8 =	vor.u32 v1, v8;
	[tilespmem:$0x1760] =	vst v50  }
0x1a7: {  	v7 =	vor.u32 v7, v8;
	[tilespmem:$0x1660] =	vst v49  }
0x1a8: {  	v9 =	vor.u32 v9, v8;
	[tilespmem:$0x13E0] =	vst v7;
	v7 =	vmul.f32 v48, v5  }
0x1a9: {  	[tilespmem:$0x1360] =	vst v9;
	v5 =	vmul.f32 v6, v5  }
0x1aa: {  	[tilespmem:$0x16E0] =	vst v7  }
0x1ab: {  	[tilespmem:$0x17E0] =	vst v5  }
0x1ac: {  	v5 =	vld [tilespmem:s2+$0x70]  }
0x1ad: {  	v6 =	vld [tilespmem:s2+$0x870];
	_ =	sdelay $0x4  }
0x1ae: {  	v5 =	vmul.f32 v5, v0;
	v6 =	vmul.f32 v6, v0;
	_ =	sdelay $0x1  }
0x1af: {  	v5 =	vadd.f32 v5, v5;
	v6 =	vadd.f32 v6, v6;
	_ =	sdelay $0x1  }
0x1b0: {  	v5 =	vadd.f32 $-1.000000000e+00, v5;
	v6 =	vadd.f32 $-1.000000000e+00, v6;
	_ =	sdelay $0x1  }
0x1b1: {  	v5 =	vadd.f32 $1.000000000e+00, v5;
	v6 =	vadd.f32 $1.000000000e+00, v6;
	_ =	sdelay $0x1  }
0x1b2: {  	v5 =	vmul.f32 $5.120000000e+02, v5;
	v6 =	vmul.f32 $5.120000000e+02, v6;
	_ =	sdelay $0x1  }
0x1b3: {  	v5 =	vadd.f32 $-1.000000000e+00, v5;
	v6 =	vadd.f32 $-1.000000000e+00, v6;
	_ =	sdelay $0x1  }
0x1b4: {  	v5 =	vmul.f32 v5, v2;
	v6 =	vmul.f32 v6, v2;
	_ =	sdelay $0x1  }
0x1b5: {  	v7 =	vtrunc.f32 v5;
	v51 =	vtrunc.f32 v6  }
0x1b6: {  	v7 =	vcvt.f32.s32 v7;
	v8 =	vcvt.f32.s32 v51;
	_ =	sdelay $0x1  }
0x1b7: {  	v52 =	vcvt.s32.f32 v7;
	v53 =	vcvt.s32.f32 v8;
	_ =	sdelay $0x1  }
0x1b8: {  	v54 =	vadd.f32 $-1.000000000e+00, v52;
	vm10 =	vlt.f32 v5, v52;
	vm11 =	vlt.f32 v6, v53  }
0x1b9: {  	v57 =	vadd.f32 $-1.000000000e+00, v53;
	v55 =	vsel vm10, $0xFFFFFFFF, v3;
	v56 =	vsel vm11, $0xFFFFFFFF, v3  }
0x1ba: {  	v9 =	vsel vm10, v54, v52;
	v7 =	vadd.s32 v7, v55;
	v8 =	vadd.s32 v8, v56  }
0x1bb: {  	v5 =	vsub.f32 v5, v9;
	v9 =	vsel vm11, v57, v53;
	vm12 =	vgt.s32 v7, $0x0  }
0x1bc: {  	vm13 =	vgt.s32 v8, $0x0;
	v6 =	vsub.f32 v6, v9;
	v59 =	vnsel vm12, $0x0, v7  }
0x1bd: {  	v11 =	vnsel vm13, $0x0, v8;
	v8 =	vadd.s32 $0x1, v8;
	v7 =	vadd.s32 $0x1, v7  }
0x1be: {  	v58 =	vsub.f32 $1.000000000e+00, v5;
	v9 =	vmin.u32 v59, $0x1FF;
	v11 =	vmin.u32 v11, $0x1FF  }
0x1bf: {  	vm14 =	vgt.s32 v8, $0x0;
	vm15 =	vgt.s32 v7, $0x0;
	v11 =	vshll.u32 v11, $0x9  }
0x1c0: {  	v8 =	vnsel vm14, $0x0, v8;
	v7 =	vnsel vm15, $0x0, v7;
	v11 =	vor.u32 v1, v11  }
0x1c1: {  	v61 =	vsub.f32 $1.000000000e+00, v6;
	v7 =	vmin.u32 v7, $0x1FF;
	v60 =	vor.u32 v9, v11  }
0x1c2: {  	v8 =	vmin.u32 v8, $0x1FF;
	v63 =	vmul.f32 v58, v6;
	v11 =	vor.u32 v7, v11;
	[tilespmem:$0x1270] =	vst v60  }
0x1c3: {  	v8 =	vshll.u32 v8, $0x9;
	v62 =	vmul.f32 v61, v58;
	[tilespmem:$0x12F0] =	vst v11  }
0x1c4: {  	v8 =	vor.u32 v1, v8;
	[tilespmem:$0x1770] =	vst v63  }
0x1c5: {  	v7 =	vor.u32 v7, v8;
	[tilespmem:$0x1670] =	vst v62  }
0x1c6: {  	v9 =	vor.u32 v9, v8;
	[tilespmem:$0x13F0] =	vst v7;
	v7 =	vmul.f32 v61, v5  }
0x1c7: {  	[tilespmem:$0x1370] =	vst v9;
	v5 =	vmul.f32 v6, v5  }
0x1c8: {  	[tilespmem:$0x16F0] =	vst v7  }
0x1c9: {  	s24 =	simm.s32 $0x1200;
	[tilespmem:$0x17F0] =	vst v5  }
0x1ca: {  	[tilespmem:s25], [sflag:$0x2] =	stream.indirect.gather [hbm4b:s1+s14], $0x60, s24, s14, $0xb8;
	[tilespmem:$0x1F800] =	vst v63  }
0x1cb: {  	s26 =	simm.s32 $0x1280  }
0x1cc: {  	[tilespmem:s28], [sflag:$0x2] =	stream.indirect.gather [hbm4b:s1+s14], $0x60, s26, s14, $0xb8;
	[tilespmem:$0x1F800] =	vst v63  }
0x1cd: {  	s29 =	simm.s32 $0x1300;
	p0 =	seq.s32 s8, $0x0  }
0x1ce: {  	[tilespmem:s30], [sflag:$0x2] =	stream.indirect.gather [hbm4b:s1+s14], $0x60, s29, s14, $0xb8;
	[tilespmem:$0x1F800] =	vst v63  }
0x1cf: {  	s31 =	simm.s32 $0x1380;
	s2 =	simm.s32 @!p0 $0x3  }
0x1d0: {  	[tilespmem:s0], [sflag:$0x2] =	stream.indirect.gather [hbm4b:s1+s14], $0x60, s31, s14, $0xb8;
	[tilespmem:$0x1F800] =	vst v63  }
0x1d1: {  	_ =	swait.ge @!p0 [sflag:s2], $0x3000  }
0x1d2: {  	s19 =	sshll.u32 s8, $0x1;
	[sflag:s2] =	ssyncset.done @!p0 $0x0  }
0x1d3: {  	s12 =	simm.s32 $0x0;
	[sflag:s2] =	ssyncadd.s32 @!p0 $0xFFFFD000;
	s2 =	simm.s32 $0x0  }
.LBB2_3:
0x1d4: {  	s4 =	sshll.u32 s2, $0x4;
	v8 =	vadd.s32 s12, v4  }
0x1d5: {  	v5 =	vor.u32 $0x78, v4;
	s5 =	simm.s32 $0x1;
	s7 =	simm.s32 $0x2;
	s13 =	simm.s32 $0x3;
	v6 =	vor.u32 s4, v4;
	vm0 =	vgt.u32 v8, $0x5F  }
0x1d6: {  	s21 =	simm.s32 $0x4;
	s24 =	simm.s32 $0x5;
	s26 =	simm.s32 $0x6;
	v9 =	vadd.s32 s5, v4;
	v11 =	vadd.s32 s7, v4;
	v13 =	vadd.s32 s13, v4  }
0x1d7: {  	s29 =	simm.s32 $0x7;
	s31 =	simm.s32 $0xB;
	v14 =	vadd.s32 s21, v4;
	v15 =	vadd.s32 s24, v4;
	v16 =	vadd.s32 s26, v4  }
0x1d8: {  	v10 =	vadd.s32 s29, v4;
	v44 =	vadd.s32 s31, v4;
	v12 =	vmul.u32 $0x60, v6  }
0x1d9: {  	v7 =	vand.u32 v5, v6;
	vm1 =	vgt.u32 v9, $0x5F;
	v6 =	vor.u32 $0xFFFFFFA0, v4  }
0x1da: {  	vm2 =	vgt.u32 v11, $0x5F;
	vm3 =	vgt.u32 v10, $0x5F;
	vm4 =	vgt.u32 v13, $0x5F  }
0x1db: {  	vm5 =	vgt.u32 v14, $0x5F;
	vm6 =	vgt.u32 v16, $0x5F;
	v17 =	vadd.s32 s29, v6  }
0x1dc: {  	v18 =	vadd.s32 s12, v6;
	v20 =	vadd.s32 s5, v6;
	v17 =	vsel vm3, v17, v10  }
0x1dd: {  	v21 =	vadd.s32 s7, v6;
	v22 =	vadd.s32 s13, v6;
	v10 =	vand.u32 $0xFFFFFFF8, v17  }
0x1de: {  	v23 =	vadd.s32 s21, v6;
	v19 =	vand.u32 $0x7, v17;
	v10 =	vadd.s32 v12, v10  }
0x1df: {  	v24 =	vadd.s32 s24, v6;
	v25 =	vadd.s32 s26, v6;
	v19 =	vor.u32 v19, v10  }
0x1e0: {  	vm3 =	vgt.u32 v15, $0x5F;
	v20 =	vsel vm1, v20, v9;
	v21 =	vsel vm2, v21, v11;
	v11 =	vld [tilespmem:s4+$0x1480]  }
0x1e1: {  	v13 =	vsel vm4, v22, v13;
	v14 =	vsel vm5, v23, v14;
	v9 =	vld [tilespmem:s4+$0x1500];
	v22 =	vand.u32 $0xFFFFFFF8, v20  }
0x1e2: {  	v18 =	vsel vm0, v18, v8;
	v8 =	vadd.s32 v12, v22;
	v22 =	vand.u32 $0x7, v20;
	v10 =	vld [tilespmem:s4+$0x1400]  }
0x1e3: {  	v16 =	vsel vm6, v25, v16;
	v23 =	vand.u32 $0xFFFFFFF8, v21;
	v22 =	vor.u32 v22, v8;
	v8 =	vld [tilespmem:s4+$0x1580]  }
0x1e4: {  	s21 =	simm.s32 $0xC;
	v15 =	vsel vm3, v24, v15;
	v26 =	vand.u32 $0x7, v21;
	v23 =	vadd.s32 v12, v23;
	v24 =	vld.idx.msk [tilespmem:v19+s16+$0x0], $0xffff  }
0x1e5: {  	s7 =	simm.s32 $0xD;
	v46 =	vadd.s32 s21, v4;
	v27 =	vand.u32 $0xFFFFFFF8, v13;
	v23 =	vor.u32 v26, v23;
	v25 =	vld.idx.msk [tilespmem:v19+s18+$0x0], $0xffff  }
0x1e6: {  	s5 =	simm.s32 $0xE;
	v47 =	vadd.s32 s7, v4;
	v29 =	vand.u32 $0x7, v13;
	v27 =	vadd.s32 v12, v27;
	v30 =	vld.idx.msk [tilespmem:v19+s20+$0x0], $0xffff  }
0x1e7: {  	v48 =	vadd.s32 s5, v4;
	v28 =	vand.u32 $0xFFFFFFF8, v14;
	v29 =	vor.u32 v29, v27;
	v19 =	vld.idx.msk [tilespmem:v19+s22+$0x0], $0xffff  }
0x1e8: {  	v31 =	vand.u32 $0xFFFFFFF8, v16;
	v27 =	vadd.s32 v12, v28;
	v28 =	vand.u32 $0x7, v14;
	v33 =	vld.idx.msk [tilespmem:v22+s16+$0x0], $0xffff  }
0x1e9: {  	v32 =	vand.u32 $0xFFFFFFF8, v18;
	v26 =	vand.u32 $0xFFFFFFF8, v15;
	v34 =	vor.u32 v28, v27;
	v27 =	vld.idx.msk [tilespmem:v22+s18+$0x0], $0xffff  }
0x1ea: {  	v26 =	vadd.s32 v12, v26;
	v28 =	vadd.s32 v12, v31;
	v31 =	vand.u32 $0x7, v15;
	v36 =	vld.idx.msk [tilespmem:v23+s16+$0x0], $0xffff  }
0x1eb: {  	v35 =	vand.u32 $0x7, v16;
	v62 =	vand.u32 $0x7, v18;
	v31 =	vor.u32 v31, v26;
	v26 =	vld.idx.msk [tilespmem:v23+s18+$0x0], $0xffff  }
0x1ec: {  	v17 =	vshll.u32 v17, $0x7;
	v21 =	vshll.u32 v21, $0x7;
	v35 =	vor.u32 v35, v28;
	v28 =	vld.idx.msk [tilespmem:v29+s16+$0x0], $0xffff  }
0x1ed: {  	v13 =	vshll.u32 v13, $0x7;
	v38 =	vshll.u32 v18, $0x7;
	v39 =	vshll.u32 v16, $0x7;
	v57 =	vld.idx.msk [tilespmem:v22+s20+$0x0], $0xffff  }
0x1ee: {  	vm3 =	vgt.u32 v44, $0x5F;
	vm4 =	vgt.u32 v46, $0x5F;
	vm5 =	vgt.u32 v47, $0x5F;
	v45 =	vld.idx.msk [tilespmem:v23+s20+$0x0], $0xffff  }
0x1ef: {  	vm6 =	vgt.u32 v48, $0x5F;
	v63 =	vor.u32 v7, v17;
	v17 =	vshll.u32 v20, $0x7;
	v20 =	vld.idx.msk [tilespmem:v34+s16+$0x0], $0xffff  }
0x1f0: {  	v16 =	vor.u32 v7, v21;
	v49 =	vld.idx.msk [tilespmem:v34+s20+$0x0], $0xffff;
	v24 =	vmul.f32 v24, v10;
	v25 =	vmul.f32 v25, v11  }
0x1f1: {  	v13 =	vor.u32 v7, v13;
	v14 =	vshll.u32 v14, $0x7;
	v15 =	vshll.u32 v15, $0x7;
	v54 =	vld.idx.msk [tilespmem:v31+s16+$0x0], $0xffff  }
0x1f2: {  	s4 =	simm.s32 $0xA;
	v55 =	vld.idx.msk [tilespmem:v31+s18+$0x0], $0xffff;
	v24 =	vadd.f32 v25, v24;
	v25 =	vmul.f32 v30, v9;
	v30 =	vadd.s32 v12, v32  }
0x1f3: {  	v43 =	vadd.s32 s4, v4;
	v19 =	vmul.f32 v19, v8;
	v37 =	vor.u32 v62, v30;
	v30 =	vld.idx.msk [tilespmem:v34+s18+$0x0], $0xffff  }
0x1f4: {  	v27 =	vmul.f32 v27, v11;
	v18 =	vmul.f32 v36, v10;
	v24 =	vadd.f32 v25, v24;
	v25 =	vld.idx.msk [tilespmem:v29+s18+$0x0], $0xffff  }
0x1f5: {  	vm2 =	vgt.u32 v43, $0x5F;
	v58 =	vld.idx.msk [tilespmem:v31+s20+$0x0], $0xffff;
	v26 =	vmul.f32 v26, v11;
	v21 =	vmul.f32 v28, v10  }
0x1f6: {  	v51 =	vld.idx.msk [tilespmem:v35+s20+$0x0], $0xffff;
	v59 =	vmul.f32 v57, v9;
	v24 =	vadd.f32 v19, v24;
	v19 =	vmul.f32 v33, v10  }
0x1f7: {  	v28 =	vld.idx.msk [tilespmem:v35+s18+$0x0], $0xffff;
	v60 =	vmul.f32 v45, v9;
	v20 =	vmul.f32 v20, v10;
	v41 =	vadd.f32 v26, v18  }
0x1f8: {  	s29 =	simm.s32 $0x9;
	v18 =	vor.u32 v7, v14;
	v14 =	vor.u32 v7, v38;
	v40 =	vadd.f32 v27, v19;
	v27 =	vld.idx.msk [tilespmem:v35+s16+$0x0], $0xffff  }
0x1f9: {  	v38 =	vadd.s32 s29, v4;
	v26 =	vld.idx.msk [tilespmem:v37+s16+$0x0], $0xffff;
	v56 =	vmul.f32 v30, v11;
	v25 =	vmul.f32 v25, v11  }
0x1fa: {  	v61 =	vmul.f32 v49, v9;
	v36 =	vmul.f32 v55, v11;
	vm1 =	vgt.u32 v38, $0x5F;
	v42 =	vld.idx.msk [tilespmem:v37+s18+$0x0], $0xffff  }
0x1fb: {  	v62 =	vmul.f32 v58, v9;
	v21 =	vadd.f32 v25, v21;
	v25 =	vadd.f32 v56, v20;
	v20 =	vld.idx.msk [tilespmem:v29+s20+$0x0], $0xffff  }
0x1fc: {  	v31 =	vld.idx.msk [tilespmem:v31+s22+$0x0], $0xffff;
	v28 =	vmul.f32 v28, v11;
	v33 =	vmul.f32 v54, v10;
	v19 =	vor.u32 v7, v17  }
0x1fd: {  	s24 =	simm.s32 $0x8;
	v17 =	vor.u32 v7, v15;
	v15 =	vor.u32 v7, v39;
	[tilespmem:v63+s3+$0x0] =	vst.idx.msk $0xffff, v24;
	v24 =	vld.idx.msk [tilespmem:v37+s20+$0x0], $0xffff  }
0x1fe: {  	v32 =	vld.idx.msk [tilespmem:v34+s22+$0x0], $0xffff;
	v30 =	vadd.s32 s24, v4;
	v63 =	vmul.f32 v51, v9;
	v27 =	vmul.f32 v27, v10  }
0x1ff: {  	v36 =	vadd.f32 v36, v33;
	v50 =	vmul.f32 v26, v10;
	v42 =	vmul.f32 v42, v11;
	v26 =	vld.idx.msk [tilespmem:v22+s22+$0x0], $0xffff  }
0x200: {  	v22 =	vadd.f32 v59, v40;
	v52 =	vadd.f32 v28, v27;
	v28 =	vld.idx.msk [tilespmem:v23+s22+$0x0], $0xffff;
	v23 =	vmul.f32 v20, v9  }
0x201: {  	v33 =	vld.idx.msk [tilespmem:v35+s22+$0x0], $0xffff;
	vm0 =	vgt.u32 v30, $0x5F;
	v27 =	vadd.f32 v42, v50;
	v20 =	vadd.f32 v60, v41  }
0x202: {  	s13 =	simm.s32 $0xF;
	v34 =	vld.idx.msk [tilespmem:v37+s22+$0x0], $0xffff;
	v41 =	vmul.f32 v24, v9;
	v24 =	vadd.f32 v62, v36;
	v21 =	vadd.f32 v23, v21  }
0x203: {  	s26 =	simm.s32 $0x10;
	v29 =	vld.idx.msk [tilespmem:v29+s22+$0x0], $0xffff;
	v36 =	vadd.s32 s13, v4;
	v23 =	vadd.f32 v61, v25;
	v25 =	vadd.f32 v63, v52  }
.LBB2_4:
0x204: {  	p0 =	slt.u32 s26, $0x58;
	v35 =	vadd.s32 s24, v6;
	vm7 =	vgt.u32 v36, $0x5F;
	v37 =	vadd.s32 s13, v6;
	s24 =	smov.u32 s26  }
0x205: {  	v39 =	vadd.s32 s29, v6;
	v40 =	vadd.s32 s4, v6;
	v49 =	vsel vm7, v37, v36  }
0x206: {  	v36 =	vadd.s32 s31, v6;
	v37 =	vadd.s32 s21, v6;
	v42 =	vand.u32 $0xFFFFFFF8, v49  }
0x207: {  	v45 =	vadd.s32 s7, v6;
	v50 =	vand.u32 $0x7, v49;
	v42 =	vadd.s32 v12, v42  }
0x208: {  	v38 =	vsel vm1, v39, v38;
	v39 =	vadd.s32 s5, v6;
	v50 =	vor.u32 v50, v42  }
0x209: {  	v43 =	vsel vm2, v40, v43;
	v44 =	vsel vm3, v36, v44;
	v46 =	vsel vm4, v37, v46  }
0x20a: {  	v30 =	vsel vm0, v35, v30;
	v47 =	vsel vm5, v45, v47;
	v48 =	vsel vm6, v39, v48  }
0x20b: {  	v35 =	vand.u32 $0xFFFFFFF8, v38;
	v36 =	vand.u32 $0xFFFFFFF8, v43;
	v37 =	vand.u32 $0xFFFFFFF8, v44  }
0x20c: {  	v40 =	vand.u32 $0xFFFFFFF8, v47;
	v39 =	vand.u32 $0xFFFFFFF8, v46;
	v42 =	vand.u32 $0xFFFFFFF8, v48  }
0x20d: {  	v45 =	vand.u32 $0xFFFFFFF8, v30;
	v35 =	vadd.s32 v12, v35;
	v36 =	vadd.s32 v12, v36;
	v51 =	vld.idx.msk [tilespmem:v50+s16+$0x0], $0xffff  }
0x20e: {  	v52 =	vadd.s32 v12, v40;
	v37 =	vadd.s32 v12, v37;
	v39 =	vadd.s32 v12, v39;
	v53 =	vld.idx.msk [tilespmem:v50+s18+$0x0], $0xffff  }
0x20f: {  	v54 =	vadd.s32 v12, v45;
	v40 =	vand.u32 $0x7, v38;
	v55 =	vadd.s32 v12, v42  }
0x210: {  	v56 =	vand.u32 $0x7, v44;
	v57 =	vand.u32 $0x7, v46;
	v42 =	vand.u32 $0x7, v43;
	v58 =	vld.idx.msk [tilespmem:v50+s20+$0x0], $0xffff  }
0x211: {  	v59 =	vand.u32 $0x7, v30;
	v60 =	vand.u32 $0x7, v47;
	v61 =	vand.u32 $0x7, v48  }
0x212: {  	v45 =	vor.u32 v40, v35;
	v40 =	vor.u32 v56, v37;
	v42 =	vor.u32 v42, v36;
	v50 =	vld.idx.msk [tilespmem:v50+s22+$0x0], $0xffff  }
0x213: {  	v39 =	vor.u32 v57, v39;
	v37 =	vor.u32 v60, v52;
	v36 =	vor.u32 v61, v55  }
0x214: {  	v35 =	vor.u32 v59, v54;
	v51 =	vmul.f32 v51, v10;
	v52 =	vmul.f32 v53, v11  }
0x215: {  	v27 =	vadd.f32 v41, v27;
	v26 =	vmul.f32 v26, v8;
	v28 =	vmul.f32 v28, v8  }
0x216: {  	v49 =	vshll.u32 v49, $0x7;
	v41 =	vadd.f32 v52, v51;
	v51 =	vmul.f32 v58, v9  }
0x217: {  	v29 =	vmul.f32 v29, v8;
	v32 =	vmul.f32 v32, v8;
	v49 =	vor.u32 v7, v49;
	v52 =	vld.idx.msk [tilespmem:v45+s16+$0x0], $0xffff  }
0x218: {  	v31 =	vmul.f32 v31, v8;
	v41 =	vadd.f32 v51, v41;
	v50 =	vmul.f32 v50, v8;
	v53 =	vld.idx.msk [tilespmem:v45+s18+$0x0], $0xffff  }
0x219: {  	v22 =	vadd.f32 v26, v22;
	v26 =	vmul.f32 v33, v8;
	v34 =	vmul.f32 v34, v8;
	v51 =	vld.idx.msk [tilespmem:v42+s16+$0x0], $0xffff  }
0x21a: {  	v20 =	vadd.f32 v28, v20;
	v33 =	vshll.u32 v38, $0x7;
	v41 =	vadd.f32 v50, v41;
	v38 =	vld.idx.msk [tilespmem:v42+s18+$0x0], $0xffff  }
0x21b: {  	v28 =	vshll.u32 v43, $0x7;
	v21 =	vadd.f32 v29, v21;
	v23 =	vadd.f32 v32, v23;
	v43 =	vld.idx.msk [tilespmem:v40+s16+$0x0], $0xffff  }
0x21c: {  	v24 =	vadd.f32 v31, v24;
	v25 =	vadd.f32 v26, v25;
	v29 =	vld.idx.msk [tilespmem:v40+s18+$0x0], $0xffff;
	[tilespmem:v49+s3+$0x0] =	vst.idx.msk $0xffff, v41  }
0x21d: {  	v31 =	vshll.u32 v44, $0x7;
	v27 =	vadd.f32 v34, v27;
	v26 =	vmul.f32 v52, v10;
	v32 =	vld.idx.msk [tilespmem:v39+s16+$0x0], $0xffff  }
0x21e: {  	v44 =	vshll.u32 v46, $0x7;
	v46 =	vshll.u32 v47, $0x7;
	v34 =	vmul.f32 v53, v11;
	v41 =	vld.idx.msk [tilespmem:v39+s18+$0x0], $0xffff;
	[tilespmem:v19+s3+$0x0] =	vst.idx.msk $0xffff, v22  }
0x21f: {  	v48 =	vshll.u32 v48, $0x7;
	v22 =	vshll.u32 v30, $0x7;
	v30 =	vmul.f32 v51, v10;
	v47 =	vld.idx.msk [tilespmem:v37+s16+$0x0], $0xffff;
	[tilespmem:v16+s3+$0x0] =	vst.idx.msk $0xffff, v20  }
0x220: {  	v19 =	vor.u32 v7, v33;
	v20 =	vadd.f32 v34, v26;
	v26 =	vmul.f32 v38, v11;
	v33 =	vld.idx.msk [tilespmem:v37+s18+$0x0], $0xffff  }
0x221: {  	v31 =	vor.u32 v7, v31;
	v16 =	vor.u32 v7, v28;
	v28 =	vmul.f32 v43, v10;
	v34 =	vld.idx.msk [tilespmem:v36+s16+$0x0], $0xffff  }
0x222: {  	v49 =	vadd.f32 v26, v30;
	v26 =	vmul.f32 v29, v11;
	v29 =	vor.u32 v7, v44;
	v43 =	vld.idx.msk [tilespmem:v36+s18+$0x0], $0xffff  }
0x223: {  	v52 =	vor.u32 v7, v48;
	v51 =	vor.u32 v7, v46;
	v32 =	vmul.f32 v32, v10;
	v50 =	vld.idx.msk [tilespmem:v35+s16+$0x0], $0xffff  }
0x224: {  	v22 =	vor.u32 v7, v22;
	v53 =	vadd.f32 v26, v28;
	v26 =	vmul.f32 v41, v11;
	v48 =	vld.idx.msk [tilespmem:v35+s18+$0x0], $0xffff  }
0x225: {  	v30 =	vadd.s32 s26, v4;
	v41 =	vmul.f32 v47, v10;
	v28 =	vld.idx.msk [tilespmem:v45+s20+$0x0], $0xffff;
	[tilespmem:v13+s3+$0x0] =	vst.idx.msk $0xffff, v21;
	v13 =	vmov v31  }
0x226: {  	s29 =	sadd.s32 $0x1, s26;
	v31 =	vadd.f32 v26, v32;
	v26 =	vmul.f32 v33, v11;
	v21 =	vld.idx.msk [tilespmem:v42+s20+$0x0], $0xffff;
	[tilespmem:v18+s3+$0x0] =	vst.idx.msk $0xffff, v23  }
0x227: {  	v38 =	vadd.s32 s29, v4;
	vm0 =	vgt.u32 v30, $0x5F;
	v32 =	vmul.f32 v34, v10;
	v23 =	vld.idx.msk [tilespmem:v40+s20+$0x0], $0xffff;
	[tilespmem:v17+s3+$0x0] =	vst.idx.msk $0xffff, v24  }
0x228: {  	s4 =	sadd.s32 $0x2, s26;
	s31 =	sadd.s32 $0x3, s26;
	v33 =	vadd.f32 v26, v41;
	v26 =	vmul.f32 v43, v11;
	v24 =	vld.idx.msk [tilespmem:v39+s20+$0x0], $0xffff;
	[tilespmem:v15+s3+$0x0] =	vst.idx.msk $0xffff, v25  }
0x229: {  	s21 =	sadd.s32 $0x4, s26;
	v44 =	vadd.s32 s31, v4;
	v43 =	vadd.s32 s4, v4;
	v25 =	vmul.f32 v50, v10;
	v34 =	vld.idx.msk [tilespmem:v37+s20+$0x0], $0xffff;
	[tilespmem:v14+s3+$0x0] =	vst.idx.msk $0xffff, v27  }
0x22a: {  	s7 =	sadd.s32 $0x5, s26;
	s5 =	sadd.s32 $0x6, s26;
	v46 =	vadd.s32 s21, v4;
	v18 =	vmovc v29;
	v55 =	vmul.f32 v48, v11;
	v50 =	vadd.f32 v26, v32;
	v41 =	vld.idx.msk [tilespmem:v36+s20+$0x0], $0xffff  }
0x22b: {  	v47 =	vadd.s32 s7, v4;
	v17 =	vmovc v51;
	v15 =	vmovc v52;
	v48 =	vadd.s32 s5, v4;
	v28 =	vmul.f32 v28, v9;
	v54 =	vld.idx.msk [tilespmem:v35+s20+$0x0], $0xffff  }
0x22c: {  	vm1 =	vgt.u32 v38, $0x5F;
	v14 =	vmovc v22;
	v27 =	vadd.f32 v55, v25;
	v21 =	vmul.f32 v21, v9;
	v26 =	vld.idx.msk [tilespmem:v45+s22+$0x0], $0xffff  }
0x22d: {  	vm2 =	vgt.u32 v43, $0x5F;
	v22 =	vadd.f32 v28, v20;
	v23 =	vmul.f32 v23, v9;
	v28 =	vld.idx.msk [tilespmem:v42+s22+$0x0], $0xffff  }
.Ltmp0:
0x22e: {  	vm3 =	vgt.u32 v44, $0x5F;
	v20 =	vadd.f32 v21, v49;
	v24 =	vmul.f32 v24, v9;
	v29 =	vld.idx.msk [tilespmem:v40+s22+$0x0], $0xffff;
	(pc) =	sbr.rel @p0 .LBB2_4-.Ltmp0, $4  }
0x22f: {  	vm4 =	vgt.u32 v46, $0x5F;
	v21 =	vadd.f32 v23, v53;
	v25 =	vmul.f32 v34, v9;
	v32 =	vld.idx.msk [tilespmem:v39+s22+$0x0], $0xffff  }
0x230: {  	vm5 =	vgt.u32 v47, $0x5F;
	v23 =	vadd.f32 v24, v31;
	v31 =	vld.idx.msk [tilespmem:v37+s22+$0x0], $0xffff;
	v37 =	vmul.f32 v41, v9  }
0x231: {  	s13 =	sadd.s32 $0x7, s26;
	vm6 =	vgt.u32 v48, $0x5F;
	v41 =	vmul.f32 v54, v9;
	v24 =	vadd.f32 v25, v33;
	v33 =	vld.idx.msk [tilespmem:v36+s22+$0x0], $0xffff  }
0x232: {  	s26 =	sadd.s32 $0x8, s26;
	v36 =	vadd.s32 s13, v4;
	v34 =	vld.idx.msk [tilespmem:v35+s22+$0x0], $0xffff;
	v25 =	vadd.f32 v37, v50  }
0x233: {  	v35 =	vadd.s32 s24, v6;
	vm7 =	vgt.u32 v36, $0x5F  }
0x234: {  	v37 =	vadd.s32 s13, v6;
	v39 =	vadd.s32 s29, v6;
	v40 =	vadd.s32 s4, v6  }
0x235: {  	v52 =	vadd.s32 s31, v6;
	v42 =	vadd.s32 s21, v6;
	v36 =	vsel vm7, v37, v36  }
0x236: {  	v49 =	vadd.s32 s7, v6;
	v53 =	vadd.s32 s5, v6;
	v45 =	vand.u32 $0xFFFFFFF8, v36  }
0x237: {  	v38 =	vsel vm1, v39, v38;
	v50 =	vand.u32 $0x7, v36;
	v45 =	vadd.s32 v12, v45  }
0x238: {  	v40 =	vsel vm2, v40, v43;
	v37 =	vsel vm3, v52, v44;
	v45 =	vor.u32 v50, v45  }
0x239: {  	v42 =	vsel vm4, v42, v46;
	v30 =	vsel vm0, v35, v30;
	v35 =	vsel vm5, v49, v47  }
0x23a: {  	v39 =	vsel vm6, v53, v48;
	v54 =	vand.u32 $0xFFFFFFF8, v38;
	v55 =	vand.u32 $0xFFFFFFF8, v40  }
0x23b: {  	v56 =	vand.u32 $0xFFFFFFF8, v37;
	v60 =	vand.u32 $0x7, v38;
	v43 =	vadd.s32 v12, v54  }
0x23c: {  	v57 =	vand.u32 $0xFFFFFFF8, v42;
	v58 =	vand.u32 $0xFFFFFFF8, v35;
	v43 =	vor.u32 v60, v43  }
0x23d: {  	v59 =	vand.u32 $0xFFFFFFF8, v39;
	v53 =	vand.u32 $0x7, v40;
	v44 =	vadd.s32 v12, v55;
	v52 =	vld.idx.msk [tilespmem:v45+s16+$0x0], $0xffff  }
0x23e: {  	v62 =	vand.u32 $0x7, v37;
	v46 =	vadd.s32 v12, v56;
	v44 =	vor.u32 v53, v44;
	v50 =	vld.idx.msk [tilespmem:v45+s18+$0x0], $0xffff  }
0x23f: {  	v63 =	vand.u32 $0x7, v42;
	v47 =	vadd.s32 v12, v57;
	v46 =	vor.u32 v62, v46;
	v54 =	vld.idx.msk [tilespmem:v45+s20+$0x0], $0xffff  }
0x240: {  	v51 =	vand.u32 $0xFFFFFFF8, v30;
	v48 =	vadd.s32 v12, v58;
	v47 =	vor.u32 v63, v47;
	v45 =	vld.idx.msk [tilespmem:v45+s22+$0x0], $0xffff  }
0x241: {  	v61 =	vadd.s32 v12, v59;
	v56 =	vand.u32 $0x7, v35;
	v58 =	vand.u32 $0x7, v39;
	v59 =	vld.idx.msk [tilespmem:v43+s16+$0x0], $0xffff  }
0x242: {  	v51 =	vadd.s32 v12, v51;
	v48 =	vor.u32 v56, v48;
	v12 =	vor.u32 v58, v61;
	v61 =	vld.idx.msk [tilespmem:v43+s18+$0x0], $0xffff  }
0x243: {  	v55 =	vand.u32 $0x7, v30;
	v62 =	vld.idx.msk [tilespmem:v44+s16+$0x0], $0xffff  }
0x244: {  	v28 =	vmul.f32 v28, v8;
	v51 =	vor.u32 v55, v51;
	v55 =	vld.idx.msk [tilespmem:v46+s16+$0x0], $0xffff  }
0x245: {  	v27 =	vadd.f32 v41, v27;
	v26 =	vmul.f32 v26, v8;
	v29 =	vmul.f32 v29, v8;
	v56 =	vld.idx.msk [tilespmem:v47+s16+$0x0], $0xffff  }
0x246: {  	v32 =	vmul.f32 v32, v8;
	v31 =	vmul.f32 v31, v8;
	v20 =	vadd.f32 v28, v20;
	v28 =	vld.idx.msk [tilespmem:v47+s18+$0x0], $0xffff  }
0x247: {  	v36 =	vshll.u32 v36, $0x7;
	v21 =	vadd.f32 v29, v21;
	v34 =	vmul.f32 v34, v8;
	v29 =	vld.idx.msk [tilespmem:v48+s16+$0x0], $0xffff  }
0x248: {  	v22 =	vadd.f32 v26, v22;
	v33 =	vmul.f32 v33, v8;
	v24 =	vadd.f32 v31, v24;
	v31 =	vld.idx.msk [tilespmem:v48+s18+$0x0], $0xffff  }
0x249: {  	v37 =	vshll.u32 v37, $0x7;
	v36 =	vor.u32 v7, v36;
	v27 =	vadd.f32 v34, v27;
	v34 =	vld.idx.msk [tilespmem:v12+s16+$0x0], $0xffff  }
0x24a: {  	v23 =	vadd.f32 v32, v23;
	[tilespmem:v19+s3+$0x0] =	vst.idx.msk $0xffff, v22;
	v25 =	vadd.f32 v33, v25;
	v33 =	vld.idx.msk [tilespmem:v51+s18+$0x0], $0xffff  }
0x24b: {  	v57 =	vshll.u32 v40, $0x7;
	v35 =	vshll.u32 v35, $0x7;
	v37 =	vor.u32 v7, v37;
	[tilespmem:v16+s3+$0x0] =	vst.idx.msk $0xffff, v20;
	v53 =	vld.idx.msk [tilespmem:v43+s20+$0x0], $0xffff  }
0x24c: {  	[tilespmem:v13+s3+$0x0] =	vst.idx.msk $0xffff, v21;
	v60 =	vmul.f32 v52, v10;
	v63 =	vmul.f32 v54, v9;
	v54 =	vld.idx.msk [tilespmem:v44+s18+$0x0], $0xffff  }
0x24d: {  	[tilespmem:v18+s3+$0x0] =	vst.idx.msk $0xffff, v23;
	v50 =	vmul.f32 v50, v11;
	v52 =	vmul.f32 v55, v10;
	v55 =	vld.idx.msk [tilespmem:v44+s20+$0x0], $0xffff  }
0x24e: {  	v32 =	vor.u32 v7, v57;
	[tilespmem:v17+s3+$0x0] =	vst.idx.msk $0xffff, v24;
	v26 =	vmul.f32 v56, v10;
	v56 =	vld.idx.msk [tilespmem:v46+s20+$0x0], $0xffff  }
0x24f: {  	v58 =	vmul.f32 v59, v10;
	v59 =	vmul.f32 v61, v11;
	v49 =	vadd.f32 v50, v60;
	v50 =	vld.idx.msk [tilespmem:v46+s18+$0x0], $0xffff  }
0x250: {  	v38 =	vshll.u32 v38, $0x7;
	v35 =	vor.u32 v7, v35;
	[tilespmem:v15+s3+$0x0] =	vst.idx.msk $0xffff, v25;
	v60 =	vshll.u32 v42, $0x7;
	v42 =	vld.idx.msk [tilespmem:v12+s18+$0x0], $0xffff  }
0x251: {  	[tilespmem:v14+s3+$0x0] =	vst.idx.msk $0xffff, v27;
	v45 =	vmul.f32 v45, v8;
	v16 =	vadd.f32 v59, v58;
	v58 =	vld.idx.msk [tilespmem:v47+s20+$0x0], $0xffff  }
0x252: {  	v61 =	vshll.u32 v30, $0x7;
	v62 =	vmul.f32 v62, v10;
	v57 =	vmul.f32 v28, v11;
	v46 =	vld.idx.msk [tilespmem:v46+s22+$0x0], $0xffff  }
0x253: {  	v40 =	vor.u32 v7, v60;
	v60 =	vld.idx.msk [tilespmem:v48+s20+$0x0], $0xffff;
	v49 =	vadd.f32 v63, v49;
	v63 =	vshll.u32 v39, $0x7  }
0x254: {  	v29 =	vmul.f32 v29, v10;
	v59 =	vmul.f32 v31, v11;
	v39 =	vld.idx.msk [tilespmem:v51+s16+$0x0], $0xffff;
	v30 =	vor.u32 v7, v63  }
0x255: {  	v63 =	vld.idx.msk [tilespmem:v51+s20+$0x0], $0xffff;
	v45 =	vadd.f32 v45, v49;
	v49 =	vmul.f32 v54, v11;
	v54 =	vmul.f32 v50, v11  }
0x256: {  	v19 =	vadd.f32 v57, v26;
	v31 =	vmul.f32 v42, v11;
	v42 =	vmul.f32 v53, v9;
	v53 =	vld.idx.msk [tilespmem:v48+s22+$0x0], $0xffff  }
0x257: {  	[tilespmem:v36+s3+$0x0] =	vst.idx.msk $0xffff, v45;
	v36 =	vor.u32 v7, v38;
	v7 =	vor.u32 v7, v61;
	v61 =	vld.idx.msk [tilespmem:v12+s20+$0x0], $0xffff  }
0x258: {  	v13 =	vadd.f32 v59, v29;
	v50 =	vmul.f32 v58, v9;
	v57 =	vmul.f32 v46, v8;
	v38 =	vld.idx.msk [tilespmem:v43+s22+$0x0], $0xffff  }
0x259: {  	v20 =	vadd.f32 v49, v62;
	v62 =	vmul.f32 v34, v10;
	v43 =	vld.idx.msk [tilespmem:v44+s22+$0x0], $0xffff;
	v44 =	vmul.f32 v55, v9  }
0x25a: {  	v45 =	vmul.f32 v56, v9;
	v21 =	vmul.f32 v60, v9;
	v22 =	vadd.f32 v54, v52  }
0x25b: {  	v12 =	vld.idx.msk [tilespmem:v12+s22+$0x0], $0xffff;
	v34 =	vmul.f32 v39, v10;
	v49 =	vadd.f32 v42, v16;
	v14 =	vadd.f32 v50, v19  }
0x25c: {  	v39 =	vmul.f32 v33, v11;
	v52 =	vld.idx.msk [tilespmem:v47+s22+$0x0], $0xffff;
	v23 =	vadd.f32 v31, v62;
	v20 =	vadd.f32 v44, v20  }
0x25d: {  	v55 =	vld.idx.msk [tilespmem:v51+s22+$0x0], $0xffff;
	v54 =	vmul.f32 v63, v9;
	v13 =	vadd.f32 v21, v13;
	v22 =	vadd.f32 v45, v22  }
0x25e: {  	v10 =	vadd.f32 v39, v34;
	v60 =	vmul.f32 v53, v8;
	v18 =	vmul.f32 v61, v9  }
0x25f: {  	v15 =	vmul.f32 v38, v8;
	v56 =	vmul.f32 v43, v8;
	v61 =	vadd.f32 v57, v22  }
0x260: {  	v9 =	vadd.f32 v54, v10;
	v62 =	vmul.f32 v12, v8;
	v63 =	vadd.f32 v60, v13  }
0x261: {  	s2 =	sadd.s32 $0x1, s2;
	v58 =	vmul.f32 v52, v8;
	v11 =	vadd.f32 v15, v49;
	[tilespmem:v37+s3+$0x0] =	vst.idx.msk $0xffff, v61  }
0x262: {  	p0 =	sne.s32 s2, $0x8;
	v8 =	vmul.f32 v55, v8;
	v59 =	vadd.f32 v56, v20;
	[tilespmem:v35+s3+$0x0] =	vst.idx.msk $0xffff, v63  }
.Ltmp1:
0x263: {  	v18 =	vadd.f32 v18, v23;
	v10 =	vadd.f32 v58, v14;
	[tilespmem:v36+s3+$0x0] =	vst.idx.msk $0xffff, v11;
	(pc) =	sbr.rel @p0 .LBB2_3-.Ltmp1, $4  }
0x264: {  	v8 =	vadd.f32 v8, v9;
	[tilespmem:v32+s3+$0x0] =	vst.idx.msk $0xffff, v59  }
0x265: {  	v11 =	vadd.f32 v62, v18;
	[tilespmem:v40+s3+$0x0] =	vst.idx.msk $0xffff, v10  }
0x266: {  	[tilespmem:v7+s3+$0x0] =	vst.idx.msk $0xffff, v8  }
0x267: {  	[tilespmem:v30+s3+$0x0] =	vst.idx.msk $0xffff, v11  }
0x268: {  	s2 =	sadd.s32 s10, s11  }
0x269: {  	s2 =	sshrl.u32 s2, $0x3  }
0x26a: {  	s29 =	simm.s32 $0x40000;
	s2 =	sadd.s32 s6, s2  }
0x26b: {  	[hbm4b:s2+s14] =	stream.strided.scatter [tilespmem:s3], [sflag:$0x3], $0x3000, s29, s14, $0x38;
	[tilespmem:$0x1F800] =	vst v63  }
0x26c: {  	_ =	swait.ge [sflag:s15], $0x3000  }
0x26d: {  	[sflag:s15] =	ssyncset.done $0x0  }
0x26e: {  	[sflag:s15] =	ssyncadd.s32 $0xFFFFD000  }
0x26f: {  	_ =	swait.ge [sflag:s15], $0x3000  }
0x270: {  	[sflag:s15] =	ssyncset.done $0x0  }
0x271: {  	p0 =	seq.s32 s8, $0x3F;
	[sflag:s15] =	ssyncadd.s32 $0xFFFFD000  }
0x272: {  	s2 =	sadd.s32 @!p0 $0x2, s19;
	_ =	swait.ge [sflag:s15], $0x3000  }
0x273: {  	s4 =	sand.u32 @!p0 $0xE, s2;
	[sflag:s15] =	ssyncset.done $0x0  }
0x274: {  	p1 =	sne.s32 @!p0 s4, $0x0;
	[sflag:s15] =	ssyncadd.s32 $0xFFFFD000  }
0x275: {  	p1 =	por p1, p0;
	_ =	swait.ge [sflag:s15], $0x3000  }
0x276: {  	s2 =	sshll.u32 @!p1 s2, $0x4;
	s5 =	rddreg [dreg:$0x5]  }
0x277: {  	[sflag:s15] =	ssyncset.done $0x0;
	s2 =	sadd.s32 @!p1 s5, s2;
	s5 =	rddreg [dreg:$0x3]  }
0x278: {  	s7 =	simm.s32 @!p1 $0x0;
	[sflag:s15] =	ssyncadd.s32 $0xFFFFD000;
	s5 =	sadd.s32 @!p1 s5, s2  }
0x279: {  	[tilespmem:s7], [sflag:$0x5] =	stream.linear.gather @!p1 [hbm4b:s5+s7], $0x800, $0x38;
	[tilespmem:$0x1F800] =	vst v63  }
0x27a: {  	s5 =	simm.s32 @!p1 $0x5  }
0x27b: {  	_ =	swait.ge @!p1 [sflag:s5], $0x800  }
0x27c: {  	[sflag:s5] =	ssyncset.done @!p1 $0x0;
	s11 =	rddreg [dreg:$0x4]  }
0x27d: {  	[sflag:s5] =	ssyncadd.s32 @!p1 $0xFFFFF800;
	s2 =	sadd.s32 @!p1 s11, s2;
	s11 =	simm.s32 @!p1 $0x800  }
0x27e: {  	[tilespmem:s11], [sflag:$0x5] =	stream.linear.gather @!p1 [hbm4b:s2+s7], $0x800, $0x38;
	[tilespmem:$0x1F800] =	vst v63  }
0x27f: {  	_ =	swait.ge @!p1 [sflag:s5], $0x800  }
0x280: {  	[sflag:s5] =	ssyncset.done @!p1 $0x0  }
0x281: {  	s2 =	sshll.u32 @!p0 s4, $0x7;
	[sflag:s5] =	ssyncadd.s32 @!p1 $0xFFFFF800  }
0x282: {  	v7 =	vld @!p0 [tilespmem:s2+$0x0];
	_ =	sdelay $0x1  }
0x283: {  	v8 =	vld @!p0 [tilespmem:s2+$0x800];
	_ =	sdelay $0x2  }
0x284: {  	v7 =	vmul.f32 @!p0 v7, v0;
	_ =	sdelay $0x1  }
0x285: {  	v8 =	vmul.f32 @!p0 v8, v0;
	v7 =	vadd.f32 @!p0 v7, v7;
	_ =	sdelay $0x1  }
0x286: {  	v8 =	vadd.f32 @!p0 v8, v8;
	v7 =	vadd.f32 @!p0 $-1.000000000e+00, v7;
	_ =	sdelay $0x1  }
0x287: {  	v8 =	vadd.f32 @!p0 $-1.000000000e+00, v8;
	v7 =	vadd.f32 @!p0 $1.000000000e+00, v7;
	_ =	sdelay $0x1  }
0x288: {  	v8 =	vadd.f32 @!p0 $1.000000000e+00, v8;
	v7 =	vmul.f32 @!p0 $5.120000000e+02, v7;
	_ =	sdelay $0x1  }
0x289: {  	v8 =	vmul.f32 @!p0 $5.120000000e+02, v8;
	v7 =	vadd.f32 @!p0 $-1.000000000e+00, v7;
	_ =	sdelay $0x1  }
0x28a: {  	v9 =	vmul.f32 @!p0 v7, v2;
	v7 =	vadd.f32 @!p0 $-1.000000000e+00, v8;
	_ =	sdelay $0x1  }
0x28b: {  	v8 =	vmul.f32 @!p0 v7, v2;
	v7 =	vtrunc.f32 @!p0 v9  }
0x28c: {  	v10 =	vcvt.f32.s32 @!p0 v7  }
0x28d: {  	v7 =	vtrunc.f32 @!p0 v8  }
0x28e: {  	v11 =	vcvt.f32.s32 @!p0 v7;
	v12 =	vcvt.s32.f32 @!p0 v10;
	_ =	sdelay $0x1  }
0x28f: {  	v13 =	vcvt.s32.f32 @!p0 v11;
	v14 =	vadd.f32 @!p0 $-1.000000000e+00, v12  }
0x290: {  	v7 =	vimm.s32 @!p0 $0x0;
	vm0 =	vlt.f32 @!p0 v9, v12  }
0x291: {  	v15 =	vsel @!p0 vm0, $0xFFFFFFFF, v7;
	v12 =	vsel @!p0 vm0, v14, v12;
	vm0 =	vlt.f32 @!p0 v8, v13  }
0x292: {  	v14 =	vsel @!p0 vm0, $0xFFFFFFFF, v7;
	v9 =	vsub.f32 @!p0 v9, v12;
	v12 =	vadd.f32 @!p0 $-1.000000000e+00, v13  }
0x293: {  	v10 =	vadd.s32 @!p0 v10, v15;
	v11 =	vadd.s32 @!p0 v11, v14  }
0x294: {  	v12 =	vsel @!p0 vm0, v12, v13;
	v13 =	vsub.f32 @!p0 $1.000000000e+00, v9;
	vm0 =	vgt.s32 @!p0 v10, $0x0  }
0x295: {  	v8 =	vsub.f32 @!p0 v8, v12;
	v12 =	vnsel @!p0 vm0, $0x0, v10;
	vm0 =	vgt.s32 @!p0 v11, $0x0  }
0x296: {  	v10 =	vadd.s32 @!p0 $0x1, v10;
	v14 =	vnsel @!p0 vm0, $0x0, v11;
	v11 =	vadd.s32 @!p0 $0x1, v11  }
0x297: {  	v12 =	vmin.u32 @!p0 v12, $0x1FF;
	v14 =	vmin.u32 @!p0 v14, $0x1FF;
	vm0 =	vgt.s32 @!p0 v11, $0x0  }
0x298: {  	vm1 =	vgt.s32 @!p0 v10, $0x0;
	v11 =	vnsel @!p0 vm0, $0x0, v11;
	v14 =	vshll.u32 @!p0 v14, $0x9  }
0x299: {  	v10 =	vnsel @!p0 vm1, $0x0, v10;
	v11 =	vmin.u32 @!p0 v11, $0x1FF;
	v14 =	vor.u32 @!p0 v1, v14  }
0x29a: {  	v10 =	vmin.u32 @!p0 v10, $0x1FF;
	v11 =	vshll.u32 @!p0 v11, $0x9;
	v15 =	vor.u32 @!p0 v12, v14  }
0x29b: {  	v16 =	vsub.f32 @!p0 $1.000000000e+00, v8;
	v14 =	vor.u32 @!p0 v10, v14;
	v11 =	vor.u32 @!p0 v1, v11;
	[tilespmem:$0x1000] =	vst @!p0 v15  }
0x29c: {  	[tilespmem:$0x1080] =	vst @!p0 v14;
	v12 =	vor.u32 @!p0 v12, v11  }
0x29d: {  	v10 =	vor.u32 @!p0 v10, v11;
	v11 =	vmul.f32 @!p0 v16, v13;
	[tilespmem:$0x1100] =	vst @!p0 v12  }
0x29e: {  	[tilespmem:$0x1180] =	vst @!p0 v10;
	v10 =	vmul.f32 @!p0 v16, v9  }
0x29f: {  	[tilespmem:$0x1400] =	vst @!p0 v11;
	v11 =	vmul.f32 @!p0 v13, v8  }
0x2a0: {  	v8 =	vmul.f32 @!p0 v8, v9;
	[tilespmem:$0x1480] =	vst @!p0 v10  }
0x2a1: {  	[tilespmem:$0x1500] =	vst @!p0 v11  }
0x2a2: {  	[tilespmem:$0x1580] =	vst @!p0 v8  }
0x2a3: {  	v8 =	vld @!p0 [tilespmem:s2+$0x10];
	_ =	sdelay $0x1  }
0x2a4: {  	v9 =	vld @!p0 [tilespmem:s2+$0x810];
	_ =	sdelay $0x2  }
0x2a5: {  	v8 =	vmul.f32 @!p0 v8, v0;
	_ =	sdelay $0x1  }
0x2a6: {  	v9 =	vmul.f32 @!p0 v9, v0;
	v8 =	vadd.f32 @!p0 v8, v8;
	_ =	sdelay $0x1  }
0x2a7: {  	v9 =	vadd.f32 @!p0 v9, v9;
	v8 =	vadd.f32 @!p0 $-1.000000000e+00, v8;
	_ =	sdelay $0x1  }
0x2a8: {  	v9 =	vadd.f32 @!p0 $-1.000000000e+00, v9;
	v8 =	vadd.f32 @!p0 $1.000000000e+00, v8;
	_ =	sdelay $0x1  }
0x2a9: {  	v9 =	vadd.f32 @!p0 $1.000000000e+00, v9;
	v8 =	vmul.f32 @!p0 $5.120000000e+02, v8;
	_ =	sdelay $0x1  }
0x2aa: {  	v9 =	vmul.f32 @!p0 $5.120000000e+02, v9;
	v8 =	vadd.f32 @!p0 $-1.000000000e+00, v8;
	_ =	sdelay $0x1  }
0x2ab: {  	v9 =	vadd.f32 @!p0 $-1.000000000e+00, v9;
	v8 =	vmul.f32 @!p0 v8, v2;
	_ =	sdelay $0x1  }
0x2ac: {  	v9 =	vmul.f32 @!p0 v9, v2;
	v10 =	vtrunc.f32 @!p0 v8  }
0x2ad: {  	v10 =	vcvt.f32.s32 @!p0 v10  }
0x2ae: {  	v11 =	vtrunc.f32 @!p0 v9  }
0x2af: {  	v11 =	vcvt.f32.s32 @!p0 v11;
	v12 =	vcvt.s32.f32 @!p0 v10;
	_ =	sdelay $0x1  }
0x2b0: {  	v13 =	vcvt.s32.f32 @!p0 v11;
	v14 =	vadd.f32 @!p0 $-1.000000000e+00, v12  }
0x2b1: {  	vm0 =	vlt.f32 @!p0 v8, v12  }
0x2b2: {  	v15 =	vsel @!p0 vm0, $0xFFFFFFFF, v7;
	v12 =	vsel @!p0 vm0, v14, v12;
	vm0 =	vlt.f32 @!p0 v9, v13  }
0x2b3: {  	v14 =	vsel @!p0 vm0, $0xFFFFFFFF, v7;
	v8 =	vsub.f32 @!p0 v8, v12;
	v12 =	vadd.f32 @!p0 $-1.000000000e+00, v13  }
0x2b4: {  	v10 =	vadd.s32 @!p0 v10, v15;
	v11 =	vadd.s32 @!p0 v11, v14  }
0x2b5: {  	v12 =	vsel @!p0 vm0, v12, v13;
	v13 =	vsub.f32 @!p0 $1.000000000e+00, v8;
	vm0 =	vgt.s32 @!p0 v10, $0x0  }
0x2b6: {  	v9 =	vsub.f32 @!p0 v9, v12;
	v12 =	vnsel @!p0 vm0, $0x0, v10;
	vm0 =	vgt.s32 @!p0 v11, $0x0  }
0x2b7: {  	v10 =	vadd.s32 @!p0 $0x1, v10;
	v14 =	vnsel @!p0 vm0, $0x0, v11;
	v11 =	vadd.s32 @!p0 $0x1, v11  }
0x2b8: {  	v12 =	vmin.u32 @!p0 v12, $0x1FF;
	v14 =	vmin.u32 @!p0 v14, $0x1FF;
	vm0 =	vgt.s32 @!p0 v11, $0x0  }
0x2b9: {  	vm1 =	vgt.s32 @!p0 v10, $0x0;
	v11 =	vnsel @!p0 vm0, $0x0, v11;
	v14 =	vshll.u32 @!p0 v14, $0x9  }
0x2ba: {  	v10 =	vnsel @!p0 vm1, $0x0, v10;
	v11 =	vmin.u32 @!p0 v11, $0x1FF;
	v14 =	vor.u32 @!p0 v1, v14  }
0x2bb: {  	v10 =	vmin.u32 @!p0 v10, $0x1FF;
	v11 =	vshll.u32 @!p0 v11, $0x9;
	v15 =	vor.u32 @!p0 v12, v14  }
0x2bc: {  	v16 =	vsub.f32 @!p0 $1.000000000e+00, v9;
	v14 =	vor.u32 @!p0 v10, v14;
	v11 =	vor.u32 @!p0 v1, v11;
	[tilespmem:$0x1010] =	vst @!p0 v15  }
0x2bd: {  	[tilespmem:$0x1090] =	vst @!p0 v14;
	v12 =	vor.u32 @!p0 v12, v11  }
0x2be: {  	v10 =	vor.u32 @!p0 v10, v11;
	v11 =	vmul.f32 @!p0 v16, v13;
	[tilespmem:$0x1110] =	vst @!p0 v12  }
0x2bf: {  	[tilespmem:$0x1190] =	vst @!p0 v10;
	v10 =	vmul.f32 @!p0 v16, v8  }
0x2c0: {  	v8 =	vmul.f32 @!p0 v9, v8;
	[tilespmem:$0x1410] =	vst @!p0 v11  }
0x2c1: {  	v11 =	vmul.f32 @!p0 v13, v9;
	[tilespmem:$0x1490] =	vst @!p0 v10  }
0x2c2: {  	[tilespmem:$0x1590] =	vst @!p0 v8  }
0x2c3: {  	[tilespmem:$0x1510] =	vst @!p0 v11  }
0x2c4: {  	v8 =	vld @!p0 [tilespmem:s2+$0x20];
	_ =	sdelay $0x1  }
0x2c5: {  	v9 =	vld @!p0 [tilespmem:s2+$0x820];
	_ =	sdelay $0x2  }
0x2c6: {  	v8 =	vmul.f32 @!p0 v8, v0;
	_ =	sdelay $0x1  }
0x2c7: {  	v9 =	vmul.f32 @!p0 v9, v0;
	v8 =	vadd.f32 @!p0 v8, v8;
	_ =	sdelay $0x1  }
0x2c8: {  	v9 =	vadd.f32 @!p0 v9, v9;
	v8 =	vadd.f32 @!p0 $-1.000000000e+00, v8;
	_ =	sdelay $0x1  }
0x2c9: {  	v9 =	vadd.f32 @!p0 $-1.000000000e+00, v9;
	v8 =	vadd.f32 @!p0 $1.000000000e+00, v8;
	_ =	sdelay $0x1  }
0x2ca: {  	v9 =	vadd.f32 @!p0 $1.000000000e+00, v9;
	v8 =	vmul.f32 @!p0 $5.120000000e+02, v8;
	_ =	sdelay $0x1  }
0x2cb: {  	v9 =	vmul.f32 @!p0 $5.120000000e+02, v9;
	v8 =	vadd.f32 @!p0 $-1.000000000e+00, v8;
	_ =	sdelay $0x1  }
0x2cc: {  	v9 =	vadd.f32 @!p0 $-1.000000000e+00, v9;
	v8 =	vmul.f32 @!p0 v8, v2;
	_ =	sdelay $0x1  }
0x2cd: {  	v9 =	vmul.f32 @!p0 v9, v2;
	v10 =	vtrunc.f32 @!p0 v8  }
0x2ce: {  	v10 =	vcvt.f32.s32 @!p0 v10  }
0x2cf: {  	v11 =	vtrunc.f32 @!p0 v9  }
0x2d0: {  	v11 =	vcvt.f32.s32 @!p0 v11;
	v12 =	vcvt.s32.f32 @!p0 v10;
	_ =	sdelay $0x1  }
0x2d1: {  	v13 =	vcvt.s32.f32 @!p0 v11;
	v14 =	vadd.f32 @!p0 $-1.000000000e+00, v12  }
0x2d2: {  	vm0 =	vlt.f32 @!p0 v8, v12  }
0x2d3: {  	v15 =	vsel @!p0 vm0, $0xFFFFFFFF, v7;
	v12 =	vsel @!p0 vm0, v14, v12;
	vm0 =	vlt.f32 @!p0 v9, v13  }
0x2d4: {  	v14 =	vsel @!p0 vm0, $0xFFFFFFFF, v7;
	v8 =	vsub.f32 @!p0 v8, v12;
	v12 =	vadd.f32 @!p0 $-1.000000000e+00, v13  }
0x2d5: {  	v10 =	vadd.s32 @!p0 v10, v15;
	v11 =	vadd.s32 @!p0 v11, v14  }
0x2d6: {  	v12 =	vsel @!p0 vm0, v12, v13;
	v13 =	vsub.f32 @!p0 $1.000000000e+00, v8;
	vm0 =	vgt.s32 @!p0 v10, $0x0  }
0x2d7: {  	v9 =	vsub.f32 @!p0 v9, v12;
	v12 =	vnsel @!p0 vm0, $0x0, v10;
	vm0 =	vgt.s32 @!p0 v11, $0x0  }
0x2d8: {  	v10 =	vadd.s32 @!p0 $0x1, v10;
	v14 =	vnsel @!p0 vm0, $0x0, v11;
	v11 =	vadd.s32 @!p0 $0x1, v11  }
0x2d9: {  	v12 =	vmin.u32 @!p0 v12, $0x1FF;
	v14 =	vmin.u32 @!p0 v14, $0x1FF;
	vm0 =	vgt.s32 @!p0 v11, $0x0  }
0x2da: {  	vm1 =	vgt.s32 @!p0 v10, $0x0;
	v11 =	vnsel @!p0 vm0, $0x0, v11;
	v14 =	vshll.u32 @!p0 v14, $0x9  }
0x2db: {  	v10 =	vnsel @!p0 vm1, $0x0, v10;
	v11 =	vmin.u32 @!p0 v11, $0x1FF;
	v14 =	vor.u32 @!p0 v1, v14  }
0x2dc: {  	v10 =	vmin.u32 @!p0 v10, $0x1FF;
	v11 =	vshll.u32 @!p0 v11, $0x9;
	v15 =	vor.u32 @!p0 v12, v14  }
0x2dd: {  	v16 =	vsub.f32 @!p0 $1.000000000e+00, v9;
	v14 =	vor.u32 @!p0 v10, v14;
	v11 =	vor.u32 @!p0 v1, v11;
	[tilespmem:$0x1020] =	vst @!p0 v15  }
0x2de: {  	[tilespmem:$0x10A0] =	vst @!p0 v14;
	v12 =	vor.u32 @!p0 v12, v11  }
0x2df: {  	v10 =	vor.u32 @!p0 v10, v11;
	v11 =	vmul.f32 @!p0 v16, v13;
	[tilespmem:$0x1120] =	vst @!p0 v12  }
0x2e0: {  	[tilespmem:$0x11A0] =	vst @!p0 v10;
	v10 =	vmul.f32 @!p0 v16, v8  }
0x2e1: {  	v8 =	vmul.f32 @!p0 v9, v8;
	[tilespmem:$0x1420] =	vst @!p0 v11  }
0x2e2: {  	v11 =	vmul.f32 @!p0 v13, v9;
	[tilespmem:$0x14A0] =	vst @!p0 v10  }
0x2e3: {  	[tilespmem:$0x15A0] =	vst @!p0 v8  }
0x2e4: {  	[tilespmem:$0x1520] =	vst @!p0 v11  }
0x2e5: {  	v8 =	vld @!p0 [tilespmem:s2+$0x30];
	_ =	sdelay $0x1  }
0x2e6: {  	v9 =	vld @!p0 [tilespmem:s2+$0x830];
	_ =	sdelay $0x2  }
0x2e7: {  	v8 =	vmul.f32 @!p0 v8, v0;
	_ =	sdelay $0x1  }
0x2e8: {  	v9 =	vmul.f32 @!p0 v9, v0;
	v8 =	vadd.f32 @!p0 v8, v8;
	_ =	sdelay $0x1  }
0x2e9: {  	v9 =	vadd.f32 @!p0 v9, v9;
	v8 =	vadd.f32 @!p0 $-1.000000000e+00, v8;
	_ =	sdelay $0x1  }
0x2ea: {  	v9 =	vadd.f32 @!p0 $-1.000000000e+00, v9;
	v8 =	vadd.f32 @!p0 $1.000000000e+00, v8;
	_ =	sdelay $0x1  }
0x2eb: {  	v9 =	vadd.f32 @!p0 $1.000000000e+00, v9;
	v8 =	vmul.f32 @!p0 $5.120000000e+02, v8;
	_ =	sdelay $0x1  }
0x2ec: {  	v9 =	vmul.f32 @!p0 $5.120000000e+02, v9;
	v8 =	vadd.f32 @!p0 $-1.000000000e+00, v8;
	_ =	sdelay $0x1  }
0x2ed: {  	v9 =	vadd.f32 @!p0 $-1.000000000e+00, v9;
	v8 =	vmul.f32 @!p0 v8, v2;
	_ =	sdelay $0x1  }
0x2ee: {  	v9 =	vmul.f32 @!p0 v9, v2;
	v10 =	vtrunc.f32 @!p0 v8  }
0x2ef: {  	v10 =	vcvt.f32.s32 @!p0 v10  }
0x2f0: {  	v11 =	vtrunc.f32 @!p0 v9  }
0x2f1: {  	v11 =	vcvt.f32.s32 @!p0 v11;
	v12 =	vcvt.s32.f32 @!p0 v10;
	_ =	sdelay $0x1  }
0x2f2: {  	v13 =	vcvt.s32.f32 @!p0 v11;
	v14 =	vadd.f32 @!p0 $-1.000000000e+00, v12  }
0x2f3: {  	vm0 =	vlt.f32 @!p0 v8, v12  }
0x2f4: {  	v15 =	vsel @!p0 vm0, $0xFFFFFFFF, v7;
	v12 =	vsel @!p0 vm0, v14, v12;
	vm0 =	vlt.f32 @!p0 v9, v13  }
0x2f5: {  	v14 =	vsel @!p0 vm0, $0xFFFFFFFF, v7;
	v8 =	vsub.f32 @!p0 v8, v12;
	v12 =	vadd.f32 @!p0 $-1.000000000e+00, v13  }
0x2f6: {  	v10 =	vadd.s32 @!p0 v10, v15;
	v11 =	vadd.s32 @!p0 v11, v14  }
0x2f7: {  	v12 =	vsel @!p0 vm0, v12, v13;
	v13 =	vsub.f32 @!p0 $1.000000000e+00, v8;
	vm0 =	vgt.s32 @!p0 v10, $0x0  }
0x2f8: {  	v9 =	vsub.f32 @!p0 v9, v12;
	v12 =	vnsel @!p0 vm0, $0x0, v10;
	vm0 =	vgt.s32 @!p0 v11, $0x0  }
0x2f9: {  	v10 =	vadd.s32 @!p0 $0x1, v10;
	v14 =	vnsel @!p0 vm0, $0x0, v11;
	v11 =	vadd.s32 @!p0 $0x1, v11  }
0x2fa: {  	v12 =	vmin.u32 @!p0 v12, $0x1FF;
	v14 =	vmin.u32 @!p0 v14, $0x1FF;
	vm0 =	vgt.s32 @!p0 v11, $0x0  }
0x2fb: {  	vm1 =	vgt.s32 @!p0 v10, $0x0;
	v11 =	vnsel @!p0 vm0, $0x0, v11;
	v14 =	vshll.u32 @!p0 v14, $0x9  }
0x2fc: {  	v10 =	vnsel @!p0 vm1, $0x0, v10;
	v11 =	vmin.u32 @!p0 v11, $0x1FF;
	v14 =	vor.u32 @!p0 v1, v14  }
0x2fd: {  	v10 =	vmin.u32 @!p0 v10, $0x1FF;
	v11 =	vshll.u32 @!p0 v11, $0x9;
	v15 =	vor.u32 @!p0 v12, v14  }
0x2fe: {  	v16 =	vsub.f32 @!p0 $1.000000000e+00, v9;
	v14 =	vor.u32 @!p0 v10, v14;
	v11 =	vor.u32 @!p0 v1, v11;
	[tilespmem:$0x1030] =	vst @!p0 v15  }
0x2ff: {  	[tilespmem:$0x10B0] =	vst @!p0 v14;
	v12 =	vor.u32 @!p0 v12, v11  }
0x300: {  	v10 =	vor.u32 @!p0 v10, v11;
	v11 =	vmul.f32 @!p0 v16, v13;
	[tilespmem:$0x1130] =	vst @!p0 v12  }
0x301: {  	[tilespmem:$0x11B0] =	vst @!p0 v10;
	v10 =	vmul.f32 @!p0 v16, v8  }
0x302: {  	v8 =	vmul.f32 @!p0 v9, v8;
	[tilespmem:$0x1430] =	vst @!p0 v11  }
0x303: {  	v11 =	vmul.f32 @!p0 v13, v9;
	[tilespmem:$0x14B0] =	vst @!p0 v10  }
0x304: {  	[tilespmem:$0x15B0] =	vst @!p0 v8  }
0x305: {  	[tilespmem:$0x1530] =	vst @!p0 v11  }
0x306: {  	v8 =	vld @!p0 [tilespmem:s2+$0x40];
	_ =	sdelay $0x1  }
0x307: {  	v9 =	vld @!p0 [tilespmem:s2+$0x840];
	_ =	sdelay $0x2  }
0x308: {  	v8 =	vmul.f32 @!p0 v8, v0;
	_ =	sdelay $0x1  }
0x309: {  	v9 =	vmul.f32 @!p0 v9, v0;
	v8 =	vadd.f32 @!p0 v8, v8;
	_ =	sdelay $0x1  }
0x30a: {  	v9 =	vadd.f32 @!p0 v9, v9;
	v8 =	vadd.f32 @!p0 $-1.000000000e+00, v8;
	_ =	sdelay $0x1  }
0x30b: {  	v9 =	vadd.f32 @!p0 $-1.000000000e+00, v9;
	v8 =	vadd.f32 @!p0 $1.000000000e+00, v8;
	_ =	sdelay $0x1  }
0x30c: {  	v9 =	vadd.f32 @!p0 $1.000000000e+00, v9;
	v8 =	vmul.f32 @!p0 $5.120000000e+02, v8;
	_ =	sdelay $0x1  }
0x30d: {  	v9 =	vmul.f32 @!p0 $5.120000000e+02, v9;
	v8 =	vadd.f32 @!p0 $-1.000000000e+00, v8;
	_ =	sdelay $0x1  }
0x30e: {  	v9 =	vadd.f32 @!p0 $-1.000000000e+00, v9;
	v8 =	vmul.f32 @!p0 v8, v2;
	_ =	sdelay $0x1  }
0x30f: {  	v9 =	vmul.f32 @!p0 v9, v2;
	v10 =	vtrunc.f32 @!p0 v8  }
0x310: {  	v10 =	vcvt.f32.s32 @!p0 v10  }
0x311: {  	v11 =	vtrunc.f32 @!p0 v9  }
0x312: {  	v11 =	vcvt.f32.s32 @!p0 v11;
	v12 =	vcvt.s32.f32 @!p0 v10;
	_ =	sdelay $0x1  }
0x313: {  	v13 =	vcvt.s32.f32 @!p0 v11;
	v14 =	vadd.f32 @!p0 $-1.000000000e+00, v12  }
0x314: {  	vm0 =	vlt.f32 @!p0 v8, v12  }
0x315: {  	v15 =	vsel @!p0 vm0, $0xFFFFFFFF, v7;
	v12 =	vsel @!p0 vm0, v14, v12;
	vm0 =	vlt.f32 @!p0 v9, v13  }
0x316: {  	v14 =	vsel @!p0 vm0, $0xFFFFFFFF, v7;
	v8 =	vsub.f32 @!p0 v8, v12;
	v12 =	vadd.f32 @!p0 $-1.000000000e+00, v13  }
0x317: {  	v10 =	vadd.s32 @!p0 v10, v15;
	v11 =	vadd.s32 @!p0 v11, v14  }
0x318: {  	v12 =	vsel @!p0 vm0, v12, v13;
	v13 =	vsub.f32 @!p0 $1.000000000e+00, v8;
	vm0 =	vgt.s32 @!p0 v10, $0x0  }
0x319: {  	v9 =	vsub.f32 @!p0 v9, v12;
	v12 =	vnsel @!p0 vm0, $0x0, v10;
	vm0 =	vgt.s32 @!p0 v11, $0x0  }
0x31a: {  	v10 =	vadd.s32 @!p0 $0x1, v10;
	v14 =	vnsel @!p0 vm0, $0x0, v11;
	v11 =	vadd.s32 @!p0 $0x1, v11  }
0x31b: {  	v12 =	vmin.u32 @!p0 v12, $0x1FF;
	v14 =	vmin.u32 @!p0 v14, $0x1FF;
	vm0 =	vgt.s32 @!p0 v11, $0x0  }
0x31c: {  	vm1 =	vgt.s32 @!p0 v10, $0x0;
	v11 =	vnsel @!p0 vm0, $0x0, v11;
	v14 =	vshll.u32 @!p0 v14, $0x9  }
0x31d: {  	v10 =	vnsel @!p0 vm1, $0x0, v10;
	v11 =	vmin.u32 @!p0 v11, $0x1FF;
	v14 =	vor.u32 @!p0 v1, v14  }
0x31e: {  	v10 =	vmin.u32 @!p0 v10, $0x1FF;
	v11 =	vshll.u32 @!p0 v11, $0x9;
	v15 =	vor.u32 @!p0 v12, v14  }
0x31f: {  	v16 =	vsub.f32 @!p0 $1.000000000e+00, v9;
	v14 =	vor.u32 @!p0 v10, v14;
	v11 =	vor.u32 @!p0 v1, v11;
	[tilespmem:$0x1040] =	vst @!p0 v15  }
0x320: {  	[tilespmem:$0x10C0] =	vst @!p0 v14;
	v12 =	vor.u32 @!p0 v12, v11  }
0x321: {  	v10 =	vor.u32 @!p0 v10, v11;
	v11 =	vmul.f32 @!p0 v16, v13;
	[tilespmem:$0x1140] =	vst @!p0 v12  }
0x322: {  	[tilespmem:$0x11C0] =	vst @!p0 v10;
	v10 =	vmul.f32 @!p0 v16, v8  }
0x323: {  	v8 =	vmul.f32 @!p0 v9, v8;
	[tilespmem:$0x1440] =	vst @!p0 v11  }
0x324: {  	v11 =	vmul.f32 @!p0 v13, v9;
	[tilespmem:$0x14C0] =	vst @!p0 v10  }
0x325: {  	[tilespmem:$0x15C0] =	vst @!p0 v8  }
0x326: {  	[tilespmem:$0x1540] =	vst @!p0 v11  }
0x327: {  	v8 =	vld @!p0 [tilespmem:s2+$0x50];
	_ =	sdelay $0x1  }
0x328: {  	v9 =	vld @!p0 [tilespmem:s2+$0x850];
	_ =	sdelay $0x2  }
0x329: {  	v8 =	vmul.f32 @!p0 v8, v0;
	_ =	sdelay $0x1  }
0x32a: {  	v9 =	vmul.f32 @!p0 v9, v0;
	v8 =	vadd.f32 @!p0 v8, v8;
	_ =	sdelay $0x1  }
0x32b: {  	v9 =	vadd.f32 @!p0 v9, v9;
	v8 =	vadd.f32 @!p0 $-1.000000000e+00, v8;
	_ =	sdelay $0x1  }
0x32c: {  	v9 =	vadd.f32 @!p0 $-1.000000000e+00, v9;
	v8 =	vadd.f32 @!p0 $1.000000000e+00, v8;
	_ =	sdelay $0x1  }
0x32d: {  	v9 =	vadd.f32 @!p0 $1.000000000e+00, v9;
	v8 =	vmul.f32 @!p0 $5.120000000e+02, v8;
	_ =	sdelay $0x1  }
0x32e: {  	v9 =	vmul.f32 @!p0 $5.120000000e+02, v9;
	v8 =	vadd.f32 @!p0 $-1.000000000e+00, v8;
	_ =	sdelay $0x1  }
0x32f: {  	v9 =	vadd.f32 @!p0 $-1.000000000e+00, v9;
	v8 =	vmul.f32 @!p0 v8, v2;
	_ =	sdelay $0x1  }
0x330: {  	v9 =	vmul.f32 @!p0 v9, v2;
	v10 =	vtrunc.f32 @!p0 v8  }
0x331: {  	v10 =	vcvt.f32.s32 @!p0 v10  }
0x332: {  	v11 =	vtrunc.f32 @!p0 v9  }
0x333: {  	v11 =	vcvt.f32.s32 @!p0 v11;
	v12 =	vcvt.s32.f32 @!p0 v10;
	_ =	sdelay $0x1  }
0x334: {  	v13 =	vcvt.s32.f32 @!p0 v11;
	v14 =	vadd.f32 @!p0 $-1.000000000e+00, v12  }
0x335: {  	vm0 =	vlt.f32 @!p0 v8, v12  }
0x336: {  	v15 =	vsel @!p0 vm0, $0xFFFFFFFF, v7;
	v12 =	vsel @!p0 vm0, v14, v12;
	vm0 =	vlt.f32 @!p0 v9, v13  }
0x337: {  	v14 =	vsel @!p0 vm0, $0xFFFFFFFF, v7;
	v8 =	vsub.f32 @!p0 v8, v12;
	v12 =	vadd.f32 @!p0 $-1.000000000e+00, v13  }
0x338: {  	v10 =	vadd.s32 @!p0 v10, v15;
	v11 =	vadd.s32 @!p0 v11, v14  }
0x339: {  	v12 =	vsel @!p0 vm0, v12, v13;
	v13 =	vsub.f32 @!p0 $1.000000000e+00, v8;
	vm0 =	vgt.s32 @!p0 v10, $0x0  }
0x33a: {  	v9 =	vsub.f32 @!p0 v9, v12;
	v12 =	vnsel @!p0 vm0, $0x0, v10;
	vm0 =	vgt.s32 @!p0 v11, $0x0  }
0x33b: {  	v10 =	vadd.s32 @!p0 $0x1, v10;
	v14 =	vnsel @!p0 vm0, $0x0, v11;
	v11 =	vadd.s32 @!p0 $0x1, v11  }
0x33c: {  	v12 =	vmin.u32 @!p0 v12, $0x1FF;
	v14 =	vmin.u32 @!p0 v14, $0x1FF;
	vm0 =	vgt.s32 @!p0 v11, $0x0  }
0x33d: {  	vm1 =	vgt.s32 @!p0 v10, $0x0;
	v11 =	vnsel @!p0 vm0, $0x0, v11;
	v14 =	vshll.u32 @!p0 v14, $0x9  }
0x33e: {  	v10 =	vnsel @!p0 vm1, $0x0, v10;
	v11 =	vmin.u32 @!p0 v11, $0x1FF;
	v14 =	vor.u32 @!p0 v1, v14  }
0x33f: {  	v10 =	vmin.u32 @!p0 v10, $0x1FF;
	v11 =	vshll.u32 @!p0 v11, $0x9;
	v15 =	vor.u32 @!p0 v12, v14  }
0x340: {  	v16 =	vsub.f32 @!p0 $1.000000000e+00, v9;
	v14 =	vor.u32 @!p0 v10, v14;
	v11 =	vor.u32 @!p0 v1, v11;
	[tilespmem:$0x1050] =	vst @!p0 v15  }
0x341: {  	[tilespmem:$0x10D0] =	vst @!p0 v14;
	v12 =	vor.u32 @!p0 v12, v11  }
0x342: {  	v10 =	vor.u32 @!p0 v10, v11;
	v11 =	vmul.f32 @!p0 v16, v13;
	[tilespmem:$0x1150] =	vst @!p0 v12  }
0x343: {  	[tilespmem:$0x11D0] =	vst @!p0 v10;
	v10 =	vmul.f32 @!p0 v16, v8  }
0x344: {  	v8 =	vmul.f32 @!p0 v9, v8;
	[tilespmem:$0x1450] =	vst @!p0 v11  }
0x345: {  	v11 =	vmul.f32 @!p0 v13, v9;
	[tilespmem:$0x14D0] =	vst @!p0 v10  }
0x346: {  	[tilespmem:$0x15D0] =	vst @!p0 v8  }
0x347: {  	[tilespmem:$0x1550] =	vst @!p0 v11  }
0x348: {  	v8 =	vld @!p0 [tilespmem:s2+$0x60];
	_ =	sdelay $0x1  }
0x349: {  	v9 =	vld @!p0 [tilespmem:s2+$0x860];
	_ =	sdelay $0x2  }
0x34a: {  	v8 =	vmul.f32 @!p0 v8, v0;
	_ =	sdelay $0x1  }
0x34b: {  	v9 =	vmul.f32 @!p0 v9, v0;
	v8 =	vadd.f32 @!p0 v8, v8;
	_ =	sdelay $0x1  }
0x34c: {  	v9 =	vadd.f32 @!p0 v9, v9;
	v8 =	vadd.f32 @!p0 $-1.000000000e+00, v8;
	_ =	sdelay $0x1  }
0x34d: {  	v9 =	vadd.f32 @!p0 $-1.000000000e+00, v9;
	v8 =	vadd.f32 @!p0 $1.000000000e+00, v8;
	_ =	sdelay $0x1  }
0x34e: {  	v9 =	vadd.f32 @!p0 $1.000000000e+00, v9;
	v8 =	vmul.f32 @!p0 $5.120000000e+02, v8;
	_ =	sdelay $0x1  }
0x34f: {  	v9 =	vmul.f32 @!p0 $5.120000000e+02, v9;
	v8 =	vadd.f32 @!p0 $-1.000000000e+00, v8;
	_ =	sdelay $0x1  }
0x350: {  	v9 =	vadd.f32 @!p0 $-1.000000000e+00, v9;
	v8 =	vmul.f32 @!p0 v8, v2;
	_ =	sdelay $0x1  }
0x351: {  	v9 =	vmul.f32 @!p0 v9, v2;
	v10 =	vtrunc.f32 @!p0 v8  }
0x352: {  	v10 =	vcvt.f32.s32 @!p0 v10  }
0x353: {  	v11 =	vtrunc.f32 @!p0 v9  }
0x354: {  	v11 =	vcvt.f32.s32 @!p0 v11;
	v12 =	vcvt.s32.f32 @!p0 v10;
	_ =	sdelay $0x1  }
0x355: {  	v13 =	vcvt.s32.f32 @!p0 v11;
	v14 =	vadd.f32 @!p0 $-1.000000000e+00, v12  }
0x356: {  	vm0 =	vlt.f32 @!p0 v8, v12  }
0x357: {  	v15 =	vsel @!p0 vm0, $0xFFFFFFFF, v7;
	v12 =	vsel @!p0 vm0, v14, v12;
	vm0 =	vlt.f32 @!p0 v9, v13  }
0x358: {  	v14 =	vsel @!p0 vm0, $0xFFFFFFFF, v7;
	v8 =	vsub.f32 @!p0 v8, v12;
	v12 =	vadd.f32 @!p0 $-1.000000000e+00, v13  }
0x359: {  	v10 =	vadd.s32 @!p0 v10, v15;
	v11 =	vadd.s32 @!p0 v11, v14  }
0x35a: {  	v12 =	vsel @!p0 vm0, v12, v13;
	v13 =	vsub.f32 @!p0 $1.000000000e+00, v8;
	vm0 =	vgt.s32 @!p0 v10, $0x0  }
0x35b: {  	v9 =	vsub.f32 @!p0 v9, v12;
	v12 =	vnsel @!p0 vm0, $0x0, v10;
	vm0 =	vgt.s32 @!p0 v11, $0x0  }
0x35c: {  	v10 =	vadd.s32 @!p0 $0x1, v10;
	v14 =	vnsel @!p0 vm0, $0x0, v11;
	v11 =	vadd.s32 @!p0 $0x1, v11  }
0x35d: {  	v12 =	vmin.u32 @!p0 v12, $0x1FF;
	v14 =	vmin.u32 @!p0 v14, $0x1FF;
	vm0 =	vgt.s32 @!p0 v11, $0x0  }
0x35e: {  	vm1 =	vgt.s32 @!p0 v10, $0x0;
	v11 =	vnsel @!p0 vm0, $0x0, v11;
	v14 =	vshll.u32 @!p0 v14, $0x9  }
0x35f: {  	v10 =	vnsel @!p0 vm1, $0x0, v10;
	v11 =	vmin.u32 @!p0 v11, $0x1FF;
	v14 =	vor.u32 @!p0 v1, v14  }
0x360: {  	v10 =	vmin.u32 @!p0 v10, $0x1FF;
	v11 =	vshll.u32 @!p0 v11, $0x9;
	v15 =	vor.u32 @!p0 v12, v14  }
0x361: {  	v16 =	vsub.f32 @!p0 $1.000000000e+00, v9;
	v14 =	vor.u32 @!p0 v10, v14;
	v11 =	vor.u32 @!p0 v1, v11;
	[tilespmem:$0x1060] =	vst @!p0 v15  }
0x362: {  	[tilespmem:$0x10E0] =	vst @!p0 v14;
	v12 =	vor.u32 @!p0 v12, v11  }
0x363: {  	v10 =	vor.u32 @!p0 v10, v11;
	v11 =	vmul.f32 @!p0 v16, v13;
	[tilespmem:$0x1160] =	vst @!p0 v12  }
0x364: {  	[tilespmem:$0x11E0] =	vst @!p0 v10;
	v10 =	vmul.f32 @!p0 v16, v8  }
0x365: {  	v8 =	vmul.f32 @!p0 v9, v8;
	[tilespmem:$0x1460] =	vst @!p0 v11  }
0x366: {  	v11 =	vmul.f32 @!p0 v13, v9;
	[tilespmem:$0x14E0] =	vst @!p0 v10  }
0x367: {  	[tilespmem:$0x15E0] =	vst @!p0 v8  }
0x368: {  	[tilespmem:$0x1560] =	vst @!p0 v11  }
0x369: {  	v8 =	vld @!p0 [tilespmem:s2+$0x70];
	_ =	sdelay $0x1  }
0x36a: {  	v9 =	vld @!p0 [tilespmem:s2+$0x870];
	_ =	sdelay $0x2  }
0x36b: {  	v8 =	vmul.f32 @!p0 v8, v0;
	_ =	sdelay $0x1  }
0x36c: {  	v9 =	vmul.f32 @!p0 v9, v0;
	v8 =	vadd.f32 @!p0 v8, v8;
	_ =	sdelay $0x1  }
0x36d: {  	v9 =	vadd.f32 @!p0 v9, v9;
	v8 =	vadd.f32 @!p0 $-1.000000000e+00, v8;
	_ =	sdelay $0x1  }
0x36e: {  	v9 =	vadd.f32 @!p0 $-1.000000000e+00, v9;
	v8 =	vadd.f32 @!p0 $1.000000000e+00, v8;
	_ =	sdelay $0x1  }
0x36f: {  	v9 =	vadd.f32 @!p0 $1.000000000e+00, v9;
	v8 =	vmul.f32 @!p0 $5.120000000e+02, v8;
	_ =	sdelay $0x1  }
0x370: {  	v9 =	vmul.f32 @!p0 $5.120000000e+02, v9;
	v8 =	vadd.f32 @!p0 $-1.000000000e+00, v8;
	_ =	sdelay $0x1  }
0x371: {  	v9 =	vadd.f32 @!p0 $-1.000000000e+00, v9;
	v8 =	vmul.f32 @!p0 v8, v2;
	_ =	sdelay $0x1  }
0x372: {  	v9 =	vmul.f32 @!p0 v9, v2;
	v10 =	vtrunc.f32 @!p0 v8  }
0x373: {  	v10 =	vcvt.f32.s32 @!p0 v10  }
0x374: {  	v11 =	vtrunc.f32 @!p0 v9  }
0x375: {  	v11 =	vcvt.f32.s32 @!p0 v11;
	v12 =	vcvt.s32.f32 @!p0 v10;
	_ =	sdelay $0x1  }
0x376: {  	v13 =	vcvt.s32.f32 @!p0 v11;
	v14 =	vadd.f32 @!p0 $-1.000000000e+00, v12  }
0x377: {  	vm0 =	vlt.f32 @!p0 v8, v12  }
0x378: {  	v15 =	vsel @!p0 vm0, $0xFFFFFFFF, v7;
	v12 =	vsel @!p0 vm0, v14, v12;
	vm0 =	vlt.f32 @!p0 v9, v13  }
0x379: {  	v14 =	vadd.f32 @!p0 $-1.000000000e+00, v13;
	v7 =	vsel @!p0 vm0, $0xFFFFFFFF, v7;
	v8 =	vsub.f32 @!p0 v8, v12  }
0x37a: {  	v10 =	vadd.s32 @!p0 v10, v15;
	v7 =	vadd.s32 @!p0 v11, v7  }
0x37b: {  	v11 =	vsel @!p0 vm0, v14, v13;
	vm0 =	vgt.s32 @!p0 v10, $0x0;
	v12 =	vsub.f32 @!p0 $1.000000000e+00, v8  }
0x37c: {  	v9 =	vsub.f32 @!p0 v9, v11;
	v11 =	vnsel @!p0 vm0, $0x0, v10;
	vm0 =	vgt.s32 @!p0 v7, $0x0  }
0x37d: {  	v10 =	vadd.s32 @!p0 $0x1, v10;
	v13 =	vnsel @!p0 vm0, $0x0, v7;
	v7 =	vadd.s32 @!p0 $0x1, v7  }
0x37e: {  	v11 =	vmin.u32 @!p0 v11, $0x1FF;
	v13 =	vmin.u32 @!p0 v13, $0x1FF;
	vm0 =	vgt.s32 @!p0 v7, $0x0  }
0x37f: {  	vm1 =	vgt.s32 @!p0 v10, $0x0;
	v7 =	vnsel @!p0 vm0, $0x0, v7;
	v13 =	vshll.u32 @!p0 v13, $0x9  }
0x380: {  	v10 =	vnsel @!p0 vm1, $0x0, v10;
	v7 =	vmin.u32 @!p0 v7, $0x1FF;
	v13 =	vor.u32 @!p0 v1, v13  }
0x381: {  	v10 =	vmin.u32 @!p0 v10, $0x1FF;
	v7 =	vshll.u32 @!p0 v7, $0x9;
	v14 =	vor.u32 @!p0 v11, v13  }
0x382: {  	v15 =	vsub.f32 @!p0 $1.000000000e+00, v9;
	v13 =	vor.u32 @!p0 v10, v13;
	v7 =	vor.u32 @!p0 v1, v7;
	[tilespmem:$0x1070] =	vst @!p0 v14  }
0x383: {  	[tilespmem:$0x10F0] =	vst @!p0 v13;
	v11 =	vor.u32 @!p0 v11, v7  }
0x384: {  	v7 =	vor.u32 @!p0 v10, v7;
	v10 =	vmul.f32 @!p0 v15, v12;
	[tilespmem:$0x1170] =	vst @!p0 v11  }
0x385: {  	[tilespmem:$0x11F0] =	vst @!p0 v7;
	v7 =	vmul.f32 @!p0 v15, v8  }
0x386: {  	[tilespmem:$0x1470] =	vst @!p0 v10;
	v10 =	vmul.f32 @!p0 v12, v9  }
0x387: {  	[tilespmem:$0x14F0] =	vst @!p0 v7;
	v7 =	vmul.f32 @!p0 v9, v8  }
0x388: {  	[tilespmem:$0x1570] =	vst @!p0 v10  }
0x389: {  	s4 =	simm.s32 @!p0 $0x1000;
	s5 =	simm.s32 @!p0 $0x1800;
	s2 =	simm.s32 @!p0 $0x80;
	[tilespmem:$0x15F0] =	vst @!p0 v7  }
0x38a: {  	[tilespmem:s5], [sflag:$0x1] =	stream.indirect.gather @!p0 [hbm4b:s1+s2], $0x60, s4, s2, $0xb8;
	[tilespmem:$0x1F800] =	vst v63  }
0x38b: {  	s4 =	simm.s32 @!p0 $0x1080;
	s5 =	simm.s32 @!p0 $0x4800  }
0x38c: {  	[tilespmem:s5], [sflag:$0x1] =	stream.indirect.gather @!p0 [hbm4b:s1+s2], $0x60, s4, s2, $0xb8;
	[tilespmem:$0x1F800] =	vst v63  }
0x38d: {  	s4 =	simm.s32 @!p0 $0x1100;
	s5 =	simm.s32 @!p0 $0x7800  }
0x38e: {  	[tilespmem:s5], [sflag:$0x1] =	stream.indirect.gather @!p0 [hbm4b:s1+s2], $0x60, s4, s2, $0xb8;
	[tilespmem:$0x1F800] =	vst v63  }
0x38f: {  	p1 =	seq.s32 @!p0 s8, $0x0;
	s4 =	simm.s32 @!p0 $0x1180;
	s5 =	simm.s32 @!p0 $0xA800  }
0x390: {  	[tilespmem:s5], [sflag:$0x1] =	stream.indirect.gather @!p0 [hbm4b:s1+s2], $0x60, s4, s2, $0xb8;
	[tilespmem:$0x1F800] =	vst v63  }
0x391: {  	p0 =	por p0, !p1  }
0x392: {  	s2 =	simm.s32 @p0 $0x4  }
0x393: {  	_ =	swait.ge @p0 [sflag:s2], $0x3000  }
0x394: {  	[sflag:s2] =	ssyncset.done @p0 $0x0  }
0x395: {  	s11 =	simm.s32 $0x0;
	[sflag:s2] =	ssyncadd.s32 @p0 $0xFFFFD000;
	s2 =	simm.s32 $0x0  }
.LBB2_7:
0x396: {  	s4 =	simm.s32 $0x7;
	s5 =	sshll.u32 s11, $0x4;
	v33 =	vadd.s32 s2, v4  }
0x397: {  	s19 =	simm.s32 $0x5;
	s7 =	simm.s32 $0x1;
	v7 =	vadd.s32 s4, v4;
	v12 =	vor.u32 s5, v4;
	v8 =	vadd.s32 s4, v6  }
0x398: {  	s21 =	simm.s32 $0x4;
	s24 =	simm.s32 $0x2;
	v9 =	vadd.s32 s19, v4;
	v10 =	vadd.s32 s19, v6;
	v15 =	vadd.s32 s7, v4  }
0x399: {  	s26 =	simm.s32 $0x3;
	v18 =	vadd.s32 s7, v6;
	v20 =	vadd.s32 s21, v4;
	v24 =	vadd.s32 s24, v4  }
0x39a: {  	v26 =	vadd.s32 s26, v6;
	v27 =	vadd.s32 s26, v4;
	vm0 =	vgt.u32 v7, $0x5F  }
0x39b: {  	v31 =	vadd.s32 s24, v6;
	v11 =	vmul.u32 $0x60, v12;
	v13 =	vsel vm0, v8, v7  }
0x39c: {  	vm14 =	vgt.u32 v33, $0x5F;
	vm10 =	vgt.u32 v9, $0x5F;
	v7 =	vand.u32 $0xFFFFFFF8, v13  }
0x39d: {  	vm11 =	vgt.u32 v15, $0x5F;
	v8 =	vand.u32 $0x7, v13;
	v7 =	vadd.s32 v11, v7  }
0x39e: {  	vm12 =	vgt.u32 v20, $0x5F;
	vm13 =	vgt.u32 v27, $0x5F;
	v14 =	vor.u32 v8, v7  }
0x39f: {  	vm1 =	vgt.u32 v24, $0x5F;
	v19 =	vsel vm10, v10, v9;
	v9 =	vld [tilespmem:s5+$0x1680];
	v15 =	vsel vm11, v18, v15  }
0x3a0: {  	v10 =	vld [tilespmem:s5+$0x1700];
	v31 =	vsel vm1, v31, v24;
	v24 =	vadd.s32 s2, v6;
	v21 =	vand.u32 $0xFFFFFFF8, v15  }
0x3a1: {  	v22 =	vand.u32 $0x7, v15;
	v21 =	vadd.s32 v11, v21;
	v8 =	vld [tilespmem:s5+$0x1600];
	v7 =	vand.u32 $0xFFFFFFF8, v19  }
0x3a2: {  	v26 =	vsel vm13, v26, v27;
	v21 =	vor.u32 v22, v21;
	v17 =	vadd.s32 v11, v7;
	v7 =	vld [tilespmem:s5+$0x1780]  }
0x3a3: {  	v16 =	vand.u32 $0x7, v19;
	v35 =	vand.u32 $0xFFFFFFF8, v31;
	v27 =	vsel vm14, v24, v33;
	v18 =	vld.idx.msk [tilespmem:v14+s25+$0x0], $0xffff  }
0x3a4: {  	v60 =	vand.u32 $0x7, v31;
	v16 =	vor.u32 v16, v17;
	v17 =	vadd.s32 s21, v6;
	v23 =	vld.idx.msk [tilespmem:v14+s0+$0x0], $0xffff  }
0x3a5: {  	v24 =	vadd.s32 v11, v35;
	v59 =	vand.u32 $0xFFFFFFF8, v27;
	v17 =	vsel vm12, v17, v20;
	v20 =	vld.idx.msk [tilespmem:v14+s30+$0x0], $0xffff  }
0x3a6: {  	v37 =	vand.u32 $0x7, v27;
	v35 =	vadd.s32 v11, v59;
	v24 =	vor.u32 v60, v24;
	v14 =	vld.idx.msk [tilespmem:v14+s28+$0x0], $0xffff  }
0x3a7: {  	v37 =	vor.u32 v37, v35;
	v34 =	vld.idx.msk [tilespmem:v21+s0+$0x0], $0xffff  }
0x3a8: {  	v58 =	vld.idx.msk [tilespmem:v21+s30+$0x0], $0xffff  }
0x3a9: {  	v22 =	vand.u32 $0xFFFFFFF8, v17;
	v42 =	vld.idx.msk [tilespmem:v21+s25+$0x0], $0xffff  }
0x3aa: {  	v25 =	vand.u32 $0x7, v17;
	v22 =	vadd.s32 v11, v22;
	v44 =	vld.idx.msk [tilespmem:v21+s28+$0x0], $0xffff  }
0x3ab: {  	v62 =	vld.idx.msk [tilespmem:v24+s0+$0x0], $0xffff;
	v22 =	vor.u32 v25, v22  }
0x3ac: {  	s31 =	simm.s32 $0x6;
	v45 =	vld.idx.msk [tilespmem:v37+s25+$0x0], $0xffff  }
0x3ad: {  	v29 =	vadd.s32 s31, v6;
	v12 =	vand.u32 v5, v12;
	v28 =	vld.idx.msk [tilespmem:v16+s0+$0x0], $0xffff  }
0x3ae: {  	v39 =	vand.u32 $0xFFFFFFF8, v26;
	v40 =	vand.u32 $0x7, v26;
	v61 =	vshll.u32 v13, $0x7;
	v30 =	vld.idx.msk [tilespmem:v16+s30+$0x0], $0xffff  }
0x3af: {  	v48 =	vshll.u32 v31, $0x7;
	v32 =	vld.idx.msk [tilespmem:v16+s28+$0x0], $0xffff;
	v18 =	vmul.f32 v18, v8;
	v14 =	vmul.f32 v14, v9  }
0x3b0: {  	v15 =	vshll.u32 v15, $0x7;
	v39 =	vadd.s32 v11, v39;
	v25 =	vadd.s32 s31, v4;
	v36 =	vld.idx.msk [tilespmem:v22+s0+$0x0], $0xffff  }
0x3b1: {  	vm15 =	vgt.u32 v25, $0x5F;
	v20 =	vmul.f32 v20, v10;
	v38 =	vld.idx.msk [tilespmem:v22+s28+$0x0], $0xffff;
	v14 =	vadd.f32 v14, v18  }
0x3b2: {  	v27 =	vshll.u32 v27, $0x7;
	v15 =	vor.u32 v12, v15;
	v13 =	vsel vm15, v29, v25;
	v43 =	vld.idx.msk [tilespmem:v22+s30+$0x0], $0xffff  }
0x3b3: {  	v41 =	vld.idx.msk [tilespmem:v22+s25+$0x0], $0xffff;
	v22 =	vor.u32 v40, v39;
	v14 =	vadd.f32 v20, v14;
	v20 =	vand.u32 $0xFFFFFFF8, v13  }
0x3b4: {  	v16 =	vld.idx.msk [tilespmem:v16+s25+$0x0], $0xffff;
	v25 =	vshll.u32 v17, $0x7;
	v21 =	vand.u32 $0x7, v13;
	v20 =	vadd.s32 v11, v20  }
0x3b5: {  	v47 =	vld.idx.msk [tilespmem:v37+s0+$0x0], $0xffff;
	v17 =	vmul.f32 v34, v7;
	v46 =	vmul.f32 v30, v10;
	v30 =	vor.u32 v21, v20  }
0x3b6: {  	v25 =	vor.u32 v12, v25;
	v34 =	vld.idx.msk [tilespmem:v24+s30+$0x0], $0xffff;
	v33 =	vmul.f32 v42, v8;
	v18 =	vmul.f32 v23, v7  }
0x3b7: {  	v42 =	vld.idx.msk [tilespmem:v24+s28+$0x0], $0xffff;
	v23 =	vmul.f32 v32, v9;
	v35 =	vmul.f32 v28, v7;
	v32 =	vor.u32 v12, v61  }
0x3b8: {  	v29 =	vadd.f32 v18, v14;
	v21 =	vmul.f32 v36, v7;
	v28 =	vld.idx.msk [tilespmem:v22+s28+$0x0], $0xffff;
	v31 =	vmul.f32 v38, v9  }
0x3b9: {  	v39 =	vld.idx.msk [tilespmem:v37+s28+$0x0], $0xffff;
	v18 =	vshll.u32 v26, $0x7;
	v20 =	vmul.f32 v58, v10;
	v26 =	vmul.f32 v16, v8  }
0x3ba: {  	v14 =	vshll.u32 v13, $0x7;
	v63 =	vmul.f32 v41, v8;
	v51 =	vmul.f32 v43, v10;
	v49 =	vld.idx.msk [tilespmem:v30+s0+$0x0], $0xffff  }
0x3bb: {  	v13 =	vld.idx.msk [tilespmem:v22+s0+$0x0], $0xffff;
	v36 =	vmul.f32 v45, v8;
	v16 =	vor.u32 v12, v14;
	v14 =	vor.u32 v12, v27  }
0x3bc: {  	v27 =	vmul.f32 v62, v7;
	v23 =	vadd.f32 v23, v26;
	v50 =	vadd.f32 v31, v63;
	v40 =	vld.idx.msk [tilespmem:v30+s25+$0x0], $0xffff  }
0x3bd: {  	v31 =	vmul.f32 v44, v9;
	v26 =	vmul.f32 v28, v9;
	v28 =	vshll.u32 v19, $0x7;
	v41 =	vld.idx.msk [tilespmem:v30+s28+$0x0], $0xffff  }
0x3be: {  	v44 =	vadd.f32 v46, v23;
	v38 =	vld.idx.msk [tilespmem:v30+s30+$0x0], $0xffff;
	v19 =	vmul.f32 v47, v7;
	v43 =	vor.u32 v12, v28  }
0x3bf: {  	s12 =	simm.s32 $0x8;
	v30 =	vld.idx.msk [tilespmem:v37+s30+$0x0], $0xffff;
	v37 =	vadd.f32 v51, v50;
	v28 =	vor.u32 v12, v48;
	v23 =	vmul.f32 v49, v7  }
.LBB2_8:
0x3c0: {  	s5 =	sadd.s32 $0x1, s12  }
0x3c1: {  	s7 =	sadd.s32 $0x2, s12;
	s13 =	sadd.s32 $0x3, s12;
	v45 =	vmul.f32 v34, v10;
	v34 =	vadd.f32 v35, v44;
	v35 =	vmul.f32 v40, v8;
	s4 =	smov.u32 s12  }
0x3c2: {  	s19 =	sadd.s32 $0x4, s12;
	s21 =	sadd.s32 $0x5, s12;
	s24 =	sadd.s32 $0x6, s12;
	v41 =	vmul.f32 v41, v9;
	v40 =	vadd.s32 s5, v4;
	v44 =	vadd.s32 s7, v4;
	[tilespmem:v32+s17+$0x0] =	vst.idx.msk $0xffff, v29  }
0x3c3: {  	p0 =	slt.u32 s12, $0x58;
	s12 =	sadd.s32 $0x8, s12;
	v29 =	vadd.s32 s19, v4;
	v46 =	vadd.s32 s21, v4;
	s26 =	sadd.s32 $0x7, s4;
	v38 =	vmul.f32 v38, v10;
	v47 =	vld.idx.msk [tilespmem:v22+s30+$0x0], $0xffff;
	[tilespmem:v43+s17+$0x0] =	vst.idx.msk $0xffff, v34  }
0x3c4: {  	vm0 =	vgt.u32 v29, $0x5F;
	v32 =	vadd.s32 s26, v4;
	v34 =	vmul.f32 v30, v10  }
0x3c5: {  	v30 =	vadd.s32 s26, v6;
	vm1 =	vgt.u32 v32, $0x5F;
	v39 =	vmul.f32 v39, v9  }
0x3c6: {  	v48 =	vadd.s32 s24, v4;
	v43 =	vadd.s32 s13, v6;
	v30 =	vsel vm1, v30, v32  }
0x3c7: {  	v49 =	vadd.s32 s21, v6;
	v50 =	vand.u32 $0xFFFFFFF8, v30;
	v32 =	vshll.u32 v30, $0x7  }
0x3c8: {  	v42 =	vmul.f32 v42, v9;
	v30 =	vand.u32 $0x7, v30;
	v50 =	vadd.s32 v11, v50;
	v24 =	vld.idx.msk [tilespmem:v24+s25+$0x0], $0xffff  }
0x3c9: {  	vm2 =	vgt.u32 v40, $0x5F;
	vm1 =	vgt.u32 v46, $0x5F;
	v50 =	vor.u32 v30, v50  }
0x3ca: {  	v51 =	vadd.s32 s13, v4;
	v30 =	vsel vm1, v49, v46;
	v46 =	vmul.f32 v47, v10  }
0x3cb: {  	vm1 =	vgt.u32 v51, $0x5F;
	v49 =	vadd.s32 s24, v6;
	v47 =	vand.u32 $0xFFFFFFF8, v30  }
0x3cc: {  	v52 =	vadd.s32 s19, v6;
	v53 =	vand.u32 $0x7, v30;
	v47 =	vadd.s32 v11, v47;
	v22 =	vld.idx.msk [tilespmem:v22+s25+$0x0], $0xffff  }
0x3cd: {  	v54 =	vadd.s32 s5, v6;
	v55 =	vadd.s32 s7, v6;
	v47 =	vor.u32 v53, v47  }
0x3ce: {  	v40 =	vsel vm2, v54, v40;
	vm2 =	vgt.u32 v44, $0x5F;
	v24 =	vmul.f32 v24, v8;
	v53 =	vld.idx.msk [tilespmem:v50+s25+$0x0], $0xffff  }
0x3cf: {  	v21 =	vadd.f32 v21, v37;
	v54 =	vand.u32 $0xFFFFFFF8, v40;
	v44 =	vsel vm2, v55, v44;
	v55 =	vld.idx.msk [tilespmem:v50+s0+$0x0], $0xffff  }
0x3d0: {  	v37 =	vand.u32 $0x7, v40;
	v54 =	vadd.s32 v11, v54;
	v36 =	vadd.f32 v39, v36;
	v56 =	vld.idx.msk [tilespmem:v50+s30+$0x0], $0xffff  }
0x3d1: {  	v39 =	vand.u32 $0xFFFFFFF8, v44;
	v37 =	vor.u32 v37, v54;
	v24 =	vadd.f32 v42, v24;
	[tilespmem:v25+s17+$0x0] =	vst.idx.msk $0xffff, v21  }
0x3d2: {  	v25 =	vsel vm1, v43, v51;
	vm1 =	vgt.u32 v48, $0x5F;
	v22 =	vmul.f32 v22, v8;
	v21 =	vld.idx.msk [tilespmem:v50+s28+$0x0], $0xffff  }
0x3d3: {  	v39 =	vadd.s32 v11, v39;
	v42 =	vsel vm0, v52, v29;
	v24 =	vadd.f32 v45, v24;
	v43 =	vld.idx.msk [tilespmem:v47+s0+$0x0], $0xffff  }
0x3d4: {  	v29 =	vand.u32 $0xFFFFFFF8, v42;
	v50 =	vmul.f32 v53, v8;
	v22 =	vadd.f32 v26, v22;
	v45 =	vld.idx.msk [tilespmem:v47+s30+$0x0], $0xffff  }
0x3d5: {  	v29 =	vadd.s32 v11, v29;
	v26 =	vand.u32 $0x7, v42;
	v24 =	vadd.f32 v27, v24;
	v51 =	vld.idx.msk [tilespmem:v47+s28+$0x0], $0xffff  }
0x3d6: {  	v52 =	vand.u32 $0x7, v44;
	v26 =	vor.u32 v26, v29;
	v29 =	vadd.f32 v31, v33;
	v27 =	vld.idx.msk [tilespmem:v37+s0+$0x0], $0xffff  }
0x3d7: {  	v33 =	vor.u32 v12, v18;
	v18 =	vadd.f32 v41, v35;
	v31 =	vmul.f32 v56, v10  }
0x3d8: {  	v35 =	vadd.s32 s4, v4;
	v20 =	vadd.f32 v20, v29;
	v21 =	vmul.f32 v21, v9;
	[tilespmem:v28+s17+$0x0] =	vst.idx.msk $0xffff, v24  }
0x3d9: {  	vm0 =	vgt.u32 v35, $0x5F;
	v18 =	vadd.f32 v38, v18;
	v24 =	vadd.s32 s4, v6  }
0x3da: {  	v28 =	vsel vm0, v24, v35;
	v24 =	vand.u32 $0xFFFFFFF8, v25;
	v21 =	vadd.f32 v21, v50;
	v38 =	vld.idx.msk [tilespmem:v37+s30+$0x0], $0xffff  }
0x3db: {  	v50 =	vmul.f32 v55, v7;
	v29 =	vand.u32 $0xFFFFFFF8, v28;
	v35 =	vand.u32 $0x7, v28;
	v41 =	vld.idx.msk [tilespmem:v26+s0+$0x0], $0xffff  }
0x3dc: {  	v17 =	vadd.f32 v17, v20;
	v29 =	vadd.s32 v11, v29;
	v21 =	vadd.f32 v31, v21;
	v53 =	vld.idx.msk [tilespmem:v26+s28+$0x0], $0xffff  }
0x3dd: {  	v20 =	vsel vm1, v49, v48;
	v18 =	vadd.f32 v23, v18;
	v54 =	vor.u32 v35, v29;
	v55 =	vld.idx.msk [tilespmem:v37+s25+$0x0], $0xffff  }
0x3de: {  	v46 =	vadd.f32 v46, v22;
	v31 =	vmul.f32 v51, v9;
	v29 =	vadd.f32 v50, v21;
	v23 =	vld.idx.msk [tilespmem:v26+s30+$0x0], $0xffff  }
0x3df: {  	v22 =	vadd.s32 v11, v24;
	v24 =	vand.u32 $0xFFFFFFF8, v20;
	v21 =	vand.u32 $0x7, v25;
	v26 =	vld.idx.msk [tilespmem:v26+s25+$0x0], $0xffff;
	[tilespmem:v16+s17+$0x0] =	vst.idx.msk $0xffff, v18  }
0x3e0: {  	v45 =	vmul.f32 v45, v10;
	v22 =	vor.u32 v21, v22;
	v16 =	vadd.s32 v11, v24;
	v37 =	vld.idx.msk [tilespmem:v37+s28+$0x0], $0xffff  }
0x3e1: {  	v24 =	vor.u32 v52, v39;
	v21 =	vmul.f32 v41, v7;
	v41 =	vand.u32 $0x7, v20;
	v39 =	vld.idx.msk [tilespmem:v47+s25+$0x0], $0xffff  }
0x3e2: {  	v34 =	vadd.f32 v34, v36;
	v44 =	vshll.u32 v44, $0x7;
	v35 =	vmul.f32 v43, v7;
	[tilespmem:v15+s17+$0x0] =	vst.idx.msk $0xffff, v17  }
0x3e3: {  	v13 =	vmul.f32 v13, v7;
	v18 =	vshll.u32 v25, $0x7;
	v43 =	vmul.f32 v53, v9;
	v36 =	vld.idx.msk [tilespmem:v54+s25+$0x0], $0xffff  }
0x3e4: {  	v48 =	vor.u32 v41, v16;
	v16 =	vadd.f32 v19, v34;
	v15 =	vshll.u32 v20, $0x7;
	v47 =	vld.idx.msk [tilespmem:v54+s0+$0x0], $0xffff  }
0x3e5: {  	v25 =	vadd.f32 v13, v46;
	v19 =	vshll.u32 v40, $0x7;
	v20 =	vmul.f32 v38, v10;
	v38 =	vld.idx.msk [tilespmem:v22+s28+$0x0], $0xffff  }
0x3e6: {  	v32 =	vor.u32 v12, v32;
	v40 =	vshll.u32 v42, $0x7;
	v46 =	vld.idx.msk [tilespmem:v24+s0+$0x0], $0xffff;
	[tilespmem:v14+s17+$0x0] =	vst.idx.msk $0xffff, v16  }
0x3e7: {  	v17 =	vmul.f32 v27, v7;
	v13 =	vld.idx.msk [tilespmem:v22+s0+$0x0], $0xffff;
	[tilespmem:v33+s17+$0x0] =	vst.idx.msk $0xffff, v25  }
0x3e8: {  	v14 =	vmul.f32 v39, v8;
	v25 =	vor.u32 v12, v40;
	v34 =	vld.idx.msk [tilespmem:v24+s30+$0x0], $0xffff  }
0x3e9: {  	v27 =	vshll.u32 v28, $0x7;
	v16 =	vor.u32 v12, v15;
	v49 =	vld.idx.msk [tilespmem:v48+s0+$0x0], $0xffff  }
0x3ea: {  	v15 =	vor.u32 v12, v19;
	v19 =	vmul.f32 v26, v8;
	v33 =	vadd.f32 v31, v14;
	v40 =	vld.idx.msk [tilespmem:v48+s25+$0x0], $0xffff  }
.Ltmp2:
0x3eb: {  	v28 =	vshll.u32 v30, $0x7;
	v14 =	vor.u32 v12, v27;
	v26 =	vmul.f32 v38, v9;
	v41 =	vld.idx.msk [tilespmem:v48+s28+$0x0], $0xffff;
	(pc) =	sbr.rel @p0 .LBB2_8-.Ltmp2, $4  }
0x3ec: {  	v23 =	vmul.f32 v23, v10;
	v27 =	vmul.f32 v46, v7;
	v46 =	vadd.f32 v43, v19;
	v38 =	vld.idx.msk [tilespmem:v48+s30+$0x0], $0xffff  }
0x3ed: {  	v31 =	vmul.f32 v37, v9;
	v19 =	vmul.f32 v47, v7;
	v43 =	vor.u32 v12, v28;
	v30 =	vld.idx.msk [tilespmem:v54+s30+$0x0], $0xffff  }
0x3ee: {  	v36 =	vmul.f32 v36, v8;
	v28 =	vor.u32 v12, v44;
	v44 =	vadd.f32 v45, v33;
	v39 =	vld.idx.msk [tilespmem:v54+s28+$0x0], $0xffff  }
0x3ef: {  	v33 =	vmul.f32 v55, v8;
	v37 =	vadd.f32 v23, v46;
	v23 =	vmul.f32 v49, v7;
	v42 =	vld.idx.msk [tilespmem:v24+s28+$0x0], $0xffff  }
0x3f0: {  	_ =	sdelay $0x3  }
0x3f1: {  	v11 =	vld.idx.msk [tilespmem:v24+s25+$0x0], $0xffff;
	v53 =	vmul.f32 v34, v10  }
0x3f2: {  	v35 =	vadd.f32 v35, v44;
	v55 =	vld.idx.msk [tilespmem:v22+s25+$0x0], $0xffff;
	v40 =	vmul.f32 v40, v8;
	v41 =	vmul.f32 v41, v9  }
0x3f3: {  	[tilespmem:v32+s17+$0x0] =	vst.idx.msk $0xffff, v29;
	v12 =	vor.u32 v12, v18;
	v7 =	vmul.f32 v13, v7  }
0x3f4: {  	v54 =	vld.idx.msk [tilespmem:v22+s30+$0x0], $0xffff;
	v56 =	vmul.f32 v38, v10;
	v21 =	vadd.f32 v21, v37;
	v60 =	vadd.f32 v31, v33  }
0x3f5: {  	v30 =	vmul.f32 v30, v10;
	v59 =	vadd.f32 v41, v40;
	v57 =	vmul.f32 v39, v9  }
0x3f6: {  	v62 =	vadd.f32 v20, v60;
	v42 =	vmul.f32 v42, v9;
	v11 =	vmul.f32 v11, v8  }
0x3f7: {  	v61 =	vadd.f32 v56, v59;
	v9 =	vadd.f32 v57, v36;
	v8 =	vmul.f32 v55, v8  }
0x3f8: {  	[tilespmem:v43+s17+$0x0] =	vst.idx.msk $0xffff, v35;
	v17 =	vadd.f32 v17, v62;
	v11 =	vadd.f32 v42, v11  }
0x3f9: {  	s11 =	sadd.s32 $0x1, s11;
	v58 =	vmul.f32 v54, v10;
	v8 =	vadd.f32 v26, v8;
	v9 =	vadd.f32 v30, v9  }
0x3fa: {  	p0 =	sne.s32 s11, $0x8;
	[tilespmem:v25+s17+$0x0] =	vst.idx.msk $0xffff, v21;
	v63 =	vadd.f32 v23, v61;
	v11 =	vadd.f32 v53, v11  }
.Ltmp3:
0x3fb: {  	[tilespmem:v15+s17+$0x0] =	vst.idx.msk $0xffff, v17;
	v8 =	vadd.f32 v58, v8;
	v9 =	vadd.f32 v19, v9;
	(pc) =	sbr.rel @p0 .LBB2_7-.Ltmp3, $4  }
0x3fc: {  	[tilespmem:v16+s17+$0x0] =	vst.idx.msk $0xffff, v63;
	v11 =	vadd.f32 v27, v11  }
0x3fd: {  	v7 =	vadd.f32 v7, v8;
	[tilespmem:v14+s17+$0x0] =	vst.idx.msk $0xffff, v9  }
0x3fe: {  	[tilespmem:v28+s17+$0x0] =	vst.idx.msk $0xffff, v11  }
0x3ff: {  	[tilespmem:v12+s17+$0x0] =	vst.idx.msk $0xffff, v7  }
0x400: {  	s8 =	sadd.s32 $0x1, s8  }
0x401: {  	p0 =	sne.s32 s8, $0x40  }
.Ltmp4:
0x402: {  	_ = 	snop;
	(pc) =	sbr.rel @p0 .LBB2_2-.Ltmp4, $4  }
0x403: {  	s2 =	sor.u32 s9, s10  }
0x404: {  	s2 =	sshrl.u32 s2, $0x3  }
0x405: {  	s2 =	sadd.s32 s6, s2  }
0x406: {  	[hbm4b:s2+s14] =	stream.strided.scatter [tilespmem:s17], [sflag:$0x4], $0x3000, s29, s14, $0x38;
	[tilespmem:$0x1F800] =	vst v63  }
0x407: {  	s2 =	simm.s32 $0x3  }
0x408: {  	_ =	swait.ge [sflag:s2], $0x3000  }
0x409: {  	[sflag:s2] =	ssyncset.done $0x0  }
0x40a: {  	s4 =	simm.s32 $0x4;
	[sflag:s2] =	ssyncadd.s32 $0xFFFFD000  }
0x40b: {  	_ =	swait.ge [sflag:s4], $0x3000  }
0x40c: {  	s5 =	rddreg [dreg:$0x9]  }
0x40d: {  	s31 =	rddreg [dreg:$0x8];
	s5 =	sadd.s32 $0x1, s5  }
0x40e: {  	p0 =	sne.s32 s5, s31  }
.Ltmp5:
0x40f: {  	_ = 	snop;
	(pc) =	sbr.rel @p0 .LBB2_1-.Ltmp5, $3  }
0x410: {  	_ =	sdelay $0x1  }
0x411: {  	[sflag:s4] =	ssyncset.done $0x0  }
0x412: {  	[sflag:s4] =	ssyncadd.s32 $0xFFFFD000  }
0x413: {  	_ =	sfence.sel $0x180000  }
0x414: {  	[bflag:$0x0] =	sbarrier.arrive $0xFFFF  }
0x415: {  	_ =	strace $0x9000004A  }
0x416: {  	s0 =	stileid.u32;
	[bflag:$0x2] =	sbarrier.arrive $0xFFFF  }
0x417: {  	p0 =	sne.s32 s0, $0x0;
	s0 =	rddreg [dreg:$0x2]  }
0x418: {  	s0 =	sadd.s32 @!p0 $0x100000, s0  }
0x419: {  	[sflag:s0] =	ssyncadd.tile.s32 @!p0 $0x1;
	_ =	shalt  }
.Lfunc_end2:
_tile_overlayer_lowered:
.L_overlay_start_2:
0x41a: {  	(tag) =	ssettag $0x2  }
0x41b: {  	s0 =	rddreg [dreg:$0x0];
	s2 =	stileid.u32  }
0x41c: {  	s1 =	rddreg [dreg:$0x1];
	p0 =	sne.s32 s2, $0x0  }
0x41d: {  	s3 =	rddreg [dreg:$0x2];
	[bflag:$0x3] =	sbarrier.arrive $0xFFFF;
	s2 =	simm.s32 @!p0 $0x1C05  }
0x41e: {  	[timem:s3], [sflag:s2] =	dma.local @!p0 [hbm:s0], s1  }
0x41f: {  	s0 =	simm.s32 @!p0 $0x5  }
0x420: {  	_ =	swait.ge @!p0 [sflag:s0], s1  }
0x421: {  	s1 =	ssub.s32 @!p0 $0x0, s1;
	[sflag:s0] =	ssyncset.done @!p0 $0x0  }
0x422: {  	[sflag:s0] =	ssyncadd.s32 @!p0 s1  }
0x423: {  	[bflag:$0x3] =	sbarrier.arrive $0xFFFF  }
0x424: {  	_ =	shalt  }

// kernel: sparse-core-data-format-call.cloned.1.call-start
scs
called_computation_lowered:
.L_overlay_start_0:
0x0: {  	s2 =	sld [smem:$0x3FD9]  }
0x1: {  	s3 =	sld [smem:$0x3FFE];
	_ =	sdelay $0x1  }
0x2: {  	s1 =	srdreg.scid  }
0x3: {  	s0 =	sand.u32 $0x1, s1  }
0x4: {  	s18 =	sshll.u32 s0, $0xA;
	s2 =	sadd.s32 s3, s2  }
0x5: {  	s2 =	sadd.s32 s2, s18  }
0x6: {  	[smem:$0x3FC5] =	sst s2  }
0x7: {  	_ = 	snop  }
0x8: {  	s2 =	sld [smem:$0x3FC9];
	(tm) =	ssettm $0x1  }
0x9: {  	s19 =	sld [smem:$0x3FFB];
	_ =	sdelay $0x3  }
0xa: {  	_ =	strace s19  }
0xb: {  	s3 =	sld [smem:$0x3FFC];
	_ =	sdelay $0x3  }
0xc: {  	_ =	strace s3  }
0xd: {  	s3 =	sld [smem:$0x3FFD];
	_ =	sdelay $0x3  }
0xe: {  	_ =	strace s3  }
0xf: {  	_ =	strace $0x8FFFFFFF  }
0x10: {  	s20 =	sld [smem:$0x3FDB];
	_ =	sdelay $0x1  }
0x11: {  	s4 =	simm.s32 $_scs_section_size  }
0x12: {  	s5 =	simm.s32 $_size__tile_overlayer_lowered;
	s6 =	simm.s32 $_tile_overlayer_lowered  }
0x13: {  	s23 =	simm.s32 $0x1BFF;
	s22 =	sshll.u32 s6, $0x1;
	s3 =	sadd.s32 s4, s20  }
0x14: {  	s7 =	simm.s32 $0x0;
	s21 =	sshll.u32 s5, $0x1;
	s5 =	sadd.s32 s22, s3  }
0x15: {  	[timem:s7], [sflag:s23] =	dma.local [hbm:s5], s21  }
0x16: {  	_ =	swait.ge [sflag:s23], s21  }
0x17: {  	s4 =	ssub.s32 $0x0, s21;
	[sflag:s23] =	ssyncset.done $0x0  }
0x18: {  	[sflag:s23] =	ssyncadd.s32 s4;
	_ =	sdelay $0x1  }
0x19: {  	s24 =	simm.s32 $0x1B8B  }
0x1a: {  	_ =	swait.ge [sflag:s24], $0x1  }
0x1b: {  	[sflag:s24] =	ssyncset.done $0x0  }
0x1c: {  	s26 =	simm.s32 $0x1B8E;
	s25 =	sld [smem:$0x3FFE];
	[sflag:s24] =	ssyncadd.s32 $0xFFFFFFFF  }
0x1d: {  	s27 =	simm.s32 $execute0_lowered;
	[smem:$0x3FD2] =	sst s26  }
0x1e: {  	s5 =	sshll.u32 s27, $0x1;
	_ =	strace $0x80000046;
	[dreg:$0x1] =	wrdreg $0xFFFFFFFF  }
0x1f: {  	s28 =	simm.s32 $_size_execute0_lowered;
	s3 =	sadd.s32 s3, s5;
	[dreg:$0x0] =	wrdreg $0x0  }
0x20: {  	s5 =	sshll.u32 s28, $0x1;
	[dreg:$0x2] =	wrdreg s3  }
0x21: {  	[dreg:$0x3] =	wrdreg s5  }
0x22: {  	[dreg:$0x4] =	wrdreg $0xC0  }
0x23: {  	_ =	task [dreg:s7], $0x5FFFF  }
0x24: {  	[dreg:$0x1] =	wrdreg $0xFFFFFFFF  }
0x25: {  	[dreg:$0x0] =	wrdreg $0x60  }
0x26: {  	[dreg:$0x2] =	wrdreg s2  }
0x27: {  	[dreg:$0x3] =	wrdreg s25  }
0x28: {  	[dreg:$0x4] =	wrdreg $0x9  }
0x29: {  	_ =	task.clear_ibuf [dreg:s7], $0x5FFFF;
	_ =	strace $0x90000046  }
0x2a: {  	s29 =	simm.s32 $0x9;
	_ =	strace $0x80000048  }
0x2b: {  	_ =	swait.ge [sflag:s29], $0x1  }
0x2c: {  	[sflag:s29] =	ssyncadd.s32 $0xFFFFFFFF  }
0x2d: {  	_ =	strace $0x90000048  }
0x2e: {  	_ =	sfence  }
0x2f: {  	s30 =	sld [smem:$0x0];
	_ =	sdelay $0x2  }
0x30: {  	s31 =	sshll.u32 s1, $0xD;
	s1 =	sshrl.u32 s1, $0x2  }
0x31: {  	s3 =	sand.u32 $0x4000, s31;
	s1 =	sadd.s32 s1, s30  }
0x32: {  	s0 =	sor.u32 s3, s0;
	s1 =	sshll.u32 s1, $0x11  }
0x33: {  	s0 =	sor.u32 s1, s0  }
0x34: {  	s0 =	sadd.s32 $0x8F2B, s0  }
0x35: {  	[sflag:s0] =	ssyncadd.remote.s32 $0x1  }
0x36: {  	_ =	sfence.sel $0xFFFF  }
0x37: {  	[dreg:$0x0] =	wrdreg $0xFFFFFFFF;
	(pc) =	sbr.abs _section_cstart, $3  }
0x38: {  	[dreg:$0x1] =	wrdreg $0xFFFFFFFF  }
0x39: {  	_ =	task.clear_ibuf [dreg:s7], $0x2FFFF;
	_ =	strace $0x9FFFFFFF  }
0x3a: {  	(tm) =	ssettm $0x7FFFFFFF  }
0x3b: {  	_ =	shalt  }
tec
execute0_lowered:
.L_overlay_start_1:
0x0: {  	(tag) =	ssettag $0x1  }
0x1: {  	s2 =	rddreg [dreg:$0x0]  }
0x2: {  	s4 =	rddreg [dreg:$0x1]  }
0x3: {  	s0 =	rddreg [dreg:$0x2];
	s1 =	stileid.u32  }
0x4: {  	_ =	strace $0x80000047;
	s5 =	srdreg.scid;
	s9 =	simm.s32 $0x2  }
0x5: {  	s18 =	simm.s32 $0x0;
	p0 =	por $0x0, $0x0;
	s16 =	simm.s32 $0x0  }
0x6: {  	s15 =	simm.s32 $0x0;
	s17 =	simm.s32 $0x0;
	s10 =	simm.s32 $0x0  }
0x7: {  	s12 =	simm.s32 $0x0;
	s14 =	simm.s32 $0x0;
	s3 =	sand.u32 $0x1, s1  }
0x8: {  	s4 =	sadd.s32 $0xC00, s4;
	s5 =	sshll.u32 s5, $0x4;
	s6 =	ssub.s32 $0x2, s3  }
.Ltmp0:
0x9: {  	s5 =	sand.u32 $0x10, s5;
	s7 =	sshrl.u32 s6, $0x1;
	(pc) =	sbr.rel .LBB1_1-.Ltmp0, $4  }
0xa: {  	s6 =	sand.u32 $0x1, s6;
	s8 =	sor.u32 s1, s5;
	s5 =	simm.s32 $0x1  }
0xb: {  	s13 =	smov.u32 s3;
	s6 =	sadd.s32 s6, s7;
	[sflag:s5] =	ssyncpa.u1 $0x0  }
0xc: {  	s7 =	sshrl.u32 s8, $0x1;
	s6 =	sshll.u32 s6, $0x7;
	[sflag:s9] =	ssyncpa.u1 $0x0  }
0xd: {  	s9 =	simm.s32 $0x40000;
	s11 =	smov.u32 s7;
	s8 =	sor.u32 $0x1, s6  }
.LBB1_6:
0xe: {  	v5 =	vld [tilespmem:s21+$0xFFFFFFD0];
	[tilespmem:s22+$0x2040 ss:$0x81] =	vst.msk $0xffff, v1  }
0xf: {  	v58 =	vld [tilespmem:s21+$0xFFFFFFE0];
	[tilespmem:s22+$0x2850 ss:$0x81] =	vst.msk $0xffff, v2  }
0x10: {  	s23 =	sshra.s32 s23, $0x2;
	v59 =	vld [tilespmem:s21+$0xFFFFFFF0];
	[tilespmem:s22+$0x3060 ss:$0x81] =	vst.msk $0xffff, v3  }
0x11: {  	v60 =	vld [tilespmem:s21+$0x0];
	[tilespmem:s22+$0x0 ss:$0x81] =	vst.msk $0xffff, v0;
	s20 =	sadd.s32 s23, s20  }
0x12: {  	v61 =	vld [tilespmem:s21+$0x10];
	[tilespmem:s20+$0x3870 ss:$0x81] =	vst.msk $0xffff, v4  }
0x13: {  	s18 =	sshll.u32 s18, $0x7;
	s26 =	sshll.u32 s15, $0x3;
	v62 =	vld [tilespmem:s21+$0x20];
	[tilespmem:s20+$0x810 ss:$0x81] =	vst.msk $0xffff, v5  }
0x14: {  	v63 =	vld [tilespmem:s21+$0xFFFFFFC0];
	s17 =	sshll.u32 s17, $0x16;
	s27 =	sand.u32 $0xFC00, s18;
	s22 =	sand.u32 $0xFC00, s26;
	[tilespmem:s20+$0x1020 ss:$0x81] =	vst.msk $0xffff, v58  }
0x15: {  	s16 =	sshll.u32 s16, $0xD;
	s18 =	sand.u32 $0x380, s18;
	s28 =	sadd.s32 s22, s27;
	[tilespmem:s20+$0x1830 ss:$0x81] =	vst.msk $0xffff, v59  }
0x16: {  	s29 =	sshrl.u32 s15, $0x3;
	s17 =	sadd.s32 s4, s17;
	s18 =	sor.u32 s18, s28;
	[tilespmem:s20+$0x2040 ss:$0x81] =	vst.msk $0xffff, v60  }
0x17: {  	s21 =	sand.u32 $0xF, s29;
	s16 =	sadd.s32 s16, s17;
	s18 =	sshrl.u32 s18, $0x3;
	[tilespmem:s20+$0x2850 ss:$0x81] =	vst.msk $0xffff, v61  }
0x18: {  	s16 =	sadd.s32 s21, s16;
	[tilespmem:s20+$0x3060 ss:$0x81] =	vst.msk $0xffff, v62;
	s30 =	sand.u32 $0x1FF0, s18  }
0x19: {  	s31 =	sand.u32 $0x7, s15;
	[tilespmem:s20+$0x0 ss:$0x81] =	vst.msk $0xffff, v63;
	s16 =	sadd.s32 s30, s16  }
0x1a: {  	[hbm4b:s16+s31] =	stream.linear.scatter [tilespmem:s19], [sflag:$0x2], $0x4000, $0x20;
	[tilespmem:$0x10100] =	vst v63  }
.LBB1_7:
0x1b: {  	s19 =	sadd.s32 $0x80, s10  }
0x1c: {  	s15 =	sadd.s32 $0x10, s11;
	s20 =	smov.u32 s11;
	p2 =	sgt.s32 s19, $0x1FF  }
0x1d: {  	s20 =	smov.u32 @p2 s15  }
0x1e: {  	s21 =	smov.u32 s12;
	s15 =	sadd.s32 $0x80, s12;
	p3 =	sgt.s32 s20, $0x1FF  }
0x1f: {  	s21 =	smov.u32 @p3 s15  }
0x20: {  	s22 =	smov.u32 s13;
	s15 =	sadd.s32 $0x2, s13;
	p4 =	sgt.s32 s21, $0x5F  }
0x21: {  	p1 =	slt.u32 s14, $0x2;
	s22 =	smov.u32 @p4 s15  }
0x22: {  	s18 =	smov.u32 s10;
	s19 =	simm.s32 @p2 $0x0;
	p2 =	sgt.s32 s22, $0x1  }
0x23: {  	s23 =	simm.s32 @!p1 $0x2;
	s22 =	smov.u32 @p2 s3;
	p2 =	sne.s32 s14, s8  }
.Ltmp1:
0x24: {  	s16 =	smov.u32 s11;
	_ =	swait.ge @!p1 [sflag:s23], $0x4000;
	(pc) =	sbr.rel @!p2 .LBB1_8-.Ltmp1, $4  }
0x25: {  	s17 =	smov.u32 s13;
	p0 =	por !p0, !p0;
	[sflag:s23] =	ssyncset.done @!p1 $0x0  }
0x26: {  	s10 =	smov.u32 s19;
	s20 =	smov.u32 @p3 s7;
	[sflag:s23] =	ssyncadd.s32 @!p1 $0xFFFFC000  }
0x27: {  	s11 =	smov.u32 s20;
	s21 =	simm.s32 @p4 $0x0;
	s15 =	smov.u32 s12  }
0x28: {  	s12 =	smov.u32 s21;
	s14 =	sadd.s32 $0x1, s14;
	s13 =	smov.u32 s22  }
.LBB1_1:
0x29: {  	p1 =	sge.u32 s14, s6  }
.Ltmp2:
0x2a: {  	_ = 	snop;
	(pc) =	sbr.rel @p1 .LBB1_3-.Ltmp2, $1  }
0x2b: {  	_ =	sdelay $0x3  }
0x2c: {  	s19 =	sshll.u32 s11, $0x9  }
0x2d: {  	s20 =	sshll.u32 s10, $0x3;
	s31 =	sshll.u32 s11, $0x7;
	p1 =	sgt.s32 s13, $0x1  }
0x2e: {  	s22 =	smov.u32 s13;
	s23 =	sshra.s32 s13, $0x1F;
	s24 =	sshra.s32 s12, $0x1F  }
0x2f: {  	s28 =	sshra.s32 s11, $0x1F;
	s29 =	sand.u32 $0x78, s10;
	s19 =	sand.u32 $0x3F000, s19  }
0x30: {  	s20 =	sand.u32 $0x3FC00, s20;
	s21 =	sand.u32 $0x200, s31;
	s22 =	simm.s32 @!p1 $0x1  }
0x31: {  	s26 =	sand.u32 s23, s13;
	p1 =	sgt.s32 s12, $0xFFFFFFE0;
	s23 =	smov.u32 s12  }
0x32: {  	s27 =	sand.u32 s24, s12;
	s24 =	sand.u32 s28, s11;
	s28 =	sshll.u32 s12, $0xF  }
0x33: {  	s19 =	sadd.s32 s19, s20;
	s23 =	simm.s32 @!p1 $0xFFFFFFE0;
	p1 =	sgt.s32 s11, $0x1FF  }
0x34: {  	s20 =	sand.u32 $0x180, s31;
	s31 =	sshra.s32 s10, $0x1F;
	s19 =	sor.u32 s21, s19  }
0x35: {  	s21 =	sxor.u32 $0xFFFFFFFF, s26;
	s20 =	sor.u32 s29, s20;
	s29 =	sand.u32 $0x7, s10  }
0x36: {  	s21 =	sadd.s32 s21, s22;
	s22 =	ssub.s32 s23, s27;
	s23 =	smov.u32 s11  }
0x37: {  	s27 =	smul.u32 $0x300000, s13;
	s19 =	sshrl.u32 s19, $0x3;
	s20 =	sshrl.u32 s20, $0x3  }
0x38: {  	s25 =	sadd.s32 $0x20, s22;
	s23 =	simm.s32 @!p1 $0x1FF;
	p2 =	sgt.s32 s21, $0x0  }
0x39: {  	s21 =	ssub.s32 $0x1, s21;
	s22 =	ssub.s32 $0x60, s22;
	p1 =	sgt.s32 s25, $0x7F  }
0x3a: {  	s23 =	ssub.s32 s23, s24;
	s21 =	simm.s32 @p2 $0x0;
	s22 =	simm.s32 @p1 $0x0  }
0x3b: {  	p2 =	sgt.s32 s10, $0x180;
	s21 =	smul.u32 s21, s22;
	s22 =	smov.u32 s10  }
0x3c: {  	s24 =	sand.u32 s31, s10;
	s30 =	sadd.s32 $0xFFFFFE01, s23;
	s22 =	simm.s32 @!p2 $0x180  }
0x3d: {  	s23 =	ssub.s32 $0x200, s23;
	p1 =	sgt.s32 s30, $0x0;
	s22 =	ssub.s32 s22, s24  }
0x3e: {  	s19 =	sand.u32 $0x7FC0, s19;
	s23 =	simm.s32 @p1 $0x0;
	s26 =	sadd.s32 $0xFFFFFE80, s22  }
0x3f: {  	s21 =	smul.u32 s23, s21;
	s22 =	ssub.s32 $0x200, s22;
	p1 =	sgt.s32 s26, $0x7F  }
0x40: {  	s25 =	sxor.u32 $0xFFFFFFFF, s14;
	s23 =	sadd.s32 s2, s27;
	s22 =	simm.s32 @p1 $0x0  }
0x41: {  	s30 =	sshll.u32 s29, $0x12;
	s21 =	smul.u32 s22, s21;
	s22 =	sadd.s32 s28, s23  }
0x42: {  	s31 =	sor.u32 $0x80, s30;
	s24 =	sshll.u32 s25, $0xE;
	s20 =	sadd.s32 s20, s22  }
0x43: {  	s24 =	sand.u32 $0x4000, s24;
	s21 =	sand.u32 $0x3FFFFFFF, s21;
	s19 =	sadd.s32 s19, s20  }
0x44: {  	[tilespmem:s24], [sflag:$0x1] =	stream.strided.gather [hbm4b:s19+s31], s21, s9, s31, $0x38;
	[tilespmem:$0x10100] =	vst v63  }
.LBB1_3:
0x45: {  	s19 =	sadd.s32 $0xFFFFFFFF, s14  }
0x46: {  	p1 =	sge.u32 s19, s6  }
.Ltmp3:
0x47: {  	_ = 	snop;
	(pc) =	sbr.rel @p1 .LBB1_7-.Ltmp3, $1  }
0x48: {  	_ =	sdelay $0x3  }
0x49: {  	p1 =	sgt.s32 s17, $0x1;
	s19 =	smov.u32 s17;
	s20 =	sshra.s32 s17, $0x1F  }
0x4a: {  	s21 =	smov.u32 s15;
	s22 =	sshra.s32 s15, $0x1F;
	s26 =	sshra.s32 s16, $0x1F  }
0x4b: {  	s19 =	simm.s32 @!p1 $0x1;
	s20 =	sand.u32 s20, s17;
	p1 =	sgt.s32 s15, $0xFFFFFFE0  }
0x4c: {  	s22 =	sand.u32 s22, s15;
	s20 =	sxor.u32 $0xFFFFFFFF, s20;
	s21 =	simm.s32 @!p1 $0xFFFFFFE0  }
0x4d: {  	s28 =	sshra.s32 s18, $0x1F;
	s19 =	sadd.s32 s20, s19;
	s25 =	ssub.s32 s21, s22  }
0x4e: {  	p1 =	sgt.s32 s19, $0x0;
	s19 =	ssub.s32 $0x1, s19;
	s21 =	sadd.s32 $0x20, s25  }
0x4f: {  	s20 =	ssub.s32 $0x60, s25;
	s19 =	simm.s32 @p1 $0x0;
	p1 =	sgt.s32 s21, $0x7F  }
0x50: {  	s21 =	smov.u32 s16;
	s20 =	simm.s32 @p1 $0x0;
	p1 =	sgt.s32 s16, $0x1FF  }
0x51: {  	s27 =	sand.u32 s26, s16;
	s19 =	smul.u32 s19, s20;
	s21 =	simm.s32 @!p1 $0x1FF  }
0x52: {  	p1 =	sgt.s32 s18, $0x180;
	s20 =	ssub.s32 s21, s27;
	s21 =	smov.u32 s18  }
0x53: {  	s22 =	sand.u32 s28, s18;
	s23 =	sadd.s32 $0xFFFFFE01, s20;
	s21 =	simm.s32 @!p1 $0x180  }
0x54: {  	s20 =	ssub.s32 $0x200, s20;
	p1 =	sgt.s32 s23, $0x0;
	s21 =	ssub.s32 s21, s22  }
0x55: {  	s20 =	simm.s32 @p1 $0x0;
	s22 =	sadd.s32 $0xFFFFFE80, s21  }
0x56: {  	s19 =	smul.u32 s20, s19;
	p1 =	sgt.s32 s22, $0x7F;
	s20 =	ssub.s32 $0x200, s21  }
0x57: {  	s20 =	simm.s32 @p1 $0x0  }
0x58: {  	s19 =	smul.u32 s20, s19;
	_ =	sdelay $0x1  }
0x59: {  	s20 =	simm.s32 $0x1;
	s19 =	sand.u32 $0x3FFFFFFF, s19  }
0x5a: {  	s20 =	simm.s32 @!p0 $0x0;
	_ =	swait.ge [sflag:s5], s19  }
0x5b: {  	s29 =	sshll.u32 s20, $0xE;
	s19 =	ssub.s32 $0x0, s19;
	[sflag:s5] =	ssyncset.done $0x0  }
0x5c: {  	s21 =	sor.u32 $0x40, s29;
	[sflag:s5] =	ssyncadd.s32 s19  }
0x5d: {  	s30 =	smul.u32 $0x10200, s20;
	v0 =	vld [tilespmem:s21+$0x30]  }
0x5e: {  	v3 =	vld [tilespmem:s21+$0xFFFFFFD0]  }
0x5f: {  	s19 =	sshrl.u32 s30, $0x2;
	v4 =	vld [tilespmem:s21+$0xFFFFFFE0]  }
0x60: {  	s20 =	sor.u32 $0x8000, s19;
	v5 =	vld [tilespmem:s21+$0xFFFFFFF0]  }
0x61: {  	s31 =	sand.u32 $0x1, s14;
	v1 =	vld [tilespmem:s21+$0x0];
	s22 =	sadd.s32 $0x0, s20  }
0x62: {  	s19 =	smul.u32 $0x10200, s31;
	v2 =	vld [tilespmem:s21+$0x10];
	[tilespmem:s22+$0x3870 ss:$0x81] =	vst.msk $0xffff, v0  }
0x63: {  	[tilespmem:s22+$0x810 ss:$0x81] =	vst.msk $0xffff, v3;
	v3 =	vld [tilespmem:s21+$0x20]  }
0x64: {  	s19 =	sshrl.u32 s19, $0x2;
	v0 =	vld [tilespmem:s21+$0xFFFFFFC0];
	[tilespmem:s22+$0x1020 ss:$0x81] =	vst.msk $0xffff, v4;
	s21 =	sadd.s32 $0x80, s21  }
0x65: {  	s24 =	simm.s32 $0x8;
	s23 =	simm.s32 $0x4;
	s19 =	sor.u32 $0x8000, s19;
	[tilespmem:s22+$0x1830 ss:$0x81] =	vst.msk $0xffff, v5;
	v4 =	vld [tilespmem:s21+$0x30]  }
.LBB1_5:
0x66: {  	p1 =	sne.s32 s24, $0x1FC;
	v5 =	vld [tilespmem:s21+$0xFFFFFFD0];
	[tilespmem:s22+$0x2040 ss:$0x81] =	vst.msk $0xffff, v1  }
0x67: {  	v6 =	vld [tilespmem:s21+$0xFFFFFFE0];
	[tilespmem:s22+$0x2850 ss:$0x81] =	vst.msk $0xffff, v2  }
0x68: {  	s25 =	sshra.s32 s23, $0x2;
	s23 =	smov.u32 s24;
	v7 =	vld [tilespmem:s21+$0xFFFFFFF0];
	[tilespmem:s22+$0x3060 ss:$0x81] =	vst.msk $0xffff, v3  }
.Ltmp4:
0x69: {  	v1 =	vld [tilespmem:s21+$0x0];
	[tilespmem:s22+$0x0 ss:$0x81] =	vst.msk $0xffff, v0;
	s22 =	sadd.s32 s25, s20;
	(pc) =	sbr.rel @p1 .LBB1_5-.Ltmp4, $4  }
0x6a: {  	v2 =	vld [tilespmem:s21+$0x10];
	[tilespmem:s22+$0x3870 ss:$0x81] =	vst.msk $0xffff, v4  }
0x6b: {  	[tilespmem:s22+$0x810 ss:$0x81] =	vst.msk $0xffff, v5;
	v3 =	vld [tilespmem:s21+$0x20]  }
0x6c: {  	v0 =	vld [tilespmem:s21+$0xFFFFFFC0];
	[tilespmem:s22+$0x1020 ss:$0x81] =	vst.msk $0xffff, v6;
	s21 =	sadd.s32 $0x80, s21  }
0x6d: {  	s24 =	sadd.s32 $0x4, s24;
	v4 =	vld [tilespmem:s21+$0x30];
	[tilespmem:s22+$0x1830 ss:$0x81] =	vst.msk $0xffff, v7  }
.Ltmp5:
0x6e: {  	_ = 	snop;
	(pc) =	sbr.rel .LBB1_6-.Ltmp5, $1  }
0x6f: {  	_ =	sdelay $0x3  }
.LBB1_8:
0x70: {  	_ =	sfence.sel $0x180000  }
0x71: {  	s2 =	simm.s32 $0x1;
	[bflag:$0x0] =	sbarrier.arrive $0xFFFF  }
0x72: {  	s31 =	simm.s32 $0x2;
	[sflag:s2] =	ssyncpa.u1 $0x1  }
0x73: {  	[sflag:s31] =	ssyncpa.u1 $0x1  }
0x74: {  	p0 =	sne.s32 s1, $0x0;
	_ =	strace $0x90000047  }
0x75: {  	s0 =	sadd.s32 @!p0 $0x100000, s0;
	[bflag:$0x2] =	sbarrier.arrive $0xFFFF  }
0x76: {  	[sflag:s0] =	ssyncadd.tile.s32 @!p0 $0x1;
	_ =	shalt  }
.Lfunc_end1:
_tile_overlayer_lowered:
.L_overlay_start_2:
0x77: {  	(tag) =	ssettag $0x2  }
0x78: {  	s0 =	rddreg [dreg:$0x0];
	s2 =	stileid.u32  }
0x79: {  	s1 =	rddreg [dreg:$0x1];
	p0 =	sne.s32 s2, $0x0  }
0x7a: {  	s3 =	rddreg [dreg:$0x2];
	[bflag:$0x3] =	sbarrier.arrive $0xFFFF;
	s2 =	simm.s32 @!p0 $0x1C01  }
0x7b: {  	[timem:s3], [sflag:s2] =	dma.local @!p0 [hbm:s0], s1  }
0x7c: {  	s0 =	simm.s32 @!p0 $0x1  }
0x7d: {  	_ =	swait.ge @!p0 [sflag:s0], s1  }
0x7e: {  	s1 =	ssub.s32 @!p0 $0x0, s1;
	[sflag:s0] =	ssyncset.done @!p0 $0x0  }
0x7f: {  	[sflag:s0] =	ssyncadd.s32 @!p0 s1  }
0x80: {  	[bflag:$0x3] =	sbarrier.arrive $0xFFFF  }
0x81: {  	_ =	shalt  }

</sc_bundles>
